<compile_context>
chip_gen: v7x
topology: tpu7x:2x2x1
jax: 0.10.2.dev20260603
libtpu: 0.0.44.dev20260713+nightly
codegen_flags: <defaults>
</compile_context>

<pallas_src>
import functools

import jax
import jax.numpy as jnp
from jax import lax
from jax.experimental import pallas as pl
from jax.experimental.pallas import tpu as pltpu
from jax.experimental.pallas import tpu_sc as plsc

N = 50000
D = 64
EDGES = 800000

CH = 128
NSUB = 16
NCORE = 2
EPAD = 823296
IBLK = 6
NCHUNKS = EPAD // CH
CPT = NCHUNKS // NSUB
HALF = 25000
ACC_R = 25088
STRIPE = ACC_R // NSUB
DUMMY = HALF
DEG_R = 51200
DEG_CPT = NCHUNKS // (NSUB * NCORE)

_mesh = plsc.VectorSubcoreMesh(core_axis_name="c", subcore_axis_name="s")


def _fill1d(ref, n, value):
    vec = jnp.full((16,), value, jnp.float32)

    def body(i, _):
        ref[pl.ds(i * 16, 16)] = vec
        return 0

    lax.fori_loop(0, n // 16, body, 0)


@functools.partial(
    pl.kernel,
    out_type=jax.ShapeDtypeStruct((NCORE * DEG_R,), jnp.float32),
    mesh=_mesh,
    scratch_types=[
        pltpu.VMEM((CH,), jnp.int32),
        pltpu.VMEM((CH,), jnp.float32),
        pltpu.VMEM((1600,), jnp.float32),
        pltpu.VMEM_SHARED((DEG_R,), jnp.float32),
    ],
)
def _sc_deg(col_hbm, out_hbm, col_v, ones_v, stage_v, deg_sh):
    c = lax.axis_index("c")
    s = lax.axis_index("s")
    _fill1d(ones_v, CH, 1.0)
    _fill1d(stage_v, 1600, 0.0)
    for t in range(2):
        pltpu.sync_copy(stage_v, deg_sh.at[pl.ds(s * 3200 + t * 1600, 1600)])
    plsc.subcore_barrier()
    base_edge = (c * (NSUB * DEG_CPT) + s * DEG_CPT) * CH

    def body(j, _):
        pltpu.sync_copy(col_hbm.at[pl.ds(base_edge + j * CH, CH)], col_v)
        pltpu.sync_copy(ones_v, deg_sh.at[col_v], add=True)
        return 0

    lax.fori_loop(0, DEG_CPT, body, 0)
    plsc.subcore_barrier()
    for t in range(2):
        off = s * 3200 + t * 1600
        pltpu.sync_copy(deg_sh.at[pl.ds(off, 1600)], stage_v)
        pltpu.sync_copy(stage_v, out_hbm.at[pl.ds(c * DEG_R + off, 1600)])


@functools.partial(
    pl.kernel,
    out_type=jax.ShapeDtypeStruct((NCORE, ACC_R, D), jnp.float32),
    mesh=_mesh,
    scratch_types=[
        pltpu.VMEM((IBLK * CH,), jnp.int32),
        pltpu.VMEM((IBLK * CH,), jnp.int32),
        pltpu.VMEM((CH, D), jnp.float32),
        pltpu.VMEM((CH, D), jnp.float32),
        pltpu.VMEM_SHARED((ACC_R, D), jnp.float32),
        pltpu.SemaphoreType.DMA,
        pltpu.SemaphoreType.DMA,
    ],
    compiler_params=pltpu.CompilerParams(use_tc_tiling_on_sc=False),
)
def _sc_agg(row_hbm, col_hbm, z_hbm, out_hbm,
            idxrb, idxcb, rows0, rows1, acc_sh, sem0, sem1):
    c = lax.axis_index("c")
    s = lax.axis_index("s")

    def zrow(i, _):
        for k in range(D // 16):
            rows0[i, pl.ds(k * 16, 16)] = jnp.zeros((16,), jnp.float32)
        return 0

    lax.fori_loop(0, CH, zrow, 0)
    for q in range(STRIPE // CH):
        pltpu.sync_copy(rows0, acc_sh.at[pl.ds(s * STRIPE + q * CH, CH)])
    pltpu.sync_copy(rows0.at[pl.ds(0, STRIPE % CH)],
                    acc_sh.at[pl.ds(s * STRIPE + (STRIPE // CH) * CH,
                                    STRIPE % CH)])
    plsc.subcore_barrier()

    lo = c * HALF

    def jbody(j, _):
        b = (s * CPT + j * IBLK) * CH
        pltpu.sync_copy(row_hbm.at[pl.ds(b, IBLK * CH)], idxrb)
        pltpu.sync_copy(col_hbm.at[pl.ds(b, IBLK * CH)], idxcb)

        def rbody(k, _):
            cv = idxcb[pl.ds(k * 16, 16)]
            lc = cv - lo
            ok = (lc >= 0) & (lc < HALF)
            idxcb[pl.ds(k * 16, 16)] = jnp.where(ok, lc, DUMMY)
            return 0

        lax.fori_loop(0, IBLK * CH // 16, rbody, 0)
        bufs = (rows0, rows1)
        sems = (sem0, sem1)

        def gather(k, buf, sem):
            return pltpu.async_copy(z_hbm.at[idxrb.at[pl.ds(k * CH, CH)]],
                                    buf, sem)

        def scatter(k, buf):
            pltpu.sync_copy(buf, acc_sh.at[idxcb.at[pl.ds(k * CH, CH)]],
                            add=True)

        h = [gather(0, rows0, sem0), gather(1, rows1, sem1)]
        for k in range(2, IBLK):
            q = k % 2
            h[q].wait()
            scatter(k - 2, bufs[q])
            h[q] = gather(k, bufs[q], sems[q])
        h[0].wait()
        scatter(IBLK - 2, rows0)
        h[1].wait()
        scatter(IBLK - 1, rows1)
        return 0

    lax.fori_loop(0, CPT // IBLK, jbody, 0)

    plsc.subcore_barrier()
    for q in range(STRIPE // CH):
        st = s * STRIPE + q * CH
        pltpu.sync_copy(acc_sh.at[pl.ds(st, CH)], rows0)
        pltpu.sync_copy(rows0, out_hbm.at[c, pl.ds(st, CH)])
    st = s * STRIPE + (STRIPE // CH) * CH
    pltpu.sync_copy(acc_sh.at[pl.ds(st, STRIPE % CH)],
                    rows0.at[pl.ds(0, STRIPE % CH)])
    pltpu.sync_copy(rows0.at[pl.ds(0, STRIPE % CH)],
                    out_hbm.at[c, pl.ds(st, STRIPE % CH)])


BLK = 1000
GRID = N // BLK


def _tc_pre_body(e_ref, d0_ref, d1_ref, wt_ref, b_ref, dinv_ref, z_ref):
    dinv = lax.rsqrt(d0_ref[...] + d1_ref[...] + 1.0)
    y = jnp.dot(e_ref[...], wt_ref[...], preferred_element_type=jnp.float32)
    dinv_ref[...] = dinv
    z_ref[...] = dinv * (y + b_ref[...])


def _tc_mid_body(acc_ref, z_ref, dinv_ref, wt_ref, b_ref, e_ref, zn_ref):
    o = dinv_ref[...] * (acc_ref[...] + z_ref[...])
    o = jnp.where(o >= 0, o, 0.01 * o)
    nrm = jnp.sqrt(jnp.sum(o * o, axis=1, keepdims=True))
    o = o / jnp.maximum(nrm, 1e-12)
    e_ref[...] = o
    zn_ref[...] = dinv_ref[...] * (
        jnp.dot(o, wt_ref[...], preferred_element_type=jnp.float32) + b_ref[...])


def _tc_post_body(acc_ref, z_ref, dinv_ref, e_ref):
    o = dinv_ref[...] * (acc_ref[...] + z_ref[...])
    o = jnp.where(o >= 0, o, 0.01 * o)
    nrm = jnp.sqrt(jnp.sum(o * o, axis=1, keepdims=True))
    e_ref[...] = o / jnp.maximum(nrm, 1e-12)


_row_spec = pl.BlockSpec((BLK, D), lambda i: (i, 0))
_col1_spec = pl.BlockSpec((BLK, 1), lambda i: (i, 0))
_w_spec = pl.BlockSpec((D, D), lambda i: (0, 0))
_b_spec = pl.BlockSpec((1, D), lambda i: (0, 0))

_tc_pre = pl.pallas_call(
    _tc_pre_body,
    grid=(GRID,),
    in_specs=[_row_spec, _col1_spec, _col1_spec, _w_spec, _b_spec],
    out_specs=[_col1_spec, _row_spec],
    out_shape=[
        jax.ShapeDtypeStruct((N, 1), jnp.float32),
        jax.ShapeDtypeStruct((N, D), jnp.float32),
    ],
)

_tc_mid = pl.pallas_call(
    _tc_mid_body,
    grid=(GRID,),
    in_specs=[_row_spec, _row_spec, _col1_spec, _w_spec, _b_spec],
    out_specs=[_row_spec, _row_spec],
    out_shape=[
        jax.ShapeDtypeStruct((N, D), jnp.float32),
        jax.ShapeDtypeStruct((N, D), jnp.float32),
    ],
)

_tc_post = pl.pallas_call(
    _tc_post_body,
    grid=(GRID,),
    in_specs=[_row_spec, _row_spec, _col1_spec],
    out_specs=_row_spec,
    out_shape=jax.ShapeDtypeStruct((N, D), jnp.float32),
)


def kernel(edge_index, E, W1, b1, W2, b2, W3, b3):
    ei = edge_index.astype(jnp.int32)
    pad = EPAD - EDGES
    row = jnp.concatenate([ei[0], jnp.zeros((pad,), jnp.int32)])
    col = jnp.concatenate([ei[1], jnp.full((pad,), N, jnp.int32)])

    deg2 = _sc_deg(col)
    d0 = deg2[:N, None]
    d1 = deg2[DEG_R:DEG_R + N, None]

    dinv, z1 = _tc_pre(E, d0, d1, W1.T, b1[None, :])

    def agg(z):
        a = _sc_agg(row, col, z)
        return jnp.concatenate([a[0, :HALF], a[1, :HALF]], axis=0)

    E1, z2 = _tc_mid(agg(z1), z1, dinv, W2.T, b2[None, :])
    E2, z3 = _tc_mid(agg(z2), z2, dinv, W3.T, b3[None, :])
    E3 = _tc_post(agg(z3), z3, dinv)
    return jnp.concatenate([E, E1, E2, E3], axis=1)

# --- scband reference (transcript-rebuilt; emitter-appended) ---
"""Pipeline reference for scband-ngcf-pyg-9457517986231 (READ-ONLY COPY).

The authoritative reference and input builder live on the scoring server;
editing this copy changes nothing except your own understanding.
"""

import jax, jax.numpy as jnp
import numpy as np

N = 50000
D = 64
EDGES = 800000


def setup_inputs(seed: int = 0) -> dict:
    key = jax.random.key(seed)
    ks = jax.random.split(key, 8)
    edge_index = jax.random.randint(ks[0], (2, EDGES), 0, N)
    # xavier_normal-style embedding table (learned parameter)
    E = jax.random.normal(ks[1], (N, D), dtype=jnp.float32) * np.sqrt(2.0 / (N + D))
    # per-layer Linear weights/biases (torch Linear: y = x @ W.T + b)
    s = np.sqrt(1.0 / D)
    W1 = jax.random.uniform(ks[2], (D, D), dtype=jnp.float32, minval=-s, maxval=s)
    b1 = jax.random.uniform(ks[3], (D,), dtype=jnp.float32, minval=-s, maxval=s)
    W2 = jax.random.uniform(ks[4], (D, D), dtype=jnp.float32, minval=-s, maxval=s)
    b2 = jax.random.uniform(ks[5], (D,), dtype=jnp.float32, minval=-s, maxval=s)
    W3 = jax.random.uniform(ks[6], (D, D), dtype=jnp.float32, minval=-s, maxval=s)
    b3 = jax.random.uniform(ks[7], (D,), dtype=jnp.float32, minval=-s, maxval=s)
    return {"edge_index": edge_index, "E": E, "W1": W1, "b1": b1, "W2": W2, "b2": b2, "W3": W3, "b3": b3}


def _leaky_relu(v):
    return jnp.where(v >= 0, v, 0.01 * v)


def _l2_normalize(x):
    n = jnp.linalg.norm(x, axis=1, keepdims=True)
    return x / jnp.maximum(n, 1e-12)


def _ngcf_layer(x, edge_index, W, b):
    n_nodes = x.shape[0]
    loops = jnp.arange(n_nodes, dtype=edge_index.dtype)
    row = jnp.concatenate([edge_index[0], loops])
    col = jnp.concatenate([edge_index[1], loops])
    x = x @ W.T + b
    deg = jnp.zeros((n_nodes,), dtype=x.dtype).at[col].add(1.0)
    deg_inv_sqrt = jnp.where(deg > 0, 1.0 / jnp.sqrt(jnp.maximum(deg, 1.0)), 0.0)
    norm = deg_inv_sqrt[row] * deg_inv_sqrt[col]
    msg = norm[:, None] * jnp.take(x, row, axis=0)
    out = jax.ops.segment_sum(msg, col, num_segments=n_nodes)
    return out


def reference(edge_index, E, W1, b1, W2, b2, W3, b3):
    # dropout is identity in eval/reference mode
    E1 = _l2_normalize(_leaky_relu(_ngcf_layer(E, edge_index, W1, b1)))
    E2 = _l2_normalize(_leaky_relu(_ngcf_layer(E1, edge_index, W2, b2)))
    E3 = _l2_normalize(_leaky_relu(_ngcf_layer(E2, edge_index, W3, b3)))
    EF = jnp.concatenate([E, E1, E2, E3], axis=1)
    return EF

if __name__ == "__main__":
    import jax
    _d = setup_inputs()
    print(jax.jit(kernel)(*tuple(_d.values())))

</pallas_src>

<mosaic_0001>
#map = affine_map<(d0, d1) -> (0)>
#map1 = affine_map<(d0, d1) -> (0, 0)>
#map2 = affine_map<(d0, d1) -> (0, 0, 0)>
module attributes {stable_mosaic.version = 14 : i64} {
  func.func @_sc_agg(%arg0: i32, %arg1: i32, %arg2: memref<823296xi32, #tpu.memory_space<hbm>>, %arg3: memref<823296xi32, #tpu.memory_space<hbm>>, %arg4: memref<50000x64xf32, #tpu.memory_space<hbm>>, %arg5: memref<2x25088x64xf32, #tpu.memory_space<hbm>>, %arg6: memref<768xi32, #tpu.memory_space<vmem>>, %arg7: memref<768xi32, #tpu.memory_space<vmem>>, %arg8: memref<128x64xf32, #tpu.memory_space<vmem>>, %arg9: memref<128x64xf32, #tpu.memory_space<vmem>>, %arg10: memref<25088x64xf32, #tpu.memory_space<vmem_shared>>, %arg11: memref<!tpu.dma_semaphore, #tpu.memory_space<semaphore_mem>>, %arg12: memref<!tpu.dma_semaphore, #tpu.memory_space<semaphore_mem>>) attributes {dimension_semantics = [#tpu.dimension_semantics<core_parallel>, #tpu.dimension_semantics<subcore_parallel>], iteration_bounds = array<i64: 2, 16>, scalar_prefetch = 0 : i64, scratch_operands = 7 : i64, tpu.core_type = #tpu.core_type<sc_vector_subcore>, window_params = [{transform_indices = #map}, {transform_indices = #map}, {transform_indices = #map1}, {transform_indices = #map2}]} {
    %scan3A = arith.constant 0 : i32
    %scan3A_0 = arith.constant 0 : i32
    %scan3A_1 = arith.constant 128 : i32
    %scan3A_2 = arith.addi %scan3A_0, %scan3A_1 : i32
    %scan3A_3 = arith.constant 1 : i32
    %scan3A_4 = scf.for %scan3A_118 = %scan3A_0 to %scan3A_2 step %scan3A_3 iter_args(%scan3A_119 = %scan3A) -> (i32)  : i32 {
      %broadcast_in_dim3A = arith.constant 0.000000e+00 : f32
      %broadcast_in_dim3A_120 = vector.broadcast %broadcast_in_dim3A : f32 to vector<16xf32>
      %swap3A = arith.index_cast %scan3A_118 : i32 to index
      %swap3A_121 = arith.constant 0 : index
      %swap3A_122 = tpu.vector_load %arg8[%swap3A, %swap3A_121] {strides = array<i32>} : memref<128x64xf32, #tpu.memory_space<vmem>>, vector<1x16xf32>,
      %swap3A_123 = vector.shape_cast %swap3A_122 : vector<1x16xf32> to vector<16xf32>
      %swap3A_124 = vector.shape_cast %broadcast_in_dim3A_120 : vector<16xf32> to vector<1x16xf32>
      tpu.vector_store %arg8[%swap3A, %swap3A_121], %swap3A_124 {strides = array<i32>} : memref<128x64xf32, #tpu.memory_space<vmem>>, vector<1x16xf32>,
      %broadcast_in_dim3A_125 = arith.constant 0.000000e+00 : f32
      %broadcast_in_dim3A_126 = vector.broadcast %broadcast_in_dim3A_125 : f32 to vector<16xf32>
      %swap3A_127 = arith.index_cast %scan3A_118 : i32 to index
      %swap3A_128 = arith.constant 16 : index
      %swap3A_129 = tpu.vector_load %arg8[%swap3A_127, %swap3A_128] {strides = array<i32>} : memref<128x64xf32, #tpu.memory_space<vmem>>, vector<1x16xf32>,
      %swap3A_130 = vector.shape_cast %swap3A_129 : vector<1x16xf32> to vector<16xf32>
      %swap3A_131 = vector.shape_cast %broadcast_in_dim3A_126 : vector<16xf32> to vector<1x16xf32>
      tpu.vector_store %arg8[%swap3A_127, %swap3A_128], %swap3A_131 {strides = array<i32>} : memref<128x64xf32, #tpu.memory_space<vmem>>, vector<1x16xf32>,
      %broadcast_in_dim3A_132 = arith.constant 0.000000e+00 : f32
      %broadcast_in_dim3A_133 = vector.broadcast %broadcast_in_dim3A_132 : f32 to vector<16xf32>
      %swap3A_134 = arith.index_cast %scan3A_118 : i32 to index
      %swap3A_135 = arith.constant 32 : index
      %swap3A_136 = tpu.vector_load %arg8[%swap3A_134, %swap3A_135] {strides = array<i32>} : memref<128x64xf32, #tpu.memory_space<vmem>>, vector<1x16xf32>,
      %swap3A_137 = vector.shape_cast %swap3A_136 : vector<1x16xf32> to vector<16xf32>
      %swap3A_138 = vector.shape_cast %broadcast_in_dim3A_133 : vector<16xf32> to vector<1x16xf32>
      tpu.vector_store %arg8[%swap3A_134, %swap3A_135], %swap3A_138 {strides = array<i32>} : memref<128x64xf32, #tpu.memory_space<vmem>>, vector<1x16xf32>,
      %broadcast_in_dim3A_139 = arith.constant 0.000000e+00 : f32
      %broadcast_in_dim3A_140 = vector.broadcast %broadcast_in_dim3A_139 : f32 to vector<16xf32>
      %swap3A_141 = arith.index_cast %scan3A_118 : i32 to index
      %swap3A_142 = arith.constant 48 : index
      %swap3A_143 = tpu.vector_load %arg8[%swap3A_141, %swap3A_142] {strides = array<i32>} : memref<128x64xf32, #tpu.memory_space<vmem>>, vector<1x16xf32>,
      %swap3A_144 = vector.shape_cast %swap3A_143 : vector<1x16xf32> to vector<16xf32>
      %swap3A_145 = vector.shape_cast %broadcast_in_dim3A_140 : vector<16xf32> to vector<1x16xf32>
      tpu.vector_store %arg8[%swap3A_141, %swap3A_142], %swap3A_145 {strides = array<i32>} : memref<128x64xf32, #tpu.memory_space<vmem>>, vector<1x16xf32>,
      %scan3A_146 = arith.constant 0 : i32
      scf.yield %scan3A_146 : i32
    }
    %scan3A_5 = arith.constant 128 : i32
    %mul3A = arith.constant 1568 : i32
    %mul3A_6 = arith.muli %arg1, %mul3A : i32
    %add3A = arith.constant 0 : i32
    %add3A_7 = arith.addi %mul3A_6, %add3A : i32
    "tpu.region"() ({
      %run_scoped3A = tpu.sem_alloc : memref<!tpu.dma_semaphore, #tpu.memory_space<semaphore_mem>>
      %dma_start3A = arith.constant 0 : i32
      %dma_start3A_118 = tpu.memref_slice %arg10[%add3A_7, %dma_start3A] : memref<25088x64xf32, #tpu.memory_space<vmem_shared>> -> memref<128x64xf32, #tpu.memory_space<vmem_shared>>
      %dma_start3A_119 = arith.constant 0 : i32
      %dma_start3A_120 = tpu.memref_slice %arg10[%add3A_7, %dma_start3A_119] : memref<25088x64xf32, #tpu.memory_space<vmem_shared>> -> memref<128x64xf32, #tpu.memory_space<vmem_shared>>
      tpu.enqueue_dma source(%arg8 : memref<128x64xf32, #tpu.memory_space<vmem>>) target(%dma_start3A_120 : memref<128x64xf32, #tpu.memory_space<vmem_shared>>) target_semaphore(%run_scoped3A : memref<!tpu.dma_semaphore, #tpu.memory_space<semaphore_mem>>)
      %dma_wait3A = arith.constant 0 : i32
      %dma_wait3A_121 = tpu.memref_slice %arg10[%add3A_7, %dma_wait3A] : memref<25088x64xf32, #tpu.memory_space<vmem_shared>> -> memref<128x64xf32, #tpu.memory_space<vmem_shared>>
      %dma_wait3A_122 = arith.constant 0 : i32
      %dma_wait3A_123 = tpu.memref_slice %arg10[%add3A_7, %dma_wait3A_122] : memref<25088x64xf32, #tpu.memory_space<vmem_shared>> -> memref<128x64xf32, #tpu.memory_space<vmem_shared>>
      tpu.wait_dma2 semaphore(%run_scoped3A : memref<!tpu.dma_semaphore, #tpu.memory_space<semaphore_mem>>) src(%arg8 : memref<128x64xf32, #tpu.memory_space<vmem>>) dst(%dma_wait3A_123 : memref<128x64xf32, #tpu.memory_space<vmem_shared>>)
      tpu.yield
    }) : () -> ()
    %mul3A_8 = arith.constant 1568 : i32
    %mul3A_9 = arith.muli %arg1, %mul3A_8 : i32
    %add3A_10 = arith.constant 128 : i32
    %add3A_11 = arith.addi %mul3A_9, %add3A_10 : i32
    "tpu.region"() ({
      %run_scoped3A = tpu.sem_alloc : memref<!tpu.dma_semaphore, #tpu.memory_space<semaphore_mem>>
      %dma_start3A = arith.constant 0 : i32
      %dma_start3A_118 = tpu.memref_slice %arg10[%add3A_11, %dma_start3A] : memref<25088x64xf32, #tpu.memory_space<vmem_shared>> -> memref<128x64xf32, #tpu.memory_space<vmem_shared>>
      %dma_start3A_119 = arith.constant 0 : i32
      %dma_start3A_120 = tpu.memref_slice %arg10[%add3A_11, %dma_start3A_119] : memref<25088x64xf32, #tpu.memory_space<vmem_shared>> -> memref<128x64xf32, #tpu.memory_space<vmem_shared>>
      tpu.enqueue_dma source(%arg8 : memref<128x64xf32, #tpu.memory_space<vmem>>) target(%dma_start3A_120 : memref<128x64xf32, #tpu.memory_space<vmem_shared>>) target_semaphore(%run_scoped3A : memref<!tpu.dma_semaphore, #tpu.memory_space<semaphore_mem>>)
      %dma_wait3A = arith.constant 0 : i32
      %dma_wait3A_121 = tpu.memref_slice %arg10[%add3A_11, %dma_wait3A] : memref<25088x64xf32, #tpu.memory_space<vmem_shared>> -> memref<128x64xf32, #tpu.memory_space<vmem_shared>>
      %dma_wait3A_122 = arith.constant 0 : i32
      %dma_wait3A_123 = tpu.memref_slice %arg10[%add3A_11, %dma_wait3A_122] : memref<25088x64xf32, #tpu.memory_space<vmem_shared>> -> memref<128x64xf32, #tpu.memory_space<vmem_shared>>
      tpu.wait_dma2 semaphore(%run_scoped3A : memref<!tpu.dma_semaphore, #tpu.memory_space<semaphore_mem>>) src(%arg8 : memref<128x64xf32, #tpu.memory_space<vmem>>) dst(%dma_wait3A_123 : memref<128x64xf32, #tpu.memory_space<vmem_shared>>)
      tpu.yield
    }) : () -> ()
    %mul3A_12 = arith.constant 1568 : i32
    %mul3A_13 = arith.muli %arg1, %mul3A_12 : i32
    %add3A_14 = arith.constant 256 : i32
    %add3A_15 = arith.addi %mul3A_13, %add3A_14 : i32
    "tpu.region"() ({
      %run_scoped3A = tpu.sem_alloc : memref<!tpu.dma_semaphore, #tpu.memory_space<semaphore_mem>>
      %dma_start3A = arith.constant 0 : i32
      %dma_start3A_118 = tpu.memref_slice %arg10[%add3A_15, %dma_start3A] : memref<25088x64xf32, #tpu.memory_space<vmem_shared>> -> memref<128x64xf32, #tpu.memory_space<vmem_shared>>
      %dma_start3A_119 = arith.constant 0 : i32
      %dma_start3A_120 = tpu.memref_slice %arg10[%add3A_15, %dma_start3A_119] : memref<25088x64xf32, #tpu.memory_space<vmem_shared>> -> memref<128x64xf32, #tpu.memory_space<vmem_shared>>
      tpu.enqueue_dma source(%arg8 : memref<128x64xf32, #tpu.memory_space<vmem>>) target(%dma_start3A_120 : memref<128x64xf32, #tpu.memory_space<vmem_shared>>) target_semaphore(%run_scoped3A : memref<!tpu.dma_semaphore, #tpu.memory_space<semaphore_mem>>)
      %dma_wait3A = arith.constant 0 : i32
      %dma_wait3A_121 = tpu.memref_slice %arg10[%add3A_15, %dma_wait3A] : memref<25088x64xf32, #tpu.memory_space<vmem_shared>> -> memref<128x64xf32, #tpu.memory_space<vmem_shared>>
      %dma_wait3A_122 = arith.constant 0 : i32
      %dma_wait3A_123 = tpu.memref_slice %arg10[%add3A_15, %dma_wait3A_122] : memref<25088x64xf32, #tpu.memory_space<vmem_shared>> -> memref<128x64xf32, #tpu.memory_space<vmem_shared>>
      tpu.wait_dma2 semaphore(%run_scoped3A : memref<!tpu.dma_semaphore, #tpu.memory_space<semaphore_mem>>) src(%arg8 : memref<128x64xf32, #tpu.memory_space<vmem>>) dst(%dma_wait3A_123 : memref<128x64xf32, #tpu.memory_space<vmem_shared>>)
      tpu.yield
    }) : () -> ()
    %mul3A_16 = arith.constant 1568 : i32
    %mul3A_17 = arith.muli %arg1, %mul3A_16 : i32
    %add3A_18 = arith.constant 384 : i32
    %add3A_19 = arith.addi %mul3A_17, %add3A_18 : i32
    "tpu.region"() ({
      %run_scoped3A = tpu.sem_alloc : memref<!tpu.dma_semaphore, #tpu.memory_space<semaphore_mem>>
      %dma_start3A = arith.constant 0 : i32
      %dma_start3A_118 = tpu.memref_slice %arg10[%add3A_19, %dma_start3A] : memref<25088x64xf32, #tpu.memory_space<vmem_shared>> -> memref<128x64xf32, #tpu.memory_space<vmem_shared>>
      %dma_start3A_119 = arith.constant 0 : i32
      %dma_start3A_120 = tpu.memref_slice %arg10[%add3A_19, %dma_start3A_119] : memref<25088x64xf32, #tpu.memory_space<vmem_shared>> -> memref<128x64xf32, #tpu.memory_space<vmem_shared>>
      tpu.enqueue_dma source(%arg8 : memref<128x64xf32, #tpu.memory_space<vmem>>) target(%dma_start3A_120 : memref<128x64xf32, #tpu.memory_space<vmem_shared>>) target_semaphore(%run_scoped3A : memref<!tpu.dma_semaphore, #tpu.memory_space<semaphore_mem>>)
      %dma_wait3A = arith.constant 0 : i32
      %dma_wait3A_121 = tpu.memref_slice %arg10[%add3A_19, %dma_wait3A] : memref<25088x64xf32, #tpu.memory_space<vmem_shared>> -> memref<128x64xf32, #tpu.memory_space<vmem_shared>>
      %dma_wait3A_122 = arith.constant 0 : i32
      %dma_wait3A_123 = tpu.memref_slice %arg10[%add3A_19, %dma_wait3A_122] : memref<25088x64xf32, #tpu.memory_space<vmem_shared>> -> memref<128x64xf32, #tpu.memory_space<vmem_shared>>
      tpu.wait_dma2 semaphore(%run_scoped3A : memref<!tpu.dma_semaphore, #tpu.memory_space<semaphore_mem>>) src(%arg8 : memref<128x64xf32, #tpu.memory_space<vmem>>) dst(%dma_wait3A_123 : memref<128x64xf32, #tpu.memory_space<vmem_shared>>)
      tpu.yield
    }) : () -> ()
    %mul3A_20 = arith.constant 1568 : i32
    %mul3A_21 = arith.muli %arg1, %mul3A_20 : i32
    %add3A_22 = arith.constant 512 : i32
    %add3A_23 = arith.addi %mul3A_21, %add3A_22 : i32
    "tpu.region"() ({
      %run_scoped3A = tpu.sem_alloc : memref<!tpu.dma_semaphore, #tpu.memory_space<semaphore_mem>>
      %dma_start3A = arith.constant 0 : i32
      %dma_start3A_118 = tpu.memref_slice %arg10[%add3A_23, %dma_start3A] : memref<25088x64xf32, #tpu.memory_space<vmem_shared>> -> memref<128x64xf32, #tpu.memory_space<vmem_shared>>
      %dma_start3A_119 = arith.constant 0 : i32
      %dma_start3A_120 = tpu.memref_slice %arg10[%add3A_23, %dma_start3A_119] : memref<25088x64xf32, #tpu.memory_space<vmem_shared>> -> memref<128x64xf32, #tpu.memory_space<vmem_shared>>
      tpu.enqueue_dma source(%arg8 : memref<128x64xf32, #tpu.memory_space<vmem>>) target(%dma_start3A_120 : memref<128x64xf32, #tpu.memory_space<vmem_shared>>) target_semaphore(%run_scoped3A : memref<!tpu.dma_semaphore, #tpu.memory_space<semaphore_mem>>)
      %dma_wait3A = arith.constant 0 : i32
      %dma_wait3A_121 = tpu.memref_slice %arg10[%add3A_23, %dma_wait3A] : memref<25088x64xf32, #tpu.memory_space<vmem_shared>> -> memref<128x64xf32, #tpu.memory_space<vmem_shared>>
      %dma_wait3A_122 = arith.constant 0 : i32
      %dma_wait3A_123 = tpu.memref_slice %arg10[%add3A_23, %dma_wait3A_122] : memref<25088x64xf32, #tpu.memory_space<vmem_shared>> -> memref<128x64xf32, #tpu.memory_space<vmem_shared>>
      tpu.wait_dma2 semaphore(%run_scoped3A : memref<!tpu.dma_semaphore, #tpu.memory_space<semaphore_mem>>) src(%arg8 : memref<128x64xf32, #tpu.memory_space<vmem>>) dst(%dma_wait3A_123 : memref<128x64xf32, #tpu.memory_space<vmem_shared>>)
      tpu.yield
    }) : () -> ()
    %mul3A_24 = arith.constant 1568 : i32
    %mul3A_25 = arith.muli %arg1, %mul3A_24 : i32
    %add3A_26 = arith.constant 640 : i32
    %add3A_27 = arith.addi %mul3A_25, %add3A_26 : i32
    "tpu.region"() ({
      %run_scoped3A = tpu.sem_alloc : memref<!tpu.dma_semaphore, #tpu.memory_space<semaphore_mem>>
      %dma_start3A = arith.constant 0 : i32
      %dma_start3A_118 = tpu.memref_slice %arg10[%add3A_27, %dma_start3A] : memref<25088x64xf32, #tpu.memory_space<vmem_shared>> -> memref<128x64xf32, #tpu.memory_space<vmem_shared>>
      %dma_start3A_119 = arith.constant 0 : i32
      %dma_start3A_120 = tpu.memref_slice %arg10[%add3A_27, %dma_start3A_119] : memref<25088x64xf32, #tpu.memory_space<vmem_shared>> -> memref<128x64xf32, #tpu.memory_space<vmem_shared>>
      tpu.enqueue_dma source(%arg8 : memref<128x64xf32, #tpu.memory_space<vmem>>) target(%dma_start3A_120 : memref<128x64xf32, #tpu.memory_space<vmem_shared>>) target_semaphore(%run_scoped3A : memref<!tpu.dma_semaphore, #tpu.memory_space<semaphore_mem>>)
      %dma_wait3A = arith.constant 0 : i32
      %dma_wait3A_121 = tpu.memref_slice %arg10[%add3A_27, %dma_wait3A] : memref<25088x64xf32, #tpu.memory_space<vmem_shared>> -> memref<128x64xf32, #tpu.memory_space<vmem_shared>>
      %dma_wait3A_122 = arith.constant 0 : i32
      %dma_wait3A_123 = tpu.memref_slice %arg10[%add3A_27, %dma_wait3A_122] : memref<25088x64xf32, #tpu.memory_space<vmem_shared>> -> memref<128x64xf32, #tpu.memory_space<vmem_shared>>
      tpu.wait_dma2 semaphore(%run_scoped3A : memref<!tpu.dma_semaphore, #tpu.memory_space<semaphore_mem>>) src(%arg8 : memref<128x64xf32, #tpu.memory_space<vmem>>) dst(%dma_wait3A_123 : memref<128x64xf32, #tpu.memory_space<vmem_shared>>)
      tpu.yield
    }) : () -> ()
    %mul3A_28 = arith.constant 1568 : i32
    %mul3A_29 = arith.muli %arg1, %mul3A_28 : i32
    %add3A_30 = arith.constant 768 : i32
    %add3A_31 = arith.addi %mul3A_29, %add3A_30 : i32
    "tpu.region"() ({
      %run_scoped3A = tpu.sem_alloc : memref<!tpu.dma_semaphore, #tpu.memory_space<semaphore_mem>>
      %dma_start3A = arith.constant 0 : i32
      %dma_start3A_118 = tpu.memref_slice %arg10[%add3A_31, %dma_start3A] : memref<25088x64xf32, #tpu.memory_space<vmem_shared>> -> memref<128x64xf32, #tpu.memory_space<vmem_shared>>
      %dma_start3A_119 = arith.constant 0 : i32
      %dma_start3A_120 = tpu.memref_slice %arg10[%add3A_31, %dma_start3A_119] : memref<25088x64xf32, #tpu.memory_space<vmem_shared>> -> memref<128x64xf32, #tpu.memory_space<vmem_shared>>
      tpu.enqueue_dma source(%arg8 : memref<128x64xf32, #tpu.memory_space<vmem>>) target(%dma_start3A_120 : memref<128x64xf32, #tpu.memory_space<vmem_shared>>) target_semaphore(%run_scoped3A : memref<!tpu.dma_semaphore, #tpu.memory_space<semaphore_mem>>)
      %dma_wait3A = arith.constant 0 : i32
      %dma_wait3A_121 = tpu.memref_slice %arg10[%add3A_31, %dma_wait3A] : memref<25088x64xf32, #tpu.memory_space<vmem_shared>> -> memref<128x64xf32, #tpu.memory_space<vmem_shared>>
      %dma_wait3A_122 = arith.constant 0 : i32
      %dma_wait3A_123 = tpu.memref_slice %arg10[%add3A_31, %dma_wait3A_122] : memref<25088x64xf32, #tpu.memory_space<vmem_shared>> -> memref<128x64xf32, #tpu.memory_space<vmem_shared>>
      tpu.wait_dma2 semaphore(%run_scoped3A : memref<!tpu.dma_semaphore, #tpu.memory_space<semaphore_mem>>) src(%arg8 : memref<128x64xf32, #tpu.memory_space<vmem>>) dst(%dma_wait3A_123 : memref<128x64xf32, #tpu.memory_space<vmem_shared>>)
      tpu.yield
    }) : () -> ()
    %mul3A_32 = arith.constant 1568 : i32
    %mul3A_33 = arith.muli %arg1, %mul3A_32 : i32
    %add3A_34 = arith.constant 896 : i32
    %add3A_35 = arith.addi %mul3A_33, %add3A_34 : i32
    "tpu.region"() ({
      %run_scoped3A = tpu.sem_alloc : memref<!tpu.dma_semaphore, #tpu.memory_space<semaphore_mem>>
      %dma_start3A = arith.constant 0 : i32
      %dma_start3A_118 = tpu.memref_slice %arg10[%add3A_35, %dma_start3A] : memref<25088x64xf32, #tpu.memory_space<vmem_shared>> -> memref<128x64xf32, #tpu.memory_space<vmem_shared>>
      %dma_start3A_119 = arith.constant 0 : i32
      %dma_start3A_120 = tpu.memref_slice %arg10[%add3A_35, %dma_start3A_119] : memref<25088x64xf32, #tpu.memory_space<vmem_shared>> -> memref<128x64xf32, #tpu.memory_space<vmem_shared>>
      tpu.enqueue_dma source(%arg8 : memref<128x64xf32, #tpu.memory_space<vmem>>) target(%dma_start3A_120 : memref<128x64xf32, #tpu.memory_space<vmem_shared>>) target_semaphore(%run_scoped3A : memref<!tpu.dma_semaphore, #tpu.memory_space<semaphore_mem>>)
      %dma_wait3A = arith.constant 0 : i32
      %dma_wait3A_121 = tpu.memref_slice %arg10[%add3A_35, %dma_wait3A] : memref<25088x64xf32, #tpu.memory_space<vmem_shared>> -> memref<128x64xf32, #tpu.memory_space<vmem_shared>>
      %dma_wait3A_122 = arith.constant 0 : i32
      %dma_wait3A_123 = tpu.memref_slice %arg10[%add3A_35, %dma_wait3A_122] : memref<25088x64xf32, #tpu.memory_space<vmem_shared>> -> memref<128x64xf32, #tpu.memory_space<vmem_shared>>
      tpu.wait_dma2 semaphore(%run_scoped3A : memref<!tpu.dma_semaphore, #tpu.memory_space<semaphore_mem>>) src(%arg8 : memref<128x64xf32, #tpu.memory_space<vmem>>) dst(%dma_wait3A_123 : memref<128x64xf32, #tpu.memory_space<vmem_shared>>)
      tpu.yield
    }) : () -> ()
    %mul3A_36 = arith.constant 1568 : i32
    %mul3A_37 = arith.muli %arg1, %mul3A_36 : i32
    %add3A_38 = arith.constant 1024 : i32
    %add3A_39 = arith.addi %mul3A_37, %add3A_38 : i32
    "tpu.region"() ({
      %run_scoped3A = tpu.sem_alloc : memref<!tpu.dma_semaphore, #tpu.memory_space<semaphore_mem>>
      %dma_start3A = arith.constant 0 : i32
      %dma_start3A_118 = tpu.memref_slice %arg10[%add3A_39, %dma_start3A] : memref<25088x64xf32, #tpu.memory_space<vmem_shared>> -> memref<128x64xf32, #tpu.memory_space<vmem_shared>>
      %dma_start3A_119 = arith.constant 0 : i32
      %dma_start3A_120 = tpu.memref_slice %arg10[%add3A_39, %dma_start3A_119] : memref<25088x64xf32, #tpu.memory_space<vmem_shared>> -> memref<128x64xf32, #tpu.memory_space<vmem_shared>>
      tpu.enqueue_dma source(%arg8 : memref<128x64xf32, #tpu.memory_space<vmem>>) target(%dma_start3A_120 : memref<128x64xf32, #tpu.memory_space<vmem_shared>>) target_semaphore(%run_scoped3A : memref<!tpu.dma_semaphore, #tpu.memory_space<semaphore_mem>>)
      %dma_wait3A = arith.constant 0 : i32
      %dma_wait3A_121 = tpu.memref_slice %arg10[%add3A_39, %dma_wait3A] : memref<25088x64xf32, #tpu.memory_space<vmem_shared>> -> memref<128x64xf32, #tpu.memory_space<vmem_shared>>
      %dma_wait3A_122 = arith.constant 0 : i32
      %dma_wait3A_123 = tpu.memref_slice %arg10[%add3A_39, %dma_wait3A_122] : memref<25088x64xf32, #tpu.memory_space<vmem_shared>> -> memref<128x64xf32, #tpu.memory_space<vmem_shared>>
      tpu.wait_dma2 semaphore(%run_scoped3A : memref<!tpu.dma_semaphore, #tpu.memory_space<semaphore_mem>>) src(%arg8 : memref<128x64xf32, #tpu.memory_space<vmem>>) dst(%dma_wait3A_123 : memref<128x64xf32, #tpu.memory_space<vmem_shared>>)
      tpu.yield
    }) : () -> ()
    %mul3A_40 = arith.constant 1568 : i32
    %mul3A_41 = arith.muli %arg1, %mul3A_40 : i32
    %add3A_42 = arith.constant 1152 : i32
    %add3A_43 = arith.addi %mul3A_41, %add3A_42 : i32
    "tpu.region"() ({
      %run_scoped3A = tpu.sem_alloc : memref<!tpu.dma_semaphore, #tpu.memory_space<semaphore_mem>>
      %dma_start3A = arith.constant 0 : i32
      %dma_start3A_118 = tpu.memref_slice %arg10[%add3A_43, %dma_start3A] : memref<25088x64xf32, #tpu.memory_space<vmem_shared>> -> memref<128x64xf32, #tpu.memory_space<vmem_shared>>
      %dma_start3A_119 = arith.constant 0 : i32
      %dma_start3A_120 = tpu.memref_slice %arg10[%add3A_43, %dma_start3A_119] : memref<25088x64xf32, #tpu.memory_space<vmem_shared>> -> memref<128x64xf32, #tpu.memory_space<vmem_shared>>
      tpu.enqueue_dma source(%arg8 : memref<128x64xf32, #tpu.memory_space<vmem>>) target(%dma_start3A_120 : memref<128x64xf32, #tpu.memory_space<vmem_shared>>) target_semaphore(%run_scoped3A : memref<!tpu.dma_semaphore, #tpu.memory_space<semaphore_mem>>)
      %dma_wait3A = arith.constant 0 : i32
      %dma_wait3A_121 = tpu.memref_slice %arg10[%add3A_43, %dma_wait3A] : memref<25088x64xf32, #tpu.memory_space<vmem_shared>> -> memref<128x64xf32, #tpu.memory_space<vmem_shared>>
      %dma_wait3A_122 = arith.constant 0 : i32
      %dma_wait3A_123 = tpu.memref_slice %arg10[%add3A_43, %dma_wait3A_122] : memref<25088x64xf32, #tpu.memory_space<vmem_shared>> -> memref<128x64xf32, #tpu.memory_space<vmem_shared>>
      tpu.wait_dma2 semaphore(%run_scoped3A : memref<!tpu.dma_semaphore, #tpu.memory_space<semaphore_mem>>) src(%arg8 : memref<128x64xf32, #tpu.memory_space<vmem>>) dst(%dma_wait3A_123 : memref<128x64xf32, #tpu.memory_space<vmem_shared>>)
      tpu.yield
    }) : () -> ()
    %mul3A_44 = arith.constant 1568 : i32
    %mul3A_45 = arith.muli %arg1, %mul3A_44 : i32
    %add3A_46 = arith.constant 1280 : i32
    %add3A_47 = arith.addi %mul3A_45, %add3A_46 : i32
    "tpu.region"() ({
      %run_scoped3A = tpu.sem_alloc : memref<!tpu.dma_semaphore, #tpu.memory_space<semaphore_mem>>
      %dma_start3A = arith.constant 0 : i32
      %dma_start3A_118 = tpu.memref_slice %arg10[%add3A_47, %dma_start3A] : memref<25088x64xf32, #tpu.memory_space<vmem_shared>> -> memref<128x64xf32, #tpu.memory_space<vmem_shared>>
      %dma_start3A_119 = arith.constant 0 : i32
      %dma_start3A_120 = tpu.memref_slice %arg10[%add3A_47, %dma_start3A_119] : memref<25088x64xf32, #tpu.memory_space<vmem_shared>> -> memref<128x64xf32, #tpu.memory_space<vmem_shared>>
      tpu.enqueue_dma source(%arg8 : memref<128x64xf32, #tpu.memory_space<vmem>>) target(%dma_start3A_120 : memref<128x64xf32, #tpu.memory_space<vmem_shared>>) target_semaphore(%run_scoped3A : memref<!tpu.dma_semaphore, #tpu.memory_space<semaphore_mem>>)
      %dma_wait3A = arith.constant 0 : i32
      %dma_wait3A_121 = tpu.memref_slice %arg10[%add3A_47, %dma_wait3A] : memref<25088x64xf32, #tpu.memory_space<vmem_shared>> -> memref<128x64xf32, #tpu.memory_space<vmem_shared>>
      %dma_wait3A_122 = arith.constant 0 : i32
      %dma_wait3A_123 = tpu.memref_slice %arg10[%add3A_47, %dma_wait3A_122] : memref<25088x64xf32, #tpu.memory_space<vmem_shared>> -> memref<128x64xf32, #tpu.memory_space<vmem_shared>>
      tpu.wait_dma2 semaphore(%run_scoped3A : memref<!tpu.dma_semaphore, #tpu.memory_space<semaphore_mem>>) src(%arg8 : memref<128x64xf32, #tpu.memory_space<vmem>>) dst(%dma_wait3A_123 : memref<128x64xf32, #tpu.memory_space<vmem_shared>>)
      tpu.yield
    }) : () -> ()
    %mul3A_48 = arith.constant 1568 : i32
    %mul3A_49 = arith.muli %arg1, %mul3A_48 : i32
    %add3A_50 = arith.constant 1408 : i32
    %add3A_51 = arith.addi %mul3A_49, %add3A_50 : i32
    "tpu.region"() ({
      %run_scoped3A = tpu.sem_alloc : memref<!tpu.dma_semaphore, #tpu.memory_space<semaphore_mem>>
      %dma_start3A = arith.constant 0 : i32
      %dma_start3A_118 = tpu.memref_slice %arg10[%add3A_51, %dma_start3A] : memref<25088x64xf32, #tpu.memory_space<vmem_shared>> -> memref<128x64xf32, #tpu.memory_space<vmem_shared>>
      %dma_start3A_119 = arith.constant 0 : i32
      %dma_start3A_120 = tpu.memref_slice %arg10[%add3A_51, %dma_start3A_119] : memref<25088x64xf32, #tpu.memory_space<vmem_shared>> -> memref<128x64xf32, #tpu.memory_space<vmem_shared>>
      tpu.enqueue_dma source(%arg8 : memref<128x64xf32, #tpu.memory_space<vmem>>) target(%dma_start3A_120 : memref<128x64xf32, #tpu.memory_space<vmem_shared>>) target_semaphore(%run_scoped3A : memref<!tpu.dma_semaphore, #tpu.memory_space<semaphore_mem>>)
      %dma_wait3A = arith.constant 0 : i32
      %dma_wait3A_121 = tpu.memref_slice %arg10[%add3A_51, %dma_wait3A] : memref<25088x64xf32, #tpu.memory_space<vmem_shared>> -> memref<128x64xf32, #tpu.memory_space<vmem_shared>>
      %dma_wait3A_122 = arith.constant 0 : i32
      %dma_wait3A_123 = tpu.memref_slice %arg10[%add3A_51, %dma_wait3A_122] : memref<25088x64xf32, #tpu.memory_space<vmem_shared>> -> memref<128x64xf32, #tpu.memory_space<vmem_shared>>
      tpu.wait_dma2 semaphore(%run_scoped3A : memref<!tpu.dma_semaphore, #tpu.memory_space<semaphore_mem>>) src(%arg8 : memref<128x64xf32, #tpu.memory_space<vmem>>) dst(%dma_wait3A_123 : memref<128x64xf32, #tpu.memory_space<vmem_shared>>)
      tpu.yield
    }) : () -> ()
    %mul3A_52 = arith.constant 1568 : i32
    %mul3A_53 = arith.muli %arg1, %mul3A_52 : i32
    %add3A_54 = arith.constant 1536 : i32
    %add3A_55 = arith.addi %mul3A_53, %add3A_54 : i32
    "tpu.region"() ({
      %run_scoped3A = tpu.sem_alloc : memref<!tpu.dma_semaphore, #tpu.memory_space<semaphore_mem>>
      %dma_start3A = arith.constant 0 : i32
      %dma_start3A_118 = arith.constant 0 : i32
      %dma_start3A_119 = tpu.memref_slice %arg8[%dma_start3A, %dma_start3A_118] : memref<128x64xf32, #tpu.memory_space<vmem>> -> memref<32x64xf32, #tpu.memory_space<vmem>>
      %dma_start3A_120 = arith.constant 0 : i32
      %dma_start3A_121 = tpu.memref_slice %arg10[%add3A_55, %dma_start3A_120] : memref<25088x64xf32, #tpu.memory_space<vmem_shared>> -> memref<32x64xf32, #tpu.memory_space<vmem_shared>>
      %dma_start3A_122 = arith.constant 0 : i32
      %dma_start3A_123 = tpu.memref_slice %arg10[%add3A_55, %dma_start3A_122] : memref<25088x64xf32, #tpu.memory_space<vmem_shared>> -> memref<32x64xf32, #tpu.memory_space<vmem_shared>>
      %dma_start3A_124 = arith.constant 0 : i32
      %dma_start3A_125 = arith.constant 0 : i32
      %dma_start3A_126 = tpu.memref_slice %arg8[%dma_start3A_124, %dma_start3A_125] : memref<128x64xf32, #tpu.memory_space<vmem>> -> memref<32x64xf32, #tpu.memory_space<vmem>>
      tpu.enqueue_dma source(%dma_start3A_126 : memref<32x64xf32, #tpu.memory_space<vmem>>) target(%dma_start3A_123 : memref<32x64xf32, #tpu.memory_space<vmem_shared>>) target_semaphore(%run_scoped3A : memref<!tpu.dma_semaphore, #tpu.memory_space<semaphore_mem>>)
      %dma_wait3A = arith.constant 0 : i32
      %dma_wait3A_127 = arith.constant 0 : i32
      %dma_wait3A_128 = tpu.memref_slice %arg8[%dma_wait3A, %dma_wait3A_127] : memref<128x64xf32, #tpu.memory_space<vmem>> -> memref<32x64xf32, #tpu.memory_space<vmem>>
      %dma_wait3A_129 = arith.constant 0 : i32
      %dma_wait3A_130 = tpu.memref_slice %arg10[%add3A_55, %dma_wait3A_129] : memref<25088x64xf32, #tpu.memory_space<vmem_shared>> -> memref<32x64xf32, #tpu.memory_space<vmem_shared>>
      %dma_wait3A_131 = arith.constant 0 : i32
      %dma_wait3A_132 = tpu.memref_slice %arg10[%add3A_55, %dma_wait3A_131] : memref<25088x64xf32, #tpu.memory_space<vmem_shared>> -> memref<32x64xf32, #tpu.memory_space<vmem_shared>>
      %dma_wait3A_133 = arith.constant 0 : i32
      %dma_wait3A_134 = arith.constant 0 : i32
      %dma_wait3A_135 = tpu.memref_slice %arg8[%dma_wait3A_133, %dma_wait3A_134] : memref<128x64xf32, #tpu.memory_space<vmem>> -> memref<32x64xf32, #tpu.memory_space<vmem>>
      tpu.wait_dma2 semaphore(%run_scoped3A : memref<!tpu.dma_semaphore, #tpu.memory_space<semaphore_mem>>) src(%dma_wait3A_135 : memref<32x64xf32, #tpu.memory_space<vmem>>) dst(%dma_wait3A_132 : memref<32x64xf32, #tpu.memory_space<vmem_shared>>)
      tpu.yield
    }) : () -> ()
    %barrier3A = arith.constant 0 : index
    tpu.barrier barrier_id(%barrier3A)
    %mul3A_56 = arith.constant 25000 : i32
    %mul3A_57 = arith.muli %arg0, %mul3A_56 : i32
    %scan3A_58 = arith.constant 0 : i32
    %scan3A_59 = arith.constant 0 : i32
    %scan3A_60 = arith.constant 67 : i32
    %scan3A_61 = arith.addi %scan3A_59, %scan3A_60 : i32
    %scan3A_62 = arith.constant 1 : i32
    %scan3A_63 = scf.for %scan3A_118 = %scan3A_59 to %scan3A_61 step %scan3A_62 iter_args(%scan3A_119 = %scan3A_58) -> (i32)  : i32 {
      %mul3A_120 = arith.constant 402 : i32
      %mul3A_121 = arith.muli %arg1, %mul3A_120 : i32
      %mul3A_122 = arith.constant 6 : i32
      %mul3A_123 = arith.muli %scan3A_118, %mul3A_122 : i32
      %add3A_124 = arith.addi %mul3A_121, %mul3A_123 : i32
      %mul3A_125 = arith.constant 128 : i32
      %mul3A_126 = arith.muli %add3A_124, %mul3A_125 : i32
      "tpu.region"() ({
        %run_scoped3A = tpu.sem_alloc : memref<!tpu.dma_semaphore, #tpu.memory_space<semaphore_mem>>
        %dma_start3A_193 = tpu.memref_slice %arg2[%mul3A_126] : memref<823296xi32, #tpu.memory_space<hbm>> -> memref<768xi32, #tpu.memory_space<hbm>>
        %dma_start3A_194 = tpu.memref_slice %arg2[%mul3A_126] : memref<823296xi32, #tpu.memory_space<hbm>> -> memref<768xi32, #tpu.memory_space<hbm>>
        tpu.enqueue_dma source(%dma_start3A_194 : memref<768xi32, #tpu.memory_space<hbm>>) target(%arg6 : memref<768xi32, #tpu.memory_space<vmem>>) target_semaphore(%run_scoped3A : memref<!tpu.dma_semaphore, #tpu.memory_space<semaphore_mem>>)
        %dma_wait3A_195 = tpu.memref_slice %arg2[%mul3A_126] : memref<823296xi32, #tpu.memory_space<hbm>> -> memref<768xi32, #tpu.memory_space<hbm>>
        %dma_wait3A_196 = tpu.memref_slice %arg2[%mul3A_126] : memref<823296xi32, #tpu.memory_space<hbm>> -> memref<768xi32, #tpu.memory_space<hbm>>
        tpu.wait_dma2 semaphore(%run_scoped3A : memref<!tpu.dma_semaphore, #tpu.memory_space<semaphore_mem>>) src(%dma_wait3A_196 : memref<768xi32, #tpu.memory_space<hbm>>) dst(%arg6 : memref<768xi32, #tpu.memory_space<vmem>>)
        tpu.yield
      }) : () -> ()
      "tpu.region"() ({
        %run_scoped3A = tpu.sem_alloc : memref<!tpu.dma_semaphore, #tpu.memory_space<semaphore_mem>>
        %dma_start3A_193 = tpu.memref_slice %arg3[%mul3A_126] : memref<823296xi32, #tpu.memory_space<hbm>> -> memref<768xi32, #tpu.memory_space<hbm>>
        %dma_start3A_194 = tpu.memref_slice %arg3[%mul3A_126] : memref<823296xi32, #tpu.memory_space<hbm>> -> memref<768xi32, #tpu.memory_space<hbm>>
        tpu.enqueue_dma source(%dma_start3A_194 : memref<768xi32, #tpu.memory_space<hbm>>) target(%arg7 : memref<768xi32, #tpu.memory_space<vmem>>) target_semaphore(%run_scoped3A : memref<!tpu.dma_semaphore, #tpu.memory_space<semaphore_mem>>)
        %dma_wait3A_195 = tpu.memref_slice %arg3[%mul3A_126] : memref<823296xi32, #tpu.memory_space<hbm>> -> memref<768xi32, #tpu.memory_space<hbm>>
        %dma_wait3A_196 = tpu.memref_slice %arg3[%mul3A_126] : memref<823296xi32, #tpu.memory_space<hbm>> -> memref<768xi32, #tpu.memory_space<hbm>>
        tpu.wait_dma2 semaphore(%run_scoped3A : memref<!tpu.dma_semaphore, #tpu.memory_space<semaphore_mem>>) src(%dma_wait3A_196 : memref<768xi32, #tpu.memory_space<hbm>>) dst(%arg7 : memref<768xi32, #tpu.memory_space<vmem>>)
        tpu.yield
      }) : () -> ()
      %scan3A_127 = arith.constant 0 : i32
      %scan3A_128 = arith.constant 0 : i32
      %scan3A_129 = arith.constant 48 : i32
      %scan3A_130 = arith.addi %scan3A_128, %scan3A_129 : i32
      %scan3A_131 = arith.constant 1 : i32
      %scan3A_132 = scf.for %scan3A_193 = %scan3A_128 to %scan3A_130 step %scan3A_131 iter_args(%scan3A_194 = %scan3A_127) -> (i32)  : i32 {
        %mul3A_195 = arith.constant 16 : i32
        %mul3A_196 = arith.muli %scan3A_193, %mul3A_195 : i32
        %get3A = arith.index_cast %mul3A_196 : i32 to index
        %get3A_197 = tpu.vector_load %arg7[%get3A] {strides = array<i32>} : memref<768xi32, #tpu.memory_space<vmem>>, vector<16xi32>,
        %get3A_198 = vector.shape_cast %get3A_197 : vector<16xi32> to vector<16xi32>
        %sub3A = vector.broadcast %mul3A_57 : i32 to vector<16xi32>
        %sub3A_199 = arith.subi %get3A_198, %sub3A : vector<16xi32>
        %ge3A = arith.constant 0 : i32
        %ge3A_200 = vector.broadcast %ge3A : i32 to vector<16xi32>
        %ge3A_201 = arith.cmpi sge, %sub3A_199, %ge3A_200 : vector<16xi32>
        %lt3A = arith.constant 25000 : i32
        %lt3A_202 = vector.broadcast %lt3A : i32 to vector<16xi32>
        %lt3A_203 = arith.cmpi slt, %sub3A_199, %lt3A_202 : vector<16xi32>
        %and3A = arith.andi %ge3A_201, %lt3A_203 : vector<16xi1>
        %jit3A = arith.constant 25000 : i32
        %broadcast_in_dim3A = vector.broadcast %jit3A : i32 to vector<16xi32>
        %select_n3A = arith.select %and3A, %sub3A_199, %broadcast_in_dim3A : vector<16xi1>, vector<16xi32>
        %mul3A_204 = arith.constant 16 : i32
        %mul3A_205 = arith.muli %scan3A_193, %mul3A_204 : i32
        %swap3A = arith.index_cast %mul3A_205 : i32 to index
        %swap3A_206 = tpu.vector_load %arg7[%swap3A] {strides = array<i32>} : memref<768xi32, #tpu.memory_space<vmem>>, vector<16xi32>,
        %swap3A_207 = vector.shape_cast %swap3A_206 : vector<16xi32> to vector<16xi32>
        %swap3A_208 = vector.shape_cast %select_n3A : vector<16xi32> to vector<16xi32>
        tpu.vector_store %arg7[%swap3A], %swap3A_208 {strides = array<i32>} : memref<768xi32, #tpu.memory_space<vmem>>, vector<16xi32>,
        %scan3A_209 = arith.constant 0 : i32
        scf.yield %scan3A_209 : i32
      }
      %scan3A_133 = arith.constant 48 : i32
      %dma_start3A = arith.constant 0 : i32
      %dma_start3A_134 = tpu.memref_slice %arg6[%dma_start3A] : memref<768xi32, #tpu.memory_space<vmem>> -> memref<128xi32, #tpu.memory_space<vmem>>
      %dma_start3A_135 = arith.constant 0 : i32
      %dma_start3A_136 = arith.constant 0 : i32
      %dma_start3A_137 = tpu.memref_slice %arg4[%dma_start3A_135, %dma_start3A_136] : memref<50000x64xf32, #tpu.memory_space<hbm>> -> memref<50000x64xf32, #tpu.memory_space<hbm>>
      tpu.enqueue_indirect_dma source(%dma_start3A_137 : memref<50000x64xf32, #tpu.memory_space<hbm>>) target(%arg8 : memref<128x64xf32, #tpu.memory_space<vmem>>) offsets(%dma_start3A_134 : memref<128xi32, #tpu.memory_space<vmem>>) semaphore(%arg11 : memref<!tpu.dma_semaphore, #tpu.memory_space<semaphore_mem>>)
      %dma_start3A_138 = arith.constant 128 : i32
      %dma_start3A_139 = tpu.memref_slice %arg6[%dma_start3A_138] : memref<768xi32, #tpu.memory_space<vmem>> -> memref<128xi32, #tpu.memory_space<vmem>>
      %dma_start3A_140 = arith.constant 0 : i32
      %dma_start3A_141 = arith.constant 0 : i32
      %dma_start3A_142 = tpu.memref_slice %arg4[%dma_start3A_140, %dma_start3A_141] : memref<50000x64xf32, #tpu.memory_space<hbm>> -> memref<50000x64xf32, #tpu.memory_space<hbm>>
      tpu.enqueue_indirect_dma source(%dma_start3A_142 : memref<50000x64xf32, #tpu.memory_space<hbm>>) target(%arg9 : memref<128x64xf32, #tpu.memory_space<vmem>>) offsets(%dma_start3A_139 : memref<128xi32, #tpu.memory_space<vmem>>) semaphore(%arg12 : memref<!tpu.dma_semaphore, #tpu.memory_space<semaphore_mem>>)
      %dma_wait3A = arith.constant 0 : i32
      %dma_wait3A_143 = tpu.memref_slice %arg6[%dma_wait3A] : memref<768xi32, #tpu.memory_space<vmem>> -> memref<128xi32, #tpu.memory_space<vmem>>
      %dma_wait3A_144 = arith.constant 0 : i32
      %dma_wait3A_145 = arith.constant 0 : i32
      %dma_wait3A_146 = tpu.memref_slice %arg4[%dma_wait3A_144, %dma_wait3A_145] : memref<50000x64xf32, #tpu.memory_space<hbm>> -> memref<50000x64xf32, #tpu.memory_space<hbm>>
      tpu.wait_indirect_dma semaphore(%arg11 : memref<!tpu.dma_semaphore, #tpu.memory_space<semaphore_mem>>) src(%dma_wait3A_146 : memref<50000x64xf32, #tpu.memory_space<hbm>>) dst(%arg8 : memref<128x64xf32, #tpu.memory_space<vmem>>)
      "tpu.region"() ({
        %run_scoped3A = tpu.sem_alloc : memref<!tpu.dma_semaphore, #tpu.memory_space<semaphore_mem>>
        %dma_start3A_193 = arith.constant 0 : i32
        %dma_start3A_194 = tpu.memref_slice %arg7[%dma_start3A_193] : memref<768xi32, #tpu.memory_space<vmem>> -> memref<128xi32, #tpu.memory_space<vmem>>
        %dma_start3A_195 = arith.constant 0 : i32
        %dma_start3A_196 = arith.constant 0 : i32
        %dma_start3A_197 = tpu.memref_slice %arg10[%dma_start3A_195, %dma_start3A_196] : memref<25088x64xf32, #tpu.memory_space<vmem_shared>> -> memref<25088x64xf32, #tpu.memory_space<vmem_shared>>
        tpu.enqueue_indirect_dma source(%arg8 : memref<128x64xf32, #tpu.memory_space<vmem>>) target(%dma_start3A_197 : memref<25088x64xf32, #tpu.memory_space<vmem_shared>>) offsets(%dma_start3A_194 : memref<128xi32, #tpu.memory_space<vmem>>) semaphore(%run_scoped3A : memref<!tpu.dma_semaphore, #tpu.memory_space<semaphore_mem>>) {add = true}
        %dma_wait3A_198 = arith.constant 0 : i32
        %dma_wait3A_199 = tpu.memref_slice %arg7[%dma_wait3A_198] : memref<768xi32, #tpu.memory_space<vmem>> -> memref<128xi32, #tpu.memory_space<vmem>>
        %dma_wait3A_200 = arith.constant 0 : i32
        %dma_wait3A_201 = arith.constant 0 : i32
        %dma_wait3A_202 = tpu.memref_slice %arg10[%dma_wait3A_200, %dma_wait3A_201] : memref<25088x64xf32, #tpu.memory_space<vmem_shared>> -> memref<25088x64xf32, #tpu.memory_space<vmem_shared>>
        tpu.wait_indirect_dma semaphore(%run_scoped3A : memref<!tpu.dma_semaphore, #tpu.memory_space<semaphore_mem>>) src(%arg8 : memref<128x64xf32, #tpu.memory_space<vmem>>) dst(%dma_wait3A_202 : memref<25088x64xf32, #tpu.memory_space<vmem_shared>>)
        tpu.yield
      }) : () -> ()
      %dma_start3A_147 = arith.constant 256 : i32
      %dma_start3A_148 = tpu.memref_slice %arg6[%dma_start3A_147] : memref<768xi32, #tpu.memory_space<vmem>> -> memref<128xi32, #tpu.memory_space<vmem>>
      %dma_start3A_149 = arith.constant 0 : i32
      %dma_start3A_150 = arith.constant 0 : i32
      %dma_start3A_151 = tpu.memref_slice %arg4[%dma_start3A_149, %dma_start3A_150] : memref<50000x64xf32, #tpu.memory_space<hbm>> -> memref<50000x64xf32, #tpu.memory_space<hbm>>
      tpu.enqueue_indirect_dma source(%dma_start3A_151 : memref<50000x64xf32, #tpu.memory_space<hbm>>) target(%arg8 : memref<128x64xf32, #tpu.memory_space<vmem>>) offsets(%dma_start3A_148 : memref<128xi32, #tpu.memory_space<vmem>>) semaphore(%arg11 : memref<!tpu.dma_semaphore, #tpu.memory_space<semaphore_mem>>)
      %dma_wait3A_152 = arith.constant 128 : i32
      %dma_wait3A_153 = tpu.memref_slice %arg6[%dma_wait3A_152] : memref<768xi32, #tpu.memory_space<vmem>> -> memref<128xi32, #tpu.memory_space<vmem>>
      %dma_wait3A_154 = arith.constant 0 : i32
      %dma_wait3A_155 = arith.constant 0 : i32
      %dma_wait3A_156 = tpu.memref_slice %arg4[%dma_wait3A_154, %dma_wait3A_155] : memref<50000x64xf32, #tpu.memory_space<hbm>> -> memref<50000x64xf32, #tpu.memory_space<hbm>>
      tpu.wait_indirect_dma semaphore(%arg12 : memref<!tpu.dma_semaphore, #tpu.memory_space<semaphore_mem>>) src(%dma_wait3A_156 : memref<50000x64xf32, #tpu.memory_space<hbm>>) dst(%arg9 : memref<128x64xf32, #tpu.memory_space<vmem>>)
      "tpu.region"() ({
        %run_scoped3A = tpu.sem_alloc : memref<!tpu.dma_semaphore, #tpu.memory_space<semaphore_mem>>
        %dma_start3A_193 = arith.constant 128 : i32
        %dma_start3A_194 = tpu.memref_slice %arg7[%dma_start3A_193] : memref<768xi32, #tpu.memory_space<vmem>> -> memref<128xi32, #tpu.memory_space<vmem>>
        %dma_start3A_195 = arith.constant 0 : i32
        %dma_start3A_196 = arith.constant 0 : i32
        %dma_start3A_197 = tpu.memref_slice %arg10[%dma_start3A_195, %dma_start3A_196] : memref<25088x64xf32, #tpu.memory_space<vmem_shared>> -> memref<25088x64xf32, #tpu.memory_space<vmem_shared>>
        tpu.enqueue_indirect_dma source(%arg9 : memref<128x64xf32, #tpu.memory_space<vmem>>) target(%dma_start3A_197 : memref<25088x64xf32, #tpu.memory_space<vmem_shared>>) offsets(%dma_start3A_194 : memref<128xi32, #tpu.memory_space<vmem>>) semaphore(%run_scoped3A : memref<!tpu.dma_semaphore, #tpu.memory_space<semaphore_mem>>) {add = true}
        %dma_wait3A_198 = arith.constant 128 : i32
        %dma_wait3A_199 = tpu.memref_slice %arg7[%dma_wait3A_198] : memref<768xi32, #tpu.memory_space<vmem>> -> memref<128xi32, #tpu.memory_space<vmem>>
        %dma_wait3A_200 = arith.constant 0 : i32
        %dma_wait3A_201 = arith.constant 0 : i32
        %dma_wait3A_202 = tpu.memref_slice %arg10[%dma_wait3A_200, %dma_wait3A_201] : memref<25088x64xf32, #tpu.memory_space<vmem_shared>> -> memref<25088x64xf32, #tpu.memory_space<vmem_shared>>
        tpu.wait_indirect_dma semaphore(%run_scoped3A : memref<!tpu.dma_semaphore, #tpu.memory_space<semaphore_mem>>) src(%arg9 : memref<128x64xf32, #tpu.memory_space<vmem>>) dst(%dma_wait3A_202 : memref<25088x64xf32, #tpu.memory_space<vmem_shared>>)
        tpu.yield
      }) : () -> ()
      %dma_start3A_157 = arith.constant 384 : i32
      %dma_start3A_158 = tpu.memref_slice %arg6[%dma_start3A_157] : memref<768xi32, #tpu.memory_space<vmem>> -> memref<128xi32, #tpu.memory_space<vmem>>
      %dma_start3A_159 = arith.constant 0 : i32
      %dma_start3A_160 = arith.constant 0 : i32
      %dma_start3A_161 = tpu.memref_slice %arg4[%dma_start3A_159, %dma_start3A_160] : memref<50000x64xf32, #tpu.memory_space<hbm>> -> memref<50000x64xf32, #tpu.memory_space<hbm>>
      tpu.enqueue_indirect_dma source(%dma_start3A_161 : memref<50000x64xf32, #tpu.memory_space<hbm>>) target(%arg9 : memref<128x64xf32, #tpu.memory_space<vmem>>) offsets(%dma_start3A_158 : memref<128xi32, #tpu.memory_space<vmem>>) semaphore(%arg12 : memref<!tpu.dma_semaphore, #tpu.memory_space<semaphore_mem>>)
      %dma_wait3A_162 = arith.constant 256 : i32
      %dma_wait3A_163 = tpu.memref_slice %arg6[%dma_wait3A_162] : memref<768xi32, #tpu.memory_space<vmem>> -> memref<128xi32, #tpu.memory_space<vmem>>
      %dma_wait3A_164 = arith.constant 0 : i32
      %dma_wait3A_165 = arith.constant 0 : i32
      %dma_wait3A_166 = tpu.memref_slice %arg4[%dma_wait3A_164, %dma_wait3A_165] : memref<50000x64xf32, #tpu.memory_space<hbm>> -> memref<50000x64xf32, #tpu.memory_space<hbm>>
      tpu.wait_indirect_dma semaphore(%arg11 : memref<!tpu.dma_semaphore, #tpu.memory_space<semaphore_mem>>) src(%dma_wait3A_166 : memref<50000x64xf32, #tpu.memory_space<hbm>>) dst(%arg8 : memref<128x64xf32, #tpu.memory_space<vmem>>)
      "tpu.region"() ({
        %run_scoped3A = tpu.sem_alloc : memref<!tpu.dma_semaphore, #tpu.memory_space<semaphore_mem>>
        %dma_start3A_193 = arith.constant 256 : i32
        %dma_start3A_194 = tpu.memref_slice %arg7[%dma_start3A_193] : memref<768xi32, #tpu.memory_space<vmem>> -> memref<128xi32, #tpu.memory_space<vmem>>
        %dma_start3A_195 = arith.constant 0 : i32
        %dma_start3A_196 = arith.constant 0 : i32
        %dma_start3A_197 = tpu.memref_slice %arg10[%dma_start3A_195, %dma_start3A_196] : memref<25088x64xf32, #tpu.memory_space<vmem_shared>> -> memref<25088x64xf32, #tpu.memory_space<vmem_shared>>
        tpu.enqueue_indirect_dma source(%arg8 : memref<128x64xf32, #tpu.memory_space<vmem>>) target(%dma_start3A_197 : memref<25088x64xf32, #tpu.memory_space<vmem_shared>>) offsets(%dma_start3A_194 : memref<128xi32, #tpu.memory_space<vmem>>) semaphore(%run_scoped3A : memref<!tpu.dma_semaphore, #tpu.memory_space<semaphore_mem>>) {add = true}
        %dma_wait3A_198 = arith.constant 256 : i32
        %dma_wait3A_199 = tpu.memref_slice %arg7[%dma_wait3A_198] : memref<768xi32, #tpu.memory_space<vmem>> -> memref<128xi32, #tpu.memory_space<vmem>>
        %dma_wait3A_200 = arith.constant 0 : i32
        %dma_wait3A_201 = arith.constant 0 : i32
        %dma_wait3A_202 = tpu.memref_slice %arg10[%dma_wait3A_200, %dma_wait3A_201] : memref<25088x64xf32, #tpu.memory_space<vmem_shared>> -> memref<25088x64xf32, #tpu.memory_space<vmem_shared>>
        tpu.wait_indirect_dma semaphore(%run_scoped3A : memref<!tpu.dma_semaphore, #tpu.memory_space<semaphore_mem>>) src(%arg8 : memref<128x64xf32, #tpu.memory_space<vmem>>) dst(%dma_wait3A_202 : memref<25088x64xf32, #tpu.memory_space<vmem_shared>>)
        tpu.yield
      }) : () -> ()
      %dma_start3A_167 = arith.constant 512 : i32
      %dma_start3A_168 = tpu.memref_slice %arg6[%dma_start3A_167] : memref<768xi32, #tpu.memory_space<vmem>> -> memref<128xi32, #tpu.memory_space<vmem>>
      %dma_start3A_169 = arith.constant 0 : i32
      %dma_start3A_170 = arith.constant 0 : i32
      %dma_start3A_171 = tpu.memref_slice %arg4[%dma_start3A_169, %dma_start3A_170] : memref<50000x64xf32, #tpu.memory_space<hbm>> -> memref<50000x64xf32, #tpu.memory_space<hbm>>
      tpu.enqueue_indirect_dma source(%dma_start3A_171 : memref<50000x64xf32, #tpu.memory_space<hbm>>) target(%arg8 : memref<128x64xf32, #tpu.memory_space<vmem>>) offsets(%dma_start3A_168 : memref<128xi32, #tpu.memory_space<vmem>>) semaphore(%arg11 : memref<!tpu.dma_semaphore, #tpu.memory_space<semaphore_mem>>)
      %dma_wait3A_172 = arith.constant 384 : i32
      %dma_wait3A_173 = tpu.memref_slice %arg6[%dma_wait3A_172] : memref<768xi32, #tpu.memory_space<vmem>> -> memref<128xi32, #tpu.memory_space<vmem>>
      %dma_wait3A_174 = arith.constant 0 : i32
      %dma_wait3A_175 = arith.constant 0 : i32
      %dma_wait3A_176 = tpu.memref_slice %arg4[%dma_wait3A_174, %dma_wait3A_175] : memref<50000x64xf32, #tpu.memory_space<hbm>> -> memref<50000x64xf32, #tpu.memory_space<hbm>>
      tpu.wait_indirect_dma semaphore(%arg12 : memref<!tpu.dma_semaphore, #tpu.memory_space<semaphore_mem>>) src(%dma_wait3A_176 : memref<50000x64xf32, #tpu.memory_space<hbm>>) dst(%arg9 : memref<128x64xf32, #tpu.memory_space<vmem>>)
      "tpu.region"() ({
        %run_scoped3A = tpu.sem_alloc : memref<!tpu.dma_semaphore, #tpu.memory_space<semaphore_mem>>
        %dma_start3A_193 = arith.constant 384 : i32
        %dma_start3A_194 = tpu.memref_slice %arg7[%dma_start3A_193] : memref<768xi32, #tpu.memory_space<vmem>> -> memref<128xi32, #tpu.memory_space<vmem>>
        %dma_start3A_195 = arith.constant 0 : i32
        %dma_start3A_196 = arith.constant 0 : i32
        %dma_start3A_197 = tpu.memref_slice %arg10[%dma_start3A_195, %dma_start3A_196] : memref<25088x64xf32, #tpu.memory_space<vmem_shared>> -> memref<25088x64xf32, #tpu.memory_space<vmem_shared>>
        tpu.enqueue_indirect_dma source(%arg9 : memref<128x64xf32, #tpu.memory_space<vmem>>) target(%dma_start3A_197 : memref<25088x64xf32, #tpu.memory_space<vmem_shared>>) offsets(%dma_start3A_194 : memref<128xi32, #tpu.memory_space<vmem>>) semaphore(%run_scoped3A : memref<!tpu.dma_semaphore, #tpu.memory_space<semaphore_mem>>) {add = true}
        %dma_wait3A_198 = arith.constant 384 : i32
        %dma_wait3A_199 = tpu.memref_slice %arg7[%dma_wait3A_198] : memref<768xi32, #tpu.memory_space<vmem>> -> memref<128xi32, #tpu.memory_space<vmem>>
        %dma_wait3A_200 = arith.constant 0 : i32
        %dma_wait3A_201 = arith.constant 0 : i32
        %dma_wait3A_202 = tpu.memref_slice %arg10[%dma_wait3A_200, %dma_wait3A_201] : memref<25088x64xf32, #tpu.memory_space<vmem_shared>> -> memref<25088x64xf32, #tpu.memory_space<vmem_shared>>
        tpu.wait_indirect_dma semaphore(%run_scoped3A : memref<!tpu.dma_semaphore, #tpu.memory_space<semaphore_mem>>) src(%arg9 : memref<128x64xf32, #tpu.memory_space<vmem>>) dst(%dma_wait3A_202 : memref<25088x64xf32, #tpu.memory_space<vmem_shared>>)
        tpu.yield
      }) : () -> ()
      %dma_start3A_177 = arith.constant 640 : i32
      %dma_start3A_178 = tpu.memref_slice %arg6[%dma_start3A_177] : memref<768xi32, #tpu.memory_space<vmem>> -> memref<128xi32, #tpu.memory_space<vmem>>
      %dma_start3A_179 = arith.constant 0 : i32
      %dma_start3A_180 = arith.constant 0 : i32
      %dma_start3A_181 = tpu.memref_slice %arg4[%dma_start3A_179, %dma_start3A_180] : memref<50000x64xf32, #tpu.memory_space<hbm>> -> memref<50000x64xf32, #tpu.memory_space<hbm>>
      tpu.enqueue_indirect_dma source(%dma_start3A_181 : memref<50000x64xf32, #tpu.memory_space<hbm>>) target(%arg9 : memref<128x64xf32, #tpu.memory_space<vmem>>) offsets(%dma_start3A_178 : memref<128xi32, #tpu.memory_space<vmem>>) semaphore(%arg12 : memref<!tpu.dma_semaphore, #tpu.memory_space<semaphore_mem>>)
      %dma_wait3A_182 = arith.constant 512 : i32
      %dma_wait3A_183 = tpu.memref_slice %arg6[%dma_wait3A_182] : memref<768xi32, #tpu.memory_space<vmem>> -> memref<128xi32, #tpu.memory_space<vmem>>
      %dma_wait3A_184 = arith.constant 0 : i32
      %dma_wait3A_185 = arith.constant 0 : i32
      %dma_wait3A_186 = tpu.memref_slice %arg4[%dma_wait3A_184, %dma_wait3A_185] : memref<50000x64xf32, #tpu.memory_space<hbm>> -> memref<50000x64xf32, #tpu.memory_space<hbm>>
      tpu.wait_indirect_dma semaphore(%arg11 : memref<!tpu.dma_semaphore, #tpu.memory_space<semaphore_mem>>) src(%dma_wait3A_186 : memref<50000x64xf32, #tpu.memory_space<hbm>>) dst(%arg8 : memref<128x64xf32, #tpu.memory_space<vmem>>)
      "tpu.region"() ({
        %run_scoped3A = tpu.sem_alloc : memref<!tpu.dma_semaphore, #tpu.memory_space<semaphore_mem>>
        %dma_start3A_193 = arith.constant 512 : i32
        %dma_start3A_194 = tpu.memref_slice %arg7[%dma_start3A_193] : memref<768xi32, #tpu.memory_space<vmem>> -> memref<128xi32, #tpu.memory_space<vmem>>
        %dma_start3A_195 = arith.constant 0 : i32
        %dma_start3A_196 = arith.constant 0 : i32
        %dma_start3A_197 = tpu.memref_slice %arg10[%dma_start3A_195, %dma_start3A_196] : memref<25088x64xf32, #tpu.memory_space<vmem_shared>> -> memref<25088x64xf32, #tpu.memory_space<vmem_shared>>
        tpu.enqueue_indirect_dma source(%arg8 : memref<128x64xf32, #tpu.memory_space<vmem>>) target(%dma_start3A_197 : memref<25088x64xf32, #tpu.memory_space<vmem_shared>>) offsets(%dma_start3A_194 : memref<128xi32, #tpu.memory_space<vmem>>) semaphore(%run_scoped3A : memref<!tpu.dma_semaphore, #tpu.memory_space<semaphore_mem>>) {add = true}
        %dma_wait3A_198 = arith.constant 512 : i32
        %dma_wait3A_199 = tpu.memref_slice %arg7[%dma_wait3A_198] : memref<768xi32, #tpu.memory_space<vmem>> -> memref<128xi32, #tpu.memory_space<vmem>>
        %dma_wait3A_200 = arith.constant 0 : i32
        %dma_wait3A_201 = arith.constant 0 : i32
        %dma_wait3A_202 = tpu.memref_slice %arg10[%dma_wait3A_200, %dma_wait3A_201] : memref<25088x64xf32, #tpu.memory_space<vmem_shared>> -> memref<25088x64xf32, #tpu.memory_space<vmem_shared>>
        tpu.wait_indirect_dma semaphore(%run_scoped3A : memref<!tpu.dma_semaphore, #tpu.memory_space<semaphore_mem>>) src(%arg8 : memref<128x64xf32, #tpu.memory_space<vmem>>) dst(%dma_wait3A_202 : memref<25088x64xf32, #tpu.memory_space<vmem_shared>>)
        tpu.yield
      }) : () -> ()
      %dma_wait3A_187 = arith.constant 640 : i32
      %dma_wait3A_188 = tpu.memref_slice %arg6[%dma_wait3A_187] : memref<768xi32, #tpu.memory_space<vmem>> -> memref<128xi32, #tpu.memory_space<vmem>>
      %dma_wait3A_189 = arith.constant 0 : i32
      %dma_wait3A_190 = arith.constant 0 : i32
      %dma_wait3A_191 = tpu.memref_slice %arg4[%dma_wait3A_189, %dma_wait3A_190] : memref<50000x64xf32, #tpu.memory_space<hbm>> -> memref<50000x64xf32, #tpu.memory_space<hbm>>
      tpu.wait_indirect_dma semaphore(%arg12 : memref<!tpu.dma_semaphore, #tpu.memory_space<semaphore_mem>>) src(%dma_wait3A_191 : memref<50000x64xf32, #tpu.memory_space<hbm>>) dst(%arg9 : memref<128x64xf32, #tpu.memory_space<vmem>>)
      "tpu.region"() ({
        %run_scoped3A = tpu.sem_alloc : memref<!tpu.dma_semaphore, #tpu.memory_space<semaphore_mem>>
        %dma_start3A_193 = arith.constant 640 : i32
        %dma_start3A_194 = tpu.memref_slice %arg7[%dma_start3A_193] : memref<768xi32, #tpu.memory_space<vmem>> -> memref<128xi32, #tpu.memory_space<vmem>>
        %dma_start3A_195 = arith.constant 0 : i32
        %dma_start3A_196 = arith.constant 0 : i32
        %dma_start3A_197 = tpu.memref_slice %arg10[%dma_start3A_195, %dma_start3A_196] : memref<25088x64xf32, #tpu.memory_space<vmem_shared>> -> memref<25088x64xf32, #tpu.memory_space<vmem_shared>>
        tpu.enqueue_indirect_dma source(%arg9 : memref<128x64xf32, #tpu.memory_space<vmem>>) target(%dma_start3A_197 : memref<25088x64xf32, #tpu.memory_space<vmem_shared>>) offsets(%dma_start3A_194 : memref<128xi32, #tpu.memory_space<vmem>>) semaphore(%run_scoped3A : memref<!tpu.dma_semaphore, #tpu.memory_space<semaphore_mem>>) {add = true}
        %dma_wait3A_198 = arith.constant 640 : i32
        %dma_wait3A_199 = tpu.memref_slice %arg7[%dma_wait3A_198] : memref<768xi32, #tpu.memory_space<vmem>> -> memref<128xi32, #tpu.memory_space<vmem>>
        %dma_wait3A_200 = arith.constant 0 : i32
        %dma_wait3A_201 = arith.constant 0 : i32
        %dma_wait3A_202 = tpu.memref_slice %arg10[%dma_wait3A_200, %dma_wait3A_201] : memref<25088x64xf32, #tpu.memory_space<vmem_shared>> -> memref<25088x64xf32, #tpu.memory_space<vmem_shared>>
        tpu.wait_indirect_dma semaphore(%run_scoped3A : memref<!tpu.dma_semaphore, #tpu.memory_space<semaphore_mem>>) src(%arg9 : memref<128x64xf32, #tpu.memory_space<vmem>>) dst(%dma_wait3A_202 : memref<25088x64xf32, #tpu.memory_space<vmem_shared>>)
        tpu.yield
      }) : () -> ()
      %scan3A_192 = arith.constant 0 : i32
      scf.yield %scan3A_192 : i32
    }
    %scan3A_64 = arith.constant 67 : i32
    %barrier3A_65 = arith.constant 0 : index
    tpu.barrier barrier_id(%barrier3A_65)
    %mul3A_66 = arith.constant 1568 : i32
    %mul3A_67 = arith.muli %arg1, %mul3A_66 : i32
    %add3A_68 = arith.constant 0 : i32
    %add3A_69 = arith.addi %mul3A_67, %add3A_68 : i32
    "tpu.region"() ({
      %run_scoped3A = tpu.sem_alloc : memref<!tpu.dma_semaphore, #tpu.memory_space<semaphore_mem>>
      %dma_start3A = arith.constant 0 : i32
      %dma_start3A_118 = tpu.memref_slice %arg10[%add3A_69, %dma_start3A] : memref<25088x64xf32, #tpu.memory_space<vmem_shared>> -> memref<128x64xf32, #tpu.memory_space<vmem_shared>>
      %dma_start3A_119 = arith.constant 0 : i32
      %dma_start3A_120 = tpu.memref_slice %arg10[%add3A_69, %dma_start3A_119] : memref<25088x64xf32, #tpu.memory_space<vmem_shared>> -> memref<128x64xf32, #tpu.memory_space<vmem_shared>>
      tpu.enqueue_dma source(%dma_start3A_120 : memref<128x64xf32, #tpu.memory_space<vmem_shared>>) target(%arg8 : memref<128x64xf32, #tpu.memory_space<vmem>>) target_semaphore(%run_scoped3A : memref<!tpu.dma_semaphore, #tpu.memory_space<semaphore_mem>>)
      %dma_wait3A = arith.constant 0 : i32
      %dma_wait3A_121 = tpu.memref_slice %arg10[%add3A_69, %dma_wait3A] : memref<25088x64xf32, #tpu.memory_space<vmem_shared>> -> memref<128x64xf32, #tpu.memory_space<vmem_shared>>
      %dma_wait3A_122 = arith.constant 0 : i32
      %dma_wait3A_123 = tpu.memref_slice %arg10[%add3A_69, %dma_wait3A_122] : memref<25088x64xf32, #tpu.memory_space<vmem_shared>> -> memref<128x64xf32, #tpu.memory_space<vmem_shared>>
      tpu.wait_dma2 semaphore(%run_scoped3A : memref<!tpu.dma_semaphore, #tpu.memory_space<semaphore_mem>>) src(%dma_wait3A_123 : memref<128x64xf32, #tpu.memory_space<vmem_shared>>) dst(%arg8 : memref<128x64xf32, #tpu.memory_space<vmem>>)
      tpu.yield
    }) : () -> ()
    "tpu.region"() ({
      %run_scoped3A = tpu.sem_alloc : memref<!tpu.dma_semaphore, #tpu.memory_space<semaphore_mem>>
      %dma_start3A = arith.constant 0 : i32
      %dma_start3A_118 = tpu.memref_slice %arg5[%arg0, %add3A_69, %dma_start3A] : memref<2x25088x64xf32, #tpu.memory_space<hbm>> -> memref<1x128x64xf32, #tpu.memory_space<hbm>>
      %dma_start3A_119 = tpu.memref_squeeze %dma_start3A_118 : memref<1x128x64xf32, #tpu.memory_space<hbm>> -> memref<128x64xf32, #tpu.memory_space<hbm>>
      %dma_start3A_120 = arith.constant 0 : i32
      %dma_start3A_121 = tpu.memref_slice %arg5[%arg0, %add3A_69, %dma_start3A_120] : memref<2x25088x64xf32, #tpu.memory_space<hbm>> -> memref<1x128x64xf32, #tpu.memory_space<hbm>>
      %dma_start3A_122 = tpu.memref_squeeze %dma_start3A_121 : memref<1x128x64xf32, #tpu.memory_space<hbm>> -> memref<128x64xf32, #tpu.memory_space<hbm>>
      tpu.enqueue_dma source(%arg8 : memref<128x64xf32, #tpu.memory_space<vmem>>) target(%dma_start3A_122 : memref<128x64xf32, #tpu.memory_space<hbm>>) target_semaphore(%run_scoped3A : memref<!tpu.dma_semaphore, #tpu.memory_space<semaphore_mem>>)
      %dma_wait3A = arith.constant 0 : i32
      %dma_wait3A_123 = tpu.memref_slice %arg5[%arg0, %add3A_69, %dma_wait3A] : memref<2x25088x64xf32, #tpu.memory_space<hbm>> -> memref<1x128x64xf32, #tpu.memory_space<hbm>>
      %dma_wait3A_124 = tpu.memref_squeeze %dma_wait3A_123 : memref<1x128x64xf32, #tpu.memory_space<hbm>> -> memref<128x64xf32, #tpu.memory_space<hbm>>
      %dma_wait3A_125 = arith.constant 0 : i32
      %dma_wait3A_126 = tpu.memref_slice %arg5[%arg0, %add3A_69, %dma_wait3A_125] : memref<2x25088x64xf32, #tpu.memory_space<hbm>> -> memref<1x128x64xf32, #tpu.memory_space<hbm>>
      %dma_wait3A_127 = tpu.memref_squeeze %dma_wait3A_126 : memref<1x128x64xf32, #tpu.memory_space<hbm>> -> memref<128x64xf32, #tpu.memory_space<hbm>>
      tpu.wait_dma2 semaphore(%run_scoped3A : memref<!tpu.dma_semaphore, #tpu.memory_space<semaphore_mem>>) src(%arg8 : memref<128x64xf32, #tpu.memory_space<vmem>>) dst(%dma_wait3A_127 : memref<128x64xf32, #tpu.memory_space<hbm>>)
      tpu.yield
    }) : () -> ()
    %mul3A_70 = arith.constant 1568 : i32
    %mul3A_71 = arith.muli %arg1, %mul3A_70 : i32
    %add3A_72 = arith.constant 128 : i32
    %add3A_73 = arith.addi %mul3A_71, %add3A_72 : i32
    "tpu.region"() ({
      %run_scoped3A = tpu.sem_alloc : memref<!tpu.dma_semaphore, #tpu.memory_space<semaphore_mem>>
      %dma_start3A = arith.constant 0 : i32
      %dma_start3A_118 = tpu.memref_slice %arg10[%add3A_73, %dma_start3A] : memref<25088x64xf32, #tpu.memory_space<vmem_shared>> -> memref<128x64xf32, #tpu.memory_space<vmem_shared>>
      %dma_start3A_119 = arith.constant 0 : i32
      %dma_start3A_120 = tpu.memref_slice %arg10[%add3A_73, %dma_start3A_119] : memref<25088x64xf32, #tpu.memory_space<vmem_shared>> -> memref<128x64xf32, #tpu.memory_space<vmem_shared>>
      tpu.enqueue_dma source(%dma_start3A_120 : memref<128x64xf32, #tpu.memory_space<vmem_shared>>) target(%arg8 : memref<128x64xf32, #tpu.memory_space<vmem>>) target_semaphore(%run_scoped3A : memref<!tpu.dma_semaphore, #tpu.memory_space<semaphore_mem>>)
      %dma_wait3A = arith.constant 0 : i32
      %dma_wait3A_121 = tpu.memref_slice %arg10[%add3A_73, %dma_wait3A] : memref<25088x64xf32, #tpu.memory_space<vmem_shared>> -> memref<128x64xf32, #tpu.memory_space<vmem_shared>>
      %dma_wait3A_122 = arith.constant 0 : i32
      %dma_wait3A_123 = tpu.memref_slice %arg10[%add3A_73, %dma_wait3A_122] : memref<25088x64xf32, #tpu.memory_space<vmem_shared>> -> memref<128x64xf32, #tpu.memory_space<vmem_shared>>
      tpu.wait_dma2 semaphore(%run_scoped3A : memref<!tpu.dma_semaphore, #tpu.memory_space<semaphore_mem>>) src(%dma_wait3A_123 : memref<128x64xf32, #tpu.memory_space<vmem_shared>>) dst(%arg8 : memref<128x64xf32, #tpu.memory_space<vmem>>)
      tpu.yield
    }) : () -> ()
    "tpu.region"() ({
      %run_scoped3A = tpu.sem_alloc : memref<!tpu.dma_semaphore, #tpu.memory_space<semaphore_mem>>
      %dma_start3A = arith.constant 0 : i32
      %dma_start3A_118 = tpu.memref_slice %arg5[%arg0, %add3A_73, %dma_start3A] : memref<2x25088x64xf32, #tpu.memory_space<hbm>> -> memref<1x128x64xf32, #tpu.memory_space<hbm>>
      %dma_start3A_119 = tpu.memref_squeeze %dma_start3A_118 : memref<1x128x64xf32, #tpu.memory_space<hbm>> -> memref<128x64xf32, #tpu.memory_space<hbm>>
      %dma_start3A_120 = arith.constant 0 : i32
      %dma_start3A_121 = tpu.memref_slice %arg5[%arg0, %add3A_73, %dma_start3A_120] : memref<2x25088x64xf32, #tpu.memory_space<hbm>> -> memref<1x128x64xf32, #tpu.memory_space<hbm>>
      %dma_start3A_122 = tpu.memref_squeeze %dma_start3A_121 : memref<1x128x64xf32, #tpu.memory_space<hbm>> -> memref<128x64xf32, #tpu.memory_space<hbm>>
      tpu.enqueue_dma source(%arg8 : memref<128x64xf32, #tpu.memory_space<vmem>>) target(%dma_start3A_122 : memref<128x64xf32, #tpu.memory_space<hbm>>) target_semaphore(%run_scoped3A : memref<!tpu.dma_semaphore, #tpu.memory_space<semaphore_mem>>)
      %dma_wait3A = arith.constant 0 : i32
      %dma_wait3A_123 = tpu.memref_slice %arg5[%arg0, %add3A_73, %dma_wait3A] : memref<2x25088x64xf32, #tpu.memory_space<hbm>> -> memref<1x128x64xf32, #tpu.memory_space<hbm>>
      %dma_wait3A_124 = tpu.memref_squeeze %dma_wait3A_123 : memref<1x128x64xf32, #tpu.memory_space<hbm>> -> memref<128x64xf32, #tpu.memory_space<hbm>>
      %dma_wait3A_125 = arith.constant 0 : i32
      %dma_wait3A_126 = tpu.memref_slice %arg5[%arg0, %add3A_73, %dma_wait3A_125] : memref<2x25088x64xf32, #tpu.memory_space<hbm>> -> memref<1x128x64xf32, #tpu.memory_space<hbm>>
      %dma_wait3A_127 = tpu.memref_squeeze %dma_wait3A_126 : memref<1x128x64xf32, #tpu.memory_space<hbm>> -> memref<128x64xf32, #tpu.memory_space<hbm>>
      tpu.wait_dma2 semaphore(%run_scoped3A : memref<!tpu.dma_semaphore, #tpu.memory_space<semaphore_mem>>) src(%arg8 : memref<128x64xf32, #tpu.memory_space<vmem>>) dst(%dma_wait3A_127 : memref<128x64xf32, #tpu.memory_space<hbm>>)
      tpu.yield
    }) : () -> ()
    %mul3A_74 = arith.constant 1568 : i32
    %mul3A_75 = arith.muli %arg1, %mul3A_74 : i32
    %add3A_76 = arith.constant 256 : i32
    %add3A_77 = arith.addi %mul3A_75, %add3A_76 : i32
    "tpu.region"() ({
      %run_scoped3A = tpu.sem_alloc : memref<!tpu.dma_semaphore, #tpu.memory_space<semaphore_mem>>
      %dma_start3A = arith.constant 0 : i32
      %dma_start3A_118 = tpu.memref_slice %arg10[%add3A_77, %dma_start3A] : memref<25088x64xf32, #tpu.memory_space<vmem_shared>> -> memref<128x64xf32, #tpu.memory_space<vmem_shared>>
      %dma_start3A_119 = arith.constant 0 : i32
      %dma_start3A_120 = tpu.memref_slice %arg10[%add3A_77, %dma_start3A_119] : memref<25088x64xf32, #tpu.memory_space<vmem_shared>> -> memref<128x64xf32, #tpu.memory_space<vmem_shared>>
      tpu.enqueue_dma source(%dma_start3A_120 : memref<128x64xf32, #tpu.memory_space<vmem_shared>>) target(%arg8 : memref<128x64xf32, #tpu.memory_space<vmem>>) target_semaphore(%run_scoped3A : memref<!tpu.dma_semaphore, #tpu.memory_space<semaphore_mem>>)
      %dma_wait3A = arith.constant 0 : i32
      %dma_wait3A_121 = tpu.memref_slice %arg10[%add3A_77, %dma_wait3A] : memref<25088x64xf32, #tpu.memory_space<vmem_shared>> -> memref<128x64xf32, #tpu.memory_space<vmem_shared>>
      %dma_wait3A_122 = arith.constant 0 : i32
      %dma_wait3A_123 = tpu.memref_slice %arg10[%add3A_77, %dma_wait3A_122] : memref<25088x64xf32, #tpu.memory_space<vmem_shared>> -> memref<128x64xf32, #tpu.memory_space<vmem_shared>>
      tpu.wait_dma2 semaphore(%run_scoped3A : memref<!tpu.dma_semaphore, #tpu.memory_space<semaphore_mem>>) src(%dma_wait3A_123 : memref<128x64xf32, #tpu.memory_space<vmem_shared>>) dst(%arg8 : memref<128x64xf32, #tpu.memory_space<vmem>>)
      tpu.yield
    }) : () -> ()
    "tpu.region"() ({
      %run_scoped3A = tpu.sem_alloc : memref<!tpu.dma_semaphore, #tpu.memory_space<semaphore_mem>>
      %dma_start3A = arith.constant 0 : i32
      %dma_start3A_118 = tpu.memref_slice %arg5[%arg0, %add3A_77, %dma_start3A] : memref<2x25088x64xf32, #tpu.memory_space<hbm>> -> memref<1x128x64xf32, #tpu.memory_space<hbm>>
      %dma_start3A_119 = tpu.memref_squeeze %dma_start3A_118 : memref<1x128x64xf32, #tpu.memory_space<hbm>> -> memref<128x64xf32, #tpu.memory_space<hbm>>
      %dma_start3A_120 = arith.constant 0 : i32
      %dma_start3A_121 = tpu.memref_slice %arg5[%arg0, %add3A_77, %dma_start3A_120] : memref<2x25088x64xf32, #tpu.memory_space<hbm>> -> memref<1x128x64xf32, #tpu.memory_space<hbm>>
      %dma_start3A_122 = tpu.memref_squeeze %dma_start3A_121 : memref<1x128x64xf32, #tpu.memory_space<hbm>> -> memref<128x64xf32, #tpu.memory_space<hbm>>
      tpu.enqueue_dma source(%arg8 : memref<128x64xf32, #tpu.memory_space<vmem>>) target(%dma_start3A_122 : memref<128x64xf32, #tpu.memory_space<hbm>>) target_semaphore(%run_scoped3A : memref<!tpu.dma_semaphore, #tpu.memory_space<semaphore_mem>>)
      %dma_wait3A = arith.constant 0 : i32
      %dma_wait3A_123 = tpu.memref_slice %arg5[%arg0, %add3A_77, %dma_wait3A] : memref<2x25088x64xf32, #tpu.memory_space<hbm>> -> memref<1x128x64xf32, #tpu.memory_space<hbm>>
      %dma_wait3A_124 = tpu.memref_squeeze %dma_wait3A_123 : memref<1x128x64xf32, #tpu.memory_space<hbm>> -> memref<128x64xf32, #tpu.memory_space<hbm>>
      %dma_wait3A_125 = arith.constant 0 : i32
      %dma_wait3A_126 = tpu.memref_slice %arg5[%arg0, %add3A_77, %dma_wait3A_125] : memref<2x25088x64xf32, #tpu.memory_space<hbm>> -> memref<1x128x64xf32, #tpu.memory_space<hbm>>
      %dma_wait3A_127 = tpu.memref_squeeze %dma_wait3A_126 : memref<1x128x64xf32, #tpu.memory_space<hbm>> -> memref<128x64xf32, #tpu.memory_space<hbm>>
      tpu.wait_dma2 semaphore(%run_scoped3A : memref<!tpu.dma_semaphore, #tpu.memory_space<semaphore_mem>>) src(%arg8 : memref<128x64xf32, #tpu.memory_space<vmem>>) dst(%dma_wait3A_127 : memref<128x64xf32, #tpu.memory_space<hbm>>)
      tpu.yield
    }) : () -> ()
    %mul3A_78 = arith.constant 1568 : i32
    %mul3A_79 = arith.muli %arg1, %mul3A_78 : i32
    %add3A_80 = arith.constant 384 : i32
    %add3A_81 = arith.addi %mul3A_79, %add3A_80 : i32
    "tpu.region"() ({
      %run_scoped3A = tpu.sem_alloc : memref<!tpu.dma_semaphore, #tpu.memory_space<semaphore_mem>>
      %dma_start3A = arith.constant 0 : i32
      %dma_start3A_118 = tpu.memref_slice %arg10[%add3A_81, %dma_start3A] : memref<25088x64xf32, #tpu.memory_space<vmem_shared>> -> memref<128x64xf32, #tpu.memory_space<vmem_shared>>
      %dma_start3A_119 = arith.constant 0 : i32
      %dma_start3A_120 = tpu.memref_slice %arg10[%add3A_81, %dma_start3A_119] : memref<25088x64xf32, #tpu.memory_space<vmem_shared>> -> memref<128x64xf32, #tpu.memory_space<vmem_shared>>
      tpu.enqueue_dma source(%dma_start3A_120 : memref<128x64xf32, #tpu.memory_space<vmem_shared>>) target(%arg8 : memref<128x64xf32, #tpu.memory_space<vmem>>) target_semaphore(%run_scoped3A : memref<!tpu.dma_semaphore, #tpu.memory_space<semaphore_mem>>)
      %dma_wait3A = arith.constant 0 : i32
      %dma_wait3A_121 = tpu.memref_slice %arg10[%add3A_81, %dma_wait3A] : memref<25088x64xf32, #tpu.memory_space<vmem_shared>> -> memref<128x64xf32, #tpu.memory_space<vmem_shared>>
      %dma_wait3A_122 = arith.constant 0 : i32
      %dma_wait3A_123 = tpu.memref_slice %arg10[%add3A_81, %dma_wait3A_122] : memref<25088x64xf32, #tpu.memory_space<vmem_shared>> -> memref<128x64xf32, #tpu.memory_space<vmem_shared>>
      tpu.wait_dma2 semaphore(%run_scoped3A : memref<!tpu.dma_semaphore, #tpu.memory_space<semaphore_mem>>) src(%dma_wait3A_123 : memref<128x64xf32, #tpu.memory_space<vmem_shared>>) dst(%arg8 : memref<128x64xf32, #tpu.memory_space<vmem>>)
      tpu.yield
    }) : () -> ()
    "tpu.region"() ({
      %run_scoped3A = tpu.sem_alloc : memref<!tpu.dma_semaphore, #tpu.memory_space<semaphore_mem>>
      %dma_start3A = arith.constant 0 : i32
      %dma_start3A_118 = tpu.memref_slice %arg5[%arg0, %add3A_81, %dma_start3A] : memref<2x25088x64xf32, #tpu.memory_space<hbm>> -> memref<1x128x64xf32, #tpu.memory_space<hbm>>
      %dma_start3A_119 = tpu.memref_squeeze %dma_start3A_118 : memref<1x128x64xf32, #tpu.memory_space<hbm>> -> memref<128x64xf32, #tpu.memory_space<hbm>>
      %dma_start3A_120 = arith.constant 0 : i32
      %dma_start3A_121 = tpu.memref_slice %arg5[%arg0, %add3A_81, %dma_start3A_120] : memref<2x25088x64xf32, #tpu.memory_space<hbm>> -> memref<1x128x64xf32, #tpu.memory_space<hbm>>
      %dma_start3A_122 = tpu.memref_squeeze %dma_start3A_121 : memref<1x128x64xf32, #tpu.memory_space<hbm>> -> memref<128x64xf32, #tpu.memory_space<hbm>>
      tpu.enqueue_dma source(%arg8 : memref<128x64xf32, #tpu.memory_space<vmem>>) target(%dma_start3A_122 : memref<128x64xf32, #tpu.memory_space<hbm>>) target_semaphore(%run_scoped3A : memref<!tpu.dma_semaphore, #tpu.memory_space<semaphore_mem>>)
      %dma_wait3A = arith.constant 0 : i32
      %dma_wait3A_123 = tpu.memref_slice %arg5[%arg0, %add3A_81, %dma_wait3A] : memref<2x25088x64xf32, #tpu.memory_space<hbm>> -> memref<1x128x64xf32, #tpu.memory_space<hbm>>
      %dma_wait3A_124 = tpu.memref_squeeze %dma_wait3A_123 : memref<1x128x64xf32, #tpu.memory_space<hbm>> -> memref<128x64xf32, #tpu.memory_space<hbm>>
      %dma_wait3A_125 = arith.constant 0 : i32
      %dma_wait3A_126 = tpu.memref_slice %arg5[%arg0, %add3A_81, %dma_wait3A_125] : memref<2x25088x64xf32, #tpu.memory_space<hbm>> -> memref<1x128x64xf32, #tpu.memory_space<hbm>>
      %dma_wait3A_127 = tpu.memref_squeeze %dma_wait3A_126 : memref<1x128x64xf32, #tpu.memory_space<hbm>> -> memref<128x64xf32, #tpu.memory_space<hbm>>
      tpu.wait_dma2 semaphore(%run_scoped3A : memref<!tpu.dma_semaphore, #tpu.memory_space<semaphore_mem>>) src(%arg8 : memref<128x64xf32, #tpu.memory_space<vmem>>) dst(%dma_wait3A_127 : memref<128x64xf32, #tpu.memory_space<hbm>>)
      tpu.yield
    }) : () -> ()
    %mul3A_82 = arith.constant 1568 : i32
    %mul3A_83 = arith.muli %arg1, %mul3A_82 : i32
    %add3A_84 = arith.constant 512 : i32
    %add3A_85 = arith.addi %mul3A_83, %add3A_84 : i32
    "tpu.region"() ({
      %run_scoped3A = tpu.sem_alloc : memref<!tpu.dma_semaphore, #tpu.memory_space<semaphore_mem>>
      %dma_start3A = arith.constant 0 : i32
      %dma_start3A_118 = tpu.memref_slice %arg10[%add3A_85, %dma_start3A] : memref<25088x64xf32, #tpu.memory_space<vmem_shared>> -> memref<128x64xf32, #tpu.memory_space<vmem_shared>>
      %dma_start3A_119 = arith.constant 0 : i32
      %dma_start3A_120 = tpu.memref_slice %arg10[%add3A_85, %dma_start3A_119] : memref<25088x64xf32, #tpu.memory_space<vmem_shared>> -> memref<128x64xf32, #tpu.memory_space<vmem_shared>>
      tpu.enqueue_dma source(%dma_start3A_120 : memref<128x64xf32, #tpu.memory_space<vmem_shared>>) target(%arg8 : memref<128x64xf32, #tpu.memory_space<vmem>>) target_semaphore(%run_scoped3A : memref<!tpu.dma_semaphore, #tpu.memory_space<semaphore_mem>>)
      %dma_wait3A = arith.constant 0 : i32
      %dma_wait3A_121 = tpu.memref_slice %arg10[%add3A_85, %dma_wait3A] : memref<25088x64xf32, #tpu.memory_space<vmem_shared>> -> memref<128x64xf32, #tpu.memory_space<vmem_shared>>
      %dma_wait3A_122 = arith.constant 0 : i32
      %dma_wait3A_123 = tpu.memref_slice %arg10[%add3A_85, %dma_wait3A_122] : memref<25088x64xf32, #tpu.memory_space<vmem_shared>> -> memref<128x64xf32, #tpu.memory_space<vmem_shared>>
      tpu.wait_dma2 semaphore(%run_scoped3A : memref<!tpu.dma_semaphore, #tpu.memory_space<semaphore_mem>>) src(%dma_wait3A_123 : memref<128x64xf32, #tpu.memory_space<vmem_shared>>) dst(%arg8 : memref<128x64xf32, #tpu.memory_space<vmem>>)
      tpu.yield
    }) : () -> ()
    "tpu.region"() ({
      %run_scoped3A = tpu.sem_alloc : memref<!tpu.dma_semaphore, #tpu.memory_space<semaphore_mem>>
      %dma_start3A = arith.constant 0 : i32
      %dma_start3A_118 = tpu.memref_slice %arg5[%arg0, %add3A_85, %dma_start3A] : memref<2x25088x64xf32, #tpu.memory_space<hbm>> -> memref<1x128x64xf32, #tpu.memory_space<hbm>>
      %dma_start3A_119 = tpu.memref_squeeze %dma_start3A_118 : memref<1x128x64xf32, #tpu.memory_space<hbm>> -> memref<128x64xf32, #tpu.memory_space<hbm>>
      %dma_start3A_120 = arith.constant 0 : i32
      %dma_start3A_121 = tpu.memref_slice %arg5[%arg0, %add3A_85, %dma_start3A_120] : memref<2x25088x64xf32, #tpu.memory_space<hbm>> -> memref<1x128x64xf32, #tpu.memory_space<hbm>>
      %dma_start3A_122 = tpu.memref_squeeze %dma_start3A_121 : memref<1x128x64xf32, #tpu.memory_space<hbm>> -> memref<128x64xf32, #tpu.memory_space<hbm>>
      tpu.enqueue_dma source(%arg8 : memref<128x64xf32, #tpu.memory_space<vmem>>) target(%dma_start3A_122 : memref<128x64xf32, #tpu.memory_space<hbm>>) target_semaphore(%run_scoped3A : memref<!tpu.dma_semaphore, #tpu.memory_space<semaphore_mem>>)
      %dma_wait3A = arith.constant 0 : i32
      %dma_wait3A_123 = tpu.memref_slice %arg5[%arg0, %add3A_85, %dma_wait3A] : memref<2x25088x64xf32, #tpu.memory_space<hbm>> -> memref<1x128x64xf32, #tpu.memory_space<hbm>>
      %dma_wait3A_124 = tpu.memref_squeeze %dma_wait3A_123 : memref<1x128x64xf32, #tpu.memory_space<hbm>> -> memref<128x64xf32, #tpu.memory_space<hbm>>
      %dma_wait3A_125 = arith.constant 0 : i32
      %dma_wait3A_126 = tpu.memref_slice %arg5[%arg0, %add3A_85, %dma_wait3A_125] : memref<2x25088x64xf32, #tpu.memory_space<hbm>> -> memref<1x128x64xf32, #tpu.memory_space<hbm>>
      %dma_wait3A_127 = tpu.memref_squeeze %dma_wait3A_126 : memref<1x128x64xf32, #tpu.memory_space<hbm>> -> memref<128x64xf32, #tpu.memory_space<hbm>>
      tpu.wait_dma2 semaphore(%run_scoped3A : memref<!tpu.dma_semaphore, #tpu.memory_space<semaphore_mem>>) src(%arg8 : memref<128x64xf32, #tpu.memory_space<vmem>>) dst(%dma_wait3A_127 : memref<128x64xf32, #tpu.memory_space<hbm>>)
      tpu.yield
    }) : () -> ()
    %mul3A_86 = arith.constant 1568 : i32
    %mul3A_87 = arith.muli %arg1, %mul3A_86 : i32
    %add3A_88 = arith.constant 640 : i32
    %add3A_89 = arith.addi %mul3A_87, %add3A_88 : i32
    "tpu.region"() ({
      %run_scoped3A = tpu.sem_alloc : memref<!tpu.dma_semaphore, #tpu.memory_space<semaphore_mem>>
      %dma_start3A = arith.constant 0 : i32
      %dma_start3A_118 = tpu.memref_slice %arg10[%add3A_89, %dma_start3A] : memref<25088x64xf32, #tpu.memory_space<vmem_shared>> -> memref<128x64xf32, #tpu.memory_space<vmem_shared>>
      %dma_start3A_119 = arith.constant 0 : i32
      %dma_start3A_120 = tpu.memref_slice %arg10[%add3A_89, %dma_start3A_119] : memref<25088x64xf32, #tpu.memory_space<vmem_shared>> -> memref<128x64xf32, #tpu.memory_space<vmem_shared>>
      tpu.enqueue_dma source(%dma_start3A_120 : memref<128x64xf32, #tpu.memory_space<vmem_shared>>) target(%arg8 : memref<128x64xf32, #tpu.memory_space<vmem>>) target_semaphore(%run_scoped3A : memref<!tpu.dma_semaphore, #tpu.memory_space<semaphore_mem>>)
      %dma_wait3A = arith.constant 0 : i32
      %dma_wait3A_121 = tpu.memref_slice %arg10[%add3A_89, %dma_wait3A] : memref<25088x64xf32, #tpu.memory_space<vmem_shared>> -> memref<128x64xf32, #tpu.memory_space<vmem_shared>>
      %dma_wait3A_122 = arith.constant 0 : i32
      %dma_wait3A_123 = tpu.memref_slice %arg10[%add3A_89, %dma_wait3A_122] : memref<25088x64xf32, #tpu.memory_space<vmem_shared>> -> memref<128x64xf32, #tpu.memory_space<vmem_shared>>
      tpu.wait_dma2 semaphore(%run_scoped3A : memref<!tpu.dma_semaphore, #tpu.memory_space<semaphore_mem>>) src(%dma_wait3A_123 : memref<128x64xf32, #tpu.memory_space<vmem_shared>>) dst(%arg8 : memref<128x64xf32, #tpu.memory_space<vmem>>)
      tpu.yield
    }) : () -> ()
    "tpu.region"() ({
      %run_scoped3A = tpu.sem_alloc : memref<!tpu.dma_semaphore, #tpu.memory_space<semaphore_mem>>
      %dma_start3A = arith.constant 0 : i32
      %dma_start3A_118 = tpu.memref_slice %arg5[%arg0, %add3A_89, %dma_start3A] : memref<2x25088x64xf32, #tpu.memory_space<hbm>> -> memref<1x128x64xf32, #tpu.memory_space<hbm>>
      %dma_start3A_119 = tpu.memref_squeeze %dma_start3A_118 : memref<1x128x64xf32, #tpu.memory_space<hbm>> -> memref<128x64xf32, #tpu.memory_space<hbm>>
      %dma_start3A_120 = arith.constant 0 : i32
      %dma_start3A_121 = tpu.memref_slice %arg5[%arg0, %add3A_89, %dma_start3A_120] : memref<2x25088x64xf32, #tpu.memory_space<hbm>> -> memref<1x128x64xf32, #tpu.memory_space<hbm>>
      %dma_start3A_122 = tpu.memref_squeeze %dma_start3A_121 : memref<1x128x64xf32, #tpu.memory_space<hbm>> -> memref<128x64xf32, #tpu.memory_space<hbm>>
      tpu.enqueue_dma source(%arg8 : memref<128x64xf32, #tpu.memory_space<vmem>>) target(%dma_start3A_122 : memref<128x64xf32, #tpu.memory_space<hbm>>) target_semaphore(%run_scoped3A : memref<!tpu.dma_semaphore, #tpu.memory_space<semaphore_mem>>)
      %dma_wait3A = arith.constant 0 : i32
      %dma_wait3A_123 = tpu.memref_slice %arg5[%arg0, %add3A_89, %dma_wait3A] : memref<2x25088x64xf32, #tpu.memory_space<hbm>> -> memref<1x128x64xf32, #tpu.memory_space<hbm>>
      %dma_wait3A_124 = tpu.memref_squeeze %dma_wait3A_123 : memref<1x128x64xf32, #tpu.memory_space<hbm>> -> memref<128x64xf32, #tpu.memory_space<hbm>>
      %dma_wait3A_125 = arith.constant 0 : i32
      %dma_wait3A_126 = tpu.memref_slice %arg5[%arg0, %add3A_89, %dma_wait3A_125] : memref<2x25088x64xf32, #tpu.memory_space<hbm>> -> memref<1x128x64xf32, #tpu.memory_space<hbm>>
      %dma_wait3A_127 = tpu.memref_squeeze %dma_wait3A_126 : memref<1x128x64xf32, #tpu.memory_space<hbm>> -> memref<128x64xf32, #tpu.memory_space<hbm>>
      tpu.wait_dma2 semaphore(%run_scoped3A : memref<!tpu.dma_semaphore, #tpu.memory_space<semaphore_mem>>) src(%arg8 : memref<128x64xf32, #tpu.memory_space<vmem>>) dst(%dma_wait3A_127 : memref<128x64xf32, #tpu.memory_space<hbm>>)
      tpu.yield
    }) : () -> ()
    %mul3A_90 = arith.constant 1568 : i32
    %mul3A_91 = arith.muli %arg1, %mul3A_90 : i32
    %add3A_92 = arith.constant 768 : i32
    %add3A_93 = arith.addi %mul3A_91, %add3A_92 : i32
    "tpu.region"() ({
      %run_scoped3A = tpu.sem_alloc : memref<!tpu.dma_semaphore, #tpu.memory_space<semaphore_mem>>
      %dma_start3A = arith.constant 0 : i32
      %dma_start3A_118 = tpu.memref_slice %arg10[%add3A_93, %dma_start3A] : memref<25088x64xf32, #tpu.memory_space<vmem_shared>> -> memref<128x64xf32, #tpu.memory_space<vmem_shared>>
      %dma_start3A_119 = arith.constant 0 : i32
      %dma_start3A_120 = tpu.memref_slice %arg10[%add3A_93, %dma_start3A_119] : memref<25088x64xf32, #tpu.memory_space<vmem_shared>> -> memref<128x64xf32, #tpu.memory_space<vmem_shared>>
      tpu.enqueue_dma source(%dma_start3A_120 : memref<128x64xf32, #tpu.memory_space<vmem_shared>>) target(%arg8 : memref<128x64xf32, #tpu.memory_space<vmem>>) target_semaphore(%run_scoped3A : memref<!tpu.dma_semaphore, #tpu.memory_space<semaphore_mem>>)
      %dma_wait3A = arith.constant 0 : i32
      %dma_wait3A_121 = tpu.memref_slice %arg10[%add3A_93, %dma_wait3A] : memref<25088x64xf32, #tpu.memory_space<vmem_shared>> -> memref<128x64xf32, #tpu.memory_space<vmem_shared>>
      %dma_wait3A_122 = arith.constant 0 : i32
      %dma_wait3A_123 = tpu.memref_slice %arg10[%add3A_93, %dma_wait3A_122] : memref<25088x64xf32, #tpu.memory_space<vmem_shared>> -> memref<128x64xf32, #tpu.memory_space<vmem_shared>>
      tpu.wait_dma2 semaphore(%run_scoped3A : memref<!tpu.dma_semaphore, #tpu.memory_space<semaphore_mem>>) src(%dma_wait3A_123 : memref<128x64xf32, #tpu.memory_space<vmem_shared>>) dst(%arg8 : memref<128x64xf32, #tpu.memory_space<vmem>>)
      tpu.yield
    }) : () -> ()
    "tpu.region"() ({
      %run_scoped3A = tpu.sem_alloc : memref<!tpu.dma_semaphore, #tpu.memory_space<semaphore_mem>>
      %dma_start3A = arith.constant 0 : i32
      %dma_start3A_118 = tpu.memref_slice %arg5[%arg0, %add3A_93, %dma_start3A] : memref<2x25088x64xf32, #tpu.memory_space<hbm>> -> memref<1x128x64xf32, #tpu.memory_space<hbm>>
      %dma_start3A_119 = tpu.memref_squeeze %dma_start3A_118 : memref<1x128x64xf32, #tpu.memory_space<hbm>> -> memref<128x64xf32, #tpu.memory_space<hbm>>
      %dma_start3A_120 = arith.constant 0 : i32
      %dma_start3A_121 = tpu.memref_slice %arg5[%arg0, %add3A_93, %dma_start3A_120] : memref<2x25088x64xf32, #tpu.memory_space<hbm>> -> memref<1x128x64xf32, #tpu.memory_space<hbm>>
      %dma_start3A_122 = tpu.memref_squeeze %dma_start3A_121 : memref<1x128x64xf32, #tpu.memory_space<hbm>> -> memref<128x64xf32, #tpu.memory_space<hbm>>
      tpu.enqueue_dma source(%arg8 : memref<128x64xf32, #tpu.memory_space<vmem>>) target(%dma_start3A_122 : memref<128x64xf32, #tpu.memory_space<hbm>>) target_semaphore(%run_scoped3A : memref<!tpu.dma_semaphore, #tpu.memory_space<semaphore_mem>>)
      %dma_wait3A = arith.constant 0 : i32
      %dma_wait3A_123 = tpu.memref_slice %arg5[%arg0, %add3A_93, %dma_wait3A] : memref<2x25088x64xf32, #tpu.memory_space<hbm>> -> memref<1x128x64xf32, #tpu.memory_space<hbm>>
      %dma_wait3A_124 = tpu.memref_squeeze %dma_wait3A_123 : memref<1x128x64xf32, #tpu.memory_space<hbm>> -> memref<128x64xf32, #tpu.memory_space<hbm>>
      %dma_wait3A_125 = arith.constant 0 : i32
      %dma_wait3A_126 = tpu.memref_slice %arg5[%arg0, %add3A_93, %dma_wait3A_125] : memref<2x25088x64xf32, #tpu.memory_space<hbm>> -> memref<1x128x64xf32, #tpu.memory_space<hbm>>
      %dma_wait3A_127 = tpu.memref_squeeze %dma_wait3A_126 : memref<1x128x64xf32, #tpu.memory_space<hbm>> -> memref<128x64xf32, #tpu.memory_space<hbm>>
      tpu.wait_dma2 semaphore(%run_scoped3A : memref<!tpu.dma_semaphore, #tpu.memory_space<semaphore_mem>>) src(%arg8 : memref<128x64xf32, #tpu.memory_space<vmem>>) dst(%dma_wait3A_127 : memref<128x64xf32, #tpu.memory_space<hbm>>)
      tpu.yield
    }) : () -> ()
    %mul3A_94 = arith.constant 1568 : i32
    %mul3A_95 = arith.muli %arg1, %mul3A_94 : i32
    %add3A_96 = arith.constant 896 : i32
    %add3A_97 = arith.addi %mul3A_95, %add3A_96 : i32
    "tpu.region"() ({
      %run_scoped3A = tpu.sem_alloc : memref<!tpu.dma_semaphore, #tpu.memory_space<semaphore_mem>>
      %dma_start3A = arith.constant 0 : i32
      %dma_start3A_118 = tpu.memref_slice %arg10[%add3A_97, %dma_start3A] : memref<25088x64xf32, #tpu.memory_space<vmem_shared>> -> memref<128x64xf32, #tpu.memory_space<vmem_shared>>
      %dma_start3A_119 = arith.constant 0 : i32
      %dma_start3A_120 = tpu.memref_slice %arg10[%add3A_97, %dma_start3A_119] : memref<25088x64xf32, #tpu.memory_space<vmem_shared>> -> memref<128x64xf32, #tpu.memory_space<vmem_shared>>
      tpu.enqueue_dma source(%dma_start3A_120 : memref<128x64xf32, #tpu.memory_space<vmem_shared>>) target(%arg8 : memref<128x64xf32, #tpu.memory_space<vmem>>) target_semaphore(%run_scoped3A : memref<!tpu.dma_semaphore, #tpu.memory_space<semaphore_mem>>)
      %dma_wait3A = arith.constant 0 : i32
      %dma_wait3A_121 = tpu.memref_slice %arg10[%add3A_97, %dma_wait3A] : memref<25088x64xf32, #tpu.memory_space<vmem_shared>> -> memref<128x64xf32, #tpu.memory_space<vmem_shared>>
      %dma_wait3A_122 = arith.constant 0 : i32
      %dma_wait3A_123 = tpu.memref_slice %arg10[%add3A_97, %dma_wait3A_122] : memref<25088x64xf32, #tpu.memory_space<vmem_shared>> -> memref<128x64xf32, #tpu.memory_space<vmem_shared>>
      tpu.wait_dma2 semaphore(%run_scoped3A : memref<!tpu.dma_semaphore, #tpu.memory_space<semaphore_mem>>) src(%dma_wait3A_123 : memref<128x64xf32, #tpu.memory_space<vmem_shared>>) dst(%arg8 : memref<128x64xf32, #tpu.memory_space<vmem>>)
      tpu.yield
    }) : () -> ()
    "tpu.region"() ({
      %run_scoped3A = tpu.sem_alloc : memref<!tpu.dma_semaphore, #tpu.memory_space<semaphore_mem>>
      %dma_start3A = arith.constant 0 : i32
      %dma_start3A_118 = tpu.memref_slice %arg5[%arg0, %add3A_97, %dma_start3A] : memref<2x25088x64xf32, #tpu.memory_space<hbm>> -> memref<1x128x64xf32, #tpu.memory_space<hbm>>
      %dma_start3A_119 = tpu.memref_squeeze %dma_start3A_118 : memref<1x128x64xf32, #tpu.memory_space<hbm>> -> memref<128x64xf32, #tpu.memory_space<hbm>>
      %dma_start3A_120 = arith.constant 0 : i32
      %dma_start3A_121 = tpu.memref_slice %arg5[%arg0, %add3A_97, %dma_start3A_120] : memref<2x25088x64xf32, #tpu.memory_space<hbm>> -> memref<1x128x64xf32, #tpu.memory_space<hbm>>
      %dma_start3A_122 = tpu.memref_squeeze %dma_start3A_121 : memref<1x128x64xf32, #tpu.memory_space<hbm>> -> memref<128x64xf32, #tpu.memory_space<hbm>>
      tpu.enqueue_dma source(%arg8 : memref<128x64xf32, #tpu.memory_space<vmem>>) target(%dma_start3A_122 : memref<128x64xf32, #tpu.memory_space<hbm>>) target_semaphore(%run_scoped3A : memref<!tpu.dma_semaphore, #tpu.memory_space<semaphore_mem>>)
      %dma_wait3A = arith.constant 0 : i32
      %dma_wait3A_123 = tpu.memref_slice %arg5[%arg0, %add3A_97, %dma_wait3A] : memref<2x25088x64xf32, #tpu.memory_space<hbm>> -> memref<1x128x64xf32, #tpu.memory_space<hbm>>
      %dma_wait3A_124 = tpu.memref_squeeze %dma_wait3A_123 : memref<1x128x64xf32, #tpu.memory_space<hbm>> -> memref<128x64xf32, #tpu.memory_space<hbm>>
      %dma_wait3A_125 = arith.constant 0 : i32
      %dma_wait3A_126 = tpu.memref_slice %arg5[%arg0, %add3A_97, %dma_wait3A_125] : memref<2x25088x64xf32, #tpu.memory_space<hbm>> -> memref<1x128x64xf32, #tpu.memory_space<hbm>>
      %dma_wait3A_127 = tpu.memref_squeeze %dma_wait3A_126 : memref<1x128x64xf32, #tpu.memory_space<hbm>> -> memref<128x64xf32, #tpu.memory_space<hbm>>
      tpu.wait_dma2 semaphore(%run_scoped3A : memref<!tpu.dma_semaphore, #tpu.memory_space<semaphore_mem>>) src(%arg8 : memref<128x64xf32, #tpu.memory_space<vmem>>) dst(%dma_wait3A_127 : memref<128x64xf32, #tpu.memory_space<hbm>>)
      tpu.yield
    }) : () -> ()
    %mul3A_98 = arith.constant 1568 : i32
    %mul3A_99 = arith.muli %arg1, %mul3A_98 : i32
    %add3A_100 = arith.constant 1024 : i32
    %add3A_101 = arith.addi %mul3A_99, %add3A_100 : i32
    "tpu.region"() ({
      %run_scoped3A = tpu.sem_alloc : memref<!tpu.dma_semaphore, #tpu.memory_space<semaphore_mem>>
      %dma_start3A = arith.constant 0 : i32
      %dma_start3A_118 = tpu.memref_slice %arg10[%add3A_101, %dma_start3A] : memref<25088x64xf32, #tpu.memory_space<vmem_shared>> -> memref<128x64xf32, #tpu.memory_space<vmem_shared>>
      %dma_start3A_119 = arith.constant 0 : i32
      %dma_start3A_120 = tpu.memref_slice %arg10[%add3A_101, %dma_start3A_119] : memref<25088x64xf32, #tpu.memory_space<vmem_shared>> -> memref<128x64xf32, #tpu.memory_space<vmem_shared>>
      tpu.enqueue_dma source(%dma_start3A_120 : memref<128x64xf32, #tpu.memory_space<vmem_shared>>) target(%arg8 : memref<128x64xf32, #tpu.memory_space<vmem>>) target_semaphore(%run_scoped3A : memref<!tpu.dma_semaphore, #tpu.memory_space<semaphore_mem>>)
      %dma_wait3A = arith.constant 0 : i32
      %dma_wait3A_121 = tpu.memref_slice %arg10[%add3A_101, %dma_wait3A] : memref<25088x64xf32, #tpu.memory_space<vmem_shared>> -> memref<128x64xf32, #tpu.memory_space<vmem_shared>>
      %dma_wait3A_122 = arith.constant 0 : i32
      %dma_wait3A_123 = tpu.memref_slice %arg10[%add3A_101, %dma_wait3A_122] : memref<25088x64xf32, #tpu.memory_space<vmem_shared>> -> memref<128x64xf32, #tpu.memory_space<vmem_shared>>
      tpu.wait_dma2 semaphore(%run_scoped3A : memref<!tpu.dma_semaphore, #tpu.memory_space<semaphore_mem>>) src(%dma_wait3A_123 : memref<128x64xf32, #tpu.memory_space<vmem_shared>>) dst(%arg8 : memref<128x64xf32, #tpu.memory_space<vmem>>)
      tpu.yield
    }) : () -> ()
    "tpu.region"() ({
      %run_scoped3A = tpu.sem_alloc : memref<!tpu.dma_semaphore, #tpu.memory_space<semaphore_mem>>
      %dma_start3A = arith.constant 0 : i32
      %dma_start3A_118 = tpu.memref_slice %arg5[%arg0, %add3A_101, %dma_start3A] : memref<2x25088x64xf32, #tpu.memory_space<hbm>> -> memref<1x128x64xf32, #tpu.memory_space<hbm>>
      %dma_start3A_119 = tpu.memref_squeeze %dma_start3A_118 : memref<1x128x64xf32, #tpu.memory_space<hbm>> -> memref<128x64xf32, #tpu.memory_space<hbm>>
      %dma_start3A_120 = arith.constant 0 : i32
      %dma_start3A_121 = tpu.memref_slice %arg5[%arg0, %add3A_101, %dma_start3A_120] : memref<2x25088x64xf32, #tpu.memory_space<hbm>> -> memref<1x128x64xf32, #tpu.memory_space<hbm>>
      %dma_start3A_122 = tpu.memref_squeeze %dma_start3A_121 : memref<1x128x64xf32, #tpu.memory_space<hbm>> -> memref<128x64xf32, #tpu.memory_space<hbm>>
      tpu.enqueue_dma source(%arg8 : memref<128x64xf32, #tpu.memory_space<vmem>>) target(%dma_start3A_122 : memref<128x64xf32, #tpu.memory_space<hbm>>) target_semaphore(%run_scoped3A : memref<!tpu.dma_semaphore, #tpu.memory_space<semaphore_mem>>)
      %dma_wait3A = arith.constant 0 : i32
      %dma_wait3A_123 = tpu.memref_slice %arg5[%arg0, %add3A_101, %dma_wait3A] : memref<2x25088x64xf32, #tpu.memory_space<hbm>> -> memref<1x128x64xf32, #tpu.memory_space<hbm>>
      %dma_wait3A_124 = tpu.memref_squeeze %dma_wait3A_123 : memref<1x128x64xf32, #tpu.memory_space<hbm>> -> memref<128x64xf32, #tpu.memory_space<hbm>>
      %dma_wait3A_125 = arith.constant 0 : i32
      %dma_wait3A_126 = tpu.memref_slice %arg5[%arg0, %add3A_101, %dma_wait3A_125] : memref<2x25088x64xf32, #tpu.memory_space<hbm>> -> memref<1x128x64xf32, #tpu.memory_space<hbm>>
      %dma_wait3A_127 = tpu.memref_squeeze %dma_wait3A_126 : memref<1x128x64xf32, #tpu.memory_space<hbm>> -> memref<128x64xf32, #tpu.memory_space<hbm>>
      tpu.wait_dma2 semaphore(%run_scoped3A : memref<!tpu.dma_semaphore, #tpu.memory_space<semaphore_mem>>) src(%arg8 : memref<128x64xf32, #tpu.memory_space<vmem>>) dst(%dma_wait3A_127 : memref<128x64xf32, #tpu.memory_space<hbm>>)
      tpu.yield
    }) : () -> ()
    %mul3A_102 = arith.constant 1568 : i32
    %mul3A_103 = arith.muli %arg1, %mul3A_102 : i32
    %add3A_104 = arith.constant 1152 : i32
    %add3A_105 = arith.addi %mul3A_103, %add3A_104 : i32
    "tpu.region"() ({
      %run_scoped3A = tpu.sem_alloc : memref<!tpu.dma_semaphore, #tpu.memory_space<semaphore_mem>>
      %dma_start3A = arith.constant 0 : i32
      %dma_start3A_118 = tpu.memref_slice %arg10[%add3A_105, %dma_start3A] : memref<25088x64xf32, #tpu.memory_space<vmem_shared>> -> memref<128x64xf32, #tpu.memory_space<vmem_shared>>
      %dma_start3A_119 = arith.constant 0 : i32
      %dma_start3A_120 = tpu.memref_slice %arg10[%add3A_105, %dma_start3A_119] : memref<25088x64xf32, #tpu.memory_space<vmem_shared>> -> memref<128x64xf32, #tpu.memory_space<vmem_shared>>
      tpu.enqueue_dma source(%dma_start3A_120 : memref<128x64xf32, #tpu.memory_space<vmem_shared>>) target(%arg8 : memref<128x64xf32, #tpu.memory_space<vmem>>) target_semaphore(%run_scoped3A : memref<!tpu.dma_semaphore, #tpu.memory_space<semaphore_mem>>)
      %dma_wait3A = arith.constant 0 : i32
      %dma_wait3A_121 = tpu.memref_slice %arg10[%add3A_105, %dma_wait3A] : memref<25088x64xf32, #tpu.memory_space<vmem_shared>> -> memref<128x64xf32, #tpu.memory_space<vmem_shared>>
      %dma_wait3A_122 = arith.constant 0 : i32
      %dma_wait3A_123 = tpu.memref_slice %arg10[%add3A_105, %dma_wait3A_122] : memref<25088x64xf32, #tpu.memory_space<vmem_shared>> -> memref<128x64xf32, #tpu.memory_space<vmem_shared>>
      tpu.wait_dma2 semaphore(%run_scoped3A : memref<!tpu.dma_semaphore, #tpu.memory_space<semaphore_mem>>) src(%dma_wait3A_123 : memref<128x64xf32, #tpu.memory_space<vmem_shared>>) dst(%arg8 : memref<128x64xf32, #tpu.memory_space<vmem>>)
      tpu.yield
    }) : () -> ()
    "tpu.region"() ({
      %run_scoped3A = tpu.sem_alloc : memref<!tpu.dma_semaphore, #tpu.memory_space<semaphore_mem>>
      %dma_start3A = arith.constant 0 : i32
      %dma_start3A_118 = tpu.memref_slice %arg5[%arg0, %add3A_105, %dma_start3A] : memref<2x25088x64xf32, #tpu.memory_space<hbm>> -> memref<1x128x64xf32, #tpu.memory_space<hbm>>
      %dma_start3A_119 = tpu.memref_squeeze %dma_start3A_118 : memref<1x128x64xf32, #tpu.memory_space<hbm>> -> memref<128x64xf32, #tpu.memory_space<hbm>>
      %dma_start3A_120 = arith.constant 0 : i32
      %dma_start3A_121 = tpu.memref_slice %arg5[%arg0, %add3A_105, %dma_start3A_120] : memref<2x25088x64xf32, #tpu.memory_space<hbm>> -> memref<1x128x64xf32, #tpu.memory_space<hbm>>
      %dma_start3A_122 = tpu.memref_squeeze %dma_start3A_121 : memref<1x128x64xf32, #tpu.memory_space<hbm>> -> memref<128x64xf32, #tpu.memory_space<hbm>>
      tpu.enqueue_dma source(%arg8 : memref<128x64xf32, #tpu.memory_space<vmem>>) target(%dma_start3A_122 : memref<128x64xf32, #tpu.memory_space<hbm>>) target_semaphore(%run_scoped3A : memref<!tpu.dma_semaphore, #tpu.memory_space<semaphore_mem>>)
      %dma_wait3A = arith.constant 0 : i32
      %dma_wait3A_123 = tpu.memref_slice %arg5[%arg0, %add3A_105, %dma_wait3A] : memref<2x25088x64xf32, #tpu.memory_space<hbm>> -> memref<1x128x64xf32, #tpu.memory_space<hbm>>
      %dma_wait3A_124 = tpu.memref_squeeze %dma_wait3A_123 : memref<1x128x64xf32, #tpu.memory_space<hbm>> -> memref<128x64xf32, #tpu.memory_space<hbm>>
      %dma_wait3A_125 = arith.constant 0 : i32
      %dma_wait3A_126 = tpu.memref_slice %arg5[%arg0, %add3A_105, %dma_wait3A_125] : memref<2x25088x64xf32, #tpu.memory_space<hbm>> -> memref<1x128x64xf32, #tpu.memory_space<hbm>>
      %dma_wait3A_127 = tpu.memref_squeeze %dma_wait3A_126 : memref<1x128x64xf32, #tpu.memory_space<hbm>> -> memref<128x64xf32, #tpu.memory_space<hbm>>
      tpu.wait_dma2 semaphore(%run_scoped3A : memref<!tpu.dma_semaphore, #tpu.memory_space<semaphore_mem>>) src(%arg8 : memref<128x64xf32, #tpu.memory_space<vmem>>) dst(%dma_wait3A_127 : memref<128x64xf32, #tpu.memory_space<hbm>>)
      tpu.yield
    }) : () -> ()
    %mul3A_106 = arith.constant 1568 : i32
    %mul3A_107 = arith.muli %arg1, %mul3A_106 : i32
    %add3A_108 = arith.constant 1280 : i32
    %add3A_109 = arith.addi %mul3A_107, %add3A_108 : i32
    "tpu.region"() ({
      %run_scoped3A = tpu.sem_alloc : memref<!tpu.dma_semaphore, #tpu.memory_space<semaphore_mem>>
      %dma_start3A = arith.constant 0 : i32
      %dma_start3A_118 = tpu.memref_slice %arg10[%add3A_109, %dma_start3A] : memref<25088x64xf32, #tpu.memory_space<vmem_shared>> -> memref<128x64xf32, #tpu.memory_space<vmem_shared>>
      %dma_start3A_119 = arith.constant 0 : i32
      %dma_start3A_120 = tpu.memref_slice %arg10[%add3A_109, %dma_start3A_119] : memref<25088x64xf32, #tpu.memory_space<vmem_shared>> -> memref<128x64xf32, #tpu.memory_space<vmem_shared>>
      tpu.enqueue_dma source(%dma_start3A_120 : memref<128x64xf32, #tpu.memory_space<vmem_shared>>) target(%arg8 : memref<128x64xf32, #tpu.memory_space<vmem>>) target_semaphore(%run_scoped3A : memref<!tpu.dma_semaphore, #tpu.memory_space<semaphore_mem>>)
      %dma_wait3A = arith.constant 0 : i32
      %dma_wait3A_121 = tpu.memref_slice %arg10[%add3A_109, %dma_wait3A] : memref<25088x64xf32, #tpu.memory_space<vmem_shared>> -> memref<128x64xf32, #tpu.memory_space<vmem_shared>>
      %dma_wait3A_122 = arith.constant 0 : i32
      %dma_wait3A_123 = tpu.memref_slice %arg10[%add3A_109, %dma_wait3A_122] : memref<25088x64xf32, #tpu.memory_space<vmem_shared>> -> memref<128x64xf32, #tpu.memory_space<vmem_shared>>
      tpu.wait_dma2 semaphore(%run_scoped3A : memref<!tpu.dma_semaphore, #tpu.memory_space<semaphore_mem>>) src(%dma_wait3A_123 : memref<128x64xf32, #tpu.memory_space<vmem_shared>>) dst(%arg8 : memref<128x64xf32, #tpu.memory_space<vmem>>)
      tpu.yield
    }) : () -> ()
    "tpu.region"() ({
      %run_scoped3A = tpu.sem_alloc : memref<!tpu.dma_semaphore, #tpu.memory_space<semaphore_mem>>
      %dma_start3A = arith.constant 0 : i32
      %dma_start3A_118 = tpu.memref_slice %arg5[%arg0, %add3A_109, %dma_start3A] : memref<2x25088x64xf32, #tpu.memory_space<hbm>> -> memref<1x128x64xf32, #tpu.memory_space<hbm>>
      %dma_start3A_119 = tpu.memref_squeeze %dma_start3A_118 : memref<1x128x64xf32, #tpu.memory_space<hbm>> -> memref<128x64xf32, #tpu.memory_space<hbm>>
      %dma_start3A_120 = arith.constant 0 : i32
      %dma_start3A_121 = tpu.memref_slice %arg5[%arg0, %add3A_109, %dma_start3A_120] : memref<2x25088x64xf32, #tpu.memory_space<hbm>> -> memref<1x128x64xf32, #tpu.memory_space<hbm>>
      %dma_start3A_122 = tpu.memref_squeeze %dma_start3A_121 : memref<1x128x64xf32, #tpu.memory_space<hbm>> -> memref<128x64xf32, #tpu.memory_space<hbm>>
      tpu.enqueue_dma source(%arg8 : memref<128x64xf32, #tpu.memory_space<vmem>>) target(%dma_start3A_122 : memref<128x64xf32, #tpu.memory_space<hbm>>) target_semaphore(%run_scoped3A : memref<!tpu.dma_semaphore, #tpu.memory_space<semaphore_mem>>)
      %dma_wait3A = arith.constant 0 : i32
      %dma_wait3A_123 = tpu.memref_slice %arg5[%arg0, %add3A_109, %dma_wait3A] : memref<2x25088x64xf32, #tpu.memory_space<hbm>> -> memref<1x128x64xf32, #tpu.memory_space<hbm>>
      %dma_wait3A_124 = tpu.memref_squeeze %dma_wait3A_123 : memref<1x128x64xf32, #tpu.memory_space<hbm>> -> memref<128x64xf32, #tpu.memory_space<hbm>>
      %dma_wait3A_125 = arith.constant 0 : i32
      %dma_wait3A_126 = tpu.memref_slice %arg5[%arg0, %add3A_109, %dma_wait3A_125] : memref<2x25088x64xf32, #tpu.memory_space<hbm>> -> memref<1x128x64xf32, #tpu.memory_space<hbm>>
      %dma_wait3A_127 = tpu.memref_squeeze %dma_wait3A_126 : memref<1x128x64xf32, #tpu.memory_space<hbm>> -> memref<128x64xf32, #tpu.memory_space<hbm>>
      tpu.wait_dma2 semaphore(%run_scoped3A : memref<!tpu.dma_semaphore, #tpu.memory_space<semaphore_mem>>) src(%arg8 : memref<128x64xf32, #tpu.memory_space<vmem>>) dst(%dma_wait3A_127 : memref<128x64xf32, #tpu.memory_space<hbm>>)
      tpu.yield
    }) : () -> ()
    %mul3A_110 = arith.constant 1568 : i32
    %mul3A_111 = arith.muli %arg1, %mul3A_110 : i32
    %add3A_112 = arith.constant 1408 : i32
    %add3A_113 = arith.addi %mul3A_111, %add3A_112 : i32
    "tpu.region"() ({
      %run_scoped3A = tpu.sem_alloc : memref<!tpu.dma_semaphore, #tpu.memory_space<semaphore_mem>>
      %dma_start3A = arith.constant 0 : i32
      %dma_start3A_118 = tpu.memref_slice %arg10[%add3A_113, %dma_start3A] : memref<25088x64xf32, #tpu.memory_space<vmem_shared>> -> memref<128x64xf32, #tpu.memory_space<vmem_shared>>
      %dma_start3A_119 = arith.constant 0 : i32
      %dma_start3A_120 = tpu.memref_slice %arg10[%add3A_113, %dma_start3A_119] : memref<25088x64xf32, #tpu.memory_space<vmem_shared>> -> memref<128x64xf32, #tpu.memory_space<vmem_shared>>
      tpu.enqueue_dma source(%dma_start3A_120 : memref<128x64xf32, #tpu.memory_space<vmem_shared>>) target(%arg8 : memref<128x64xf32, #tpu.memory_space<vmem>>) target_semaphore(%run_scoped3A : memref<!tpu.dma_semaphore, #tpu.memory_space<semaphore_mem>>)
      %dma_wait3A = arith.constant 0 : i32
      %dma_wait3A_121 = tpu.memref_slice %arg10[%add3A_113, %dma_wait3A] : memref<25088x64xf32, #tpu.memory_space<vmem_shared>> -> memref<128x64xf32, #tpu.memory_space<vmem_shared>>
      %dma_wait3A_122 = arith.constant 0 : i32
      %dma_wait3A_123 = tpu.memref_slice %arg10[%add3A_113, %dma_wait3A_122] : memref<25088x64xf32, #tpu.memory_space<vmem_shared>> -> memref<128x64xf32, #tpu.memory_space<vmem_shared>>
      tpu.wait_dma2 semaphore(%run_scoped3A : memref<!tpu.dma_semaphore, #tpu.memory_space<semaphore_mem>>) src(%dma_wait3A_123 : memref<128x64xf32, #tpu.memory_space<vmem_shared>>) dst(%arg8 : memref<128x64xf32, #tpu.memory_space<vmem>>)
      tpu.yield
    }) : () -> ()
    "tpu.region"() ({
      %run_scoped3A = tpu.sem_alloc : memref<!tpu.dma_semaphore, #tpu.memory_space<semaphore_mem>>
      %dma_start3A = arith.constant 0 : i32
      %dma_start3A_118 = tpu.memref_slice %arg5[%arg0, %add3A_113, %dma_start3A] : memref<2x25088x64xf32, #tpu.memory_space<hbm>> -> memref<1x128x64xf32, #tpu.memory_space<hbm>>
      %dma_start3A_119 = tpu.memref_squeeze %dma_start3A_118 : memref<1x128x64xf32, #tpu.memory_space<hbm>> -> memref<128x64xf32, #tpu.memory_space<hbm>>
      %dma_start3A_120 = arith.constant 0 : i32
      %dma_start3A_121 = tpu.memref_slice %arg5[%arg0, %add3A_113, %dma_start3A_120] : memref<2x25088x64xf32, #tpu.memory_space<hbm>> -> memref<1x128x64xf32, #tpu.memory_space<hbm>>
      %dma_start3A_122 = tpu.memref_squeeze %dma_start3A_121 : memref<1x128x64xf32, #tpu.memory_space<hbm>> -> memref<128x64xf32, #tpu.memory_space<hbm>>
      tpu.enqueue_dma source(%arg8 : memref<128x64xf32, #tpu.memory_space<vmem>>) target(%dma_start3A_122 : memref<128x64xf32, #tpu.memory_space<hbm>>) target_semaphore(%run_scoped3A : memref<!tpu.dma_semaphore, #tpu.memory_space<semaphore_mem>>)
      %dma_wait3A = arith.constant 0 : i32
      %dma_wait3A_123 = tpu.memref_slice %arg5[%arg0, %add3A_113, %dma_wait3A] : memref<2x25088x64xf32, #tpu.memory_space<hbm>> -> memref<1x128x64xf32, #tpu.memory_space<hbm>>
      %dma_wait3A_124 = tpu.memref_squeeze %dma_wait3A_123 : memref<1x128x64xf32, #tpu.memory_space<hbm>> -> memref<128x64xf32, #tpu.memory_space<hbm>>
      %dma_wait3A_125 = arith.constant 0 : i32
      %dma_wait3A_126 = tpu.memref_slice %arg5[%arg0, %add3A_113, %dma_wait3A_125] : memref<2x25088x64xf32, #tpu.memory_space<hbm>> -> memref<1x128x64xf32, #tpu.memory_space<hbm>>
      %dma_wait3A_127 = tpu.memref_squeeze %dma_wait3A_126 : memref<1x128x64xf32, #tpu.memory_space<hbm>> -> memref<128x64xf32, #tpu.memory_space<hbm>>
      tpu.wait_dma2 semaphore(%run_scoped3A : memref<!tpu.dma_semaphore, #tpu.memory_space<semaphore_mem>>) src(%arg8 : memref<128x64xf32, #tpu.memory_space<vmem>>) dst(%dma_wait3A_127 : memref<128x64xf32, #tpu.memory_space<hbm>>)
      tpu.yield
    }) : () -> ()
    %mul3A_114 = arith.constant 1568 : i32
    %mul3A_115 = arith.muli %arg1, %mul3A_114 : i32
    %add3A_116 = arith.constant 1536 : i32
    %add3A_117 = arith.addi %mul3A_115, %add3A_116 : i32
    "tpu.region"() ({
      %run_scoped3A = tpu.sem_alloc : memref<!tpu.dma_semaphore, #tpu.memory_space<semaphore_mem>>
      %dma_start3A = arith.constant 0 : i32
      %dma_start3A_118 = arith.constant 0 : i32
      %dma_start3A_119 = tpu.memref_slice %arg8[%dma_start3A, %dma_start3A_118] : memref<128x64xf32, #tpu.memory_space<vmem>> -> memref<32x64xf32, #tpu.memory_space<vmem>>
      %dma_start3A_120 = arith.constant 0 : i32
      %dma_start3A_121 = tpu.memref_slice %arg10[%add3A_117, %dma_start3A_120] : memref<25088x64xf32, #tpu.memory_space<vmem_shared>> -> memref<32x64xf32, #tpu.memory_space<vmem_shared>>
      %dma_start3A_122 = arith.constant 0 : i32
      %dma_start3A_123 = arith.constant 0 : i32
      %dma_start3A_124 = tpu.memref_slice %arg8[%dma_start3A_122, %dma_start3A_123] : memref<128x64xf32, #tpu.memory_space<vmem>> -> memref<32x64xf32, #tpu.memory_space<vmem>>
      %dma_start3A_125 = arith.constant 0 : i32
      %dma_start3A_126 = tpu.memref_slice %arg10[%add3A_117, %dma_start3A_125] : memref<25088x64xf32, #tpu.memory_space<vmem_shared>> -> memref<32x64xf32, #tpu.memory_space<vmem_shared>>
      tpu.enqueue_dma source(%dma_start3A_126 : memref<32x64xf32, #tpu.memory_space<vmem_shared>>) target(%dma_start3A_124 : memref<32x64xf32, #tpu.memory_space<vmem>>) target_semaphore(%run_scoped3A : memref<!tpu.dma_semaphore, #tpu.memory_space<semaphore_mem>>)
      %dma_wait3A = arith.constant 0 : i32
      %dma_wait3A_127 = arith.constant 0 : i32
      %dma_wait3A_128 = tpu.memref_slice %arg8[%dma_wait3A, %dma_wait3A_127] : memref<128x64xf32, #tpu.memory_space<vmem>> -> memref<32x64xf32, #tpu.memory_space<vmem>>
      %dma_wait3A_129 = arith.constant 0 : i32
      %dma_wait3A_130 = tpu.memref_slice %arg10[%add3A_117, %dma_wait3A_129] : memref<25088x64xf32, #tpu.memory_space<vmem_shared>> -> memref<32x64xf32, #tpu.memory_space<vmem_shared>>
      %dma_wait3A_131 = arith.constant 0 : i32
      %dma_wait3A_132 = arith.constant 0 : i32
      %dma_wait3A_133 = tpu.memref_slice %arg8[%dma_wait3A_131, %dma_wait3A_132] : memref<128x64xf32, #tpu.memory_space<vmem>> -> memref<32x64xf32, #tpu.memory_space<vmem>>
      %dma_wait3A_134 = arith.constant 0 : i32
      %dma_wait3A_135 = tpu.memref_slice %arg10[%add3A_117, %dma_wait3A_134] : memref<25088x64xf32, #tpu.memory_space<vmem_shared>> -> memref<32x64xf32, #tpu.memory_space<vmem_shared>>
      tpu.wait_dma2 semaphore(%run_scoped3A : memref<!tpu.dma_semaphore, #tpu.memory_space<semaphore_mem>>) src(%dma_wait3A_135 : memref<32x64xf32, #tpu.memory_space<vmem_shared>>) dst(%dma_wait3A_133 : memref<32x64xf32, #tpu.memory_space<vmem>>)
      tpu.yield
    }) : () -> ()
    "tpu.region"() ({
      %run_scoped3A = tpu.sem_alloc : memref<!tpu.dma_semaphore, #tpu.memory_space<semaphore_mem>>
      %dma_start3A = arith.constant 0 : i32
      %dma_start3A_118 = arith.constant 0 : i32
      %dma_start3A_119 = tpu.memref_slice %arg8[%dma_start3A, %dma_start3A_118] : memref<128x64xf32, #tpu.memory_space<vmem>> -> memref<32x64xf32, #tpu.memory_space<vmem>>
      %dma_start3A_120 = arith.constant 0 : i32
      %dma_start3A_121 = tpu.memref_slice %arg5[%arg0, %add3A_117, %dma_start3A_120] : memref<2x25088x64xf32, #tpu.memory_space<hbm>> -> memref<1x32x64xf32, #tpu.memory_space<hbm>>
      %dma_start3A_122 = tpu.memref_squeeze %dma_start3A_121 : memref<1x32x64xf32, #tpu.memory_space<hbm>> -> memref<32x64xf32, #tpu.memory_space<hbm>>
      %dma_start3A_123 = arith.constant 0 : i32
      %dma_start3A_124 = tpu.memref_slice %arg5[%arg0, %add3A_117, %dma_start3A_123] : memref<2x25088x64xf32, #tpu.memory_space<hbm>> -> memref<1x32x64xf32, #tpu.memory_space<hbm>>
      %dma_start3A_125 = tpu.memref_squeeze %dma_start3A_124 : memref<1x32x64xf32, #tpu.memory_space<hbm>> -> memref<32x64xf32, #tpu.memory_space<hbm>>
      %dma_start3A_126 = arith.constant 0 : i32
      %dma_start3A_127 = arith.constant 0 : i32
      %dma_start3A_128 = tpu.memref_slice %arg8[%dma_start3A_126, %dma_start3A_127] : memref<128x64xf32, #tpu.memory_space<vmem>> -> memref<32x64xf32, #tpu.memory_space<vmem>>
      tpu.enqueue_dma source(%dma_start3A_128 : memref<32x64xf32, #tpu.memory_space<vmem>>) target(%dma_start3A_125 : memref<32x64xf32, #tpu.memory_space<hbm>>) target_semaphore(%run_scoped3A : memref<!tpu.dma_semaphore, #tpu.memory_space<semaphore_mem>>)
      %dma_wait3A = arith.constant 0 : i32
      %dma_wait3A_129 = arith.constant 0 : i32
      %dma_wait3A_130 = tpu.memref_slice %arg8[%dma_wait3A, %dma_wait3A_129] : memref<128x64xf32, #tpu.memory_space<vmem>> -> memref<32x64xf32, #tpu.memory_space<vmem>>
      %dma_wait3A_131 = arith.constant 0 : i32
      %dma_wait3A_132 = tpu.memref_slice %arg5[%arg0, %add3A_117, %dma_wait3A_131] : memref<2x25088x64xf32, #tpu.memory_space<hbm>> -> memref<1x32x64xf32, #tpu.memory_space<hbm>>
      %dma_wait3A_133 = tpu.memref_squeeze %dma_wait3A_132 : memref<1x32x64xf32, #tpu.memory_space<hbm>> -> memref<32x64xf32, #tpu.memory_space<hbm>>
      %dma_wait3A_134 = arith.constant 0 : i32
      %dma_wait3A_135 = tpu.memref_slice %arg5[%arg0, %add3A_117, %dma_wait3A_134] : memref<2x25088x64xf32, #tpu.memory_space<hbm>> -> memref<1x32x64xf32, #tpu.memory_space<hbm>>
      %dma_wait3A_136 = tpu.memref_squeeze %dma_wait3A_135 : memref<1x32x64xf32, #tpu.memory_space<hbm>> -> memref<32x64xf32, #tpu.memory_space<hbm>>
      %dma_wait3A_137 = arith.constant 0 : i32
      %dma_wait3A_138 = arith.constant 0 : i32
      %dma_wait3A_139 = tpu.memref_slice %arg8[%dma_wait3A_137, %dma_wait3A_138] : memref<128x64xf32, #tpu.memory_space<vmem>> -> memref<32x64xf32, #tpu.memory_space<vmem>>
      tpu.wait_dma2 semaphore(%run_scoped3A : memref<!tpu.dma_semaphore, #tpu.memory_space<semaphore_mem>>) src(%dma_wait3A_139 : memref<32x64xf32, #tpu.memory_space<vmem>>) dst(%dma_wait3A_136 : memref<32x64xf32, #tpu.memory_space<hbm>>)
      tpu.yield
    }) : () -> ()
    return
  }
}

#map = affine_map<(d0, d1) -> (0)>
#map1 = affine_map<(d0, d1) -> (0, 0)>
#map2 = affine_map<(d0, d1) -> (0, 0, 0)>
module attributes {stable_mosaic.version = 14 : i64} {
  func.func @_sc_agg(%arg0: i32, %arg1: i32, %arg2: memref<823296xi32, #tpu.memory_space<hbm>>, %arg3: memref<823296xi32, #tpu.memory_space<hbm>>, %arg4: memref<50000x64xf32, #tpu.memory_space<hbm>>, %arg5: memref<2x25088x64xf32, #tpu.memory_space<hbm>>, %arg6: memref<768xi32, #tpu.memory_space<vmem>>, %arg7: memref<768xi32, #tpu.memory_space<vmem>>, %arg8: memref<128x64xf32, #tpu.memory_space<vmem>>, %arg9: memref<128x64xf32, #tpu.memory_space<vmem>>, %arg10: memref<25088x64xf32, #tpu.memory_space<vmem_shared>>, %arg11: memref<!tpu.dma_semaphore, #tpu.memory_space<semaphore_mem>>, %arg12: memref<!tpu.dma_semaphore, #tpu.memory_space<semaphore_mem>>) attributes {dimension_semantics = [#tpu.dimension_semantics<core_parallel>, #tpu.dimension_semantics<subcore_parallel>], iteration_bounds = array<i64: 2, 16>, scalar_prefetch = 0 : i64, scratch_operands = 7 : i64, tpu.core_type = #tpu.core_type<sc_vector_subcore>, window_params = [{transform_indices = #map}, {transform_indices = #map}, {transform_indices = #map1}, {transform_indices = #map2}]} {
    %scan3A = arith.constant 0 : i32
    %scan3A_0 = arith.constant 0 : i32
    %scan3A_1 = arith.constant 128 : i32
    %scan3A_2 = arith.addi %scan3A_0, %scan3A_1 : i32
    %scan3A_3 = arith.constant 1 : i32
    %scan3A_4 = scf.for %scan3A_118 = %scan3A_0 to %scan3A_2 step %scan3A_3 iter_args(%scan3A_119 = %scan3A) -> (i32)  : i32 {
      %broadcast_in_dim3A = arith.constant 0.000000e+00 : f32
      %broadcast_in_dim3A_120 = vector.broadcast %broadcast_in_dim3A : f32 to vector<16xf32>
      %swap3A = arith.index_cast %scan3A_118 : i32 to index
      %swap3A_121 = arith.constant 0 : index
      %swap3A_122 = tpu.vector_load %arg8[%swap3A, %swap3A_121] {strides = array<i32>} : memref<128x64xf32, #tpu.memory_space<vmem>>, vector<1x16xf32>,
      %swap3A_123 = vector.shape_cast %swap3A_122 : vector<1x16xf32> to vector<16xf32>
      %swap3A_124 = vector.shape_cast %broadcast_in_dim3A_120 : vector<16xf32> to vector<1x16xf32>
      tpu.vector_store %arg8[%swap3A, %swap3A_121], %swap3A_124 {strides = array<i32>} : memref<128x64xf32, #tpu.memory_space<vmem>>, vector<1x16xf32>,
      %broadcast_in_dim3A_125 = arith.constant 0.000000e+00 : f32
      %broadcast_in_dim3A_126 = vector.broadcast %broadcast_in_dim3A_125 : f32 to vector<16xf32>
      %swap3A_127 = arith.index_cast %scan3A_118 : i32 to index
      %swap3A_128 = arith.constant 16 : index
      %swap3A_129 = tpu.vector_load %arg8[%swap3A_127, %swap3A_128] {strides = array<i32>} : memref<128x64xf32, #tpu.memory_space<vmem>>, vector<1x16xf32>,
      %swap3A_130 = vector.shape_cast %swap3A_129 : vector<1x16xf32> to vector<16xf32>
      %swap3A_131 = vector.shape_cast %broadcast_in_dim3A_126 : vector<16xf32> to vector<1x16xf32>
      tpu.vector_store %arg8[%swap3A_127, %swap3A_128], %swap3A_131 {strides = array<i32>} : memref<128x64xf32, #tpu.memory_space<vmem>>, vector<1x16xf32>,
      %broadcast_in_dim3A_132 = arith.constant 0.000000e+00 : f32
      %broadcast_in_dim3A_133 = vector.broadcast %broadcast_in_dim3A_132 : f32 to vector<16xf32>
      %swap3A_134 = arith.index_cast %scan3A_118 : i32 to index
      %swap3A_135 = arith.constant 32 : index
      %swap3A_136 = tpu.vector_load %arg8[%swap3A_134, %swap3A_135] {strides = array<i32>} : memref<128x64xf32, #tpu.memory_space<vmem>>, vector<1x16xf32>,
      %swap3A_137 = vector.shape_cast %swap3A_136 : vector<1x16xf32> to vector<16xf32>
      %swap3A_138 = vector.shape_cast %broadcast_in_dim3A_133 : vector<16xf32> to vector<1x16xf32>
      tpu.vector_store %arg8[%swap3A_134, %swap3A_135], %swap3A_138 {strides = array<i32>} : memref<128x64xf32, #tpu.memory_space<vmem>>, vector<1x16xf32>,
      %broadcast_in_dim3A_139 = arith.constant 0.000000e+00 : f32
      %broadcast_in_dim3A_140 = vector.broadcast %broadcast_in_dim3A_139 : f32 to vector<16xf32>
      %swap3A_141 = arith.index_cast %scan3A_118 : i32 to index
      %swap3A_142 = arith.constant 48 : index
      %swap3A_143 = tpu.vector_load %arg8[%swap3A_141, %swap3A_142] {strides = array<i32>} : memref<128x64xf32, #tpu.memory_space<vmem>>, vector<1x16xf32>,
      %swap3A_144 = vector.shape_cast %swap3A_143 : vector<1x16xf32> to vector<16xf32>
      %swap3A_145 = vector.shape_cast %broadcast_in_dim3A_140 : vector<16xf32> to vector<1x16xf32>
      tpu.vector_store %arg8[%swap3A_141, %swap3A_142], %swap3A_145 {strides = array<i32>} : memref<128x64xf32, #tpu.memory_space<vmem>>, vector<1x16xf32>,
      %scan3A_146 = arith.constant 0 : i32
      scf.yield %scan3A_146 : i32
    }
    %scan3A_5 = arith.constant 128 : i32
    %mul3A = arith.constant 1568 : i32
    %mul3A_6 = arith.muli %arg1, %mul3A : i32
    %add3A = arith.constant 0 : i32
    %add3A_7 = arith.addi %mul3A_6, %add3A : i32
    "tpu.region"() ({
      %run_scoped3A = tpu.sem_alloc : memref<!tpu.dma_semaphore, #tpu.memory_space<semaphore_mem>>
      %dma_start3A = arith.constant 0 : i32
      %dma_start3A_118 = tpu.memref_slice %arg10[%add3A_7, %dma_start3A] : memref<25088x64xf32, #tpu.memory_space<vmem_shared>> -> memref<128x64xf32, #tpu.memory_space<vmem_shared>>
      %dma_start3A_119 = arith.constant 0 : i32
      %dma_start3A_120 = tpu.memref_slice %arg10[%add3A_7, %dma_start3A_119] : memref<25088x64xf32, #tpu.memory_space<vmem_shared>> -> memref<128x64xf32, #tpu.memory_space<vmem_shared>>
      tpu.enqueue_dma source(%arg8 : memref<128x64xf32, #tpu.memory_space<vmem>>) target(%dma_start3A_120 : memref<128x64xf32, #tpu.memory_space<vmem_shared>>) target_semaphore(%run_scoped3A : memref<!tpu.dma_semaphore, #tpu.memory_space<semaphore_mem>>)
      %dma_wait3A = arith.constant 0 : i32
      %dma_wait3A_121 = tpu.memref_slice %arg10[%add3A_7, %dma_wait3A] : memref<25088x64xf32, #tpu.memory_space<vmem_shared>> -> memref<128x64xf32, #tpu.memory_space<vmem_shared>>
      %dma_wait3A_122 = arith.constant 0 : i32
      %dma_wait3A_123 = tpu.memref_slice %arg10[%add3A_7, %dma_wait3A_122] : memref<25088x64xf32, #tpu.memory_space<vmem_shared>> -> memref<128x64xf32, #tpu.memory_space<vmem_shared>>
      tpu.wait_dma2 semaphore(%run_scoped3A : memref<!tpu.dma_semaphore, #tpu.memory_space<semaphore_mem>>) src(%arg8 : memref<128x64xf32, #tpu.memory_space<vmem>>) dst(%dma_wait3A_123 : memref<128x64xf32, #tpu.memory_space<vmem_shared>>)
      tpu.yield
    }) : () -> ()
    %mul3A_8 = arith.constant 1568 : i32
    %mul3A_9 = arith.muli %arg1, %mul3A_8 : i32
    %add3A_10 = arith.constant 128 : i32
    %add3A_11 = arith.addi %mul3A_9, %add3A_10 : i32
    "tpu.region"() ({
      %run_scoped3A = tpu.sem_alloc : memref<!tpu.dma_semaphore, #tpu.memory_space<semaphore_mem>>
      %dma_start3A = arith.constant 0 : i32
      %dma_start3A_118 = tpu.memref_slice %arg10[%add3A_11, %dma_start3A] : memref<25088x64xf32, #tpu.memory_space<vmem_shared>> -> memref<128x64xf32, #tpu.memory_space<vmem_shared>>
      %dma_start3A_119 = arith.constant 0 : i32
      %dma_start3A_120 = tpu.memref_slice %arg10[%add3A_11, %dma_start3A_119] : memref<25088x64xf32, #tpu.memory_space<vmem_shared>> -> memref<128x64xf32, #tpu.memory_space<vmem_shared>>
      tpu.enqueue_dma source(%arg8 : memref<128x64xf32, #tpu.memory_space<vmem>>) target(%dma_start3A_120 : memref<128x64xf32, #tpu.memory_space<vmem_shared>>) target_semaphore(%run_scoped3A : memref<!tpu.dma_semaphore, #tpu.memory_space<semaphore_mem>>)
      %dma_wait3A = arith.constant 0 : i32
      %dma_wait3A_121 = tpu.memref_slice %arg10[%add3A_11, %dma_wait3A] : memref<25088x64xf32, #tpu.memory_space<vmem_shared>> -> memref<128x64xf32, #tpu.memory_space<vmem_shared>>
      %dma_wait3A_122 = arith.constant 0 : i32
      %dma_wait3A_123 = tpu.memref_slice %arg10[%add3A_11, %dma_wait3A_122] : memref<25088x64xf32, #tpu.memory_space<vmem_shared>> -> memref<128x64xf32, #tpu.memory_space<vmem_shared>>
      tpu.wait_dma2 semaphore(%run_scoped3A : memref<!tpu.dma_semaphore, #tpu.memory_space<semaphore_mem>>) src(%arg8 : memref<128x64xf32, #tpu.memory_space<vmem>>) dst(%dma_wait3A_123 : memref<128x64xf32, #tpu.memory_space<vmem_shared>>)
      tpu.yield
    }) : () -> ()
    %mul3A_12 = arith.constant 1568 : i32
    %mul3A_13 = arith.muli %arg1, %mul3A_12 : i32
    %add3A_14 = arith.constant 256 : i32
    %add3A_15 = arith.addi %mul3A_13, %add3A_14 : i32
    "tpu.region"() ({
      %run_scoped3A = tpu.sem_alloc : memref<!tpu.dma_semaphore, #tpu.memory_space<semaphore_mem>>
      %dma_start3A = arith.constant 0 : i32
      %dma_start3A_118 = tpu.memref_slice %arg10[%add3A_15, %dma_start3A] : memref<25088x64xf32, #tpu.memory_space<vmem_shared>> -> memref<128x64xf32, #tpu.memory_space<vmem_shared>>
      %dma_start3A_119 = arith.constant 0 : i32
      %dma_start3A_120 = tpu.memref_slice %arg10[%add3A_15, %dma_start3A_119] : memref<25088x64xf32, #tpu.memory_space<vmem_shared>> -> memref<128x64xf32, #tpu.memory_space<vmem_shared>>
      tpu.enqueue_dma source(%arg8 : memref<128x64xf32, #tpu.memory_space<vmem>>) target(%dma_start3A_120 : memref<128x64xf32, #tpu.memory_space<vmem_shared>>) target_semaphore(%run_scoped3A : memref<!tpu.dma_semaphore, #tpu.memory_space<semaphore_mem>>)
      %dma_wait3A = arith.constant 0 : i32
      %dma_wait3A_121 = tpu.memref_slice %arg10[%add3A_15, %dma_wait3A] : memref<25088x64xf32, #tpu.memory_space<vmem_shared>> -> memref<128x64xf32, #tpu.memory_space<vmem_shared>>
      %dma_wait3A_122 = arith.constant 0 : i32
      %dma_wait3A_123 = tpu.memref_slice %arg10[%add3A_15, %dma_wait3A_122] : memref<25088x64xf32, #tpu.memory_space<vmem_shared>> -> memref<128x64xf32, #tpu.memory_space<vmem_shared>>
      tpu.wait_dma2 semaphore(%run_scoped3A : memref<!tpu.dma_semaphore, #tpu.memory_space<semaphore_mem>>) src(%arg8 : memref<128x64xf32, #tpu.memory_space<vmem>>) dst(%dma_wait3A_123 : memref<128x64xf32, #tpu.memory_space<vmem_shared>>)
      tpu.yield
    }) : () -> ()
    %mul3A_16 = arith.constant 1568 : i32
    %mul3A_17 = arith.muli %arg1, %mul3A_16 : i32
    %add3A_18 = arith.constant 384 : i32
    %add3A_19 = arith.addi %mul3A_17, %add3A_18 : i32
    "tpu.region"() ({
      %run_scoped3A = tpu.sem_alloc : memref<!tpu.dma_semaphore, #tpu.memory_space<semaphore_mem>>
      %dma_start3A = arith.constant 0 : i32
      %dma_start3A_118 = tpu.memref_slice %arg10[%add3A_19, %dma_start3A] : memref<25088x64xf32, #tpu.memory_space<vmem_shared>> -> memref<128x64xf32, #tpu.memory_space<vmem_shared>>
      %dma_start3A_119 = arith.constant 0 : i32
      %dma_start3A_120 = tpu.memref_slice %arg10[%add3A_19, %dma_start3A_119] : memref<25088x64xf32, #tpu.memory_space<vmem_shared>> -> memref<128x64xf32, #tpu.memory_space<vmem_shared>>
      tpu.enqueue_dma source(%arg8 : memref<128x64xf32, #tpu.memory_space<vmem>>) target(%dma_start3A_120 : memref<128x64xf32, #tpu.memory_space<vmem_shared>>) target_semaphore(%run_scoped3A : memref<!tpu.dma_semaphore, #tpu.memory_space<semaphore_mem>>)
      %dma_wait3A = arith.constant 0 : i32
      %dma_wait3A_121 = tpu.memref_slice %arg10[%add3A_19, %dma_wait3A] : memref<25088x64xf32, #tpu.memory_space<vmem_shared>> -> memref<128x64xf32, #tpu.memory_space<vmem_shared>>
      %dma_wait3A_122 = arith.constant 0 : i32
      %dma_wait3A_123 = tpu.memref_slice %arg10[%add3A_19, %dma_wait3A_122] : memref<25088x64xf32, #tpu.memory_space<vmem_shared>> -> memref<128x64xf32, #tpu.memory_space<vmem_shared>>
      tpu.wait_dma2 semaphore(%run_scoped3A : memref<!tpu.dma_semaphore, #tpu.memory_space<semaphore_mem>>) src(%arg8 : memref<128x64xf32, #tpu.memory_space<vmem>>) dst(%dma_wait3A_123 : memref<128x64xf32, #tpu.memory_space<vmem_shared>>)
      tpu.yield
    }) : () -> ()
    %mul3A_20 = arith.constant 1568 : i32
    %mul3A_21 = arith.muli %arg1, %mul3A_20 : i32
    %add3A_22 = arith.constant 512 : i32
    %add3A_23 = arith.addi %mul3A_21, %add3A_22 : i32
    "tpu.region"() ({
      %run_scoped3A = tpu.sem_alloc : memref<!tpu.dma_semaphore, #tpu.memory_space<semaphore_mem>>
      %dma_start3A = arith.constant 0 : i32
      %dma_start3A_118 = tpu.memref_slice %arg10[%add3A_23, %dma_start3A] : memref<25088x64xf32, #tpu.memory_space<vmem_shared>> -> memref<128x64xf32, #tpu.memory_space<vmem_shared>>
      %dma_start3A_119 = arith.constant 0 : i32
      %dma_start3A_120 = tpu.memref_slice %arg10[%add3A_23, %dma_start3A_119] : memref<25088x64xf32, #tpu.memory_space<vmem_shared>> -> memref<128x64xf32, #tpu.memory_space<vmem_shared>>
      tpu.enqueue_dma source(%arg8 : memref<128x64xf32, #tpu.memory_space<vmem>>) target(%dma_start3A_120 : memref<128x64xf32, #tpu.memory_space<vmem_shared>>) target_semaphore(%run_scoped3A : memref<!tpu.dma_semaphore, #tpu.memory_space<semaphore_mem>>)
      %dma_wait3A = arith.constant 0 : i32
      %dma_wait3A_121 = tpu.memref_slice %arg10[%add3A_23, %dma_wait3A] : memref<25088x64xf32, #tpu.memory_space<vmem_shared>> -> memref<128x64xf32, #tpu.memory_space<vmem_shared>>
      %dma_wait3A_122 = arith.constant 0 : i32
      %dma_wait3A_123 = tpu.memref_slice %arg10[%add3A_23, %dma_wait3A_122] : memref<25088x64xf32, #tpu.memory_space<vmem_shared>> -> memref<128x64xf32, #tpu.memory_space<vmem_shared>>
      tpu.wait_dma2 semaphore(%run_scoped3A : memref<!tpu.dma_semaphore, #tpu.memory_space<semaphore_mem>>) src(%arg8 : memref<128x64xf32, #tpu.memory_space<vmem>>) dst(%dma_wait3A_123 : memref<128x64xf32, #tpu.memory_space<vmem_shared>>)
      tpu.yield
    }) : () -> ()
    %mul3A_24 = arith.constant 1568 : i32
    %mul3A_25 = arith.muli %arg1, %mul3A_24 : i32
    %add3A_26 = arith.constant 640 : i32
    %add3A_27 = arith.addi %mul3A_25, %add3A_26 : i32
    "tpu.region"() ({
      %run_scoped3A = tpu.sem_alloc : memref<!tpu.dma_semaphore, #tpu.memory_space<semaphore_mem>>
      %dma_start3A = arith.constant 0 : i32
      %dma_start3A_118 = tpu.memref_slice %arg10[%add3A_27, %dma_start3A] : memref<25088x64xf32, #tpu.memory_space<vmem_shared>> -> memref<128x64xf32, #tpu.memory_space<vmem_shared>>
      %dma_start3A_119 = arith.constant 0 : i32
      %dma_start3A_120 = tpu.memref_slice %arg10[%add3A_27, %dma_start3A_119] : memref<25088x64xf32, #tpu.memory_space<vmem_shared>> -> memref<128x64xf32, #tpu.memory_space<vmem_shared>>
      tpu.enqueue_dma source(%arg8 : memref<128x64xf32, #tpu.memory_space<vmem>>) target(%dma_start3A_120 : memref<128x64xf32, #tpu.memory_space<vmem_shared>>) target_semaphore(%run_scoped3A : memref<!tpu.dma_semaphore, #tpu.memory_space<semaphore_mem>>)
      %dma_wait3A = arith.constant 0 : i32
      %dma_wait3A_121 = tpu.memref_slice %arg10[%add3A_27, %dma_wait3A] : memref<25088x64xf32, #tpu.memory_space<vmem_shared>> -> memref<128x64xf32, #tpu.memory_space<vmem_shared>>
      %dma_wait3A_122 = arith.constant 0 : i32
      %dma_wait3A_123 = tpu.memref_slice %arg10[%add3A_27, %dma_wait3A_122] : memref<25088x64xf32, #tpu.memory_space<vmem_shared>> -> memref<128x64xf32, #tpu.memory_space<vmem_shared>>
      tpu.wait_dma2 semaphore(%run_scoped3A : memref<!tpu.dma_semaphore, #tpu.memory_space<semaphore_mem>>) src(%arg8 : memref<128x64xf32, #tpu.memory_space<vmem>>) dst(%dma_wait3A_123 : memref<128x64xf32, #tpu.memory_space<vmem_shared>>)
      tpu.yield
    }) : () -> ()
    %mul3A_28 = arith.constant 1568 : i32
    %mul3A_29 = arith.muli %arg1, %mul3A_28 : i32
    %add3A_30 = arith.constant 768 : i32
    %add3A_31 = arith.addi %mul3A_29, %add3A_30 : i32
    "tpu.region"() ({
      %run_scoped3A = tpu.sem_alloc : memref<!tpu.dma_semaphore, #tpu.memory_space<semaphore_mem>>
      %dma_start3A = arith.constant 0 : i32
      %dma_start3A_118 = tpu.memref_slice %arg10[%add3A_31, %dma_start3A] : memref<25088x64xf32, #tpu.memory_space<vmem_shared>> -> memref<128x64xf32, #tpu.memory_space<vmem_shared>>
      %dma_start3A_119 = arith.constant 0 : i32
      %dma_start3A_120 = tpu.memref_slice %arg10[%add3A_31, %dma_start3A_119] : memref<25088x64xf32, #tpu.memory_space<vmem_shared>> -> memref<128x64xf32, #tpu.memory_space<vmem_shared>>
      tpu.enqueue_dma source(%arg8 : memref<128x64xf32, #tpu.memory_space<vmem>>) target(%dma_start3A_120 : memref<128x64xf32, #tpu.memory_space<vmem_shared>>) target_semaphore(%run_scoped3A : memref<!tpu.dma_semaphore, #tpu.memory_space<semaphore_mem>>)
      %dma_wait3A = arith.constant 0 : i32
      %dma_wait3A_121 = tpu.memref_slice %arg10[%add3A_31, %dma_wait3A] : memref<25088x64xf32, #tpu.memory_space<vmem_shared>> -> memref<128x64xf32, #tpu.memory_space<vmem_shared>>
      %dma_wait3A_122 = arith.constant 0 : i32
      %dma_wait3A_123 = tpu.memref_slice %arg10[%add3A_31, %dma_wait3A_122] : memref<25088x64xf32, #tpu.memory_space<vmem_shared>> -> memref<128x64xf32, #tpu.memory_space<vmem_shared>>
      tpu.wait_dma2 semaphore(%run_scoped3A : memref<!tpu.dma_semaphore, #tpu.memory_space<semaphore_mem>>) src(%arg8 : memref<128x64xf32, #tpu.memory_space<vmem>>) dst(%dma_wait3A_123 : memref<128x64xf32, #tpu.memory_space<vmem_shared>>)
      tpu.yield
    }) : () -> ()
    %mul3A_32 = arith.constant 1568 : i32
    %mul3A_33 = arith.muli %arg1, %mul3A_32 : i32
    %add3A_34 = arith.constant 896 : i32
    %add3A_35 = arith.addi %mul3A_33, %add3A_34 : i32
    "tpu.region"() ({
      %run_scoped3A = tpu.sem_alloc : memref<!tpu.dma_semaphore, #tpu.memory_space<semaphore_mem>>
      %dma_start3A = arith.constant 0 : i32
      %dma_start3A_118 = tpu.memref_slice %arg10[%add3A_35, %dma_start3A] : memref<25088x64xf32, #tpu.memory_space<vmem_shared>> -> memref<128x64xf32, #tpu.memory_space<vmem_shared>>
      %dma_start3A_119 = arith.constant 0 : i32
      %dma_start3A_120 = tpu.memref_slice %arg10[%add3A_35, %dma_start3A_119] : memref<25088x64xf32, #tpu.memory_space<vmem_shared>> -> memref<128x64xf32, #tpu.memory_space<vmem_shared>>
      tpu.enqueue_dma source(%arg8 : memref<128x64xf32, #tpu.memory_space<vmem>>) target(%dma_start3A_120 : memref<128x64xf32, #tpu.memory_space<vmem_shared>>) target_semaphore(%run_scoped3A : memref<!tpu.dma_semaphore, #tpu.memory_space<semaphore_mem>>)
      %dma_wait3A = arith.constant 0 : i32
      %dma_wait3A_121 = tpu.memref_slice %arg10[%add3A_35, %dma_wait3A] : memref<25088x64xf32, #tpu.memory_space<vmem_shared>> -> memref<128x64xf32, #tpu.memory_space<vmem_shared>>
      %dma_wait3A_122 = arith.constant 0 : i32
      %dma_wait3A_123 = tpu.memref_slice %arg10[%add3A_35, %dma_wait3A_122] : memref<25088x64xf32, #tpu.memory_space<vmem_shared>> -> memref<128x64xf32, #tpu.memory_space<vmem_shared>>
      tpu.wait_dma2 semaphore(%run_scoped3A : memref<!tpu.dma_semaphore, #tpu.memory_space<semaphore_mem>>) src(%arg8 : memref<128x64xf32, #tpu.memory_space<vmem>>) dst(%dma_wait3A_123 : memref<128x64xf32, #tpu.memory_space<vmem_shared>>)
      tpu.yield
    }) : () -> ()
    %mul3A_36 = arith.constant 1568 : i32
    %mul3A_37 = arith.muli %arg1, %mul3A_36 : i32
    %add3A_38 = arith.constant 1024 : i32
    %add3A_39 = arith.addi %mul3A_37, %add3A_38 : i32
    "tpu.region"() ({
      %run_scoped3A = tpu.sem_alloc : memref<!tpu.dma_semaphore, #tpu.memory_space<semaphore_mem>>
      %dma_start3A = arith.constant 0 : i32
      %dma_start3A_118 = tpu.memref_slice %arg10[%add3A_39, %dma_start3A] : memref<25088x64xf32, #tpu.memory_space<vmem_shared>> -> memref<128x64xf32, #tpu.memory_space<vmem_shared>>
      %dma_start3A_119 = arith.constant 0 : i32
      %dma_start3A_120 = tpu.memref_slice %arg10[%add3A_39, %dma_start3A_119] : memref<25088x64xf32, #tpu.memory_space<vmem_shared>> -> memref<128x64xf32, #tpu.memory_space<vmem_shared>>
      tpu.enqueue_dma source(%arg8 : memref<128x64xf32, #tpu.memory_space<vmem>>) target(%dma_start3A_120 : memref<128x64xf32, #tpu.memory_space<vmem_shared>>) target_semaphore(%run_scoped3A : memref<!tpu.dma_semaphore, #tpu.memory_space<semaphore_mem>>)
      %dma_wait3A = arith.constant 0 : i32
      %dma_wait3A_121 = tpu.memref_slice %arg10[%add3A_39, %dma_wait3A] : memref<25088x64xf32, #tpu.memory_space<vmem_shared>> -> memref<128x64xf32, #tpu.memory_space<vmem_shared>>
      %dma_wait3A_122 = arith.constant 0 : i32
      %dma_wait3A_123 = tpu.memref_slice %arg10[%add3A_39, %dma_wait3A_122] : memref<25088x64xf32, #tpu.memory_space<vmem_shared>> -> memref<128x64xf32, #tpu.memory_space<vmem_shared>>
      tpu.wait_dma2 semaphore(%run_scoped3A : memref<!tpu.dma_semaphore, #tpu.memory_space<semaphore_mem>>) src(%arg8 : memref<128x64xf32, #tpu.memory_space<vmem>>) dst(%dma_wait3A_123 : memref<128x64xf32, #tpu.memory_space<vmem_shared>>)
      tpu.yield
    }) : () -> ()
    %mul3A_40 = arith.constant 1568 : i32
    %mul3A_41 = arith.muli %arg1, %mul3A_40 : i32
    %add3A_42 = arith.constant 1152 : i32
    %add3A_43 = arith.addi %mul3A_41, %add3A_42 : i32
    "tpu.region"() ({
      %run_scoped3A = tpu.sem_alloc : memref<!tpu.dma_semaphore, #tpu.memory_space<semaphore_mem>>
      %dma_start3A = arith.constant 0 : i32
      %dma_start3A_118 = tpu.memref_slice %arg10[%add3A_43, %dma_start3A] : memref<25088x64xf32, #tpu.memory_space<vmem_shared>> -> memref<128x64xf32, #tpu.memory_space<vmem_shared>>
      %dma_start3A_119 = arith.constant 0 : i32
      %dma_start3A_120 = tpu.memref_slice %arg10[%add3A_43, %dma_start3A_119] : memref<25088x64xf32, #tpu.memory_space<vmem_shared>> -> memref<128x64xf32, #tpu.memory_space<vmem_shared>>
      tpu.enqueue_dma source(%arg8 : memref<128x64xf32, #tpu.memory_space<vmem>>) target(%dma_start3A_120 : memref<128x64xf32, #tpu.memory_space<vmem_shared>>) target_semaphore(%run_scoped3A : memref<!tpu.dma_semaphore, #tpu.memory_space<semaphore_mem>>)
      %dma_wait3A = arith.constant 0 : i32
      %dma_wait3A_121 = tpu.memref_slice %arg10[%add3A_43, %dma_wait3A] : memref<25088x64xf32, #tpu.memory_space<vmem_shared>> -> memref<128x64xf32, #tpu.memory_space<vmem_shared>>
      %dma_wait3A_122 = arith.constant 0 : i32
      %dma_wait3A_123 = tpu.memref_slice %arg10[%add3A_43, %dma_wait3A_122] : memref<25088x64xf32, #tpu.memory_space<vmem_shared>> -> memref<128x64xf32, #tpu.memory_space<vmem_shared>>
      tpu.wait_dma2 semaphore(%run_scoped3A : memref<!tpu.dma_semaphore, #tpu.memory_space<semaphore_mem>>) src(%arg8 : memref<128x64xf32, #tpu.memory_space<vmem>>) dst(%dma_wait3A_123 : memref<128x64xf32, #tpu.memory_space<vmem_shared>>)
      tpu.yield
    }) : () -> ()
    %mul3A_44 = arith.constant 1568 : i32
    %mul3A_45 = arith.muli %arg1, %mul3A_44 : i32
    %add3A_46 = arith.constant 1280 : i32
    %add3A_47 = arith.addi %mul3A_45, %add3A_46 : i32
    "tpu.region"() ({
      %run_scoped3A = tpu.sem_alloc : memref<!tpu.dma_semaphore, #tpu.memory_space<semaphore_mem>>
      %dma_start3A = arith.constant 0 : i32
      %dma_start3A_118 = tpu.memref_slice %arg10[%add3A_47, %dma_start3A] : memref<25088x64xf32, #tpu.memory_space<vmem_shared>> -> memref<128x64xf32, #tpu.memory_space<vmem_shared>>
      %dma_start3A_119 = arith.constant 0 : i32
      %dma_start3A_120 = tpu.memref_slice %arg10[%add3A_47, %dma_start3A_119] : memref<25088x64xf32, #tpu.memory_space<vmem_shared>> -> memref<128x64xf32, #tpu.memory_space<vmem_shared>>
      tpu.enqueue_dma source(%arg8 : memref<128x64xf32, #tpu.memory_space<vmem>>) target(%dma_start3A_120 : memref<128x64xf32, #tpu.memory_space<vmem_shared>>) target_semaphore(%run_scoped3A : memref<!tpu.dma_semaphore, #tpu.memory_space<semaphore_mem>>)
      %dma_wait3A = arith.constant 0 : i32
      %dma_wait3A_121 = tpu.memref_slice %arg10[%add3A_47, %dma_wait3A] : memref<25088x64xf32, #tpu.memory_space<vmem_shared>> -> memref<128x64xf32, #tpu.memory_space<vmem_shared>>
      %dma_wait3A_122 = arith.constant 0 : i32
      %dma_wait3A_123 = tpu.memref_slice %arg10[%add3A_47, %dma_wait3A_122] : memref<25088x64xf32, #tpu.memory_space<vmem_shared>> -> memref<128x64xf32, #tpu.memory_space<vmem_shared>>
      tpu.wait_dma2 semaphore(%run_scoped3A : memref<!tpu.dma_semaphore, #tpu.memory_space<semaphore_mem>>) src(%arg8 : memref<128x64xf32, #tpu.memory_space<vmem>>) dst(%dma_wait3A_123 : memref<128x64xf32, #tpu.memory_space<vmem_shared>>)
      tpu.yield
    }) : () -> ()
    %mul3A_48 = arith.constant 1568 : i32
    %mul3A_49 = arith.muli %arg1, %mul3A_48 : i32
    %add3A_50 = arith.constant 1408 : i32
    %add3A_51 = arith.addi %mul3A_49, %add3A_50 : i32
    "tpu.region"() ({
      %run_scoped3A = tpu.sem_alloc : memref<!tpu.dma_semaphore, #tpu.memory_space<semaphore_mem>>
      %dma_start3A = arith.constant 0 : i32
      %dma_start3A_118 = tpu.memref_slice %arg10[%add3A_51, %dma_start3A] : memref<25088x64xf32, #tpu.memory_space<vmem_shared>> -> memref<128x64xf32, #tpu.memory_space<vmem_shared>>
      %dma_start3A_119 = arith.constant 0 : i32
      %dma_start3A_120 = tpu.memref_slice %arg10[%add3A_51, %dma_start3A_119] : memref<25088x64xf32, #tpu.memory_space<vmem_shared>> -> memref<128x64xf32, #tpu.memory_space<vmem_shared>>
      tpu.enqueue_dma source(%arg8 : memref<128x64xf32, #tpu.memory_space<vmem>>) target(%dma_start3A_120 : memref<128x64xf32, #tpu.memory_space<vmem_shared>>) target_semaphore(%run_scoped3A : memref<!tpu.dma_semaphore, #tpu.memory_space<semaphore_mem>>)
      %dma_wait3A = arith.constant 0 : i32
      %dma_wait3A_121 = tpu.memref_slice %arg10[%add3A_51, %dma_wait3A] : memref<25088x64xf32, #tpu.memory_space<vmem_shared>> -> memref<128x64xf32, #tpu.memory_space<vmem_shared>>
      %dma_wait3A_122 = arith.constant 0 : i32
      %dma_wait3A_123 = tpu.memref_slice %arg10[%add3A_51, %dma_wait3A_122] : memref<25088x64xf32, #tpu.memory_space<vmem_shared>> -> memref<128x64xf32, #tpu.memory_space<vmem_shared>>
      tpu.wait_dma2 semaphore(%run_scoped3A : memref<!tpu.dma_semaphore, #tpu.memory_space<semaphore_mem>>) src(%arg8 : memref<128x64xf32, #tpu.memory_space<vmem>>) dst(%dma_wait3A_123 : memref<128x64xf32, #tpu.memory_space<vmem_shared>>)
      tpu.yield
    }) : () -> ()
    %mul3A_52 = arith.constant 1568 : i32
    %mul3A_53 = arith.muli %arg1, %mul3A_52 : i32
    %add3A_54 = arith.constant 1536 : i32
    %add3A_55 = arith.addi %mul3A_53, %add3A_54 : i32
    "tpu.region"() ({
      %run_scoped3A = tpu.sem_alloc : memref<!tpu.dma_semaphore, #tpu.memory_space<semaphore_mem>>
      %dma_start3A = arith.constant 0 : i32
      %dma_start3A_118 = arith.constant 0 : i32
      %dma_start3A_119 = tpu.memref_slice %arg8[%dma_start3A, %dma_start3A_118] : memref<128x64xf32, #tpu.memory_space<vmem>> -> memref<32x64xf32, #tpu.memory_space<vmem>>
      %dma_start3A_120 = arith.constant 0 : i32
      %dma_start3A_121 = tpu.memref_slice %arg10[%add3A_55, %dma_start3A_120] : memref<25088x64xf32, #tpu.memory_space<vmem_shared>> -> memref<32x64xf32, #tpu.memory_space<vmem_shared>>
      %dma_start3A_122 = arith.constant 0 : i32
      %dma_start3A_123 = tpu.memref_slice %arg10[%add3A_55, %dma_start3A_122] : memref<25088x64xf32, #tpu.memory_space<vmem_shared>> -> memref<32x64xf32, #tpu.memory_space<vmem_shared>>
      %dma_start3A_124 = arith.constant 0 : i32
      %dma_start3A_125 = arith.constant 0 : i32
      %dma_start3A_126 = tpu.memref_slice %arg8[%dma_start3A_124, %dma_start3A_125] : memref<128x64xf32, #tpu.memory_space<vmem>> -> memref<32x64xf32, #tpu.memory_space<vmem>>
      tpu.enqueue_dma source(%dma_start3A_126 : memref<32x64xf32, #tpu.memory_space<vmem>>) target(%dma_start3A_123 : memref<32x64xf32, #tpu.memory_space<vmem_shared>>) target_semaphore(%run_scoped3A : memref<!tpu.dma_semaphore, #tpu.memory_space<semaphore_mem>>)
      %dma_wait3A = arith.constant 0 : i32
      %dma_wait3A_127 = arith.constant 0 : i32
      %dma_wait3A_128 = tpu.memref_slice %arg8[%dma_wait3A, %dma_wait3A_127] : memref<128x64xf32, #tpu.memory_space<vmem>> -> memref<32x64xf32, #tpu.memory_space<vmem>>
      %dma_wait3A_129 = arith.constant 0 : i32
      %dma_wait3A_130 = tpu.memref_slice %arg10[%add3A_55, %dma_wait3A_129] : memref<25088x64xf32, #tpu.memory_space<vmem_shared>> -> memref<32x64xf32, #tpu.memory_space<vmem_shared>>
      %dma_wait3A_131 = arith.constant 0 : i32
      %dma_wait3A_132 = tpu.memref_slice %arg10[%add3A_55, %dma_wait3A_131] : memref<25088x64xf32, #tpu.memory_space<vmem_shared>> -> memref<32x64xf32, #tpu.memory_space<vmem_shared>>
      %dma_wait3A_133 = arith.constant 0 : i32
      %dma_wait3A_134 = arith.constant 0 : i32
      %dma_wait3A_135 = tpu.memref_slice %arg8[%dma_wait3A_133, %dma_wait3A_134] : memref<128x64xf32, #tpu.memory_space<vmem>> -> memref<32x64xf32, #tpu.memory_space<vmem>>
      tpu.wait_dma2 semaphore(%run_scoped3A : memref<!tpu.dma_semaphore, #tpu.memory_space<semaphore_mem>>) src(%dma_wait3A_135 : memref<32x64xf32, #tpu.memory_space<vmem>>) dst(%dma_wait3A_132 : memref<32x64xf32, #tpu.memory_space<vmem_shared>>)
      tpu.yield
    }) : () -> ()
    %barrier3A = arith.constant 0 : index
    tpu.barrier barrier_id(%barrier3A)
    %mul3A_56 = arith.constant 25000 : i32
    %mul3A_57 = arith.muli %arg0, %mul3A_56 : i32
    %scan3A_58 = arith.constant 0 : i32
    %scan3A_59 = arith.constant 0 : i32
    %scan3A_60 = arith.constant 67 : i32
    %scan3A_61 = arith.addi %scan3A_59, %scan3A_60 : i32
    %scan3A_62 = arith.constant 1 : i32
    %scan3A_63 = scf.for %scan3A_118 = %scan3A_59 to %scan3A_61 step %scan3A_62 iter_args(%scan3A_119 = %scan3A_58) -> (i32)  : i32 {
      %mul3A_120 = arith.constant 402 : i32
      %mul3A_121 = arith.muli %arg1, %mul3A_120 : i32
      %mul3A_122 = arith.constant 6 : i32
      %mul3A_123 = arith.muli %scan3A_118, %mul3A_122 : i32
      %add3A_124 = arith.addi %mul3A_121, %mul3A_123 : i32
      %mul3A_125 = arith.constant 128 : i32
      %mul3A_126 = arith.muli %add3A_124, %mul3A_125 : i32
      "tpu.region"() ({
        %run_scoped3A = tpu.sem_alloc : memref<!tpu.dma_semaphore, #tpu.memory_space<semaphore_mem>>
        %dma_start3A_193 = tpu.memref_slice %arg2[%mul3A_126] : memref<823296xi32, #tpu.memory_space<hbm>> -> memref<768xi32, #tpu.memory_space<hbm>>
        %dma_start3A_194 = tpu.memref_slice %arg2[%mul3A_126] : memref<823296xi32, #tpu.memory_space<hbm>> -> memref<768xi32, #tpu.memory_space<hbm>>
        tpu.enqueue_dma source(%dma_start3A_194 : memref<768xi32, #tpu.memory_space<hbm>>) target(%arg6 : memref<768xi32, #tpu.memory_space<vmem>>) target_semaphore(%run_scoped3A : memref<!tpu.dma_semaphore, #tpu.memory_space<semaphore_mem>>)
        %dma_wait3A_195 = tpu.memref_slice %arg2[%mul3A_126] : memref<823296xi32, #tpu.memory_space<hbm>> -> memref<768xi32, #tpu.memory_space<hbm>>
        %dma_wait3A_196 = tpu.memref_slice %arg2[%mul3A_126] : memref<823296xi32, #tpu.memory_space<hbm>> -> memref<768xi32, #tpu.memory_space<hbm>>
        tpu.wait_dma2 semaphore(%run_scoped3A : memref<!tpu.dma_semaphore, #tpu.memory_space<semaphore_mem>>) src(%dma_wait3A_196 : memref<768xi32, #tpu.memory_space<hbm>>) dst(%arg6 : memref<768xi32, #tpu.memory_space<vmem>>)
        tpu.yield
      }) : () -> ()
      "tpu.region"() ({
        %run_scoped3A = tpu.sem_alloc : memref<!tpu.dma_semaphore, #tpu.memory_space<semaphore_mem>>
        %dma_start3A_193 = tpu.memref_slice %arg3[%mul3A_126] : memref<823296xi32, #tpu.memory_space<hbm>> -> memref<768xi32, #tpu.memory_space<hbm>>
        %dma_start3A_194 = tpu.memref_slice %arg3[%mul3A_126] : memref<823296xi32, #tpu.memory_space<hbm>> -> memref<768xi32, #tpu.memory_space<hbm>>
        tpu.enqueue_dma source(%dma_start3A_194 : memref<768xi32, #tpu.memory_space<hbm>>) target(%arg7 : memref<768xi32, #tpu.memory_space<vmem>>) target_semaphore(%run_scoped3A : memref<!tpu.dma_semaphore, #tpu.memory_space<semaphore_mem>>)
        %dma_wait3A_195 = tpu.memref_slice %arg3[%mul3A_126] : memref<823296xi32, #tpu.memory_space<hbm>> -> memref<768xi32, #tpu.memory_space<hbm>>
        %dma_wait3A_196 = tpu.memref_slice %arg3[%mul3A_126] : memref<823296xi32, #tpu.memory_space<hbm>> -> memref<768xi32, #tpu.memory_space<hbm>>
        tpu.wait_dma2 semaphore(%run_scoped3A : memref<!tpu.dma_semaphore, #tpu.memory_space<semaphore_mem>>) src(%dma_wait3A_196 : memref<768xi32, #tpu.memory_space<hbm>>) dst(%arg7 : memref<768xi32, #tpu.memory_space<vmem>>)
        tpu.yield
      }) : () -> ()
      %scan3A_127 = arith.constant 0 : i32
      %scan3A_128 = arith.constant 0 : i32
      %scan3A_129 = arith.constant 48 : i32
      %scan3A_130 = arith.addi %scan3A_128, %scan3A_129 : i32
      %scan3A_131 = arith.constant 1 : i32
      %scan3A_132 = scf.for %scan3A_193 = %scan3A_128 to %scan3A_130 step %scan3A_131 iter_args(%scan3A_194 = %scan3A_127) -> (i32)  : i32 {
        %mul3A_195 = arith.constant 16 : i32
        %mul3A_196 = arith.muli %scan3A_193, %mul3A_195 : i32
        %get3A = arith.index_cast %mul3A_196 : i32 to index
        %get3A_197 = tpu.vector_load %arg7[%get3A] {strides = array<i32>} : memref<768xi32, #tpu.memory_space<vmem>>, vector<16xi32>,
        %get3A_198 = vector.shape_cast %get3A_197 : vector<16xi32> to vector<16xi32>
        %sub3A = vector.broadcast %mul3A_57 : i32 to vector<16xi32>
        %sub3A_199 = arith.subi %get3A_198, %sub3A : vector<16xi32>
        %ge3A = arith.constant 0 : i32
        %ge3A_200 = vector.broadcast %ge3A : i32 to vector<16xi32>
        %ge3A_201 = arith.cmpi sge, %sub3A_199, %ge3A_200 : vector<16xi32>
        %lt3A = arith.constant 25000 : i32
        %lt3A_202 = vector.broadcast %lt3A : i32 to vector<16xi32>
        %lt3A_203 = arith.cmpi slt, %sub3A_199, %lt3A_202 : vector<16xi32>
        %and3A = arith.andi %ge3A_201, %lt3A_203 : vector<16xi1>
        %jit3A = arith.constant 25000 : i32
        %broadcast_in_dim3A = vector.broadcast %jit3A : i32 to vector<16xi32>
        %select_n3A = arith.select %and3A, %sub3A_199, %broadcast_in_dim3A : vector<16xi1>, vector<16xi32>
        %mul3A_204 = arith.constant 16 : i32
        %mul3A_205 = arith.muli %scan3A_193, %mul3A_204 : i32
        %swap3A = arith.index_cast %mul3A_205 : i32 to index
        %swap3A_206 = tpu.vector_load %arg7[%swap3A] {strides = array<i32>} : memref<768xi32, #tpu.memory_space<vmem>>, vector<16xi32>,
        %swap3A_207 = vector.shape_cast %swap3A_206 : vector<16xi32> to vector<16xi32>
        %swap3A_208 = vector.shape_cast %select_n3A : vector<16xi32> to vector<16xi32>
        tpu.vector_store %arg7[%swap3A], %swap3A_208 {strides = array<i32>} : memref<768xi32, #tpu.memory_space<vmem>>, vector<16xi32>,
        %scan3A_209 = arith.constant 0 : i32
        scf.yield %scan3A_209 : i32
      }
      %scan3A_133 = arith.constant 48 : i32
      %dma_start3A = arith.constant 0 : i32
      %dma_start3A_134 = tpu.memref_slice %arg6[%dma_start3A] : memref<768xi32, #tpu.memory_space<vmem>> -> memref<128xi32, #tpu.memory_space<vmem>>
      %dma_start3A_135 = arith.constant 0 : i32
      %dma_start3A_136 = arith.constant 0 : i32
      %dma_start3A_137 = tpu.memref_slice %arg4[%dma_start3A_135, %dma_start3A_136] : memref<50000x64xf32, #tpu.memory_space<hbm>> -> memref<50000x64xf32, #tpu.memory_space<hbm>>
      tpu.enqueue_indirect_dma source(%dma_start3A_137 : memref<50000x64xf32, #tpu.memory_space<hbm>>) target(%arg8 : memref<128x64xf32, #tpu.memory_space<vmem>>) offsets(%dma_start3A_134 : memref<128xi32, #tpu.memory_space<vmem>>) semaphore(%arg11 : memref<!tpu.dma_semaphore, #tpu.memory_space<semaphore_mem>>)
      %dma_start3A_138 = arith.constant 128 : i32
      %dma_start3A_139 = tpu.memref_slice %arg6[%dma_start3A_138] : memref<768xi32, #tpu.memory_space<vmem>> -> memref<128xi32, #tpu.memory_space<vmem>>
      %dma_start3A_140 = arith.constant 0 : i32
      %dma_start3A_141 = arith.constant 0 : i32
      %dma_start3A_142 = tpu.memref_slice %arg4[%dma_start3A_140, %dma_start3A_141] : memref<50000x64xf32, #tpu.memory_space<hbm>> -> memref<50000x64xf32, #tpu.memory_space<hbm>>
      tpu.enqueue_indirect_dma source(%dma_start3A_142 : memref<50000x64xf32, #tpu.memory_space<hbm>>) target(%arg9 : memref<128x64xf32, #tpu.memory_space<vmem>>) offsets(%dma_start3A_139 : memref<128xi32, #tpu.memory_space<vmem>>) semaphore(%arg12 : memref<!tpu.dma_semaphore, #tpu.memory_space<semaphore_mem>>)
      %dma_wait3A = arith.constant 0 : i32
      %dma_wait3A_143 = tpu.memref_slice %arg6[%dma_wait3A] : memref<768xi32, #tpu.memory_space<vmem>> -> memref<128xi32, #tpu.memory_space<vmem>>
      %dma_wait3A_144 = arith.constant 0 : i32
      %dma_wait3A_145 = arith.constant 0 : i32
      %dma_wait3A_146 = tpu.memref_slice %arg4[%dma_wait3A_144, %dma_wait3A_145] : memref<50000x64xf32, #tpu.memory_space<hbm>> -> memref<50000x64xf32, #tpu.memory_space<hbm>>
      tpu.wait_indirect_dma semaphore(%arg11 : memref<!tpu.dma_semaphore, #tpu.memory_space<semaphore_mem>>) src(%dma_wait3A_146 : memref<50000x64xf32, #tpu.memory_space<hbm>>) dst(%arg8 : memref<128x64xf32, #tpu.memory_space<vmem>>)
      "tpu.region"() ({
        %run_scoped3A = tpu.sem_alloc : memref<!tpu.dma_semaphore, #tpu.memory_space<semaphore_mem>>
        %dma_start3A_193 = arith.constant 0 : i32
        %dma_start3A_194 = tpu.memref_slice %arg7[%dma_start3A_193] : memref<768xi32, #tpu.memory_space<vmem>> -> memref<128xi32, #tpu.memory_space<vmem>>
        %dma_start3A_195 = arith.constant 0 : i32
        %dma_start3A_196 = arith.constant 0 : i32
        %dma_start3A_197 = tpu.memref_slice %arg10[%dma_start3A_195, %dma_start3A_196] : memref<25088x64xf32, #tpu.memory_space<vmem_shared>> -> memref<25088x64xf32, #tpu.memory_space<vmem_shared>>
        tpu.enqueue_indirect_dma source(%arg8 : memref<128x64xf32, #tpu.memory_space<vmem>>) target(%dma_start3A_197 : memref<25088x64xf32, #tpu.memory_space<vmem_shared>>) offsets(%dma_start3A_194 : memref<128xi32, #tpu.memory_space<vmem>>) semaphore(%run_scoped3A : memref<!tpu.dma_semaphore, #tpu.memory_space<semaphore_mem>>) {add = true}
        %dma_wait3A_198 = arith.constant 0 : i32
        %dma_wait3A_199 = tpu.memref_slice %arg7[%dma_wait3A_198] : memref<768xi32, #tpu.memory_space<vmem>> -> memref<128xi32, #tpu.memory_space<vmem>>
        %dma_wait3A_200 = arith.constant 0 : i32
        %dma_wait3A_201 = arith.constant 0 : i32
        %dma_wait3A_202 = tpu.memref_slice %arg10[%dma_wait3A_200, %dma_wait3A_201] : memref<25088x64xf32, #tpu.memory_space<vmem_shared>> -> memref<25088x64xf32, #tpu.memory_space<vmem_shared>>
        tpu.wait_indirect_dma semaphore(%run_scoped3A : memref<!tpu.dma_semaphore, #tpu.memory_space<semaphore_mem>>) src(%arg8 : memref<128x64xf32, #tpu.memory_space<vmem>>) dst(%dma_wait3A_202 : memref<25088x64xf32, #tpu.memory_space<vmem_shared>>)
        tpu.yield
      }) : () -> ()
      %dma_start3A_147 = arith.constant 256 : i32
      %dma_start3A_148 = tpu.memref_slice %arg6[%dma_start3A_147] : memref<768xi32, #tpu.memory_space<vmem>> -> memref<128xi32, #tpu.memory_space<vmem>>
      %dma_start3A_149 = arith.constant 0 : i32
      %dma_start3A_150 = arith.constant 0 : i32
      %dma_start3A_151 = tpu.memref_slice %arg4[%dma_start3A_149, %dma_start3A_150] : memref<50000x64xf32, #tpu.memory_space<hbm>> -> memref<50000x64xf32, #tpu.memory_space<hbm>>
      tpu.enqueue_indirect_dma source(%dma_start3A_151 : memref<50000x64xf32, #tpu.memory_space<hbm>>) target(%arg8 : memref<128x64xf32, #tpu.memory_space<vmem>>) offsets(%dma_start3A_148 : memref<128xi32, #tpu.memory_space<vmem>>) semaphore(%arg11 : memref<!tpu.dma_semaphore, #tpu.memory_space<semaphore_mem>>)
      %dma_wait3A_152 = arith.constant 128 : i32
      %dma_wait3A_153 = tpu.memref_slice %arg6[%dma_wait3A_152] : memref<768xi32, #tpu.memory_space<vmem>> -> memref<128xi32, #tpu.memory_space<vmem>>
      %dma_wait3A_154 = arith.constant 0 : i32
      %dma_wait3A_155 = arith.constant 0 : i32
      %dma_wait3A_156 = tpu.memref_slice %arg4[%dma_wait3A_154, %dma_wait3A_155] : memref<50000x64xf32, #tpu.memory_space<hbm>> -> memref<50000x64xf32, #tpu.memory_space<hbm>>
      tpu.wait_indirect_dma semaphore(%arg12 : memref<!tpu.dma_semaphore, #tpu.memory_space<semaphore_mem>>) src(%dma_wait3A_156 : memref<50000x64xf32, #tpu.memory_space<hbm>>) dst(%arg9 : memref<128x64xf32, #tpu.memory_space<vmem>>)
      "tpu.region"() ({
        %run_scoped3A = tpu.sem_alloc : memref<!tpu.dma_semaphore, #tpu.memory_space<semaphore_mem>>
        %dma_start3A_193 = arith.constant 128 : i32
        %dma_start3A_194 = tpu.memref_slice %arg7[%dma_start3A_193] : memref<768xi32, #tpu.memory_space<vmem>> -> memref<128xi32, #tpu.memory_space<vmem>>
        %dma_start3A_195 = arith.constant 0 : i32
        %dma_start3A_196 = arith.constant 0 : i32
        %dma_start3A_197 = tpu.memref_slice %arg10[%dma_start3A_195, %dma_start3A_196] : memref<25088x64xf32, #tpu.memory_space<vmem_shared>> -> memref<25088x64xf32, #tpu.memory_space<vmem_shared>>
        tpu.enqueue_indirect_dma source(%arg9 : memref<128x64xf32, #tpu.memory_space<vmem>>) target(%dma_start3A_197 : memref<25088x64xf32, #tpu.memory_space<vmem_shared>>) offsets(%dma_start3A_194 : memref<128xi32, #tpu.memory_space<vmem>>) semaphore(%run_scoped3A : memref<!tpu.dma_semaphore, #tpu.memory_space<semaphore_mem>>) {add = true}
        %dma_wait3A_198 = arith.constant 128 : i32
        %dma_wait3A_199 = tpu.memref_slice %arg7[%dma_wait3A_198] : memref<768xi32, #tpu.memory_space<vmem>> -> memref<128xi32, #tpu.memory_space<vmem>>
        %dma_wait3A_200 = arith.constant 0 : i32
        %dma_wait3A_201 = arith.constant 0 : i32
        %dma_wait3A_202 = tpu.memref_slice %arg10[%dma_wait3A_200, %dma_wait3A_201] : memref<25088x64xf32, #tpu.memory_space<vmem_shared>> -> memref<25088x64xf32, #tpu.memory_space<vmem_shared>>
        tpu.wait_indirect_dma semaphore(%run_scoped3A : memref<!tpu.dma_semaphore, #tpu.memory_space<semaphore_mem>>) src(%arg9 : memref<128x64xf32, #tpu.memory_space<vmem>>) dst(%dma_wait3A_202 : memref<25088x64xf32, #tpu.memory_space<vmem_shared>>)
        tpu.yield
      }) : () -> ()
      %dma_start3A_157 = arith.constant 384 : i32
      %dma_start3A_158 = tpu.memref_slice %arg6[%dma_start3A_157] : memref<768xi32, #tpu.memory_space<vmem>> -> memref<128xi32, #tpu.memory_space<vmem>>
      %dma_start3A_159 = arith.constant 0 : i32
      %dma_start3A_160 = arith.constant 0 : i32
      %dma_start3A_161 = tpu.memref_slice %arg4[%dma_start3A_159, %dma_start3A_160] : memref<50000x64xf32, #tpu.memory_space<hbm>> -> memref<50000x64xf32, #tpu.memory_space<hbm>>
      tpu.enqueue_indirect_dma source(%dma_start3A_161 : memref<50000x64xf32, #tpu.memory_space<hbm>>) target(%arg9 : memref<128x64xf32, #tpu.memory_space<vmem>>) offsets(%dma_start3A_158 : memref<128xi32, #tpu.memory_space<vmem>>) semaphore(%arg12 : memref<!tpu.dma_semaphore, #tpu.memory_space<semaphore_mem>>)
      %dma_wait3A_162 = arith.constant 256 : i32
      %dma_wait3A_163 = tpu.memref_slice %arg6[%dma_wait3A_162] : memref<768xi32, #tpu.memory_space<vmem>> -> memref<128xi32, #tpu.memory_space<vmem>>
      %dma_wait3A_164 = arith.constant 0 : i32
      %dma_wait3A_165 = arith.constant 0 : i32
      %dma_wait3A_166 = tpu.memref_slice %arg4[%dma_wait3A_164, %dma_wait3A_165] : memref<50000x64xf32, #tpu.memory_space<hbm>> -> memref<50000x64xf32, #tpu.memory_space<hbm>>
      tpu.wait_indirect_dma semaphore(%arg11 : memref<!tpu.dma_semaphore, #tpu.memory_space<semaphore_mem>>) src(%dma_wait3A_166 : memref<50000x64xf32, #tpu.memory_space<hbm>>) dst(%arg8 : memref<128x64xf32, #tpu.memory_space<vmem>>)
      "tpu.region"() ({
        %run_scoped3A = tpu.sem_alloc : memref<!tpu.dma_semaphore, #tpu.memory_space<semaphore_mem>>
        %dma_start3A_193 = arith.constant 256 : i32
        %dma_start3A_194 = tpu.memref_slice %arg7[%dma_start3A_193] : memref<768xi32, #tpu.memory_space<vmem>> -> memref<128xi32, #tpu.memory_space<vmem>>
        %dma_start3A_195 = arith.constant 0 : i32
        %dma_start3A_196 = arith.constant 0 : i32
        %dma_start3A_197 = tpu.memref_slice %arg10[%dma_start3A_195, %dma_start3A_196] : memref<25088x64xf32, #tpu.memory_space<vmem_shared>> -> memref<25088x64xf32, #tpu.memory_space<vmem_shared>>
        tpu.enqueue_indirect_dma source(%arg8 : memref<128x64xf32, #tpu.memory_space<vmem>>) target(%dma_start3A_197 : memref<25088x64xf32, #tpu.memory_space<vmem_shared>>) offsets(%dma_start3A_194 : memref<128xi32, #tpu.memory_space<vmem>>) semaphore(%run_scoped3A : memref<!tpu.dma_semaphore, #tpu.memory_space<semaphore_mem>>) {add = true}
        %dma_wait3A_198 = arith.constant 256 : i32
        %dma_wait3A_199 = tpu.memref_slice %arg7[%dma_wait3A_198] : memref<768xi32, #tpu.memory_space<vmem>> -> memref<128xi32, #tpu.memory_space<vmem>>
        %dma_wait3A_200 = arith.constant 0 : i32
        %dma_wait3A_201 = arith.constant 0 : i32
        %dma_wait3A_202 = tpu.memref_slice %arg10[%dma_wait3A_200, %dma_wait3A_201] : memref<25088x64xf32, #tpu.memory_space<vmem_shared>> -> memref<25088x64xf32, #tpu.memory_space<vmem_shared>>
        tpu.wait_indirect_dma semaphore(%run_scoped3A : memref<!tpu.dma_semaphore, #tpu.memory_space<semaphore_mem>>) src(%arg8 : memref<128x64xf32, #tpu.memory_space<vmem>>) dst(%dma_wait3A_202 : memref<25088x64xf32, #tpu.memory_space<vmem_shared>>)
        tpu.yield
      }) : () -> ()
      %dma_start3A_167 = arith.constant 512 : i32
      %dma_start3A_168 = tpu.memref_slice %arg6[%dma_start3A_167] : memref<768xi32, #tpu.memory_space<vmem>> -> memref<128xi32, #tpu.memory_space<vmem>>
      %dma_start3A_169 = arith.constant 0 : i32
      %dma_start3A_170 = arith.constant 0 : i32
      %dma_start3A_171 = tpu.memref_slice %arg4[%dma_start3A_169, %dma_start3A_170] : memref<50000x64xf32, #tpu.memory_space<hbm>> -> memref<50000x64xf32, #tpu.memory_space<hbm>>
      tpu.enqueue_indirect_dma source(%dma_start3A_171 : memref<50000x64xf32, #tpu.memory_space<hbm>>) target(%arg8 : memref<128x64xf32, #tpu.memory_space<vmem>>) offsets(%dma_start3A_168 : memref<128xi32, #tpu.memory_space<vmem>>) semaphore(%arg11 : memref<!tpu.dma_semaphore, #tpu.memory_space<semaphore_mem>>)
      %dma_wait3A_172 = arith.constant 384 : i32
      %dma_wait3A_173 = tpu.memref_slice %arg6[%dma_wait3A_172] : memref<768xi32, #tpu.memory_space<vmem>> -> memref<128xi32, #tpu.memory_space<vmem>>
      %dma_wait3A_174 = arith.constant 0 : i32
      %dma_wait3A_175 = arith.constant 0 : i32
      %dma_wait3A_176 = tpu.memref_slice %arg4[%dma_wait3A_174, %dma_wait3A_175] : memref<50000x64xf32, #tpu.memory_space<hbm>> -> memref<50000x64xf32, #tpu.memory_space<hbm>>
      tpu.wait_indirect_dma semaphore(%arg12 : memref<!tpu.dma_semaphore, #tpu.memory_space<semaphore_mem>>) src(%dma_wait3A_176 : memref<50000x64xf32, #tpu.memory_space<hbm>>) dst(%arg9 : memref<128x64xf32, #tpu.memory_space<vmem>>)
      "tpu.region"() ({
        %run_scoped3A = tpu.sem_alloc : memref<!tpu.dma_semaphore, #tpu.memory_space<semaphore_mem>>
        %dma_start3A_193 = arith.constant 384 : i32
        %dma_start3A_194 = tpu.memref_slice %arg7[%dma_start3A_193] : memref<768xi32, #tpu.memory_space<vmem>> -> memref<128xi32, #tpu.memory_space<vmem>>
        %dma_start3A_195 = arith.constant 0 : i32
        %dma_start3A_196 = arith.constant 0 : i32
        %dma_start3A_197 = tpu.memref_slice %arg10[%dma_start3A_195, %dma_start3A_196] : memref<25088x64xf32, #tpu.memory_space<vmem_shared>> -> memref<25088x64xf32, #tpu.memory_space<vmem_shared>>
        tpu.enqueue_indirect_dma source(%arg9 : memref<128x64xf32, #tpu.memory_space<vmem>>) target(%dma_start3A_197 : memref<25088x64xf32, #tpu.memory_space<vmem_shared>>) offsets(%dma_start3A_194 : memref<128xi32, #tpu.memory_space<vmem>>) semaphore(%run_scoped3A : memref<!tpu.dma_semaphore, #tpu.memory_space<semaphore_mem>>) {add = true}
        %dma_wait3A_198 = arith.constant 384 : i32
        %dma_wait3A_199 = tpu.memref_slice %arg7[%dma_wait3A_198] : memref<768xi32, #tpu.memory_space<vmem>> -> memref<128xi32, #tpu.memory_space<vmem>>
        %dma_wait3A_200 = arith.constant 0 : i32
        %dma_wait3A_201 = arith.constant 0 : i32
        %dma_wait3A_202 = tpu.memref_slice %arg10[%dma_wait3A_200, %dma_wait3A_201] : memref<25088x64xf32, #tpu.memory_space<vmem_shared>> -> memref<25088x64xf32, #tpu.memory_space<vmem_shared>>
        tpu.wait_indirect_dma semaphore(%run_scoped3A : memref<!tpu.dma_semaphore, #tpu.memory_space<semaphore_mem>>) src(%arg9 : memref<128x64xf32, #tpu.memory_space<vmem>>) dst(%dma_wait3A_202 : memref<25088x64xf32, #tpu.memory_space<vmem_shared>>)
        tpu.yield
      }) : () -> ()
      %dma_start3A_177 = arith.constant 640 : i32
      %dma_start3A_178 = tpu.memref_slice %arg6[%dma_start3A_177] : memref<768xi32, #tpu.memory_space<vmem>> -> memref<128xi32, #tpu.memory_space<vmem>>
      %dma_start3A_179 = arith.constant 0 : i32
      %dma_start3A_180 = arith.constant 0 : i32
      %dma_start3A_181 = tpu.memref_slice %arg4[%dma_start3A_179, %dma_start3A_180] : memref<50000x64xf32, #tpu.memory_space<hbm>> -> memref<50000x64xf32, #tpu.memory_space<hbm>>
      tpu.enqueue_indirect_dma source(%dma_start3A_181 : memref<50000x64xf32, #tpu.memory_space<hbm>>) target(%arg9 : memref<128x64xf32, #tpu.memory_space<vmem>>) offsets(%dma_start3A_178 : memref<128xi32, #tpu.memory_space<vmem>>) semaphore(%arg12 : memref<!tpu.dma_semaphore, #tpu.memory_space<semaphore_mem>>)
      %dma_wait3A_182 = arith.constant 512 : i32
      %dma_wait3A_183 = tpu.memref_slice %arg6[%dma_wait3A_182] : memref<768xi32, #tpu.memory_space<vmem>> -> memref<128xi32, #tpu.memory_space<vmem>>
      %dma_wait3A_184 = arith.constant 0 : i32
      %dma_wait3A_185 = arith.constant 0 : i32
      %dma_wait3A_186 = tpu.memref_slice %arg4[%dma_wait3A_184, %dma_wait3A_185] : memref<50000x64xf32, #tpu.memory_space<hbm>> -> memref<50000x64xf32, #tpu.memory_space<hbm>>
      tpu.wait_indirect_dma semaphore(%arg11 : memref<!tpu.dma_semaphore, #tpu.memory_space<semaphore_mem>>) src(%dma_wait3A_186 : memref<50000x64xf32, #tpu.memory_space<hbm>>) dst(%arg8 : memref<128x64xf32, #tpu.memory_space<vmem>>)
      "tpu.region"() ({
        %run_scoped3A = tpu.sem_alloc : memref<!tpu.dma_semaphore, #tpu.memory_space<semaphore_mem>>
        %dma_start3A_193 = arith.constant 512 : i32
        %dma_start3A_194 = tpu.memref_slice %arg7[%dma_start3A_193] : memref<768xi32, #tpu.memory_space<vmem>> -> memref<128xi32, #tpu.memory_space<vmem>>
        %dma_start3A_195 = arith.constant 0 : i32
        %dma_start3A_196 = arith.constant 0 : i32
        %dma_start3A_197 = tpu.memref_slice %arg10[%dma_start3A_195, %dma_start3A_196] : memref<25088x64xf32, #tpu.memory_space<vmem_shared>> -> memref<25088x64xf32, #tpu.memory_space<vmem_shared>>
        tpu.enqueue_indirect_dma source(%arg8 : memref<128x64xf32, #tpu.memory_space<vmem>>) target(%dma_start3A_197 : memref<25088x64xf32, #tpu.memory_space<vmem_shared>>) offsets(%dma_start3A_194 : memref<128xi32, #tpu.memory_space<vmem>>) semaphore(%run_scoped3A : memref<!tpu.dma_semaphore, #tpu.memory_space<semaphore_mem>>) {add = true}
        %dma_wait3A_198 = arith.constant 512 : i32
        %dma_wait3A_199 = tpu.memref_slice %arg7[%dma_wait3A_198] : memref<768xi32, #tpu.memory_space<vmem>> -> memref<128xi32, #tpu.memory_space<vmem>>
        %dma_wait3A_200 = arith.constant 0 : i32
        %dma_wait3A_201 = arith.constant 0 : i32
        %dma_wait3A_202 = tpu.memref_slice %arg10[%dma_wait3A_200, %dma_wait3A_201] : memref<25088x64xf32, #tpu.memory_space<vmem_shared>> -> memref<25088x64xf32, #tpu.memory_space<vmem_shared>>
        tpu.wait_indirect_dma semaphore(%run_scoped3A : memref<!tpu.dma_semaphore, #tpu.memory_space<semaphore_mem>>) src(%arg8 : memref<128x64xf32, #tpu.memory_space<vmem>>) dst(%dma_wait3A_202 : memref<25088x64xf32, #tpu.memory_space<vmem_shared>>)
        tpu.yield
      }) : () -> ()
      %dma_wait3A_187 = arith.constant 640 : i32
      %dma_wait3A_188 = tpu.memref_slice %arg6[%dma_wait3A_187] : memref<768xi32, #tpu.memory_space<vmem>> -> memref<128xi32, #tpu.memory_space<vmem>>
      %dma_wait3A_189 = arith.constant 0 : i32
      %dma_wait3A_190 = arith.constant 0 : i32
      %dma_wait3A_191 = tpu.memref_slice %arg4[%dma_wait3A_189, %dma_wait3A_190] : memref<50000x64xf32, #tpu.memory_space<hbm>> -> memref<50000x64xf32, #tpu.memory_space<hbm>>
      tpu.wait_indirect_dma semaphore(%arg12 : memref<!tpu.dma_semaphore, #tpu.memory_space<semaphore_mem>>) src(%dma_wait3A_191 : memref<50000x64xf32, #tpu.memory_space<hbm>>) dst(%arg9 : memref<128x64xf32, #tpu.memory_space<vmem>>)
      "tpu.region"() ({
        %run_scoped3A = tpu.sem_alloc : memref<!tpu.dma_semaphore, #tpu.memory_space<semaphore_mem>>
        %dma_start3A_193 = arith.constant 640 : i32
        %dma_start3A_194 = tpu.memref_slice %arg7[%dma_start3A_193] : memref<768xi32, #tpu.memory_space<vmem>> -> memref<128xi32, #tpu.memory_space<vmem>>
        %dma_start3A_195 = arith.constant 0 : i32
        %dma_start3A_196 = arith.constant 0 : i32
        %dma_start3A_197 = tpu.memref_slice %arg10[%dma_start3A_195, %dma_start3A_196] : memref<25088x64xf32, #tpu.memory_space<vmem_shared>> -> memref<25088x64xf32, #tpu.memory_space<vmem_shared>>
        tpu.enqueue_indirect_dma source(%arg9 : memref<128x64xf32, #tpu.memory_space<vmem>>) target(%dma_start3A_197 : memref<25088x64xf32, #tpu.memory_space<vmem_shared>>) offsets(%dma_start3A_194 : memref<128xi32, #tpu.memory_space<vmem>>) semaphore(%run_scoped3A : memref<!tpu.dma_semaphore, #tpu.memory_space<semaphore_mem>>) {add = true}
        %dma_wait3A_198 = arith.constant 640 : i32
        %dma_wait3A_199 = tpu.memref_slice %arg7[%dma_wait3A_198] : memref<768xi32, #tpu.memory_space<vmem>> -> memref<128xi32, #tpu.memory_space<vmem>>
        %dma_wait3A_200 = arith.constant 0 : i32
        %dma_wait3A_201 = arith.constant 0 : i32
        %dma_wait3A_202 = tpu.memref_slice %arg10[%dma_wait3A_200, %dma_wait3A_201] : memref<25088x64xf32, #tpu.memory_space<vmem_shared>> -> memref<25088x64xf32, #tpu.memory_space<vmem_shared>>
        tpu.wait_indirect_dma semaphore(%run_scoped3A : memref<!tpu.dma_semaphore, #tpu.memory_space<semaphore_mem>>) src(%arg9 : memref<128x64xf32, #tpu.memory_space<vmem>>) dst(%dma_wait3A_202 : memref<25088x64xf32, #tpu.memory_space<vmem_shared>>)
        tpu.yield
      }) : () -> ()
      %scan3A_192 = arith.constant 0 : i32
      scf.yield %scan3A_192 : i32
    }
    %scan3A_64 = arith.constant 67 : i32
    %barrier3A_65 = arith.constant 0 : index
    tpu.barrier barrier_id(%barrier3A_65)
    %mul3A_66 = arith.constant 1568 : i32
    %mul3A_67 = arith.muli %arg1, %mul3A_66 : i32
    %add3A_68 = arith.constant 0 : i32
    %add3A_69 = arith.addi %mul3A_67, %add3A_68 : i32
    "tpu.region"() ({
      %run_scoped3A = tpu.sem_alloc : memref<!tpu.dma_semaphore, #tpu.memory_space<semaphore_mem>>
      %dma_start3A = arith.constant 0 : i32
      %dma_start3A_118 = tpu.memref_slice %arg10[%add3A_69, %dma_start3A] : memref<25088x64xf32, #tpu.memory_space<vmem_shared>> -> memref<128x64xf32, #tpu.memory_space<vmem_shared>>
      %dma_start3A_119 = arith.constant 0 : i32
      %dma_start3A_120 = tpu.memref_slice %arg10[%add3A_69, %dma_start3A_119] : memref<25088x64xf32, #tpu.memory_space<vmem_shared>> -> memref<128x64xf32, #tpu.memory_space<vmem_shared>>
      tpu.enqueue_dma source(%dma_start3A_120 : memref<128x64xf32, #tpu.memory_space<vmem_shared>>) target(%arg8 : memref<128x64xf32, #tpu.memory_space<vmem>>) target_semaphore(%run_scoped3A : memref<!tpu.dma_semaphore, #tpu.memory_space<semaphore_mem>>)
      %dma_wait3A = arith.constant 0 : i32
      %dma_wait3A_121 = tpu.memref_slice %arg10[%add3A_69, %dma_wait3A] : memref<25088x64xf32, #tpu.memory_space<vmem_shared>> -> memref<128x64xf32, #tpu.memory_space<vmem_shared>>
      %dma_wait3A_122 = arith.constant 0 : i32
      %dma_wait3A_123 = tpu.memref_slice %arg10[%add3A_69, %dma_wait3A_122] : memref<25088x64xf32, #tpu.memory_space<vmem_shared>> -> memref<128x64xf32, #tpu.memory_space<vmem_shared>>
      tpu.wait_dma2 semaphore(%run_scoped3A : memref<!tpu.dma_semaphore, #tpu.memory_space<semaphore_mem>>) src(%dma_wait3A_123 : memref<128x64xf32, #tpu.memory_space<vmem_shared>>) dst(%arg8 : memref<128x64xf32, #tpu.memory_space<vmem>>)
      tpu.yield
    }) : () -> ()
    "tpu.region"() ({
      %run_scoped3A = tpu.sem_alloc : memref<!tpu.dma_semaphore, #tpu.memory_space<semaphore_mem>>
      %dma_start3A = arith.constant 0 : i32
      %dma_start3A_118 = tpu.memref_slice %arg5[%arg0, %add3A_69, %dma_start3A] : memref<2x25088x64xf32, #tpu.memory_space<hbm>> -> memref<1x128x64xf32, #tpu.memory_space<hbm>>
      %dma_start3A_119 = tpu.memref_squeeze %dma_start3A_118 : memref<1x128x64xf32, #tpu.memory_space<hbm>> -> memref<128x64xf32, #tpu.memory_space<hbm>>
      %dma_start3A_120 = arith.constant 0 : i32
      %dma_start3A_121 = tpu.memref_slice %arg5[%arg0, %add3A_69, %dma_start3A_120] : memref<2x25088x64xf32, #tpu.memory_space<hbm>> -> memref<1x128x64xf32, #tpu.memory_space<hbm>>
      %dma_start3A_122 = tpu.memref_squeeze %dma_start3A_121 : memref<1x128x64xf32, #tpu.memory_space<hbm>> -> memref<128x64xf32, #tpu.memory_space<hbm>>
      tpu.enqueue_dma source(%arg8 : memref<128x64xf32, #tpu.memory_space<vmem>>) target(%dma_start3A_122 : memref<128x64xf32, #tpu.memory_space<hbm>>) target_semaphore(%run_scoped3A : memref<!tpu.dma_semaphore, #tpu.memory_space<semaphore_mem>>)
      %dma_wait3A = arith.constant 0 : i32
      %dma_wait3A_123 = tpu.memref_slice %arg5[%arg0, %add3A_69, %dma_wait3A] : memref<2x25088x64xf32, #tpu.memory_space<hbm>> -> memref<1x128x64xf32, #tpu.memory_space<hbm>>
      %dma_wait3A_124 = tpu.memref_squeeze %dma_wait3A_123 : memref<1x128x64xf32, #tpu.memory_space<hbm>> -> memref<128x64xf32, #tpu.memory_space<hbm>>
      %dma_wait3A_125 = arith.constant 0 : i32
      %dma_wait3A_126 = tpu.memref_slice %arg5[%arg0, %add3A_69, %dma_wait3A_125] : memref<2x25088x64xf32, #tpu.memory_space<hbm>> -> memref<1x128x64xf32, #tpu.memory_space<hbm>>
      %dma_wait3A_127 = tpu.memref_squeeze %dma_wait3A_126 : memref<1x128x64xf32, #tpu.memory_space<hbm>> -> memref<128x64xf32, #tpu.memory_space<hbm>>
      tpu.wait_dma2 semaphore(%run_scoped3A : memref<!tpu.dma_semaphore, #tpu.memory_space<semaphore_mem>>) src(%arg8 : memref<128x64xf32, #tpu.memory_space<vmem>>) dst(%dma_wait3A_127 : memref<128x64xf32, #tpu.memory_space<hbm>>)
      tpu.yield
    }) : () -> ()
    %mul3A_70 = arith.constant 1568 : i32
    %mul3A_71 = arith.muli %arg1, %mul3A_70 : i32
    %add3A_72 = arith.constant 128 : i32
    %add3A_73 = arith.addi %mul3A_71, %add3A_72 : i32
    "tpu.region"() ({
      %run_scoped3A = tpu.sem_alloc : memref<!tpu.dma_semaphore, #tpu.memory_space<semaphore_mem>>
      %dma_start3A = arith.constant 0 : i32
      %dma_start3A_118 = tpu.memref_slice %arg10[%add3A_73, %dma_start3A] : memref<25088x64xf32, #tpu.memory_space<vmem_shared>> -> memref<128x64xf32, #tpu.memory_space<vmem_shared>>
      %dma_start3A_119 = arith.constant 0 : i32
      %dma_start3A_120 = tpu.memref_slice %arg10[%add3A_73, %dma_start3A_119] : memref<25088x64xf32, #tpu.memory_space<vmem_shared>> -> memref<128x64xf32, #tpu.memory_space<vmem_shared>>
      tpu.enqueue_dma source(%dma_start3A_120 : memref<128x64xf32, #tpu.memory_space<vmem_shared>>) target(%arg8 : memref<128x64xf32, #tpu.memory_space<vmem>>) target_semaphore(%run_scoped3A : memref<!tpu.dma_semaphore, #tpu.memory_space<semaphore_mem>>)
      %dma_wait3A = arith.constant 0 : i32
      %dma_wait3A_121 = tpu.memref_slice %arg10[%add3A_73, %dma_wait3A] : memref<25088x64xf32, #tpu.memory_space<vmem_shared>> -> memref<128x64xf32, #tpu.memory_space<vmem_shared>>
      %dma_wait3A_122 = arith.constant 0 : i32
      %dma_wait3A_123 = tpu.memref_slice %arg10[%add3A_73, %dma_wait3A_122] : memref<25088x64xf32, #tpu.memory_space<vmem_shared>> -> memref<128x64xf32, #tpu.memory_space<vmem_shared>>
      tpu.wait_dma2 semaphore(%run_scoped3A : memref<!tpu.dma_semaphore, #tpu.memory_space<semaphore_mem>>) src(%dma_wait3A_123 : memref<128x64xf32, #tpu.memory_space<vmem_shared>>) dst(%arg8 : memref<128x64xf32, #tpu.memory_space<vmem>>)
      tpu.yield
    }) : () -> ()
    "tpu.region"() ({
      %run_scoped3A = tpu.sem_alloc : memref<!tpu.dma_semaphore, #tpu.memory_space<semaphore_mem>>
      %dma_start3A = arith.constant 0 : i32
      %dma_start3A_118 = tpu.memref_slice %arg5[%arg0, %add3A_73, %dma_start3A] : memref<2x25088x64xf32, #tpu.memory_space<hbm>> -> memref<1x128x64xf32, #tpu.memory_space<hbm>>
      %dma_start3A_119 = tpu.memref_squeeze %dma_start3A_118 : memref<1x128x64xf32, #tpu.memory_space<hbm>> -> memref<128x64xf32, #tpu.memory_space<hbm>>
      %dma_start3A_120 = arith.constant 0 : i32
      %dma_start3A_121 = tpu.memref_slice %arg5[%arg0, %add3A_73, %dma_start3A_120] : memref<2x25088x64xf32, #tpu.memory_space<hbm>> -> memref<1x128x64xf32, #tpu.memory_space<hbm>>
      %dma_start3A_122 = tpu.memref_squeeze %dma_start3A_121 : memref<1x128x64xf32, #tpu.memory_space<hbm>> -> memref<128x64xf32, #tpu.memory_space<hbm>>
      tpu.enqueue_dma source(%arg8 : memref<128x64xf32, #tpu.memory_space<vmem>>) target(%dma_start3A_122 : memref<128x64xf32, #tpu.memory_space<hbm>>) target_semaphore(%run_scoped3A : memref<!tpu.dma_semaphore, #tpu.memory_space<semaphore_mem>>)
      %dma_wait3A = arith.constant 0 : i32
      %dma_wait3A_123 = tpu.memref_slice %arg5[%arg0, %add3A_73, %dma_wait3A] : memref<2x25088x64xf32, #tpu.memory_space<hbm>> -> memref<1x128x64xf32, #tpu.memory_space<hbm>>
      %dma_wait3A_124 = tpu.memref_squeeze %dma_wait3A_123 : memref<1x128x64xf32, #tpu.memory_space<hbm>> -> memref<128x64xf32, #tpu.memory_space<hbm>>
      %dma_wait3A_125 = arith.constant 0 : i32
      %dma_wait3A_126 = tpu.memref_slice %arg5[%arg0, %add3A_73, %dma_wait3A_125] : memref<2x25088x64xf32, #tpu.memory_space<hbm>> -> memref<1x128x64xf32, #tpu.memory_space<hbm>>
      %dma_wait3A_127 = tpu.memref_squeeze %dma_wait3A_126 : memref<1x128x64xf32, #tpu.memory_space<hbm>> -> memref<128x64xf32, #tpu.memory_space<hbm>>
      tpu.wait_dma2 semaphore(%run_scoped3A : memref<!tpu.dma_semaphore, #tpu.memory_space<semaphore_mem>>) src(%arg8 : memref<128x64xf32, #tpu.memory_space<vmem>>) dst(%dma_wait3A_127 : memref<128x64xf32, #tpu.memory_space<hbm>>)
      tpu.yield
    }) : () -> ()
    %mul3A_74 = arith.constant 1568 : i32
    %mul3A_75 = arith.muli %arg1, %mul3A_74 : i32
    %add3A_76 = arith.constant 256 : i32
    %add3A_77 = arith.addi %mul3A_75, %add3A_76 : i32
    "tpu.region"() ({
      %run_scoped3A = tpu.sem_alloc : memref<!tpu.dma_semaphore, #tpu.memory_space<semaphore_mem>>
      %dma_start3A = arith.constant 0 : i32
      %dma_start3A_118 = tpu.memref_slice %arg10[%add3A_77, %dma_start3A] : memref<25088x64xf32, #tpu.memory_space<vmem_shared>> -> memref<128x64xf32, #tpu.memory_space<vmem_shared>>
      %dma_start3A_119 = arith.constant 0 : i32
      %dma_start3A_120 = tpu.memref_slice %arg10[%add3A_77, %dma_start3A_119] : memref<25088x64xf32, #tpu.memory_space<vmem_shared>> -> memref<128x64xf32, #tpu.memory_space<vmem_shared>>
      tpu.enqueue_dma source(%dma_start3A_120 : memref<128x64xf32, #tpu.memory_space<vmem_shared>>) target(%arg8 : memref<128x64xf32, #tpu.memory_space<vmem>>) target_semaphore(%run_scoped3A : memref<!tpu.dma_semaphore, #tpu.memory_space<semaphore_mem>>)
      %dma_wait3A = arith.constant 0 : i32
      %dma_wait3A_121 = tpu.memref_slice %arg10[%add3A_77, %dma_wait3A] : memref<25088x64xf32, #tpu.memory_space<vmem_shared>> -> memref<128x64xf32, #tpu.memory_space<vmem_shared>>
      %dma_wait3A_122 = arith.constant 0 : i32
      %dma_wait3A_123 = tpu.memref_slice %arg10[%add3A_77, %dma_wait3A_122] : memref<25088x64xf32, #tpu.memory_space<vmem_shared>> -> memref<128x64xf32, #tpu.memory_space<vmem_shared>>
      tpu.wait_dma2 semaphore(%run_scoped3A : memref<!tpu.dma_semaphore, #tpu.memory_space<semaphore_mem>>) src(%dma_wait3A_123 : memref<128x64xf32, #tpu.memory_space<vmem_shared>>) dst(%arg8 : memref<128x64xf32, #tpu.memory_space<vmem>>)
      tpu.yield
    }) : () -> ()
    "tpu.region"() ({
      %run_scoped3A = tpu.sem_alloc : memref<!tpu.dma_semaphore, #tpu.memory_space<semaphore_mem>>
      %dma_start3A = arith.constant 0 : i32
      %dma_start3A_118 = tpu.memref_slice %arg5[%arg0, %add3A_77, %dma_start3A] : memref<2x25088x64xf32, #tpu.memory_space<hbm>> -> memref<1x128x64xf32, #tpu.memory_space<hbm>>
      %dma_start3A_119 = tpu.memref_squeeze %dma_start3A_118 : memref<1x128x64xf32, #tpu.memory_space<hbm>> -> memref<128x64xf32, #tpu.memory_space<hbm>>
      %dma_start3A_120 = arith.constant 0 : i32
      %dma_start3A_121 = tpu.memref_slice %arg5[%arg0, %add3A_77, %dma_start3A_120] : memref<2x25088x64xf32, #tpu.memory_space<hbm>> -> memref<1x128x64xf32, #tpu.memory_space<hbm>>
      %dma_start3A_122 = tpu.memref_squeeze %dma_start3A_121 : memref<1x128x64xf32, #tpu.memory_space<hbm>> -> memref<128x64xf32, #tpu.memory_space<hbm>>
      tpu.enqueue_dma source(%arg8 : memref<128x64xf32, #tpu.memory_space<vmem>>) target(%dma_start3A_122 : memref<128x64xf32, #tpu.memory_space<hbm>>) target_semaphore(%run_scoped3A : memref<!tpu.dma_semaphore, #tpu.memory_space<semaphore_mem>>)
      %dma_wait3A = arith.constant 0 : i32
      %dma_wait3A_123 = tpu.memref_slice %arg5[%arg0, %add3A_77, %dma_wait3A] : memref<2x25088x64xf32, #tpu.memory_space<hbm>> -> memref<1x128x64xf32, #tpu.memory_space<hbm>>
      %dma_wait3A_124 = tpu.memref_squeeze %dma_wait3A_123 : memref<1x128x64xf32, #tpu.memory_space<hbm>> -> memref<128x64xf32, #tpu.memory_space<hbm>>
      %dma_wait3A_125 = arith.constant 0 : i32
      %dma_wait3A_126 = tpu.memref_slice %arg5[%arg0, %add3A_77, %dma_wait3A_125] : memref<2x25088x64xf32, #tpu.memory_space<hbm>> -> memref<1x128x64xf32, #tpu.memory_space<hbm>>
      %dma_wait3A_127 = tpu.memref_squeeze %dma_wait3A_126 : memref<1x128x64xf32, #tpu.memory_space<hbm>> -> memref<128x64xf32, #tpu.memory_space<hbm>>
      tpu.wait_dma2 semaphore(%run_scoped3A : memref<!tpu.dma_semaphore, #tpu.memory_space<semaphore_mem>>) src(%arg8 : memref<128x64xf32, #tpu.memory_space<vmem>>) dst(%dma_wait3A_127 : memref<128x64xf32, #tpu.memory_space<hbm>>)
      tpu.yield
    }) : () -> ()
    %mul3A_78 = arith.constant 1568 : i32
    %mul3A_79 = arith.muli %arg1, %mul3A_78 : i32
    %add3A_80 = arith.constant 384 : i32
    %add3A_81 = arith.addi %mul3A_79, %add3A_80 : i32
    "tpu.region"() ({
      %run_scoped3A = tpu.sem_alloc : memref<!tpu.dma_semaphore, #tpu.memory_space<semaphore_mem>>
      %dma_start3A = arith.constant 0 : i32
      %dma_start3A_118 = tpu.memref_slice %arg10[%add3A_81, %dma_start3A] : memref<25088x64xf32, #tpu.memory_space<vmem_shared>> -> memref<128x64xf32, #tpu.memory_space<vmem_shared>>
      %dma_start3A_119 = arith.constant 0 : i32
      %dma_start3A_120 = tpu.memref_slice %arg10[%add3A_81, %dma_start3A_119] : memref<25088x64xf32, #tpu.memory_space<vmem_shared>> -> memref<128x64xf32, #tpu.memory_space<vmem_shared>>
      tpu.enqueue_dma source(%dma_start3A_120 : memref<128x64xf32, #tpu.memory_space<vmem_shared>>) target(%arg8 : memref<128x64xf32, #tpu.memory_space<vmem>>) target_semaphore(%run_scoped3A : memref<!tpu.dma_semaphore, #tpu.memory_space<semaphore_mem>>)
      %dma_wait3A = arith.constant 0 : i32
      %dma_wait3A_121 = tpu.memref_slice %arg10[%add3A_81, %dma_wait3A] : memref<25088x64xf32, #tpu.memory_space<vmem_shared>> -> memref<128x64xf32, #tpu.memory_space<vmem_shared>>
      %dma_wait3A_122 = arith.constant 0 : i32
      %dma_wait3A_123 = tpu.memref_slice %arg10[%add3A_81, %dma_wait3A_122] : memref<25088x64xf32, #tpu.memory_space<vmem_shared>> -> memref<128x64xf32, #tpu.memory_space<vmem_shared>>
      tpu.wait_dma2 semaphore(%run_scoped3A : memref<!tpu.dma_semaphore, #tpu.memory_space<semaphore_mem>>) src(%dma_wait3A_123 : memref<128x64xf32, #tpu.memory_space<vmem_shared>>) dst(%arg8 : memref<128x64xf32, #tpu.memory_space<vmem>>)
      tpu.yield
    }) : () -> ()
    "tpu.region"() ({
      %run_scoped3A = tpu.sem_alloc : memref<!tpu.dma_semaphore, #tpu.memory_space<semaphore_mem>>
      %dma_start3A = arith.constant 0 : i32
      %dma_start3A_118 = tpu.memref_slice %arg5[%arg0, %add3A_81, %dma_start3A] : memref<2x25088x64xf32, #tpu.memory_space<hbm>> -> memref<1x128x64xf32, #tpu.memory_space<hbm>>
      %dma_start3A_119 = tpu.memref_squeeze %dma_start3A_118 : memref<1x128x64xf32, #tpu.memory_space<hbm>> -> memref<128x64xf32, #tpu.memory_space<hbm>>
      %dma_start3A_120 = arith.constant 0 : i32
      %dma_start3A_121 = tpu.memref_slice %arg5[%arg0, %add3A_81, %dma_start3A_120] : memref<2x25088x64xf32, #tpu.memory_space<hbm>> -> memref<1x128x64xf32, #tpu.memory_space<hbm>>
      %dma_start3A_122 = tpu.memref_squeeze %dma_start3A_121 : memref<1x128x64xf32, #tpu.memory_space<hbm>> -> memref<128x64xf32, #tpu.memory_space<hbm>>
      tpu.enqueue_dma source(%arg8 : memref<128x64xf32, #tpu.memory_space<vmem>>) target(%dma_start3A_122 : memref<128x64xf32, #tpu.memory_space<hbm>>) target_semaphore(%run_scoped3A : memref<!tpu.dma_semaphore, #tpu.memory_space<semaphore_mem>>)
      %dma_wait3A = arith.constant 0 : i32
      %dma_wait3A_123 = tpu.memref_slice %arg5[%arg0, %add3A_81, %dma_wait3A] : memref<2x25088x64xf32, #tpu.memory_space<hbm>> -> memref<1x128x64xf32, #tpu.memory_space<hbm>>
      %dma_wait3A_124 = tpu.memref_squeeze %dma_wait3A_123 : memref<1x128x64xf32, #tpu.memory_space<hbm>> -> memref<128x64xf32, #tpu.memory_space<hbm>>
      %dma_wait3A_125 = arith.constant 0 : i32
      %dma_wait3A_126 = tpu.memref_slice %arg5[%arg0, %add3A_81, %dma_wait3A_125] : memref<2x25088x64xf32, #tpu.memory_space<hbm>> -> memref<1x128x64xf32, #tpu.memory_space<hbm>>
      %dma_wait3A_127 = tpu.memref_squeeze %dma_wait3A_126 : memref<1x128x64xf32, #tpu.memory_space<hbm>> -> memref<128x64xf32, #tpu.memory_space<hbm>>
      tpu.wait_dma2 semaphore(%run_scoped3A : memref<!tpu.dma_semaphore, #tpu.memory_space<semaphore_mem>>) src(%arg8 : memref<128x64xf32, #tpu.memory_space<vmem>>) dst(%dma_wait3A_127 : memref<128x64xf32, #tpu.memory_space<hbm>>)
      tpu.yield
    }) : () -> ()
    %mul3A_82 = arith.constant 1568 : i32
    %mul3A_83 = arith.muli %arg1, %mul3A_82 : i32
    %add3A_84 = arith.constant 512 : i32
    %add3A_85 = arith.addi %mul3A_83, %add3A_84 : i32
    "tpu.region"() ({
      %run_scoped3A = tpu.sem_alloc : memref<!tpu.dma_semaphore, #tpu.memory_space<semaphore_mem>>
      %dma_start3A = arith.constant 0 : i32
      %dma_start3A_118 = tpu.memref_slice %arg10[%add3A_85, %dma_start3A] : memref<25088x64xf32, #tpu.memory_space<vmem_shared>> -> memref<128x64xf32, #tpu.memory_space<vmem_shared>>
      %dma_start3A_119 = arith.constant 0 : i32
      %dma_start3A_120 = tpu.memref_slice %arg10[%add3A_85, %dma_start3A_119] : memref<25088x64xf32, #tpu.memory_space<vmem_shared>> -> memref<128x64xf32, #tpu.memory_space<vmem_shared>>
      tpu.enqueue_dma source(%dma_start3A_120 : memref<128x64xf32, #tpu.memory_space<vmem_shared>>) target(%arg8 : memref<128x64xf32, #tpu.memory_space<vmem>>) target_semaphore(%run_scoped3A : memref<!tpu.dma_semaphore, #tpu.memory_space<semaphore_mem>>)
      %dma_wait3A = arith.constant 0 : i32
      %dma_wait3A_121 = tpu.memref_slice %arg10[%add3A_85, %dma_wait3A] : memref<25088x64xf32, #tpu.memory_space<vmem_shared>> -> memref<128x64xf32, #tpu.memory_space<vmem_shared>>
      %dma_wait3A_122 = arith.constant 0 : i32
      %dma_wait3A_123 = tpu.memref_slice %arg10[%add3A_85, %dma_wait3A_122] : memref<25088x64xf32, #tpu.memory_space<vmem_shared>> -> memref<128x64xf32, #tpu.memory_space<vmem_shared>>
      tpu.wait_dma2 semaphore(%run_scoped3A : memref<!tpu.dma_semaphore, #tpu.memory_space<semaphore_mem>>) src(%dma_wait3A_123 : memref<128x64xf32, #tpu.memory_space<vmem_shared>>) dst(%arg8 : memref<128x64xf32, #tpu.memory_space<vmem>>)
      tpu.yield
    }) : () -> ()
    "tpu.region"() ({
      %run_scoped3A = tpu.sem_alloc : memref<!tpu.dma_semaphore, #tpu.memory_space<semaphore_mem>>
      %dma_start3A = arith.constant 0 : i32
      %dma_start3A_118 = tpu.memref_slice %arg5[%arg0, %add3A_85, %dma_start3A] : memref<2x25088x64xf32, #tpu.memory_space<hbm>> -> memref<1x128x64xf32, #tpu.memory_space<hbm>>
      %dma_start3A_119 = tpu.memref_squeeze %dma_start3A_118 : memref<1x128x64xf32, #tpu.memory_space<hbm>> -> memref<128x64xf32, #tpu.memory_space<hbm>>
      %dma_start3A_120 = arith.constant 0 : i32
      %dma_start3A_121 = tpu.memref_slice %arg5[%arg0, %add3A_85, %dma_start3A_120] : memref<2x25088x64xf32, #tpu.memory_space<hbm>> -> memref<1x128x64xf32, #tpu.memory_space<hbm>>
      %dma_start3A_122 = tpu.memref_squeeze %dma_start3A_121 : memref<1x128x64xf32, #tpu.memory_space<hbm>> -> memref<128x64xf32, #tpu.memory_space<hbm>>
      tpu.enqueue_dma source(%arg8 : memref<128x64xf32, #tpu.memory_space<vmem>>) target(%dma_start3A_122 : memref<128x64xf32, #tpu.memory_space<hbm>>) target_semaphore(%run_scoped3A : memref<!tpu.dma_semaphore, #tpu.memory_space<semaphore_mem>>)
      %dma_wait3A = arith.constant 0 : i32
      %dma_wait3A_123 = tpu.memref_slice %arg5[%arg0, %add3A_85, %dma_wait3A] : memref<2x25088x64xf32, #tpu.memory_space<hbm>> -> memref<1x128x64xf32, #tpu.memory_space<hbm>>
      %dma_wait3A_124 = tpu.memref_squeeze %dma_wait3A_123 : memref<1x128x64xf32, #tpu.memory_space<hbm>> -> memref<128x64xf32, #tpu.memory_space<hbm>>
      %dma_wait3A_125 = arith.constant 0 : i32
      %dma_wait3A_126 = tpu.memref_slice %arg5[%arg0, %add3A_85, %dma_wait3A_125] : memref<2x25088x64xf32, #tpu.memory_space<hbm>> -> memref<1x128x64xf32, #tpu.memory_space<hbm>>
      %dma_wait3A_127 = tpu.memref_squeeze %dma_wait3A_126 : memref<1x128x64xf32, #tpu.memory_space<hbm>> -> memref<128x64xf32, #tpu.memory_space<hbm>>
      tpu.wait_dma2 semaphore(%run_scoped3A : memref<!tpu.dma_semaphore, #tpu.memory_space<semaphore_mem>>) src(%arg8 : memref<128x64xf32, #tpu.memory_space<vmem>>) dst(%dma_wait3A_127 : memref<128x64xf32, #tpu.memory_space<hbm>>)
      tpu.yield
    }) : () -> ()
    %mul3A_86 = arith.constant 1568 : i32
    %mul3A_87 = arith.muli %arg1, %mul3A_86 : i32
    %add3A_88 = arith.constant 640 : i32
    %add3A_89 = arith.addi %mul3A_87, %add3A_88 : i32
    "tpu.region"() ({
      %run_scoped3A = tpu.sem_alloc : memref<!tpu.dma_semaphore, #tpu.memory_space<semaphore_mem>>
      %dma_start3A = arith.constant 0 : i32
      %dma_start3A_118 = tpu.memref_slice %arg10[%add3A_89, %dma_start3A] : memref<25088x64xf32, #tpu.memory_space<vmem_shared>> -> memref<128x64xf32, #tpu.memory_space<vmem_shared>>
      %dma_start3A_119 = arith.constant 0 : i32
      %dma_start3A_120 = tpu.memref_slice %arg10[%add3A_89, %dma_start3A_119] : memref<25088x64xf32, #tpu.memory_space<vmem_shared>> -> memref<128x64xf32, #tpu.memory_space<vmem_shared>>
      tpu.enqueue_dma source(%dma_start3A_120 : memref<128x64xf32, #tpu.memory_space<vmem_shared>>) target(%arg8 : memref<128x64xf32, #tpu.memory_space<vmem>>) target_semaphore(%run_scoped3A : memref<!tpu.dma_semaphore, #tpu.memory_space<semaphore_mem>>)
      %dma_wait3A = arith.constant 0 : i32
      %dma_wait3A_121 = tpu.memref_slice %arg10[%add3A_89, %dma_wait3A] : memref<25088x64xf32, #tpu.memory_space<vmem_shared>> -> memref<128x64xf32, #tpu.memory_space<vmem_shared>>
      %dma_wait3A_122 = arith.constant 0 : i32
      %dma_wait3A_123 = tpu.memref_slice %arg10[%add3A_89, %dma_wait3A_122] : memref<25088x64xf32, #tpu.memory_space<vmem_shared>> -> memref<128x64xf32, #tpu.memory_space<vmem_shared>>
      tpu.wait_dma2 semaphore(%run_scoped3A : memref<!tpu.dma_semaphore, #tpu.memory_space<semaphore_mem>>) src(%dma_wait3A_123 : memref<128x64xf32, #tpu.memory_space<vmem_shared>>) dst(%arg8 : memref<128x64xf32, #tpu.memory_space<vmem>>)
      tpu.yield
    }) : () -> ()
    "tpu.region"() ({
      %run_scoped3A = tpu.sem_alloc : memref<!tpu.dma_semaphore, #tpu.memory_space<semaphore_mem>>
      %dma_start3A = arith.constant 0 : i32
      %dma_start3A_118 = tpu.memref_slice %arg5[%arg0, %add3A_89, %dma_start3A] : memref<2x25088x64xf32, #tpu.memory_space<hbm>> -> memref<1x128x64xf32, #tpu.memory_space<hbm>>
      %dma_start3A_119 = tpu.memref_squeeze %dma_start3A_118 : memref<1x128x64xf32, #tpu.memory_space<hbm>> -> memref<128x64xf32, #tpu.memory_space<hbm>>
      %dma_start3A_120 = arith.constant 0 : i32
      %dma_start3A_121 = tpu.memref_slice %arg5[%arg0, %add3A_89, %dma_start3A_120] : memref<2x25088x64xf32, #tpu.memory_space<hbm>> -> memref<1x128x64xf32, #tpu.memory_space<hbm>>
      %dma_start3A_122 = tpu.memref_squeeze %dma_start3A_121 : memref<1x128x64xf32, #tpu.memory_space<hbm>> -> memref<128x64xf32, #tpu.memory_space<hbm>>
      tpu.enqueue_dma source(%arg8 : memref<128x64xf32, #tpu.memory_space<vmem>>) target(%dma_start3A_122 : memref<128x64xf32, #tpu.memory_space<hbm>>) target_semaphore(%run_scoped3A : memref<!tpu.dma_semaphore, #tpu.memory_space<semaphore_mem>>)
      %dma_wait3A = arith.constant 0 : i32
      %dma_wait3A_123 = tpu.memref_slice %arg5[%arg0, %add3A_89, %dma_wait3A] : memref<2x25088x64xf32, #tpu.memory_space<hbm>> -> memref<1x128x64xf32, #tpu.memory_space<hbm>>
      %dma_wait3A_124 = tpu.memref_squeeze %dma_wait3A_123 : memref<1x128x64xf32, #tpu.memory_space<hbm>> -> memref<128x64xf32, #tpu.memory_space<hbm>>
      %dma_wait3A_125 = arith.constant 0 : i32
      %dma_wait3A_126 = tpu.memref_slice %arg5[%arg0, %add3A_89, %dma_wait3A_125] : memref<2x25088x64xf32, #tpu.memory_space<hbm>> -> memref<1x128x64xf32, #tpu.memory_space<hbm>>
      %dma_wait3A_127 = tpu.memref_squeeze %dma_wait3A_126 : memref<1x128x64xf32, #tpu.memory_space<hbm>> -> memref<128x64xf32, #tpu.memory_space<hbm>>
      tpu.wait_dma2 semaphore(%run_scoped3A : memref<!tpu.dma_semaphore, #tpu.memory_space<semaphore_mem>>) src(%arg8 : memref<128x64xf32, #tpu.memory_space<vmem>>) dst(%dma_wait3A_127 : memref<128x64xf32, #tpu.memory_space<hbm>>)
      tpu.yield
    }) : () -> ()
    %mul3A_90 = arith.constant 1568 : i32
    %mul3A_91 = arith.muli %arg1, %mul3A_90 : i32
    %add3A_92 = arith.constant 768 : i32
    %add3A_93 = arith.addi %mul3A_91, %add3A_92 : i32
    "tpu.region"() ({
      %run_scoped3A = tpu.sem_alloc : memref<!tpu.dma_semaphore, #tpu.memory_space<semaphore_mem>>
      %dma_start3A = arith.constant 0 : i32
      %dma_start3A_118 = tpu.memref_slice %arg10[%add3A_93, %dma_start3A] : memref<25088x64xf32, #tpu.memory_space<vmem_shared>> -> memref<128x64xf32, #tpu.memory_space<vmem_shared>>
      %dma_start3A_119 = arith.constant 0 : i32
      %dma_start3A_120 = tpu.memref_slice %arg10[%add3A_93, %dma_start3A_119] : memref<25088x64xf32, #tpu.memory_space<vmem_shared>> -> memref<128x64xf32, #tpu.memory_space<vmem_shared>>
      tpu.enqueue_dma source(%dma_start3A_120 : memref<128x64xf32, #tpu.memory_space<vmem_shared>>) target(%arg8 : memref<128x64xf32, #tpu.memory_space<vmem>>) target_semaphore(%run_scoped3A : memref<!tpu.dma_semaphore, #tpu.memory_space<semaphore_mem>>)
      %dma_wait3A = arith.constant 0 : i32
      %dma_wait3A_121 = tpu.memref_slice %arg10[%add3A_93, %dma_wait3A] : memref<25088x64xf32, #tpu.memory_space<vmem_shared>> -> memref<128x64xf32, #tpu.memory_space<vmem_shared>>
      %dma_wait3A_122 = arith.constant 0 : i32
      %dma_wait3A_123 = tpu.memref_slice %arg10[%add3A_93, %dma_wait3A_122] : memref<25088x64xf32, #tpu.memory_space<vmem_shared>> -> memref<128x64xf32, #tpu.memory_space<vmem_shared>>
      tpu.wait_dma2 semaphore(%run_scoped3A : memref<!tpu.dma_semaphore, #tpu.memory_space<semaphore_mem>>) src(%dma_wait3A_123 : memref<128x64xf32, #tpu.memory_space<vmem_shared>>) dst(%arg8 : memref<128x64xf32, #tpu.memory_space<vmem>>)
      tpu.yield
    }) : () -> ()
    "tpu.region"() ({
      %run_scoped3A = tpu.sem_alloc : memref<!tpu.dma_semaphore, #tpu.memory_space<semaphore_mem>>
      %dma_start3A = arith.constant 0 : i32
      %dma_start3A_118 = tpu.memref_slice %arg5[%arg0, %add3A_93, %dma_start3A] : memref<2x25088x64xf32, #tpu.memory_space<hbm>> -> memref<1x128x64xf32, #tpu.memory_space<hbm>>
      %dma_start3A_119 = tpu.memref_squeeze %dma_start3A_118 : memref<1x128x64xf32, #tpu.memory_space<hbm>> -> memref<128x64xf32, #tpu.memory_space<hbm>>
      %dma_start3A_120 = arith.constant 0 : i32
      %dma_start3A_121 = tpu.memref_slice %arg5[%arg0, %add3A_93, %dma_start3A_120] : memref<2x25088x64xf32, #tpu.memory_space<hbm>> -> memref<1x128x64xf32, #tpu.memory_space<hbm>>
      %dma_start3A_122 = tpu.memref_squeeze %dma_start3A_121 : memref<1x128x64xf32, #tpu.memory_space<hbm>> -> memref<128x64xf32, #tpu.memory_space<hbm>>
      tpu.enqueue_dma source(%arg8 : memref<128x64xf32, #tpu.memory_space<vmem>>) target(%dma_start3A_122 : memref<128x64xf32, #tpu.memory_space<hbm>>) target_semaphore(%run_scoped3A : memref<!tpu.dma_semaphore, #tpu.memory_space<semaphore_mem>>)
      %dma_wait3A = arith.constant 0 : i32
      %dma_wait3A_123 = tpu.memref_slice %arg5[%arg0, %add3A_93, %dma_wait3A] : memref<2x25088x64xf32, #tpu.memory_space<hbm>> -> memref<1x128x64xf32, #tpu.memory_space<hbm>>
      %dma_wait3A_124 = tpu.memref_squeeze %dma_wait3A_123 : memref<1x128x64xf32, #tpu.memory_space<hbm>> -> memref<128x64xf32, #tpu.memory_space<hbm>>
      %dma_wait3A_125 = arith.constant 0 : i32
      %dma_wait3A_126 = tpu.memref_slice %arg5[%arg0, %add3A_93, %dma_wait3A_125] : memref<2x25088x64xf32, #tpu.memory_space<hbm>> -> memref<1x128x64xf32, #tpu.memory_space<hbm>>
      %dma_wait3A_127 = tpu.memref_squeeze %dma_wait3A_126 : memref<1x128x64xf32, #tpu.memory_space<hbm>> -> memref<128x64xf32, #tpu.memory_space<hbm>>
      tpu.wait_dma2 semaphore(%run_scoped3A : memref<!tpu.dma_semaphore, #tpu.memory_space<semaphore_mem>>) src(%arg8 : memref<128x64xf32, #tpu.memory_space<vmem>>) dst(%dma_wait3A_127 : memref<128x64xf32, #tpu.memory_space<hbm>>)
      tpu.yield
    }) : () -> ()
    %mul3A_94 = arith.constant 1568 : i32
    %mul3A_95 = arith.muli %arg1, %mul3A_94 : i32
    %add3A_96 = arith.constant 896 : i32
    %add3A_97 = arith.addi %mul3A_95, %add3A_96 : i32
    "tpu.region"() ({
      %run_scoped3A = tpu.sem_alloc : memref<!tpu.dma_semaphore, #tpu.memory_space<semaphore_mem>>
      %dma_start3A = arith.constant 0 : i32
      %dma_start3A_118 = tpu.memref_slice %arg10[%add3A_97, %dma_start3A] : memref<25088x64xf32, #tpu.memory_space<vmem_shared>> -> memref<128x64xf32, #tpu.memory_space<vmem_shared>>
      %dma_start3A_119 = arith.constant 0 : i32
      %dma_start3A_120 = tpu.memref_slice %arg10[%add3A_97, %dma_start3A_119] : memref<25088x64xf32, #tpu.memory_space<vmem_shared>> -> memref<128x64xf32, #tpu.memory_space<vmem_shared>>
      tpu.enqueue_dma source(%dma_start3A_120 : memref<128x64xf32, #tpu.memory_space<vmem_shared>>) target(%arg8 : memref<128x64xf32, #tpu.memory_space<vmem>>) target_semaphore(%run_scoped3A : memref<!tpu.dma_semaphore, #tpu.memory_space<semaphore_mem>>)
      %dma_wait3A = arith.constant 0 : i32
      %dma_wait3A_121 = tpu.memref_slice %arg10[%add3A_97, %dma_wait3A] : memref<25088x64xf32, #tpu.memory_space<vmem_shared>> -> memref<128x64xf32, #tpu.memory_space<vmem_shared>>
      %dma_wait3A_122 = arith.constant 0 : i32
      %dma_wait3A_123 = tpu.memref_slice %arg10[%add3A_97, %dma_wait3A_122] : memref<25088x64xf32, #tpu.memory_space<vmem_shared>> -> memref<128x64xf32, #tpu.memory_space<vmem_shared>>
      tpu.wait_dma2 semaphore(%run_scoped3A : memref<!tpu.dma_semaphore, #tpu.memory_space<semaphore_mem>>) src(%dma_wait3A_123 : memref<128x64xf32, #tpu.memory_space<vmem_shared>>) dst(%arg8 : memref<128x64xf32, #tpu.memory_space<vmem>>)
      tpu.yield
    }) : () -> ()
    "tpu.region"() ({
      %run_scoped3A = tpu.sem_alloc : memref<!tpu.dma_semaphore, #tpu.memory_space<semaphore_mem>>
      %dma_start3A = arith.constant 0 : i32
      %dma_start3A_118 = tpu.memref_slice %arg5[%arg0, %add3A_97, %dma_start3A] : memref<2x25088x64xf32, #tpu.memory_space<hbm>> -> memref<1x128x64xf32, #tpu.memory_space<hbm>>
      %dma_start3A_119 = tpu.memref_squeeze %dma_start3A_118 : memref<1x128x64xf32, #tpu.memory_space<hbm>> -> memref<128x64xf32, #tpu.memory_space<hbm>>
      %dma_start3A_120 = arith.constant 0 : i32
      %dma_start3A_121 = tpu.memref_slice %arg5[%arg0, %add3A_97, %dma_start3A_120] : memref<2x25088x64xf32, #tpu.memory_space<hbm>> -> memref<1x128x64xf32, #tpu.memory_space<hbm>>
      %dma_start3A_122 = tpu.memref_squeeze %dma_start3A_121 : memref<1x128x64xf32, #tpu.memory_space<hbm>> -> memref<128x64xf32, #tpu.memory_space<hbm>>
      tpu.enqueue_dma source(%arg8 : memref<128x64xf32, #tpu.memory_space<vmem>>) target(%dma_start3A_122 : memref<128x64xf32, #tpu.memory_space<hbm>>) target_semaphore(%run_scoped3A : memref<!tpu.dma_semaphore, #tpu.memory_space<semaphore_mem>>)
      %dma_wait3A = arith.constant 0 : i32
      %dma_wait3A_123 = tpu.memref_slice %arg5[%arg0, %add3A_97, %dma_wait3A] : memref<2x25088x64xf32, #tpu.memory_space<hbm>> -> memref<1x128x64xf32, #tpu.memory_space<hbm>>
      %dma_wait3A_124 = tpu.memref_squeeze %dma_wait3A_123 : memref<1x128x64xf32, #tpu.memory_space<hbm>> -> memref<128x64xf32, #tpu.memory_space<hbm>>
      %dma_wait3A_125 = arith.constant 0 : i32
      %dma_wait3A_126 = tpu.memref_slice %arg5[%arg0, %add3A_97, %dma_wait3A_125] : memref<2x25088x64xf32, #tpu.memory_space<hbm>> -> memref<1x128x64xf32, #tpu.memory_space<hbm>>
      %dma_wait3A_127 = tpu.memref_squeeze %dma_wait3A_126 : memref<1x128x64xf32, #tpu.memory_space<hbm>> -> memref<128x64xf32, #tpu.memory_space<hbm>>
      tpu.wait_dma2 semaphore(%run_scoped3A : memref<!tpu.dma_semaphore, #tpu.memory_space<semaphore_mem>>) src(%arg8 : memref<128x64xf32, #tpu.memory_space<vmem>>) dst(%dma_wait3A_127 : memref<128x64xf32, #tpu.memory_space<hbm>>)
      tpu.yield
    }) : () -> ()
    %mul3A_98 = arith.constant 1568 : i32
    %mul3A_99 = arith.muli %arg1, %mul3A_98 : i32
    %add3A_100 = arith.constant 1024 : i32
    %add3A_101 = arith.addi %mul3A_99, %add3A_100 : i32
    "tpu.region"() ({
      %run_scoped3A = tpu.sem_alloc : memref<!tpu.dma_semaphore, #tpu.memory_space<semaphore_mem>>
      %dma_start3A = arith.constant 0 : i32
      %dma_start3A_118 = tpu.memref_slice %arg10[%add3A_101, %dma_start3A] : memref<25088x64xf32, #tpu.memory_space<vmem_shared>> -> memref<128x64xf32, #tpu.memory_space<vmem_shared>>
      %dma_start3A_119 = arith.constant 0 : i32
      %dma_start3A_120 = tpu.memref_slice %arg10[%add3A_101, %dma_start3A_119] : memref<25088x64xf32, #tpu.memory_space<vmem_shared>> -> memref<128x64xf32, #tpu.memory_space<vmem_shared>>
      tpu.enqueue_dma source(%dma_start3A_120 : memref<128x64xf32, #tpu.memory_space<vmem_shared>>) target(%arg8 : memref<128x64xf32, #tpu.memory_space<vmem>>) target_semaphore(%run_scoped3A : memref<!tpu.dma_semaphore, #tpu.memory_space<semaphore_mem>>)
      %dma_wait3A = arith.constant 0 : i32
      %dma_wait3A_121 = tpu.memref_slice %arg10[%add3A_101, %dma_wait3A] : memref<25088x64xf32, #tpu.memory_space<vmem_shared>> -> memref<128x64xf32, #tpu.memory_space<vmem_shared>>
      %dma_wait3A_122 = arith.constant 0 : i32
      %dma_wait3A_123 = tpu.memref_slice %arg10[%add3A_101, %dma_wait3A_122] : memref<25088x64xf32, #tpu.memory_space<vmem_shared>> -> memref<128x64xf32, #tpu.memory_space<vmem_shared>>
      tpu.wait_dma2 semaphore(%run_scoped3A : memref<!tpu.dma_semaphore, #tpu.memory_space<semaphore_mem>>) src(%dma_wait3A_123 : memref<128x64xf32, #tpu.memory_space<vmem_shared>>) dst(%arg8 : memref<128x64xf32, #tpu.memory_space<vmem>>)
      tpu.yield
    }) : () -> ()
    "tpu.region"() ({
      %run_scoped3A = tpu.sem_alloc : memref<!tpu.dma_semaphore, #tpu.memory_space<semaphore_mem>>
      %dma_start3A = arith.constant 0 : i32
      %dma_start3A_118 = tpu.memref_slice %arg5[%arg0, %add3A_101, %dma_start3A] : memref<2x25088x64xf32, #tpu.memory_space<hbm>> -> memref<1x128x64xf32, #tpu.memory_space<hbm>>
      %dma_start3A_119 = tpu.memref_squeeze %dma_start3A_118 : memref<1x128x64xf32, #tpu.memory_space<hbm>> -> memref<128x64xf32, #tpu.memory_space<hbm>>
      %dma_start3A_120 = arith.constant 0 : i32
      %dma_start3A_121 = tpu.memref_slice %arg5[%arg0, %add3A_101, %dma_start3A_120] : memref<2x25088x64xf32, #tpu.memory_space<hbm>> -> memref<1x128x64xf32, #tpu.memory_space<hbm>>
      %dma_start3A_122 = tpu.memref_squeeze %dma_start3A_121 : memref<1x128x64xf32, #tpu.memory_space<hbm>> -> memref<128x64xf32, #tpu.memory_space<hbm>>
      tpu.enqueue_dma source(%arg8 : memref<128x64xf32, #tpu.memory_space<vmem>>) target(%dma_start3A_122 : memref<128x64xf32, #tpu.memory_space<hbm>>) target_semaphore(%run_scoped3A : memref<!tpu.dma_semaphore, #tpu.memory_space<semaphore_mem>>)
      %dma_wait3A = arith.constant 0 : i32
      %dma_wait3A_123 = tpu.memref_slice %arg5[%arg0, %add3A_101, %dma_wait3A] : memref<2x25088x64xf32, #tpu.memory_space<hbm>> -> memref<1x128x64xf32, #tpu.memory_space<hbm>>
      %dma_wait3A_124 = tpu.memref_squeeze %dma_wait3A_123 : memref<1x128x64xf32, #tpu.memory_space<hbm>> -> memref<128x64xf32, #tpu.memory_space<hbm>>
      %dma_wait3A_125 = arith.constant 0 : i32
      %dma_wait3A_126 = tpu.memref_slice %arg5[%arg0, %add3A_101, %dma_wait3A_125] : memref<2x25088x64xf32, #tpu.memory_space<hbm>> -> memref<1x128x64xf32, #tpu.memory_space<hbm>>
      %dma_wait3A_127 = tpu.memref_squeeze %dma_wait3A_126 : memref<1x128x64xf32, #tpu.memory_space<hbm>> -> memref<128x64xf32, #tpu.memory_space<hbm>>
      tpu.wait_dma2 semaphore(%run_scoped3A : memref<!tpu.dma_semaphore, #tpu.memory_space<semaphore_mem>>) src(%arg8 : memref<128x64xf32, #tpu.memory_space<vmem>>) dst(%dma_wait3A_127 : memref<128x64xf32, #tpu.memory_space<hbm>>)
      tpu.yield
    }) : () -> ()
    %mul3A_102 = arith.constant 1568 : i32
    %mul3A_103 = arith.muli %arg1, %mul3A_102 : i32
    %add3A_104 = arith.constant 1152 : i32
    %add3A_105 = arith.addi %mul3A_103, %add3A_104 : i32
    "tpu.region"() ({
      %run_scoped3A = tpu.sem_alloc : memref<!tpu.dma_semaphore, #tpu.memory_space<semaphore_mem>>
      %dma_start3A = arith.constant 0 : i32
      %dma_start3A_118 = tpu.memref_slice %arg10[%add3A_105, %dma_start3A] : memref<25088x64xf32, #tpu.memory_space<vmem_shared>> -> memref<128x64xf32, #tpu.memory_space<vmem_shared>>
      %dma_start3A_119 = arith.constant 0 : i32
      %dma_start3A_120 = tpu.memref_slice %arg10[%add3A_105, %dma_start3A_119] : memref<25088x64xf32, #tpu.memory_space<vmem_shared>> -> memref<128x64xf32, #tpu.memory_space<vmem_shared>>
      tpu.enqueue_dma source(%dma_start3A_120 : memref<128x64xf32, #tpu.memory_space<vmem_shared>>) target(%arg8 : memref<128x64xf32, #tpu.memory_space<vmem>>) target_semaphore(%run_scoped3A : memref<!tpu.dma_semaphore, #tpu.memory_space<semaphore_mem>>)
      %dma_wait3A = arith.constant 0 : i32
      %dma_wait3A_121 = tpu.memref_slice %arg10[%add3A_105, %dma_wait3A] : memref<25088x64xf32, #tpu.memory_space<vmem_shared>> -> memref<128x64xf32, #tpu.memory_space<vmem_shared>>
      %dma_wait3A_122 = arith.constant 0 : i32
      %dma_wait3A_123 = tpu.memref_slice %arg10[%add3A_105, %dma_wait3A_122] : memref<25088x64xf32, #tpu.memory_space<vmem_shared>> -> memref<128x64xf32, #tpu.memory_space<vmem_shared>>
      tpu.wait_dma2 semaphore(%run_scoped3A : memref<!tpu.dma_semaphore, #tpu.memory_space<semaphore_mem>>) src(%dma_wait3A_123 : memref<128x64xf32, #tpu.memory_space<vmem_shared>>) dst(%arg8 : memref<128x64xf32, #tpu.memory_space<vmem>>)
      tpu.yield
    }) : () -> ()
    "tpu.region"() ({
      %run_scoped3A = tpu.sem_alloc : memref<!tpu.dma_semaphore, #tpu.memory_space<semaphore_mem>>
      %dma_start3A = arith.constant 0 : i32
      %dma_start3A_118 = tpu.memref_slice %arg5[%arg0, %add3A_105, %dma_start3A] : memref<2x25088x64xf32, #tpu.memory_space<hbm>> -> memref<1x128x64xf32, #tpu.memory_space<hbm>>
      %dma_start3A_119 = tpu.memref_squeeze %dma_start3A_118 : memref<1x128x64xf32, #tpu.memory_space<hbm>> -> memref<128x64xf32, #tpu.memory_space<hbm>>
      %dma_start3A_120 = arith.constant 0 : i32
      %dma_start3A_121 = tpu.memref_slice %arg5[%arg0, %add3A_105, %dma_start3A_120] : memref<2x25088x64xf32, #tpu.memory_space<hbm>> -> memref<1x128x64xf32, #tpu.memory_space<hbm>>
      %dma_start3A_122 = tpu.memref_squeeze %dma_start3A_121 : memref<1x128x64xf32, #tpu.memory_space<hbm>> -> memref<128x64xf32, #tpu.memory_space<hbm>>
      tpu.enqueue_dma source(%arg8 : memref<128x64xf32, #tpu.memory_space<vmem>>) target(%dma_start3A_122 : memref<128x64xf32, #tpu.memory_space<hbm>>) target_semaphore(%run_scoped3A : memref<!tpu.dma_semaphore, #tpu.memory_space<semaphore_mem>>)
      %dma_wait3A = arith.constant 0 : i32
      %dma_wait3A_123 = tpu.memref_slice %arg5[%arg0, %add3A_105, %dma_wait3A] : memref<2x25088x64xf32, #tpu.memory_space<hbm>> -> memref<1x128x64xf32, #tpu.memory_space<hbm>>
      %dma_wait3A_124 = tpu.memref_squeeze %dma_wait3A_123 : memref<1x128x64xf32, #tpu.memory_space<hbm>> -> memref<128x64xf32, #tpu.memory_space<hbm>>
      %dma_wait3A_125 = arith.constant 0 : i32
      %dma_wait3A_126 = tpu.memref_slice %arg5[%arg0, %add3A_105, %dma_wait3A_125] : memref<2x25088x64xf32, #tpu.memory_space<hbm>> -> memref<1x128x64xf32, #tpu.memory_space<hbm>>
      %dma_wait3A_127 = tpu.memref_squeeze %dma_wait3A_126 : memref<1x128x64xf32, #tpu.memory_space<hbm>> -> memref<128x64xf32, #tpu.memory_space<hbm>>
      tpu.wait_dma2 semaphore(%run_scoped3A : memref<!tpu.dma_semaphore, #tpu.memory_space<semaphore_mem>>) src(%arg8 : memref<128x64xf32, #tpu.memory_space<vmem>>) dst(%dma_wait3A_127 : memref<128x64xf32, #tpu.memory_space<hbm>>)
      tpu.yield
    }) : () -> ()
    %mul3A_106 = arith.constant 1568 : i32
    %mul3A_107 = arith.muli %arg1, %mul3A_106 : i32
    %add3A_108 = arith.constant 1280 : i32
    %add3A_109 = arith.addi %mul3A_107, %add3A_108 : i32
    "tpu.region"() ({
      %run_scoped3A = tpu.sem_alloc : memref<!tpu.dma_semaphore, #tpu.memory_space<semaphore_mem>>
      %dma_start3A = arith.constant 0 : i32
      %dma_start3A_118 = tpu.memref_slice %arg10[%add3A_109, %dma_start3A] : memref<25088x64xf32, #tpu.memory_space<vmem_shared>> -> memref<128x64xf32, #tpu.memory_space<vmem_shared>>
      %dma_start3A_119 = arith.constant 0 : i32
      %dma_start3A_120 = tpu.memref_slice %arg10[%add3A_109, %dma_start3A_119] : memref<25088x64xf32, #tpu.memory_space<vmem_shared>> -> memref<128x64xf32, #tpu.memory_space<vmem_shared>>
      tpu.enqueue_dma source(%dma_start3A_120 : memref<128x64xf32, #tpu.memory_space<vmem_shared>>) target(%arg8 : memref<128x64xf32, #tpu.memory_space<vmem>>) target_semaphore(%run_scoped3A : memref<!tpu.dma_semaphore, #tpu.memory_space<semaphore_mem>>)
      %dma_wait3A = arith.constant 0 : i32
      %dma_wait3A_121 = tpu.memref_slice %arg10[%add3A_109, %dma_wait3A] : memref<25088x64xf32, #tpu.memory_space<vmem_shared>> -> memref<128x64xf32, #tpu.memory_space<vmem_shared>>
      %dma_wait3A_122 = arith.constant 0 : i32
      %dma_wait3A_123 = tpu.memref_slice %arg10[%add3A_109, %dma_wait3A_122] : memref<25088x64xf32, #tpu.memory_space<vmem_shared>> -> memref<128x64xf32, #tpu.memory_space<vmem_shared>>
      tpu.wait_dma2 semaphore(%run_scoped3A : memref<!tpu.dma_semaphore, #tpu.memory_space<semaphore_mem>>) src(%dma_wait3A_123 : memref<128x64xf32, #tpu.memory_space<vmem_shared>>) dst(%arg8 : memref<128x64xf32, #tpu.memory_space<vmem>>)
      tpu.yield
    }) : () -> ()
    "tpu.region"() ({
      %run_scoped3A = tpu.sem_alloc : memref<!tpu.dma_semaphore, #tpu.memory_space<semaphore_mem>>
      %dma_start3A = arith.constant 0 : i32
      %dma_start3A_118 = tpu.memref_slice %arg5[%arg0, %add3A_109, %dma_start3A] : memref<2x25088x64xf32, #tpu.memory_space<hbm>> -> memref<1x128x64xf32, #tpu.memory_space<hbm>>
      %dma_start3A_119 = tpu.memref_squeeze %dma_start3A_118 : memref<1x128x64xf32, #tpu.memory_space<hbm>> -> memref<128x64xf32, #tpu.memory_space<hbm>>
      %dma_start3A_120 = arith.constant 0 : i32
      %dma_start3A_121 = tpu.memref_slice %arg5[%arg0, %add3A_109, %dma_start3A_120] : memref<2x25088x64xf32, #tpu.memory_space<hbm>> -> memref<1x128x64xf32, #tpu.memory_space<hbm>>
      %dma_start3A_122 = tpu.memref_squeeze %dma_start3A_121 : memref<1x128x64xf32, #tpu.memory_space<hbm>> -> memref<128x64xf32, #tpu.memory_space<hbm>>
      tpu.enqueue_dma source(%arg8 : memref<128x64xf32, #tpu.memory_space<vmem>>) target(%dma_start3A_122 : memref<128x64xf32, #tpu.memory_space<hbm>>) target_semaphore(%run_scoped3A : memref<!tpu.dma_semaphore, #tpu.memory_space<semaphore_mem>>)
      %dma_wait3A = arith.constant 0 : i32
      %dma_wait3A_123 = tpu.memref_slice %arg5[%arg0, %add3A_109, %dma_wait3A] : memref<2x25088x64xf32, #tpu.memory_space<hbm>> -> memref<1x128x64xf32, #tpu.memory_space<hbm>>
      %dma_wait3A_124 = tpu.memref_squeeze %dma_wait3A_123 : memref<1x128x64xf32, #tpu.memory_space<hbm>> -> memref<128x64xf32, #tpu.memory_space<hbm>>
      %dma_wait3A_125 = arith.constant 0 : i32
      %dma_wait3A_126 = tpu.memref_slice %arg5[%arg0, %add3A_109, %dma_wait3A_125] : memref<2x25088x64xf32, #tpu.memory_space<hbm>> -> memref<1x128x64xf32, #tpu.memory_space<hbm>>
      %dma_wait3A_127 = tpu.memref_squeeze %dma_wait3A_126 : memref<1x128x64xf32, #tpu.memory_space<hbm>> -> memref<128x64xf32, #tpu.memory_space<hbm>>
      tpu.wait_dma2 semaphore(%run_scoped3A : memref<!tpu.dma_semaphore, #tpu.memory_space<semaphore_mem>>) src(%arg8 : memref<128x64xf32, #tpu.memory_space<vmem>>) dst(%dma_wait3A_127 : memref<128x64xf32, #tpu.memory_space<hbm>>)
      tpu.yield
    }) : () -> ()
    %mul3A_110 = arith.constant 1568 : i32
    %mul3A_111 = arith.muli %arg1, %mul3A_110 : i32
    %add3A_112 = arith.constant 1408 : i32
    %add3A_113 = arith.addi %mul3A_111, %add3A_112 : i32
    "tpu.region"() ({
      %run_scoped3A = tpu.sem_alloc : memref<!tpu.dma_semaphore, #tpu.memory_space<semaphore_mem>>
      %dma_start3A = arith.constant 0 : i32
      %dma_start3A_118 = tpu.memref_slice %arg10[%add3A_113, %dma_start3A] : memref<25088x64xf32, #tpu.memory_space<vmem_shared>> -> memref<128x64xf32, #tpu.memory_space<vmem_shared>>
      %dma_start3A_119 = arith.constant 0 : i32
      %dma_start3A_120 = tpu.memref_slice %arg10[%add3A_113, %dma_start3A_119] : memref<25088x64xf32, #tpu.memory_space<vmem_shared>> -> memref<128x64xf32, #tpu.memory_space<vmem_shared>>
      tpu.enqueue_dma source(%dma_start3A_120 : memref<128x64xf32, #tpu.memory_space<vmem_shared>>) target(%arg8 : memref<128x64xf32, #tpu.memory_space<vmem>>) target_semaphore(%run_scoped3A : memref<!tpu.dma_semaphore, #tpu.memory_space<semaphore_mem>>)
      %dma_wait3A = arith.constant 0 : i32
      %dma_wait3A_121 = tpu.memref_slice %arg10[%add3A_113, %dma_wait3A] : memref<25088x64xf32, #tpu.memory_space<vmem_shared>> -> memref<128x64xf32, #tpu.memory_space<vmem_shared>>
      %dma_wait3A_122 = arith.constant 0 : i32
      %dma_wait3A_123 = tpu.memref_slice %arg10[%add3A_113, %dma_wait3A_122] : memref<25088x64xf32, #tpu.memory_space<vmem_shared>> -> memref<128x64xf32, #tpu.memory_space<vmem_shared>>
      tpu.wait_dma2 semaphore(%run_scoped3A : memref<!tpu.dma_semaphore, #tpu.memory_space<semaphore_mem>>) src(%dma_wait3A_123 : memref<128x64xf32, #tpu.memory_space<vmem_shared>>) dst(%arg8 : memref<128x64xf32, #tpu.memory_space<vmem>>)
      tpu.yield
    }) : () -> ()
    "tpu.region"() ({
      %run_scoped3A = tpu.sem_alloc : memref<!tpu.dma_semaphore, #tpu.memory_space<semaphore_mem>>
      %dma_start3A = arith.constant 0 : i32
      %dma_start3A_118 = tpu.memref_slice %arg5[%arg0, %add3A_113, %dma_start3A] : memref<2x25088x64xf32, #tpu.memory_space<hbm>> -> memref<1x128x64xf32, #tpu.memory_space<hbm>>
      %dma_start3A_119 = tpu.memref_squeeze %dma_start3A_118 : memref<1x128x64xf32, #tpu.memory_space<hbm>> -> memref<128x64xf32, #tpu.memory_space<hbm>>
      %dma_start3A_120 = arith.constant 0 : i32
      %dma_start3A_121 = tpu.memref_slice %arg5[%arg0, %add3A_113, %dma_start3A_120] : memref<2x25088x64xf32, #tpu.memory_space<hbm>> -> memref<1x128x64xf32, #tpu.memory_space<hbm>>
      %dma_start3A_122 = tpu.memref_squeeze %dma_start3A_121 : memref<1x128x64xf32, #tpu.memory_space<hbm>> -> memref<128x64xf32, #tpu.memory_space<hbm>>
      tpu.enqueue_dma source(%arg8 : memref<128x64xf32, #tpu.memory_space<vmem>>) target(%dma_start3A_122 : memref<128x64xf32, #tpu.memory_space<hbm>>) target_semaphore(%run_scoped3A : memref<!tpu.dma_semaphore, #tpu.memory_space<semaphore_mem>>)
      %dma_wait3A = arith.constant 0 : i32
      %dma_wait3A_123 = tpu.memref_slice %arg5[%arg0, %add3A_113, %dma_wait3A] : memref<2x25088x64xf32, #tpu.memory_space<hbm>> -> memref<1x128x64xf32, #tpu.memory_space<hbm>>
      %dma_wait3A_124 = tpu.memref_squeeze %dma_wait3A_123 : memref<1x128x64xf32, #tpu.memory_space<hbm>> -> memref<128x64xf32, #tpu.memory_space<hbm>>
      %dma_wait3A_125 = arith.constant 0 : i32
      %dma_wait3A_126 = tpu.memref_slice %arg5[%arg0, %add3A_113, %dma_wait3A_125] : memref<2x25088x64xf32, #tpu.memory_space<hbm>> -> memref<1x128x64xf32, #tpu.memory_space<hbm>>
      %dma_wait3A_127 = tpu.memref_squeeze %dma_wait3A_126 : memref<1x128x64xf32, #tpu.memory_space<hbm>> -> memref<128x64xf32, #tpu.memory_space<hbm>>
      tpu.wait_dma2 semaphore(%run_scoped3A : memref<!tpu.dma_semaphore, #tpu.memory_space<semaphore_mem>>) src(%arg8 : memref<128x64xf32, #tpu.memory_space<vmem>>) dst(%dma_wait3A_127 : memref<128x64xf32, #tpu.memory_space<hbm>>)
      tpu.yield
    }) : () -> ()
    %mul3A_114 = arith.constant 1568 : i32
    %mul3A_115 = arith.muli %arg1, %mul3A_114 : i32
    %add3A_116 = arith.constant 1536 : i32
    %add3A_117 = arith.addi %mul3A_115, %add3A_116 : i32
    "tpu.region"() ({
      %run_scoped3A = tpu.sem_alloc : memref<!tpu.dma_semaphore, #tpu.memory_space<semaphore_mem>>
      %dma_start3A = arith.constant 0 : i32
      %dma_start3A_118 = arith.constant 0 : i32
      %dma_start3A_119 = tpu.memref_slice %arg8[%dma_start3A, %dma_start3A_118] : memref<128x64xf32, #tpu.memory_space<vmem>> -> memref<32x64xf32, #tpu.memory_space<vmem>>
      %dma_start3A_120 = arith.constant 0 : i32
      %dma_start3A_121 = tpu.memref_slice %arg10[%add3A_117, %dma_start3A_120] : memref<25088x64xf32, #tpu.memory_space<vmem_shared>> -> memref<32x64xf32, #tpu.memory_space<vmem_shared>>
      %dma_start3A_122 = arith.constant 0 : i32
      %dma_start3A_123 = arith.constant 0 : i32
      %dma_start3A_124 = tpu.memref_slice %arg8[%dma_start3A_122, %dma_start3A_123] : memref<128x64xf32, #tpu.memory_space<vmem>> -> memref<32x64xf32, #tpu.memory_space<vmem>>
      %dma_start3A_125 = arith.constant 0 : i32
      %dma_start3A_126 = tpu.memref_slice %arg10[%add3A_117, %dma_start3A_125] : memref<25088x64xf32, #tpu.memory_space<vmem_shared>> -> memref<32x64xf32, #tpu.memory_space<vmem_shared>>
      tpu.enqueue_dma source(%dma_start3A_126 : memref<32x64xf32, #tpu.memory_space<vmem_shared>>) target(%dma_start3A_124 : memref<32x64xf32, #tpu.memory_space<vmem>>) target_semaphore(%run_scoped3A : memref<!tpu.dma_semaphore, #tpu.memory_space<semaphore_mem>>)
      %dma_wait3A = arith.constant 0 : i32
      %dma_wait3A_127 = arith.constant 0 : i32
      %dma_wait3A_128 = tpu.memref_slice %arg8[%dma_wait3A, %dma_wait3A_127] : memref<128x64xf32, #tpu.memory_space<vmem>> -> memref<32x64xf32, #tpu.memory_space<vmem>>
      %dma_wait3A_129 = arith.constant 0 : i32
      %dma_wait3A_130 = tpu.memref_slice %arg10[%add3A_117, %dma_wait3A_129] : memref<25088x64xf32, #tpu.memory_space<vmem_shared>> -> memref<32x64xf32, #tpu.memory_space<vmem_shared>>
      %dma_wait3A_131 = arith.constant 0 : i32
      %dma_wait3A_132 = arith.constant 0 : i32
      %dma_wait3A_133 = tpu.memref_slice %arg8[%dma_wait3A_131, %dma_wait3A_132] : memref<128x64xf32, #tpu.memory_space<vmem>> -> memref<32x64xf32, #tpu.memory_space<vmem>>
      %dma_wait3A_134 = arith.constant 0 : i32
      %dma_wait3A_135 = tpu.memref_slice %arg10[%add3A_117, %dma_wait3A_134] : memref<25088x64xf32, #tpu.memory_space<vmem_shared>> -> memref<32x64xf32, #tpu.memory_space<vmem_shared>>
      tpu.wait_dma2 semaphore(%run_scoped3A : memref<!tpu.dma_semaphore, #tpu.memory_space<semaphore_mem>>) src(%dma_wait3A_135 : memref<32x64xf32, #tpu.memory_space<vmem_shared>>) dst(%dma_wait3A_133 : memref<32x64xf32, #tpu.memory_space<vmem>>)
      tpu.yield
    }) : () -> ()
    "tpu.region"() ({
      %run_scoped3A = tpu.sem_alloc : memref<!tpu.dma_semaphore, #tpu.memory_space<semaphore_mem>>
      %dma_start3A = arith.constant 0 : i32
      %dma_start3A_118 = arith.constant 0 : i32
      %dma_start3A_119 = tpu.memref_slice %arg8[%dma_start3A, %dma_start3A_118] : memref<128x64xf32, #tpu.memory_space<vmem>> -> memref<32x64xf32, #tpu.memory_space<vmem>>
      %dma_start3A_120 = arith.constant 0 : i32
      %dma_start3A_121 = tpu.memref_slice %arg5[%arg0, %add3A_117, %dma_start3A_120] : memref<2x25088x64xf32, #tpu.memory_space<hbm>> -> memref<1x32x64xf32, #tpu.memory_space<hbm>>
      %dma_start3A_122 = tpu.memref_squeeze %dma_start3A_121 : memref<1x32x64xf32, #tpu.memory_space<hbm>> -> memref<32x64xf32, #tpu.memory_space<hbm>>
      %dma_start3A_123 = arith.constant 0 : i32
      %dma_start3A_124 = tpu.memref_slice %arg5[%arg0, %add3A_117, %dma_start3A_123] : memref<2x25088x64xf32, #tpu.memory_space<hbm>> -> memref<1x32x64xf32, #tpu.memory_space<hbm>>
      %dma_start3A_125 = tpu.memref_squeeze %dma_start3A_124 : memref<1x32x64xf32, #tpu.memory_space<hbm>> -> memref<32x64xf32, #tpu.memory_space<hbm>>
      %dma_start3A_126 = arith.constant 0 : i32
      %dma_start3A_127 = arith.constant 0 : i32
      %dma_start3A_128 = tpu.memref_slice %arg8[%dma_start3A_126, %dma_start3A_127] : memref<128x64xf32, #tpu.memory_space<vmem>> -> memref<32x64xf32, #tpu.memory_space<vmem>>
      tpu.enqueue_dma source(%dma_start3A_128 : memref<32x64xf32, #tpu.memory_space<vmem>>) target(%dma_start3A_125 : memref<32x64xf32, #tpu.memory_space<hbm>>) target_semaphore(%run_scoped3A : memref<!tpu.dma_semaphore, #tpu.memory_space<semaphore_mem>>)
      %dma_wait3A = arith.constant 0 : i32
      %dma_wait3A_129 = arith.constant 0 : i32
      %dma_wait3A_130 = tpu.memref_slice %arg8[%dma_wait3A, %dma_wait3A_129] : memref<128x64xf32, #tpu.memory_space<vmem>> -> memref<32x64xf32, #tpu.memory_space<vmem>>
      %dma_wait3A_131 = arith.constant 0 : i32
      %dma_wait3A_132 = tpu.memref_slice %arg5[%arg0, %add3A_117, %dma_wait3A_131] : memref<2x25088x64xf32, #tpu.memory_space<hbm>> -> memref<1x32x64xf32, #tpu.memory_space<hbm>>
      %dma_wait3A_133 = tpu.memref_squeeze %dma_wait3A_132 : memref<1x32x64xf32, #tpu.memory_space<hbm>> -> memref<32x64xf32, #tpu.memory_space<hbm>>
      %dma_wait3A_134 = arith.constant 0 : i32
      %dma_wait3A_135 = tpu.memref_slice %arg5[%arg0, %add3A_117, %dma_wait3A_134] : memref<2x25088x64xf32, #tpu.memory_space<hbm>> -> memref<1x32x64xf32, #tpu.memory_space<hbm>>
      %dma_wait3A_136 = tpu.memref_squeeze %dma_wait3A_135 : memref<1x32x64xf32, #tpu.memory_space<hbm>> -> memref<32x64xf32, #tpu.memory_space<hbm>>
      %dma_wait3A_137 = arith.constant 0 : i32
      %dma_wait3A_138 = arith.constant 0 : i32
      %dma_wait3A_139 = tpu.memref_slice %arg8[%dma_wait3A_137, %dma_wait3A_138] : memref<128x64xf32, #tpu.memory_space<vmem>> -> memref<32x64xf32, #tpu.memory_space<vmem>>
      tpu.wait_dma2 semaphore(%run_scoped3A : memref<!tpu.dma_semaphore, #tpu.memory_space<semaphore_mem>>) src(%dma_wait3A_139 : memref<32x64xf32, #tpu.memory_space<vmem>>) dst(%dma_wait3A_136 : memref<32x64xf32, #tpu.memory_space<hbm>>)
      tpu.yield
    }) : () -> ()
    return
  }
}

#map = affine_map<(d0, d1) -> (0)>
module attributes {stable_mosaic.version = 14 : i64} {
  func.func @_sc_deg(%arg0: i32, %arg1: i32, %arg2: memref<823296xi32, #tpu.memory_space<hbm>>, %arg3: memref<102400xf32, #tpu.memory_space<hbm>>, %arg4: memref<128xi32, #tpu.memory_space<vmem>>, %arg5: memref<128xf32, #tpu.memory_space<vmem>>, %arg6: memref<1600xf32, #tpu.memory_space<vmem>>, %arg7: memref<51200xf32, #tpu.memory_space<vmem_shared>>) attributes {dimension_semantics = [#tpu.dimension_semantics<core_parallel>, #tpu.dimension_semantics<subcore_parallel>], iteration_bounds = array<i64: 2, 16>, scalar_prefetch = 0 : i64, scratch_operands = 4 : i64, tpu.core_type = #tpu.core_type<sc_vector_subcore>, window_params = [{transform_indices = #map}, {transform_indices = #map}]} {
    %broadcast_in_dim3A = arith.constant 1.000000e+00 : f32
    %broadcast_in_dim3A_0 = vector.broadcast %broadcast_in_dim3A : f32 to vector<16xf32>
    %scan3A = arith.constant 0 : i32
    %scan3A_1 = arith.constant 0 : i32
    %scan3A_2 = arith.constant 8 : i32
    %scan3A_3 = arith.addi %scan3A_1, %scan3A_2 : i32
    %scan3A_4 = arith.constant 1 : i32
    %scan3A_5 = scf.for %scan3A_51 = %scan3A_1 to %scan3A_3 step %scan3A_4 iter_args(%scan3A_52 = %scan3A) -> (i32)  : i32 {
      %mul3A_53 = arith.constant 16 : i32
      %mul3A_54 = arith.muli %scan3A_51, %mul3A_53 : i32
      %swap3A = arith.index_cast %mul3A_54 : i32 to index
      %swap3A_55 = tpu.vector_load %arg5[%swap3A] {strides = array<i32>} : memref<128xf32, #tpu.memory_space<vmem>>, vector<16xf32>,
      %swap3A_56 = vector.shape_cast %swap3A_55 : vector<16xf32> to vector<16xf32>
      %swap3A_57 = vector.shape_cast %broadcast_in_dim3A_0 : vector<16xf32> to vector<16xf32>
      tpu.vector_store %arg5[%swap3A], %swap3A_57 {strides = array<i32>} : memref<128xf32, #tpu.memory_space<vmem>>, vector<16xf32>,
      %scan3A_58 = arith.constant 0 : i32
      scf.yield %scan3A_58 : i32
    }
    %scan3A_6 = arith.constant 8 : i32
    %broadcast_in_dim3A_7 = arith.constant 0.000000e+00 : f32
    %broadcast_in_dim3A_8 = vector.broadcast %broadcast_in_dim3A_7 : f32 to vector<16xf32>
    %scan3A_9 = arith.constant 0 : i32
    %scan3A_10 = arith.constant 0 : i32
    %scan3A_11 = arith.constant 100 : i32
    %scan3A_12 = arith.addi %scan3A_10, %scan3A_11 : i32
    %scan3A_13 = arith.constant 1 : i32
    %scan3A_14 = scf.for %scan3A_51 = %scan3A_10 to %scan3A_12 step %scan3A_13 iter_args(%scan3A_52 = %scan3A_9) -> (i32)  : i32 {
      %mul3A_53 = arith.constant 16 : i32
      %mul3A_54 = arith.muli %scan3A_51, %mul3A_53 : i32
      %swap3A = arith.index_cast %mul3A_54 : i32 to index
      %swap3A_55 = tpu.vector_load %arg6[%swap3A] {strides = array<i32>} : memref<1600xf32, #tpu.memory_space<vmem>>, vector<16xf32>,
      %swap3A_56 = vector.shape_cast %swap3A_55 : vector<16xf32> to vector<16xf32>
      %swap3A_57 = vector.shape_cast %broadcast_in_dim3A_8 : vector<16xf32> to vector<16xf32>
      tpu.vector_store %arg6[%swap3A], %swap3A_57 {strides = array<i32>} : memref<1600xf32, #tpu.memory_space<vmem>>, vector<16xf32>,
      %scan3A_58 = arith.constant 0 : i32
      scf.yield %scan3A_58 : i32
    }
    %scan3A_15 = arith.constant 100 : i32
    %mul3A = arith.constant 3200 : i32
    %mul3A_16 = arith.muli %arg1, %mul3A : i32
    %add3A = arith.constant 0 : i32
    %add3A_17 = arith.addi %mul3A_16, %add3A : i32
    "tpu.region"() ({
      %run_scoped3A = tpu.sem_alloc : memref<!tpu.dma_semaphore, #tpu.memory_space<semaphore_mem>>
      %dma_start3A = tpu.memref_slice %arg7[%add3A_17] : memref<51200xf32, #tpu.memory_space<vmem_shared>> -> memref<1600xf32, #tpu.memory_space<vmem_shared>>
      %dma_start3A_51 = tpu.memref_slice %arg7[%add3A_17] : memref<51200xf32, #tpu.memory_space<vmem_shared>> -> memref<1600xf32, #tpu.memory_space<vmem_shared>>
      tpu.enqueue_dma source(%arg6 : memref<1600xf32, #tpu.memory_space<vmem>>) target(%dma_start3A_51 : memref<1600xf32, #tpu.memory_space<vmem_shared>>) target_semaphore(%run_scoped3A : memref<!tpu.dma_semaphore, #tpu.memory_space<semaphore_mem>>)
      %dma_wait3A = tpu.memref_slice %arg7[%add3A_17] : memref<51200xf32, #tpu.memory_space<vmem_shared>> -> memref<1600xf32, #tpu.memory_space<vmem_shared>>
      %dma_wait3A_52 = tpu.memref_slice %arg7[%add3A_17] : memref<51200xf32, #tpu.memory_space<vmem_shared>> -> memref<1600xf32, #tpu.memory_space<vmem_shared>>
      tpu.wait_dma2 semaphore(%run_scoped3A : memref<!tpu.dma_semaphore, #tpu.memory_space<semaphore_mem>>) src(%arg6 : memref<1600xf32, #tpu.memory_space<vmem>>) dst(%dma_wait3A_52 : memref<1600xf32, #tpu.memory_space<vmem_shared>>)
      tpu.yield
    }) : () -> ()
    %mul3A_18 = arith.constant 3200 : i32
    %mul3A_19 = arith.muli %arg1, %mul3A_18 : i32
    %add3A_20 = arith.constant 1600 : i32
    %add3A_21 = arith.addi %mul3A_19, %add3A_20 : i32
    "tpu.region"() ({
      %run_scoped3A = tpu.sem_alloc : memref<!tpu.dma_semaphore, #tpu.memory_space<semaphore_mem>>
      %dma_start3A = tpu.memref_slice %arg7[%add3A_21] : memref<51200xf32, #tpu.memory_space<vmem_shared>> -> memref<1600xf32, #tpu.memory_space<vmem_shared>>
      %dma_start3A_51 = tpu.memref_slice %arg7[%add3A_21] : memref<51200xf32, #tpu.memory_space<vmem_shared>> -> memref<1600xf32, #tpu.memory_space<vmem_shared>>
      tpu.enqueue_dma source(%arg6 : memref<1600xf32, #tpu.memory_space<vmem>>) target(%dma_start3A_51 : memref<1600xf32, #tpu.memory_space<vmem_shared>>) target_semaphore(%run_scoped3A : memref<!tpu.dma_semaphore, #tpu.memory_space<semaphore_mem>>)
      %dma_wait3A = tpu.memref_slice %arg7[%add3A_21] : memref<51200xf32, #tpu.memory_space<vmem_shared>> -> memref<1600xf32, #tpu.memory_space<vmem_shared>>
      %dma_wait3A_52 = tpu.memref_slice %arg7[%add3A_21] : memref<51200xf32, #tpu.memory_space<vmem_shared>> -> memref<1600xf32, #tpu.memory_space<vmem_shared>>
      tpu.wait_dma2 semaphore(%run_scoped3A : memref<!tpu.dma_semaphore, #tpu.memory_space<semaphore_mem>>) src(%arg6 : memref<1600xf32, #tpu.memory_space<vmem>>) dst(%dma_wait3A_52 : memref<1600xf32, #tpu.memory_space<vmem_shared>>)
      tpu.yield
    }) : () -> ()
    %barrier3A = arith.constant 0 : index
    tpu.barrier barrier_id(%barrier3A)
    %mul3A_22 = arith.constant 3216 : i32
    %mul3A_23 = arith.muli %arg0, %mul3A_22 : i32
    %mul3A_24 = arith.constant 201 : i32
    %mul3A_25 = arith.muli %arg1, %mul3A_24 : i32
    %add3A_26 = arith.addi %mul3A_23, %mul3A_25 : i32
    %mul3A_27 = arith.constant 128 : i32
    %mul3A_28 = arith.muli %add3A_26, %mul3A_27 : i32
    %scan3A_29 = arith.constant 0 : i32
    %scan3A_30 = arith.constant 0 : i32
    %scan3A_31 = arith.constant 201 : i32
    %scan3A_32 = arith.addi %scan3A_30, %scan3A_31 : i32
    %scan3A_33 = arith.constant 1 : i32
    %scan3A_34 = scf.for %scan3A_51 = %scan3A_30 to %scan3A_32 step %scan3A_33 iter_args(%scan3A_52 = %scan3A_29) -> (i32)  : i32 {
      %mul3A_53 = arith.constant 128 : i32
      %mul3A_54 = arith.muli %scan3A_51, %mul3A_53 : i32
      %add3A_55 = arith.addi %mul3A_28, %mul3A_54 : i32
      "tpu.region"() ({
        %run_scoped3A = tpu.sem_alloc : memref<!tpu.dma_semaphore, #tpu.memory_space<semaphore_mem>>
        %dma_start3A = tpu.memref_slice %arg2[%add3A_55] : memref<823296xi32, #tpu.memory_space<hbm>> -> memref<128xi32, #tpu.memory_space<hbm>>
        %dma_start3A_57 = tpu.memref_slice %arg2[%add3A_55] : memref<823296xi32, #tpu.memory_space<hbm>> -> memref<128xi32, #tpu.memory_space<hbm>>
        tpu.enqueue_dma source(%dma_start3A_57 : memref<128xi32, #tpu.memory_space<hbm>>) target(%arg4 : memref<128xi32, #tpu.memory_space<vmem>>) target_semaphore(%run_scoped3A : memref<!tpu.dma_semaphore, #tpu.memory_space<semaphore_mem>>)
        %dma_wait3A = tpu.memref_slice %arg2[%add3A_55] : memref<823296xi32, #tpu.memory_space<hbm>> -> memref<128xi32, #tpu.memory_space<hbm>>
        %dma_wait3A_58 = tpu.memref_slice %arg2[%add3A_55] : memref<823296xi32, #tpu.memory_space<hbm>> -> memref<128xi32, #tpu.memory_space<hbm>>
        tpu.wait_dma2 semaphore(%run_scoped3A : memref<!tpu.dma_semaphore, #tpu.memory_space<semaphore_mem>>) src(%dma_wait3A_58 : memref<128xi32, #tpu.memory_space<hbm>>) dst(%arg4 : memref<128xi32, #tpu.memory_space<vmem>>)
        tpu.yield
      }) : () -> ()
      "tpu.region"() ({
        %run_scoped3A = tpu.sem_alloc : memref<!tpu.dma_semaphore, #tpu.memory_space<semaphore_mem>>
        %dma_start3A = arith.constant 0 : i32
        %dma_start3A_57 = tpu.memref_slice %arg7[%dma_start3A] : memref<51200xf32, #tpu.memory_space<vmem_shared>> -> memref<51200xf32, #tpu.memory_space<vmem_shared>>
        tpu.enqueue_indirect_dma source(%arg5 : memref<128xf32, #tpu.memory_space<vmem>>) target(%dma_start3A_57 : memref<51200xf32, #tpu.memory_space<vmem_shared>>) offsets(%arg4 : memref<128xi32, #tpu.memory_space<vmem>>) semaphore(%run_scoped3A : memref<!tpu.dma_semaphore, #tpu.memory_space<semaphore_mem>>) {add = true}
        %dma_wait3A = arith.constant 0 : i32
        %dma_wait3A_58 = tpu.memref_slice %arg7[%dma_wait3A] : memref<51200xf32, #tpu.memory_space<vmem_shared>> -> memref<51200xf32, #tpu.memory_space<vmem_shared>>
        tpu.wait_indirect_dma semaphore(%run_scoped3A : memref<!tpu.dma_semaphore, #tpu.memory_space<semaphore_mem>>) src(%arg5 : memref<128xf32, #tpu.memory_space<vmem>>) dst(%dma_wait3A_58 : memref<51200xf32, #tpu.memory_space<vmem_shared>>)
        tpu.yield
      }) : () -> ()
      %scan3A_56 = arith.constant 0 : i32
      scf.yield %scan3A_56 : i32
    }
    %scan3A_35 = arith.constant 201 : i32
    %barrier3A_36 = arith.constant 0 : index
    tpu.barrier barrier_id(%barrier3A_36)
    %mul3A_37 = arith.constant 3200 : i32
    %mul3A_38 = arith.muli %arg1, %mul3A_37 : i32
    %add3A_39 = arith.constant 0 : i32
    %add3A_40 = arith.addi %mul3A_38, %add3A_39 : i32
    "tpu.region"() ({
      %run_scoped3A = tpu.sem_alloc : memref<!tpu.dma_semaphore, #tpu.memory_space<semaphore_mem>>
      %dma_start3A = tpu.memref_slice %arg7[%add3A_40] : memref<51200xf32, #tpu.memory_space<vmem_shared>> -> memref<1600xf32, #tpu.memory_space<vmem_shared>>
      %dma_start3A_51 = tpu.memref_slice %arg7[%add3A_40] : memref<51200xf32, #tpu.memory_space<vmem_shared>> -> memref<1600xf32, #tpu.memory_space<vmem_shared>>
      tpu.enqueue_dma source(%dma_start3A_51 : memref<1600xf32, #tpu.memory_space<vmem_shared>>) target(%arg6 : memref<1600xf32, #tpu.memory_space<vmem>>) target_semaphore(%run_scoped3A : memref<!tpu.dma_semaphore, #tpu.memory_space<semaphore_mem>>)
      %dma_wait3A = tpu.memref_slice %arg7[%add3A_40] : memref<51200xf32, #tpu.memory_space<vmem_shared>> -> memref<1600xf32, #tpu.memory_space<vmem_shared>>
      %dma_wait3A_52 = tpu.memref_slice %arg7[%add3A_40] : memref<51200xf32, #tpu.memory_space<vmem_shared>> -> memref<1600xf32, #tpu.memory_space<vmem_shared>>
      tpu.wait_dma2 semaphore(%run_scoped3A : memref<!tpu.dma_semaphore, #tpu.memory_space<semaphore_mem>>) src(%dma_wait3A_52 : memref<1600xf32, #tpu.memory_space<vmem_shared>>) dst(%arg6 : memref<1600xf32, #tpu.memory_space<vmem>>)
      tpu.yield
    }) : () -> ()
    %mul3A_41 = arith.constant 51200 : i32
    %mul3A_42 = arith.muli %arg0, %mul3A_41 : i32
    %add3A_43 = arith.addi %mul3A_42, %add3A_40 : i32
    "tpu.region"() ({
      %run_scoped3A = tpu.sem_alloc : memref<!tpu.dma_semaphore, #tpu.memory_space<semaphore_mem>>
      %dma_start3A = tpu.memref_slice %arg3[%add3A_43] : memref<102400xf32, #tpu.memory_space<hbm>> -> memref<1600xf32, #tpu.memory_space<hbm>>
      %dma_start3A_51 = tpu.memref_slice %arg3[%add3A_43] : memref<102400xf32, #tpu.memory_space<hbm>> -> memref<1600xf32, #tpu.memory_space<hbm>>
      tpu.enqueue_dma source(%arg6 : memref<1600xf32, #tpu.memory_space<vmem>>) target(%dma_start3A_51 : memref<1600xf32, #tpu.memory_space<hbm>>) target_semaphore(%run_scoped3A : memref<!tpu.dma_semaphore, #tpu.memory_space<semaphore_mem>>)
      %dma_wait3A = tpu.memref_slice %arg3[%add3A_43] : memref<102400xf32, #tpu.memory_space<hbm>> -> memref<1600xf32, #tpu.memory_space<hbm>>
      %dma_wait3A_52 = tpu.memref_slice %arg3[%add3A_43] : memref<102400xf32, #tpu.memory_space<hbm>> -> memref<1600xf32, #tpu.memory_space<hbm>>
      tpu.wait_dma2 semaphore(%run_scoped3A : memref<!tpu.dma_semaphore, #tpu.memory_space<semaphore_mem>>) src(%arg6 : memref<1600xf32, #tpu.memory_space<vmem>>) dst(%dma_wait3A_52 : memref<1600xf32, #tpu.memory_space<hbm>>)
      tpu.yield
    }) : () -> ()
    %mul3A_44 = arith.constant 3200 : i32
    %mul3A_45 = arith.muli %arg1, %mul3A_44 : i32
    %add3A_46 = arith.constant 1600 : i32
    %add3A_47 = arith.addi %mul3A_45, %add3A_46 : i32
    "tpu.region"() ({
      %run_scoped3A = tpu.sem_alloc : memref<!tpu.dma_semaphore, #tpu.memory_space<semaphore_mem>>
      %dma_start3A = tpu.memref_slice %arg7[%add3A_47] : memref<51200xf32, #tpu.memory_space<vmem_shared>> -> memref<1600xf32, #tpu.memory_space<vmem_shared>>
      %dma_start3A_51 = tpu.memref_slice %arg7[%add3A_47] : memref<51200xf32, #tpu.memory_space<vmem_shared>> -> memref<1600xf32, #tpu.memory_space<vmem_shared>>
      tpu.enqueue_dma source(%dma_start3A_51 : memref<1600xf32, #tpu.memory_space<vmem_shared>>) target(%arg6 : memref<1600xf32, #tpu.memory_space<vmem>>) target_semaphore(%run_scoped3A : memref<!tpu.dma_semaphore, #tpu.memory_space<semaphore_mem>>)
      %dma_wait3A = tpu.memref_slice %arg7[%add3A_47] : memref<51200xf32, #tpu.memory_space<vmem_shared>> -> memref<1600xf32, #tpu.memory_space<vmem_shared>>
      %dma_wait3A_52 = tpu.memref_slice %arg7[%add3A_47] : memref<51200xf32, #tpu.memory_space<vmem_shared>> -> memref<1600xf32, #tpu.memory_space<vmem_shared>>
      tpu.wait_dma2 semaphore(%run_scoped3A : memref<!tpu.dma_semaphore, #tpu.memory_space<semaphore_mem>>) src(%dma_wait3A_52 : memref<1600xf32, #tpu.memory_space<vmem_shared>>) dst(%arg6 : memref<1600xf32, #tpu.memory_space<vmem>>)
      tpu.yield
    }) : () -> ()
    %mul3A_48 = arith.constant 51200 : i32
    %mul3A_49 = arith.muli %arg0, %mul3A_48 : i32
    %add3A_50 = arith.addi %mul3A_49, %add3A_47 : i32
    "tpu.region"() ({
      %run_scoped3A = tpu.sem_alloc : memref<!tpu.dma_semaphore, #tpu.memory_space<semaphore_mem>>
      %dma_start3A = tpu.memref_slice %arg3[%add3A_50] : memref<102400xf32, #tpu.memory_space<hbm>> -> memref<1600xf32, #tpu.memory_space<hbm>>
      %dma_start3A_51 = tpu.memref_slice %arg3[%add3A_50] : memref<102400xf32, #tpu.memory_space<hbm>> -> memref<1600xf32, #tpu.memory_space<hbm>>
      tpu.enqueue_dma source(%arg6 : memref<1600xf32, #tpu.memory_space<vmem>>) target(%dma_start3A_51 : memref<1600xf32, #tpu.memory_space<hbm>>) target_semaphore(%run_scoped3A : memref<!tpu.dma_semaphore, #tpu.memory_space<semaphore_mem>>)
      %dma_wait3A = tpu.memref_slice %arg3[%add3A_50] : memref<102400xf32, #tpu.memory_space<hbm>> -> memref<1600xf32, #tpu.memory_space<hbm>>
      %dma_wait3A_52 = tpu.memref_slice %arg3[%add3A_50] : memref<102400xf32, #tpu.memory_space<hbm>> -> memref<1600xf32, #tpu.memory_space<hbm>>
      tpu.wait_dma2 semaphore(%run_scoped3A : memref<!tpu.dma_semaphore, #tpu.memory_space<semaphore_mem>>) src(%arg6 : memref<1600xf32, #tpu.memory_space<vmem>>) dst(%dma_wait3A_52 : memref<1600xf32, #tpu.memory_space<hbm>>)
      tpu.yield
    }) : () -> ()
    return
  }
}

#map = affine_map<(d0, d1) -> (0)>
#map1 = affine_map<(d0, d1) -> (0, 0)>
#map2 = affine_map<(d0, d1) -> (0, 0, 0)>
module attributes {stable_mosaic.version = 14 : i64} {
  func.func @_sc_agg(%arg0: i32, %arg1: i32, %arg2: memref<823296xi32, #tpu.memory_space<hbm>>, %arg3: memref<823296xi32, #tpu.memory_space<hbm>>, %arg4: memref<50000x64xf32, #tpu.memory_space<hbm>>, %arg5: memref<2x25088x64xf32, #tpu.memory_space<hbm>>, %arg6: memref<768xi32, #tpu.memory_space<vmem>>, %arg7: memref<768xi32, #tpu.memory_space<vmem>>, %arg8: memref<128x64xf32, #tpu.memory_space<vmem>>, %arg9: memref<128x64xf32, #tpu.memory_space<vmem>>, %arg10: memref<25088x64xf32, #tpu.memory_space<vmem_shared>>, %arg11: memref<!tpu.dma_semaphore, #tpu.memory_space<semaphore_mem>>, %arg12: memref<!tpu.dma_semaphore, #tpu.memory_space<semaphore_mem>>) attributes {dimension_semantics = [#tpu.dimension_semantics<core_parallel>, #tpu.dimension_semantics<subcore_parallel>], iteration_bounds = array<i64: 2, 16>, scalar_prefetch = 0 : i64, scratch_operands = 7 : i64, tpu.core_type = #tpu.core_type<sc_vector_subcore>, window_params = [{transform_indices = #map}, {transform_indices = #map}, {transform_indices = #map1}, {transform_indices = #map2}]} {
    %scan3A = arith.constant 0 : i32
    %scan3A_0 = arith.constant 0 : i32
    %scan3A_1 = arith.constant 128 : i32
    %scan3A_2 = arith.addi %scan3A_0, %scan3A_1 : i32
    %scan3A_3 = arith.constant 1 : i32
    %scan3A_4 = scf.for %scan3A_118 = %scan3A_0 to %scan3A_2 step %scan3A_3 iter_args(%scan3A_119 = %scan3A) -> (i32)  : i32 {
      %broadcast_in_dim3A = arith.constant 0.000000e+00 : f32
      %broadcast_in_dim3A_120 = vector.broadcast %broadcast_in_dim3A : f32 to vector<16xf32>
      %swap3A = arith.index_cast %scan3A_118 : i32 to index
      %swap3A_121 = arith.constant 0 : index
      %swap3A_122 = tpu.vector_load %arg8[%swap3A, %swap3A_121] {strides = array<i32>} : memref<128x64xf32, #tpu.memory_space<vmem>>, vector<1x16xf32>,
      %swap3A_123 = vector.shape_cast %swap3A_122 : vector<1x16xf32> to vector<16xf32>
      %swap3A_124 = vector.shape_cast %broadcast_in_dim3A_120 : vector<16xf32> to vector<1x16xf32>
      tpu.vector_store %arg8[%swap3A, %swap3A_121], %swap3A_124 {strides = array<i32>} : memref<128x64xf32, #tpu.memory_space<vmem>>, vector<1x16xf32>,
      %broadcast_in_dim3A_125 = arith.constant 0.000000e+00 : f32
      %broadcast_in_dim3A_126 = vector.broadcast %broadcast_in_dim3A_125 : f32 to vector<16xf32>
      %swap3A_127 = arith.index_cast %scan3A_118 : i32 to index
      %swap3A_128 = arith.constant 16 : index
      %swap3A_129 = tpu.vector_load %arg8[%swap3A_127, %swap3A_128] {strides = array<i32>} : memref<128x64xf32, #tpu.memory_space<vmem>>, vector<1x16xf32>,
      %swap3A_130 = vector.shape_cast %swap3A_129 : vector<1x16xf32> to vector<16xf32>
      %swap3A_131 = vector.shape_cast %broadcast_in_dim3A_126 : vector<16xf32> to vector<1x16xf32>
      tpu.vector_store %arg8[%swap3A_127, %swap3A_128], %swap3A_131 {strides = array<i32>} : memref<128x64xf32, #tpu.memory_space<vmem>>, vector<1x16xf32>,
      %broadcast_in_dim3A_132 = arith.constant 0.000000e+00 : f32
      %broadcast_in_dim3A_133 = vector.broadcast %broadcast_in_dim3A_132 : f32 to vector<16xf32>
      %swap3A_134 = arith.index_cast %scan3A_118 : i32 to index
      %swap3A_135 = arith.constant 32 : index
      %swap3A_136 = tpu.vector_load %arg8[%swap3A_134, %swap3A_135] {strides = array<i32>} : memref<128x64xf32, #tpu.memory_space<vmem>>, vector<1x16xf32>,
      %swap3A_137 = vector.shape_cast %swap3A_136 : vector<1x16xf32> to vector<16xf32>
      %swap3A_138 = vector.shape_cast %broadcast_in_dim3A_133 : vector<16xf32> to vector<1x16xf32>
      tpu.vector_store %arg8[%swap3A_134, %swap3A_135], %swap3A_138 {strides = array<i32>} : memref<128x64xf32, #tpu.memory_space<vmem>>, vector<1x16xf32>,
      %broadcast_in_dim3A_139 = arith.constant 0.000000e+00 : f32
      %broadcast_in_dim3A_140 = vector.broadcast %broadcast_in_dim3A_139 : f32 to vector<16xf32>
      %swap3A_141 = arith.index_cast %scan3A_118 : i32 to index
      %swap3A_142 = arith.constant 48 : index
      %swap3A_143 = tpu.vector_load %arg8[%swap3A_141, %swap3A_142] {strides = array<i32>} : memref<128x64xf32, #tpu.memory_space<vmem>>, vector<1x16xf32>,
      %swap3A_144 = vector.shape_cast %swap3A_143 : vector<1x16xf32> to vector<16xf32>
      %swap3A_145 = vector.shape_cast %broadcast_in_dim3A_140 : vector<16xf32> to vector<1x16xf32>
      tpu.vector_store %arg8[%swap3A_141, %swap3A_142], %swap3A_145 {strides = array<i32>} : memref<128x64xf32, #tpu.memory_space<vmem>>, vector<1x16xf32>,
      %scan3A_146 = arith.constant 0 : i32
      scf.yield %scan3A_146 : i32
    }
    %scan3A_5 = arith.constant 128 : i32
    %mul3A = arith.constant 1568 : i32
    %mul3A_6 = arith.muli %arg1, %mul3A : i32
    %add3A = arith.constant 0 : i32
    %add3A_7 = arith.addi %mul3A_6, %add3A : i32
    "tpu.region"() ({
      %run_scoped3A = tpu.sem_alloc : memref<!tpu.dma_semaphore, #tpu.memory_space<semaphore_mem>>
      %dma_start3A = arith.constant 0 : i32
      %dma_start3A_118 = tpu.memref_slice %arg10[%add3A_7, %dma_start3A] : memref<25088x64xf32, #tpu.memory_space<vmem_shared>> -> memref<128x64xf32, #tpu.memory_space<vmem_shared>>
      %dma_start3A_119 = arith.constant 0 : i32
      %dma_start3A_120 = tpu.memref_slice %arg10[%add3A_7, %dma_start3A_119] : memref<25088x64xf32, #tpu.memory_space<vmem_shared>> -> memref<128x64xf32, #tpu.memory_space<vmem_shared>>
      tpu.enqueue_dma source(%arg8 : memref<128x64xf32, #tpu.memory_space<vmem>>) target(%dma_start3A_120 : memref<128x64xf32, #tpu.memory_space<vmem_shared>>) target_semaphore(%run_scoped3A : memref<!tpu.dma_semaphore, #tpu.memory_space<semaphore_mem>>)
      %dma_wait3A = arith.constant 0 : i32
      %dma_wait3A_121 = tpu.memref_slice %arg10[%add3A_7, %dma_wait3A] : memref<25088x64xf32, #tpu.memory_space<vmem_shared>> -> memref<128x64xf32, #tpu.memory_space<vmem_shared>>
      %dma_wait3A_122 = arith.constant 0 : i32
      %dma_wait3A_123 = tpu.memref_slice %arg10[%add3A_7, %dma_wait3A_122] : memref<25088x64xf32, #tpu.memory_space<vmem_shared>> -> memref<128x64xf32, #tpu.memory_space<vmem_shared>>
      tpu.wait_dma2 semaphore(%run_scoped3A : memref<!tpu.dma_semaphore, #tpu.memory_space<semaphore_mem>>) src(%arg8 : memref<128x64xf32, #tpu.memory_space<vmem>>) dst(%dma_wait3A_123 : memref<128x64xf32, #tpu.memory_space<vmem_shared>>)
      tpu.yield
    }) : () -> ()
    %mul3A_8 = arith.constant 1568 : i32
    %mul3A_9 = arith.muli %arg1, %mul3A_8 : i32
    %add3A_10 = arith.constant 128 : i32
    %add3A_11 = arith.addi %mul3A_9, %add3A_10 : i32
    "tpu.region"() ({
      %run_scoped3A = tpu.sem_alloc : memref<!tpu.dma_semaphore, #tpu.memory_space<semaphore_mem>>
      %dma_start3A = arith.constant 0 : i32
      %dma_start3A_118 = tpu.memref_slice %arg10[%add3A_11, %dma_start3A] : memref<25088x64xf32, #tpu.memory_space<vmem_shared>> -> memref<128x64xf32, #tpu.memory_space<vmem_shared>>
      %dma_start3A_119 = arith.constant 0 : i32
      %dma_start3A_120 = tpu.memref_slice %arg10[%add3A_11, %dma_start3A_119] : memref<25088x64xf32, #tpu.memory_space<vmem_shared>> -> memref<128x64xf32, #tpu.memory_space<vmem_shared>>
      tpu.enqueue_dma source(%arg8 : memref<128x64xf32, #tpu.memory_space<vmem>>) target(%dma_start3A_120 : memref<128x64xf32, #tpu.memory_space<vmem_shared>>) target_semaphore(%run_scoped3A : memref<!tpu.dma_semaphore, #tpu.memory_space<semaphore_mem>>)
      %dma_wait3A = arith.constant 0 : i32
      %dma_wait3A_121 = tpu.memref_slice %arg10[%add3A_11, %dma_wait3A] : memref<25088x64xf32, #tpu.memory_space<vmem_shared>> -> memref<128x64xf32, #tpu.memory_space<vmem_shared>>
      %dma_wait3A_122 = arith.constant 0 : i32
      %dma_wait3A_123 = tpu.memref_slice %arg10[%add3A_11, %dma_wait3A_122] : memref<25088x64xf32, #tpu.memory_space<vmem_shared>> -> memref<128x64xf32, #tpu.memory_space<vmem_shared>>
      tpu.wait_dma2 semaphore(%run_scoped3A : memref<!tpu.dma_semaphore, #tpu.memory_space<semaphore_mem>>) src(%arg8 : memref<128x64xf32, #tpu.memory_space<vmem>>) dst(%dma_wait3A_123 : memref<128x64xf32, #tpu.memory_space<vmem_shared>>)
      tpu.yield
    }) : () -> ()
    %mul3A_12 = arith.constant 1568 : i32
    %mul3A_13 = arith.muli %arg1, %mul3A_12 : i32
    %add3A_14 = arith.constant 256 : i32
    %add3A_15 = arith.addi %mul3A_13, %add3A_14 : i32
    "tpu.region"() ({
      %run_scoped3A = tpu.sem_alloc : memref<!tpu.dma_semaphore, #tpu.memory_space<semaphore_mem>>
      %dma_start3A = arith.constant 0 : i32
      %dma_start3A_118 = tpu.memref_slice %arg10[%add3A_15, %dma_start3A] : memref<25088x64xf32, #tpu.memory_space<vmem_shared>> -> memref<128x64xf32, #tpu.memory_space<vmem_shared>>
      %dma_start3A_119 = arith.constant 0 : i32
      %dma_start3A_120 = tpu.memref_slice %arg10[%add3A_15, %dma_start3A_119] : memref<25088x64xf32, #tpu.memory_space<vmem_shared>> -> memref<128x64xf32, #tpu.memory_space<vmem_shared>>
      tpu.enqueue_dma source(%arg8 : memref<128x64xf32, #tpu.memory_space<vmem>>) target(%dma_start3A_120 : memref<128x64xf32, #tpu.memory_space<vmem_shared>>) target_semaphore(%run_scoped3A : memref<!tpu.dma_semaphore, #tpu.memory_space<semaphore_mem>>)
      %dma_wait3A = arith.constant 0 : i32
      %dma_wait3A_121 = tpu.memref_slice %arg10[%add3A_15, %dma_wait3A] : memref<25088x64xf32, #tpu.memory_space<vmem_shared>> -> memref<128x64xf32, #tpu.memory_space<vmem_shared>>
      %dma_wait3A_122 = arith.constant 0 : i32
      %dma_wait3A_123 = tpu.memref_slice %arg10[%add3A_15, %dma_wait3A_122] : memref<25088x64xf32, #tpu.memory_space<vmem_shared>> -> memref<128x64xf32, #tpu.memory_space<vmem_shared>>
      tpu.wait_dma2 semaphore(%run_scoped3A : memref<!tpu.dma_semaphore, #tpu.memory_space<semaphore_mem>>) src(%arg8 : memref<128x64xf32, #tpu.memory_space<vmem>>) dst(%dma_wait3A_123 : memref<128x64xf32, #tpu.memory_space<vmem_shared>>)
      tpu.yield
    }) : () -> ()
    %mul3A_16 = arith.constant 1568 : i32
    %mul3A_17 = arith.muli %arg1, %mul3A_16 : i32
    %add3A_18 = arith.constant 384 : i32
    %add3A_19 = arith.addi %mul3A_17, %add3A_18 : i32
    "tpu.region"() ({
      %run_scoped3A = tpu.sem_alloc : memref<!tpu.dma_semaphore, #tpu.memory_space<semaphore_mem>>
      %dma_start3A = arith.constant 0 : i32
      %dma_start3A_118 = tpu.memref_slice %arg10[%add3A_19, %dma_start3A] : memref<25088x64xf32, #tpu.memory_space<vmem_shared>> -> memref<128x64xf32, #tpu.memory_space<vmem_shared>>
      %dma_start3A_119 = arith.constant 0 : i32
      %dma_start3A_120 = tpu.memref_slice %arg10[%add3A_19, %dma_start3A_119] : memref<25088x64xf32, #tpu.memory_space<vmem_shared>> -> memref<128x64xf32, #tpu.memory_space<vmem_shared>>
      tpu.enqueue_dma source(%arg8 : memref<128x64xf32, #tpu.memory_space<vmem>>) target(%dma_start3A_120 : memref<128x64xf32, #tpu.memory_space<vmem_shared>>) target_semaphore(%run_scoped3A : memref<!tpu.dma_semaphore, #tpu.memory_space<semaphore_mem>>)
      %dma_wait3A = arith.constant 0 : i32
      %dma_wait3A_121 = tpu.memref_slice %arg10[%add3A_19, %dma_wait3A] : memref<25088x64xf32, #tpu.memory_space<vmem_shared>> -> memref<128x64xf32, #tpu.memory_space<vmem_shared>>
      %dma_wait3A_122 = arith.constant 0 : i32
      %dma_wait3A_123 = tpu.memref_slice %arg10[%add3A_19, %dma_wait3A_122] : memref<25088x64xf32, #tpu.memory_space<vmem_shared>> -> memref<128x64xf32, #tpu.memory_space<vmem_shared>>
      tpu.wait_dma2 semaphore(%run_scoped3A : memref<!tpu.dma_semaphore, #tpu.memory_space<semaphore_mem>>) src(%arg8 : memref<128x64xf32, #tpu.memory_space<vmem>>) dst(%dma_wait3A_123 : memref<128x64xf32, #tpu.memory_space<vmem_shared>>)
      tpu.yield
    }) : () -> ()
    %mul3A_20 = arith.constant 1568 : i32
    %mul3A_21 = arith.muli %arg1, %mul3A_20 : i32
    %add3A_22 = arith.constant 512 : i32
    %add3A_23 = arith.addi %mul3A_21, %add3A_22 : i32
    "tpu.region"() ({
      %run_scoped3A = tpu.sem_alloc : memref<!tpu.dma_semaphore, #tpu.memory_space<semaphore_mem>>
      %dma_start3A = arith.constant 0 : i32
      %dma_start3A_118 = tpu.memref_slice %arg10[%add3A_23, %dma_start3A] : memref<25088x64xf32, #tpu.memory_space<vmem_shared>> -> memref<128x64xf32, #tpu.memory_space<vmem_shared>>
      %dma_start3A_119 = arith.constant 0 : i32
      %dma_start3A_120 = tpu.memref_slice %arg10[%add3A_23, %dma_start3A_119] : memref<25088x64xf32, #tpu.memory_space<vmem_shared>> -> memref<128x64xf32, #tpu.memory_space<vmem_shared>>
      tpu.enqueue_dma source(%arg8 : memref<128x64xf32, #tpu.memory_space<vmem>>) target(%dma_start3A_120 : memref<128x64xf32, #tpu.memory_space<vmem_shared>>) target_semaphore(%run_scoped3A : memref<!tpu.dma_semaphore, #tpu.memory_space<semaphore_mem>>)
      %dma_wait3A = arith.constant 0 : i32
      %dma_wait3A_121 = tpu.memref_slice %arg10[%add3A_23, %dma_wait3A] : memref<25088x64xf32, #tpu.memory_space<vmem_shared>> -> memref<128x64xf32, #tpu.memory_space<vmem_shared>>
      %dma_wait3A_122 = arith.constant 0 : i32
      %dma_wait3A_123 = tpu.memref_slice %arg10[%add3A_23, %dma_wait3A_122] : memref<25088x64xf32, #tpu.memory_space<vmem_shared>> -> memref<128x64xf32, #tpu.memory_space<vmem_shared>>
      tpu.wait_dma2 semaphore(%run_scoped3A : memref<!tpu.dma_semaphore, #tpu.memory_space<semaphore_mem>>) src(%arg8 : memref<128x64xf32, #tpu.memory_space<vmem>>) dst(%dma_wait3A_123 : memref<128x64xf32, #tpu.memory_space<vmem_shared>>)
      tpu.yield
    }) : () -> ()
    %mul3A_24 = arith.constant 1568 : i32
    %mul3A_25 = arith.muli %arg1, %mul3A_24 : i32
    %add3A_26 = arith.constant 640 : i32
    %add3A_27 = arith.addi %mul3A_25, %add3A_26 : i32
    "tpu.region"() ({
      %run_scoped3A = tpu.sem_alloc : memref<!tpu.dma_semaphore, #tpu.memory_space<semaphore_mem>>
      %dma_start3A = arith.constant 0 : i32
      %dma_start3A_118 = tpu.memref_slice %arg10[%add3A_27, %dma_start3A] : memref<25088x64xf32, #tpu.memory_space<vmem_shared>> -> memref<128x64xf32, #tpu.memory_space<vmem_shared>>
      %dma_start3A_119 = arith.constant 0 : i32
      %dma_start3A_120 = tpu.memref_slice %arg10[%add3A_27, %dma_start3A_119] : memref<25088x64xf32, #tpu.memory_space<vmem_shared>> -> memref<128x64xf32, #tpu.memory_space<vmem_shared>>
      tpu.enqueue_dma source(%arg8 : memref<128x64xf32, #tpu.memory_space<vmem>>) target(%dma_start3A_120 : memref<128x64xf32, #tpu.memory_space<vmem_shared>>) target_semaphore(%run_scoped3A : memref<!tpu.dma_semaphore, #tpu.memory_space<semaphore_mem>>)
      %dma_wait3A = arith.constant 0 : i32
      %dma_wait3A_121 = tpu.memref_slice %arg10[%add3A_27, %dma_wait3A] : memref<25088x64xf32, #tpu.memory_space<vmem_shared>> -> memref<128x64xf32, #tpu.memory_space<vmem_shared>>
      %dma_wait3A_122 = arith.constant 0 : i32
      %dma_wait3A_123 = tpu.memref_slice %arg10[%add3A_27, %dma_wait3A_122] : memref<25088x64xf32, #tpu.memory_space<vmem_shared>> -> memref<128x64xf32, #tpu.memory_space<vmem_shared>>
      tpu.wait_dma2 semaphore(%run_scoped3A : memref<!tpu.dma_semaphore, #tpu.memory_space<semaphore_mem>>) src(%arg8 : memref<128x64xf32, #tpu.memory_space<vmem>>) dst(%dma_wait3A_123 : memref<128x64xf32, #tpu.memory_space<vmem_shared>>)
      tpu.yield
    }) : () -> ()
    %mul3A_28 = arith.constant 1568 : i32
    %mul3A_29 = arith.muli %arg1, %mul3A_28 : i32
    %add3A_30 = arith.constant 768 : i32
    %add3A_31 = arith.addi %mul3A_29, %add3A_30 : i32
    "tpu.region"() ({
      %run_scoped3A = tpu.sem_alloc : memref<!tpu.dma_semaphore, #tpu.memory_space<semaphore_mem>>
      %dma_start3A = arith.constant 0 : i32
      %dma_start3A_118 = tpu.memref_slice %arg10[%add3A_31, %dma_start3A] : memref<25088x64xf32, #tpu.memory_space<vmem_shared>> -> memref<128x64xf32, #tpu.memory_space<vmem_shared>>
      %dma_start3A_119 = arith.constant 0 : i32
      %dma_start3A_120 = tpu.memref_slice %arg10[%add3A_31, %dma_start3A_119] : memref<25088x64xf32, #tpu.memory_space<vmem_shared>> -> memref<128x64xf32, #tpu.memory_space<vmem_shared>>
      tpu.enqueue_dma source(%arg8 : memref<128x64xf32, #tpu.memory_space<vmem>>) target(%dma_start3A_120 : memref<128x64xf32, #tpu.memory_space<vmem_shared>>) target_semaphore(%run_scoped3A : memref<!tpu.dma_semaphore, #tpu.memory_space<semaphore_mem>>)
      %dma_wait3A = arith.constant 0 : i32
      %dma_wait3A_121 = tpu.memref_slice %arg10[%add3A_31, %dma_wait3A] : memref<25088x64xf32, #tpu.memory_space<vmem_shared>> -> memref<128x64xf32, #tpu.memory_space<vmem_shared>>
      %dma_wait3A_122 = arith.constant 0 : i32
      %dma_wait3A_123 = tpu.memref_slice %arg10[%add3A_31, %dma_wait3A_122] : memref<25088x64xf32, #tpu.memory_space<vmem_shared>> -> memref<128x64xf32, #tpu.memory_space<vmem_shared>>
      tpu.wait_dma2 semaphore(%run_scoped3A : memref<!tpu.dma_semaphore, #tpu.memory_space<semaphore_mem>>) src(%arg8 : memref<128x64xf32, #tpu.memory_space<vmem>>) dst(%dma_wait3A_123 : memref<128x64xf32, #tpu.memory_space<vmem_shared>>)
      tpu.yield
    }) : () -> ()
    %mul3A_32 = arith.constant 1568 : i32
    %mul3A_33 = arith.muli %arg1, %mul3A_32 : i32
    %add3A_34 = arith.constant 896 : i32
    %add3A_35 = arith.addi %mul3A_33, %add3A_34 : i32
    "tpu.region"() ({
      %run_scoped3A = tpu.sem_alloc : memref<!tpu.dma_semaphore, #tpu.memory_space<semaphore_mem>>
      %dma_start3A = arith.constant 0 : i32
      %dma_start3A_118 = tpu.memref_slice %arg10[%add3A_35, %dma_start3A] : memref<25088x64xf32, #tpu.memory_space<vmem_shared>> -> memref<128x64xf32, #tpu.memory_space<vmem_shared>>
      %dma_start3A_119 = arith.constant 0 : i32
      %dma_start3A_120 = tpu.memref_slice %arg10[%add3A_35, %dma_start3A_119] : memref<25088x64xf32, #tpu.memory_space<vmem_shared>> -> memref<128x64xf32, #tpu.memory_space<vmem_shared>>
      tpu.enqueue_dma source(%arg8 : memref<128x64xf32, #tpu.memory_space<vmem>>) target(%dma_start3A_120 : memref<128x64xf32, #tpu.memory_space<vmem_shared>>) target_semaphore(%run_scoped3A : memref<!tpu.dma_semaphore, #tpu.memory_space<semaphore_mem>>)
      %dma_wait3A = arith.constant 0 : i32
      %dma_wait3A_121 = tpu.memref_slice %arg10[%add3A_35, %dma_wait3A] : memref<25088x64xf32, #tpu.memory_space<vmem_shared>> -> memref<128x64xf32, #tpu.memory_space<vmem_shared>>
      %dma_wait3A_122 = arith.constant 0 : i32
      %dma_wait3A_123 = tpu.memref_slice %arg10[%add3A_35, %dma_wait3A_122] : memref<25088x64xf32, #tpu.memory_space<vmem_shared>> -> memref<128x64xf32, #tpu.memory_space<vmem_shared>>
      tpu.wait_dma2 semaphore(%run_scoped3A : memref<!tpu.dma_semaphore, #tpu.memory_space<semaphore_mem>>) src(%arg8 : memref<128x64xf32, #tpu.memory_space<vmem>>) dst(%dma_wait3A_123 : memref<128x64xf32, #tpu.memory_space<vmem_shared>>)
      tpu.yield
    }) : () -> ()
    %mul3A_36 = arith.constant 1568 : i32
    %mul3A_37 = arith.muli %arg1, %mul3A_36 : i32
    %add3A_38 = arith.constant 1024 : i32
    %add3A_39 = arith.addi %mul3A_37, %add3A_38 : i32
    "tpu.region"() ({
      %run_scoped3A = tpu.sem_alloc : memref<!tpu.dma_semaphore, #tpu.memory_space<semaphore_mem>>
      %dma_start3A = arith.constant 0 : i32
      %dma_start3A_118 = tpu.memref_slice %arg10[%add3A_39, %dma_start3A] : memref<25088x64xf32, #tpu.memory_space<vmem_shared>> -> memref<128x64xf32, #tpu.memory_space<vmem_shared>>
      %dma_start3A_119 = arith.constant 0 : i32
      %dma_start3A_120 = tpu.memref_slice %arg10[%add3A_39, %dma_start3A_119] : memref<25088x64xf32, #tpu.memory_space<vmem_shared>> -> memref<128x64xf32, #tpu.memory_space<vmem_shared>>
      tpu.enqueue_dma source(%arg8 : memref<128x64xf32, #tpu.memory_space<vmem>>) target(%dma_start3A_120 : memref<128x64xf32, #tpu.memory_space<vmem_shared>>) target_semaphore(%run_scoped3A : memref<!tpu.dma_semaphore, #tpu.memory_space<semaphore_mem>>)
      %dma_wait3A = arith.constant 0 : i32
      %dma_wait3A_121 = tpu.memref_slice %arg10[%add3A_39, %dma_wait3A] : memref<25088x64xf32, #tpu.memory_space<vmem_shared>> -> memref<128x64xf32, #tpu.memory_space<vmem_shared>>
      %dma_wait3A_122 = arith.constant 0 : i32
      %dma_wait3A_123 = tpu.memref_slice %arg10[%add3A_39, %dma_wait3A_122] : memref<25088x64xf32, #tpu.memory_space<vmem_shared>> -> memref<128x64xf32, #tpu.memory_space<vmem_shared>>
      tpu.wait_dma2 semaphore(%run_scoped3A : memref<!tpu.dma_semaphore, #tpu.memory_space<semaphore_mem>>) src(%arg8 : memref<128x64xf32, #tpu.memory_space<vmem>>) dst(%dma_wait3A_123 : memref<128x64xf32, #tpu.memory_space<vmem_shared>>)
      tpu.yield
    }) : () -> ()
    %mul3A_40 = arith.constant 1568 : i32
    %mul3A_41 = arith.muli %arg1, %mul3A_40 : i32
    %add3A_42 = arith.constant 1152 : i32
    %add3A_43 = arith.addi %mul3A_41, %add3A_42 : i32
    "tpu.region"() ({
      %run_scoped3A = tpu.sem_alloc : memref<!tpu.dma_semaphore, #tpu.memory_space<semaphore_mem>>
      %dma_start3A = arith.constant 0 : i32
      %dma_start3A_118 = tpu.memref_slice %arg10[%add3A_43, %dma_start3A] : memref<25088x64xf32, #tpu.memory_space<vmem_shared>> -> memref<128x64xf32, #tpu.memory_space<vmem_shared>>
      %dma_start3A_119 = arith.constant 0 : i32
      %dma_start3A_120 = tpu.memref_slice %arg10[%add3A_43, %dma_start3A_119] : memref<25088x64xf32, #tpu.memory_space<vmem_shared>> -> memref<128x64xf32, #tpu.memory_space<vmem_shared>>
      tpu.enqueue_dma source(%arg8 : memref<128x64xf32, #tpu.memory_space<vmem>>) target(%dma_start3A_120 : memref<128x64xf32, #tpu.memory_space<vmem_shared>>) target_semaphore(%run_scoped3A : memref<!tpu.dma_semaphore, #tpu.memory_space<semaphore_mem>>)
      %dma_wait3A = arith.constant 0 : i32
      %dma_wait3A_121 = tpu.memref_slice %arg10[%add3A_43, %dma_wait3A] : memref<25088x64xf32, #tpu.memory_space<vmem_shared>> -> memref<128x64xf32, #tpu.memory_space<vmem_shared>>
      %dma_wait3A_122 = arith.constant 0 : i32
      %dma_wait3A_123 = tpu.memref_slice %arg10[%add3A_43, %dma_wait3A_122] : memref<25088x64xf32, #tpu.memory_space<vmem_shared>> -> memref<128x64xf32, #tpu.memory_space<vmem_shared>>
      tpu.wait_dma2 semaphore(%run_scoped3A : memref<!tpu.dma_semaphore, #tpu.memory_space<semaphore_mem>>) src(%arg8 : memref<128x64xf32, #tpu.memory_space<vmem>>) dst(%dma_wait3A_123 : memref<128x64xf32, #tpu.memory_space<vmem_shared>>)
      tpu.yield
    }) : () -> ()
    %mul3A_44 = arith.constant 1568 : i32
    %mul3A_45 = arith.muli %arg1, %mul3A_44 : i32
    %add3A_46 = arith.constant 1280 : i32
    %add3A_47 = arith.addi %mul3A_45, %add3A_46 : i32
    "tpu.region"() ({
      %run_scoped3A = tpu.sem_alloc : memref<!tpu.dma_semaphore, #tpu.memory_space<semaphore_mem>>
      %dma_start3A = arith.constant 0 : i32
      %dma_start3A_118 = tpu.memref_slice %arg10[%add3A_47, %dma_start3A] : memref<25088x64xf32, #tpu.memory_space<vmem_shared>> -> memref<128x64xf32, #tpu.memory_space<vmem_shared>>
      %dma_start3A_119 = arith.constant 0 : i32
      %dma_start3A_120 = tpu.memref_slice %arg10[%add3A_47, %dma_start3A_119] : memref<25088x64xf32, #tpu.memory_space<vmem_shared>> -> memref<128x64xf32, #tpu.memory_space<vmem_shared>>
      tpu.enqueue_dma source(%arg8 : memref<128x64xf32, #tpu.memory_space<vmem>>) target(%dma_start3A_120 : memref<128x64xf32, #tpu.memory_space<vmem_shared>>) target_semaphore(%run_scoped3A : memref<!tpu.dma_semaphore, #tpu.memory_space<semaphore_mem>>)
      %dma_wait3A = arith.constant 0 : i32
      %dma_wait3A_121 = tpu.memref_slice %arg10[%add3A_47, %dma_wait3A] : memref<25088x64xf32, #tpu.memory_space<vmem_shared>> -> memref<128x64xf32, #tpu.memory_space<vmem_shared>>
      %dma_wait3A_122 = arith.constant 0 : i32
      %dma_wait3A_123 = tpu.memref_slice %arg10[%add3A_47, %dma_wait3A_122] : memref<25088x64xf32, #tpu.memory_space<vmem_shared>> -> memref<128x64xf32, #tpu.memory_space<vmem_shared>>
      tpu.wait_dma2 semaphore(%run_scoped3A : memref<!tpu.dma_semaphore, #tpu.memory_space<semaphore_mem>>) src(%arg8 : memref<128x64xf32, #tpu.memory_space<vmem>>) dst(%dma_wait3A_123 : memref<128x64xf32, #tpu.memory_space<vmem_shared>>)
      tpu.yield
    }) : () -> ()
    %mul3A_48 = arith.constant 1568 : i32
    %mul3A_49 = arith.muli %arg1, %mul3A_48 : i32
    %add3A_50 = arith.constant 1408 : i32
    %add3A_51 = arith.addi %mul3A_49, %add3A_50 : i32
    "tpu.region"() ({
      %run_scoped3A = tpu.sem_alloc : memref<!tpu.dma_semaphore, #tpu.memory_space<semaphore_mem>>
      %dma_start3A = arith.constant 0 : i32
      %dma_start3A_118 = tpu.memref_slice %arg10[%add3A_51, %dma_start3A] : memref<25088x64xf32, #tpu.memory_space<vmem_shared>> -> memref<128x64xf32, #tpu.memory_space<vmem_shared>>
      %dma_start3A_119 = arith.constant 0 : i32
      %dma_start3A_120 = tpu.memref_slice %arg10[%add3A_51, %dma_start3A_119] : memref<25088x64xf32, #tpu.memory_space<vmem_shared>> -> memref<128x64xf32, #tpu.memory_space<vmem_shared>>
      tpu.enqueue_dma source(%arg8 : memref<128x64xf32, #tpu.memory_space<vmem>>) target(%dma_start3A_120 : memref<128x64xf32, #tpu.memory_space<vmem_shared>>) target_semaphore(%run_scoped3A : memref<!tpu.dma_semaphore, #tpu.memory_space<semaphore_mem>>)
      %dma_wait3A = arith.constant 0 : i32
      %dma_wait3A_121 = tpu.memref_slice %arg10[%add3A_51, %dma_wait3A] : memref<25088x64xf32, #tpu.memory_space<vmem_shared>> -> memref<128x64xf32, #tpu.memory_space<vmem_shared>>
      %dma_wait3A_122 = arith.constant 0 : i32
      %dma_wait3A_123 = tpu.memref_slice %arg10[%add3A_51, %dma_wait3A_122] : memref<25088x64xf32, #tpu.memory_space<vmem_shared>> -> memref<128x64xf32, #tpu.memory_space<vmem_shared>>
      tpu.wait_dma2 semaphore(%run_scoped3A : memref<!tpu.dma_semaphore, #tpu.memory_space<semaphore_mem>>) src(%arg8 : memref<128x64xf32, #tpu.memory_space<vmem>>) dst(%dma_wait3A_123 : memref<128x64xf32, #tpu.memory_space<vmem_shared>>)
      tpu.yield
    }) : () -> ()
    %mul3A_52 = arith.constant 1568 : i32
    %mul3A_53 = arith.muli %arg1, %mul3A_52 : i32
    %add3A_54 = arith.constant 1536 : i32
    %add3A_55 = arith.addi %mul3A_53, %add3A_54 : i32
    "tpu.region"() ({
      %run_scoped3A = tpu.sem_alloc : memref<!tpu.dma_semaphore, #tpu.memory_space<semaphore_mem>>
      %dma_start3A = arith.constant 0 : i32
      %dma_start3A_118 = arith.constant 0 : i32
      %dma_start3A_119 = tpu.memref_slice %arg8[%dma_start3A, %dma_start3A_118] : memref<128x64xf32, #tpu.memory_space<vmem>> -> memref<32x64xf32, #tpu.memory_space<vmem>>
      %dma_start3A_120 = arith.constant 0 : i32
      %dma_start3A_121 = tpu.memref_slice %arg10[%add3A_55, %dma_start3A_120] : memref<25088x64xf32, #tpu.memory_space<vmem_shared>> -> memref<32x64xf32, #tpu.memory_space<vmem_shared>>
      %dma_start3A_122 = arith.constant 0 : i32
      %dma_start3A_123 = tpu.memref_slice %arg10[%add3A_55, %dma_start3A_122] : memref<25088x64xf32, #tpu.memory_space<vmem_shared>> -> memref<32x64xf32, #tpu.memory_space<vmem_shared>>
      %dma_start3A_124 = arith.constant 0 : i32
      %dma_start3A_125 = arith.constant 0 : i32
      %dma_start3A_126 = tpu.memref_slice %arg8[%dma_start3A_124, %dma_start3A_125] : memref<128x64xf32, #tpu.memory_space<vmem>> -> memref<32x64xf32, #tpu.memory_space<vmem>>
      tpu.enqueue_dma source(%dma_start3A_126 : memref<32x64xf32, #tpu.memory_space<vmem>>) target(%dma_start3A_123 : memref<32x64xf32, #tpu.memory_space<vmem_shared>>) target_semaphore(%run_scoped3A : memref<!tpu.dma_semaphore, #tpu.memory_space<semaphore_mem>>)
      %dma_wait3A = arith.constant 0 : i32
      %dma_wait3A_127 = arith.constant 0 : i32
      %dma_wait3A_128 = tpu.memref_slice %arg8[%dma_wait3A, %dma_wait3A_127] : memref<128x64xf32, #tpu.memory_space<vmem>> -> memref<32x64xf32, #tpu.memory_space<vmem>>
      %dma_wait3A_129 = arith.constant 0 : i32
      %dma_wait3A_130 = tpu.memref_slice %arg10[%add3A_55, %dma_wait3A_129] : memref<25088x64xf32, #tpu.memory_space<vmem_shared>> -> memref<32x64xf32, #tpu.memory_space<vmem_shared>>
      %dma_wait3A_131 = arith.constant 0 : i32
      %dma_wait3A_132 = tpu.memref_slice %arg10[%add3A_55, %dma_wait3A_131] : memref<25088x64xf32, #tpu.memory_space<vmem_shared>> -> memref<32x64xf32, #tpu.memory_space<vmem_shared>>
      %dma_wait3A_133 = arith.constant 0 : i32
      %dma_wait3A_134 = arith.constant 0 : i32
      %dma_wait3A_135 = tpu.memref_slice %arg8[%dma_wait3A_133, %dma_wait3A_134] : memref<128x64xf32, #tpu.memory_space<vmem>> -> memref<32x64xf32, #tpu.memory_space<vmem>>
      tpu.wait_dma2 semaphore(%run_scoped3A : memref<!tpu.dma_semaphore, #tpu.memory_space<semaphore_mem>>) src(%dma_wait3A_135 : memref<32x64xf32, #tpu.memory_space<vmem>>) dst(%dma_wait3A_132 : memref<32x64xf32, #tpu.memory_space<vmem_shared>>)
      tpu.yield
    }) : () -> ()
    %barrier3A = arith.constant 0 : index
    tpu.barrier barrier_id(%barrier3A)
    %mul3A_56 = arith.constant 25000 : i32
    %mul3A_57 = arith.muli %arg0, %mul3A_56 : i32
    %scan3A_58 = arith.constant 0 : i32
    %scan3A_59 = arith.constant 0 : i32
    %scan3A_60 = arith.constant 67 : i32
    %scan3A_61 = arith.addi %scan3A_59, %scan3A_60 : i32
    %scan3A_62 = arith.constant 1 : i32
    %scan3A_63 = scf.for %scan3A_118 = %scan3A_59 to %scan3A_61 step %scan3A_62 iter_args(%scan3A_119 = %scan3A_58) -> (i32)  : i32 {
      %mul3A_120 = arith.constant 402 : i32
      %mul3A_121 = arith.muli %arg1, %mul3A_120 : i32
      %mul3A_122 = arith.constant 6 : i32
      %mul3A_123 = arith.muli %scan3A_118, %mul3A_122 : i32
      %add3A_124 = arith.addi %mul3A_121, %mul3A_123 : i32
      %mul3A_125 = arith.constant 128 : i32
      %mul3A_126 = arith.muli %add3A_124, %mul3A_125 : i32
      "tpu.region"() ({
        %run_scoped3A = tpu.sem_alloc : memref<!tpu.dma_semaphore, #tpu.memory_space<semaphore_mem>>
        %dma_start3A_193 = tpu.memref_slice %arg2[%mul3A_126] : memref<823296xi32, #tpu.memory_space<hbm>> -> memref<768xi32, #tpu.memory_space<hbm>>
        %dma_start3A_194 = tpu.memref_slice %arg2[%mul3A_126] : memref<823296xi32, #tpu.memory_space<hbm>> -> memref<768xi32, #tpu.memory_space<hbm>>
        tpu.enqueue_dma source(%dma_start3A_194 : memref<768xi32, #tpu.memory_space<hbm>>) target(%arg6 : memref<768xi32, #tpu.memory_space<vmem>>) target_semaphore(%run_scoped3A : memref<!tpu.dma_semaphore, #tpu.memory_space<semaphore_mem>>)
        %dma_wait3A_195 = tpu.memref_slice %arg2[%mul3A_126] : memref<823296xi32, #tpu.memory_space<hbm>> -> memref<768xi32, #tpu.memory_space<hbm>>
        %dma_wait3A_196 = tpu.memref_slice %arg2[%mul3A_126] : memref<823296xi32, #tpu.memory_space<hbm>> -> memref<768xi32, #tpu.memory_space<hbm>>
        tpu.wait_dma2 semaphore(%run_scoped3A : memref<!tpu.dma_semaphore, #tpu.memory_space<semaphore_mem>>) src(%dma_wait3A_196 : memref<768xi32, #tpu.memory_space<hbm>>) dst(%arg6 : memref<768xi32, #tpu.memory_space<vmem>>)
        tpu.yield
      }) : () -> ()
      "tpu.region"() ({
        %run_scoped3A = tpu.sem_alloc : memref<!tpu.dma_semaphore, #tpu.memory_space<semaphore_mem>>
        %dma_start3A_193 = tpu.memref_slice %arg3[%mul3A_126] : memref<823296xi32, #tpu.memory_space<hbm>> -> memref<768xi32, #tpu.memory_space<hbm>>
        %dma_start3A_194 = tpu.memref_slice %arg3[%mul3A_126] : memref<823296xi32, #tpu.memory_space<hbm>> -> memref<768xi32, #tpu.memory_space<hbm>>
        tpu.enqueue_dma source(%dma_start3A_194 : memref<768xi32, #tpu.memory_space<hbm>>) target(%arg7 : memref<768xi32, #tpu.memory_space<vmem>>) target_semaphore(%run_scoped3A : memref<!tpu.dma_semaphore, #tpu.memory_space<semaphore_mem>>)
        %dma_wait3A_195 = tpu.memref_slice %arg3[%mul3A_126] : memref<823296xi32, #tpu.memory_space<hbm>> -> memref<768xi32, #tpu.memory_space<hbm>>
        %dma_wait3A_196 = tpu.memref_slice %arg3[%mul3A_126] : memref<823296xi32, #tpu.memory_space<hbm>> -> memref<768xi32, #tpu.memory_space<hbm>>
        tpu.wait_dma2 semaphore(%run_scoped3A : memref<!tpu.dma_semaphore, #tpu.memory_space<semaphore_mem>>) src(%dma_wait3A_196 : memref<768xi32, #tpu.memory_space<hbm>>) dst(%arg7 : memref<768xi32, #tpu.memory_space<vmem>>)
        tpu.yield
      }) : () -> ()
      %scan3A_127 = arith.constant 0 : i32
      %scan3A_128 = arith.constant 0 : i32
      %scan3A_129 = arith.constant 48 : i32
      %scan3A_130 = arith.addi %scan3A_128, %scan3A_129 : i32
      %scan3A_131 = arith.constant 1 : i32
      %scan3A_132 = scf.for %scan3A_193 = %scan3A_128 to %scan3A_130 step %scan3A_131 iter_args(%scan3A_194 = %scan3A_127) -> (i32)  : i32 {
        %mul3A_195 = arith.constant 16 : i32
        %mul3A_196 = arith.muli %scan3A_193, %mul3A_195 : i32
        %get3A = arith.index_cast %mul3A_196 : i32 to index
        %get3A_197 = tpu.vector_load %arg7[%get3A] {strides = array<i32>} : memref<768xi32, #tpu.memory_space<vmem>>, vector<16xi32>,
        %get3A_198 = vector.shape_cast %get3A_197 : vector<16xi32> to vector<16xi32>
        %sub3A = vector.broadcast %mul3A_57 : i32 to vector<16xi32>
        %sub3A_199 = arith.subi %get3A_198, %sub3A : vector<16xi32>
        %ge3A = arith.constant 0 : i32
        %ge3A_200 = vector.broadcast %ge3A : i32 to vector<16xi32>
        %ge3A_201 = arith.cmpi sge, %sub3A_199, %ge3A_200 : vector<16xi32>
        %lt3A = arith.constant 25000 : i32
        %lt3A_202 = vector.broadcast %lt3A : i32 to vector<16xi32>
        %lt3A_203 = arith.cmpi slt, %sub3A_199, %lt3A_202 : vector<16xi32>
        %and3A = arith.andi %ge3A_201, %lt3A_203 : vector<16xi1>
        %jit3A = arith.constant 25000 : i32
        %broadcast_in_dim3A = vector.broadcast %jit3A : i32 to vector<16xi32>
        %select_n3A = arith.select %and3A, %sub3A_199, %broadcast_in_dim3A : vector<16xi1>, vector<16xi32>
        %mul3A_204 = arith.constant 16 : i32
        %mul3A_205 = arith.muli %scan3A_193, %mul3A_204 : i32
        %swap3A = arith.index_cast %mul3A_205 : i32 to index
        %swap3A_206 = tpu.vector_load %arg7[%swap3A] {strides = array<i32>} : memref<768xi32, #tpu.memory_space<vmem>>, vector<16xi32>,
        %swap3A_207 = vector.shape_cast %swap3A_206 : vector<16xi32> to vector<16xi32>
        %swap3A_208 = vector.shape_cast %select_n3A : vector<16xi32> to vector<16xi32>
        tpu.vector_store %arg7[%swap3A], %swap3A_208 {strides = array<i32>} : memref<768xi32, #tpu.memory_space<vmem>>, vector<16xi32>,
        %scan3A_209 = arith.constant 0 : i32
        scf.yield %scan3A_209 : i32
      }
      %scan3A_133 = arith.constant 48 : i32
      %dma_start3A = arith.constant 0 : i32
      %dma_start3A_134 = tpu.memref_slice %arg6[%dma_start3A] : memref<768xi32, #tpu.memory_space<vmem>> -> memref<128xi32, #tpu.memory_space<vmem>>
      %dma_start3A_135 = arith.constant 0 : i32
      %dma_start3A_136 = arith.constant 0 : i32
      %dma_start3A_137 = tpu.memref_slice %arg4[%dma_start3A_135, %dma_start3A_136] : memref<50000x64xf32, #tpu.memory_space<hbm>> -> memref<50000x64xf32, #tpu.memory_space<hbm>>
      tpu.enqueue_indirect_dma source(%dma_start3A_137 : memref<50000x64xf32, #tpu.memory_space<hbm>>) target(%arg8 : memref<128x64xf32, #tpu.memory_space<vmem>>) offsets(%dma_start3A_134 : memref<128xi32, #tpu.memory_space<vmem>>) semaphore(%arg11 : memref<!tpu.dma_semaphore, #tpu.memory_space<semaphore_mem>>)
      %dma_start3A_138 = arith.constant 128 : i32
      %dma_start3A_139 = tpu.memref_slice %arg6[%dma_start3A_138] : memref<768xi32, #tpu.memory_space<vmem>> -> memref<128xi32, #tpu.memory_space<vmem>>
      %dma_start3A_140 = arith.constant 0 : i32
      %dma_start3A_141 = arith.constant 0 : i32
      %dma_start3A_142 = tpu.memref_slice %arg4[%dma_start3A_140, %dma_start3A_141] : memref<50000x64xf32, #tpu.memory_space<hbm>> -> memref<50000x64xf32, #tpu.memory_space<hbm>>
      tpu.enqueue_indirect_dma source(%dma_start3A_142 : memref<50000x64xf32, #tpu.memory_space<hbm>>) target(%arg9 : memref<128x64xf32, #tpu.memory_space<vmem>>) offsets(%dma_start3A_139 : memref<128xi32, #tpu.memory_space<vmem>>) semaphore(%arg12 : memref<!tpu.dma_semaphore, #tpu.memory_space<semaphore_mem>>)
      %dma_wait3A = arith.constant 0 : i32
      %dma_wait3A_143 = tpu.memref_slice %arg6[%dma_wait3A] : memref<768xi32, #tpu.memory_space<vmem>> -> memref<128xi32, #tpu.memory_space<vmem>>
      %dma_wait3A_144 = arith.constant 0 : i32
      %dma_wait3A_145 = arith.constant 0 : i32
      %dma_wait3A_146 = tpu.memref_slice %arg4[%dma_wait3A_144, %dma_wait3A_145] : memref<50000x64xf32, #tpu.memory_space<hbm>> -> memref<50000x64xf32, #tpu.memory_space<hbm>>
      tpu.wait_indirect_dma semaphore(%arg11 : memref<!tpu.dma_semaphore, #tpu.memory_space<semaphore_mem>>) src(%dma_wait3A_146 : memref<50000x64xf32, #tpu.memory_space<hbm>>) dst(%arg8 : memref<128x64xf32, #tpu.memory_space<vmem>>)
      "tpu.region"() ({
        %run_scoped3A = tpu.sem_alloc : memref<!tpu.dma_semaphore, #tpu.memory_space<semaphore_mem>>
        %dma_start3A_193 = arith.constant 0 : i32
        %dma_start3A_194 = tpu.memref_slice %arg7[%dma_start3A_193] : memref<768xi32, #tpu.memory_space<vmem>> -> memref<128xi32, #tpu.memory_space<vmem>>
        %dma_start3A_195 = arith.constant 0 : i32
        %dma_start3A_196 = arith.constant 0 : i32
        %dma_start3A_197 = tpu.memref_slice %arg10[%dma_start3A_195, %dma_start3A_196] : memref<25088x64xf32, #tpu.memory_space<vmem_shared>> -> memref<25088x64xf32, #tpu.memory_space<vmem_shared>>
        tpu.enqueue_indirect_dma source(%arg8 : memref<128x64xf32, #tpu.memory_space<vmem>>) target(%dma_start3A_197 : memref<25088x64xf32, #tpu.memory_space<vmem_shared>>) offsets(%dma_start3A_194 : memref<128xi32, #tpu.memory_space<vmem>>) semaphore(%run_scoped3A : memref<!tpu.dma_semaphore, #tpu.memory_space<semaphore_mem>>) {add = true}
        %dma_wait3A_198 = arith.constant 0 : i32
        %dma_wait3A_199 = tpu.memref_slice %arg7[%dma_wait3A_198] : memref<768xi32, #tpu.memory_space<vmem>> -> memref<128xi32, #tpu.memory_space<vmem>>
        %dma_wait3A_200 = arith.constant 0 : i32
        %dma_wait3A_201 = arith.constant 0 : i32
        %dma_wait3A_202 = tpu.memref_slice %arg10[%dma_wait3A_200, %dma_wait3A_201] : memref<25088x64xf32, #tpu.memory_space<vmem_shared>> -> memref<25088x64xf32, #tpu.memory_space<vmem_shared>>
        tpu.wait_indirect_dma semaphore(%run_scoped3A : memref<!tpu.dma_semaphore, #tpu.memory_space<semaphore_mem>>) src(%arg8 : memref<128x64xf32, #tpu.memory_space<vmem>>) dst(%dma_wait3A_202 : memref<25088x64xf32, #tpu.memory_space<vmem_shared>>)
        tpu.yield
      }) : () -> ()
      %dma_start3A_147 = arith.constant 256 : i32
      %dma_start3A_148 = tpu.memref_slice %arg6[%dma_start3A_147] : memref<768xi32, #tpu.memory_space<vmem>> -> memref<128xi32, #tpu.memory_space<vmem>>
      %dma_start3A_149 = arith.constant 0 : i32
      %dma_start3A_150 = arith.constant 0 : i32
      %dma_start3A_151 = tpu.memref_slice %arg4[%dma_start3A_149, %dma_start3A_150] : memref<50000x64xf32, #tpu.memory_space<hbm>> -> memref<50000x64xf32, #tpu.memory_space<hbm>>
      tpu.enqueue_indirect_dma source(%dma_start3A_151 : memref<50000x64xf32, #tpu.memory_space<hbm>>) target(%arg8 : memref<128x64xf32, #tpu.memory_space<vmem>>) offsets(%dma_start3A_148 : memref<128xi32, #tpu.memory_space<vmem>>) semaphore(%arg11 : memref<!tpu.dma_semaphore, #tpu.memory_space<semaphore_mem>>)
      %dma_wait3A_152 = arith.constant 128 : i32
      %dma_wait3A_153 = tpu.memref_slice %arg6[%dma_wait3A_152] : memref<768xi32, #tpu.memory_space<vmem>> -> memref<128xi32, #tpu.memory_space<vmem>>
      %dma_wait3A_154 = arith.constant 0 : i32
      %dma_wait3A_155 = arith.constant 0 : i32
      %dma_wait3A_156 = tpu.memref_slice %arg4[%dma_wait3A_154, %dma_wait3A_155] : memref<50000x64xf32, #tpu.memory_space<hbm>> -> memref<50000x64xf32, #tpu.memory_space<hbm>>
      tpu.wait_indirect_dma semaphore(%arg12 : memref<!tpu.dma_semaphore, #tpu.memory_space<semaphore_mem>>) src(%dma_wait3A_156 : memref<50000x64xf32, #tpu.memory_space<hbm>>) dst(%arg9 : memref<128x64xf32, #tpu.memory_space<vmem>>)
      "tpu.region"() ({
        %run_scoped3A = tpu.sem_alloc : memref<!tpu.dma_semaphore, #tpu.memory_space<semaphore_mem>>
        %dma_start3A_193 = arith.constant 128 : i32
        %dma_start3A_194 = tpu.memref_slice %arg7[%dma_start3A_193] : memref<768xi32, #tpu.memory_space<vmem>> -> memref<128xi32, #tpu.memory_space<vmem>>
        %dma_start3A_195 = arith.constant 0 : i32
        %dma_start3A_196 = arith.constant 0 : i32
        %dma_start3A_197 = tpu.memref_slice %arg10[%dma_start3A_195, %dma_start3A_196] : memref<25088x64xf32, #tpu.memory_space<vmem_shared>> -> memref<25088x64xf32, #tpu.memory_space<vmem_shared>>
        tpu.enqueue_indirect_dma source(%arg9 : memref<128x64xf32, #tpu.memory_space<vmem>>) target(%dma_start3A_197 : memref<25088x64xf32, #tpu.memory_space<vmem_shared>>) offsets(%dma_start3A_194 : memref<128xi32, #tpu.memory_space<vmem>>) semaphore(%run_scoped3A : memref<!tpu.dma_semaphore, #tpu.memory_space<semaphore_mem>>) {add = true}
        %dma_wait3A_198 = arith.constant 128 : i32
        %dma_wait3A_199 = tpu.memref_slice %arg7[%dma_wait3A_198] : memref<768xi32, #tpu.memory_space<vmem>> -> memref<128xi32, #tpu.memory_space<vmem>>
        %dma_wait3A_200 = arith.constant 0 : i32
        %dma_wait3A_201 = arith.constant 0 : i32
        %dma_wait3A_202 = tpu.memref_slice %arg10[%dma_wait3A_200, %dma_wait3A_201] : memref<25088x64xf32, #tpu.memory_space<vmem_shared>> -> memref<25088x64xf32, #tpu.memory_space<vmem_shared>>
        tpu.wait_indirect_dma semaphore(%run_scoped3A : memref<!tpu.dma_semaphore, #tpu.memory_space<semaphore_mem>>) src(%arg9 : memref<128x64xf32, #tpu.memory_space<vmem>>) dst(%dma_wait3A_202 : memref<25088x64xf32, #tpu.memory_space<vmem_shared>>)
        tpu.yield
      }) : () -> ()
      %dma_start3A_157 = arith.constant 384 : i32
      %dma_start3A_158 = tpu.memref_slice %arg6[%dma_start3A_157] : memref<768xi32, #tpu.memory_space<vmem>> -> memref<128xi32, #tpu.memory_space<vmem>>
      %dma_start3A_159 = arith.constant 0 : i32
      %dma_start3A_160 = arith.constant 0 : i32
      %dma_start3A_161 = tpu.memref_slice %arg4[%dma_start3A_159, %dma_start3A_160] : memref<50000x64xf32, #tpu.memory_space<hbm>> -> memref<50000x64xf32, #tpu.memory_space<hbm>>
      tpu.enqueue_indirect_dma source(%dma_start3A_161 : memref<50000x64xf32, #tpu.memory_space<hbm>>) target(%arg9 : memref<128x64xf32, #tpu.memory_space<vmem>>) offsets(%dma_start3A_158 : memref<128xi32, #tpu.memory_space<vmem>>) semaphore(%arg12 : memref<!tpu.dma_semaphore, #tpu.memory_space<semaphore_mem>>)
      %dma_wait3A_162 = arith.constant 256 : i32
      %dma_wait3A_163 = tpu.memref_slice %arg6[%dma_wait3A_162] : memref<768xi32, #tpu.memory_space<vmem>> -> memref<128xi32, #tpu.memory_space<vmem>>
      %dma_wait3A_164 = arith.constant 0 : i32
      %dma_wait3A_165 = arith.constant 0 : i32
      %dma_wait3A_166 = tpu.memref_slice %arg4[%dma_wait3A_164, %dma_wait3A_165] : memref<50000x64xf32, #tpu.memory_space<hbm>> -> memref<50000x64xf32, #tpu.memory_space<hbm>>
      tpu.wait_indirect_dma semaphore(%arg11 : memref<!tpu.dma_semaphore, #tpu.memory_space<semaphore_mem>>) src(%dma_wait3A_166 : memref<50000x64xf32, #tpu.memory_space<hbm>>) dst(%arg8 : memref<128x64xf32, #tpu.memory_space<vmem>>)
      "tpu.region"() ({
        %run_scoped3A = tpu.sem_alloc : memref<!tpu.dma_semaphore, #tpu.memory_space<semaphore_mem>>
        %dma_start3A_193 = arith.constant 256 : i32
        %dma_start3A_194 = tpu.memref_slice %arg7[%dma_start3A_193] : memref<768xi32, #tpu.memory_space<vmem>> -> memref<128xi32, #tpu.memory_space<vmem>>
        %dma_start3A_195 = arith.constant 0 : i32
        %dma_start3A_196 = arith.constant 0 : i32
        %dma_start3A_197 = tpu.memref_slice %arg10[%dma_start3A_195, %dma_start3A_196] : memref<25088x64xf32, #tpu.memory_space<vmem_shared>> -> memref<25088x64xf32, #tpu.memory_space<vmem_shared>>
        tpu.enqueue_indirect_dma source(%arg8 : memref<128x64xf32, #tpu.memory_space<vmem>>) target(%dma_start3A_197 : memref<25088x64xf32, #tpu.memory_space<vmem_shared>>) offsets(%dma_start3A_194 : memref<128xi32, #tpu.memory_space<vmem>>) semaphore(%run_scoped3A : memref<!tpu.dma_semaphore, #tpu.memory_space<semaphore_mem>>) {add = true}
        %dma_wait3A_198 = arith.constant 256 : i32
        %dma_wait3A_199 = tpu.memref_slice %arg7[%dma_wait3A_198] : memref<768xi32, #tpu.memory_space<vmem>> -> memref<128xi32, #tpu.memory_space<vmem>>
        %dma_wait3A_200 = arith.constant 0 : i32
        %dma_wait3A_201 = arith.constant 0 : i32
        %dma_wait3A_202 = tpu.memref_slice %arg10[%dma_wait3A_200, %dma_wait3A_201] : memref<25088x64xf32, #tpu.memory_space<vmem_shared>> -> memref<25088x64xf32, #tpu.memory_space<vmem_shared>>
        tpu.wait_indirect_dma semaphore(%run_scoped3A : memref<!tpu.dma_semaphore, #tpu.memory_space<semaphore_mem>>) src(%arg8 : memref<128x64xf32, #tpu.memory_space<vmem>>) dst(%dma_wait3A_202 : memref<25088x64xf32, #tpu.memory_space<vmem_shared>>)
        tpu.yield
      }) : () -> ()
      %dma_start3A_167 = arith.constant 512 : i32
      %dma_start3A_168 = tpu.memref_slice %arg6[%dma_start3A_167] : memref<768xi32, #tpu.memory_space<vmem>> -> memref<128xi32, #tpu.memory_space<vmem>>
      %dma_start3A_169 = arith.constant 0 : i32
      %dma_start3A_170 = arith.constant 0 : i32
      %dma_start3A_171 = tpu.memref_slice %arg4[%dma_start3A_169, %dma_start3A_170] : memref<50000x64xf32, #tpu.memory_space<hbm>> -> memref<50000x64xf32, #tpu.memory_space<hbm>>
      tpu.enqueue_indirect_dma source(%dma_start3A_171 : memref<50000x64xf32, #tpu.memory_space<hbm>>) target(%arg8 : memref<128x64xf32, #tpu.memory_space<vmem>>) offsets(%dma_start3A_168 : memref<128xi32, #tpu.memory_space<vmem>>) semaphore(%arg11 : memref<!tpu.dma_semaphore, #tpu.memory_space<semaphore_mem>>)
      %dma_wait3A_172 = arith.constant 384 : i32
      %dma_wait3A_173 = tpu.memref_slice %arg6[%dma_wait3A_172] : memref<768xi32, #tpu.memory_space<vmem>> -> memref<128xi32, #tpu.memory_space<vmem>>
      %dma_wait3A_174 = arith.constant 0 : i32
      %dma_wait3A_175 = arith.constant 0 : i32
      %dma_wait3A_176 = tpu.memref_slice %arg4[%dma_wait3A_174, %dma_wait3A_175] : memref<50000x64xf32, #tpu.memory_space<hbm>> -> memref<50000x64xf32, #tpu.memory_space<hbm>>
      tpu.wait_indirect_dma semaphore(%arg12 : memref<!tpu.dma_semaphore, #tpu.memory_space<semaphore_mem>>) src(%dma_wait3A_176 : memref<50000x64xf32, #tpu.memory_space<hbm>>) dst(%arg9 : memref<128x64xf32, #tpu.memory_space<vmem>>)
      "tpu.region"() ({
        %run_scoped3A = tpu.sem_alloc : memref<!tpu.dma_semaphore, #tpu.memory_space<semaphore_mem>>
        %dma_start3A_193 = arith.constant 384 : i32
        %dma_start3A_194 = tpu.memref_slice %arg7[%dma_start3A_193] : memref<768xi32, #tpu.memory_space<vmem>> -> memref<128xi32, #tpu.memory_space<vmem>>
        %dma_start3A_195 = arith.constant 0 : i32
        %dma_start3A_196 = arith.constant 0 : i32
        %dma_start3A_197 = tpu.memref_slice %arg10[%dma_start3A_195, %dma_start3A_196] : memref<25088x64xf32, #tpu.memory_space<vmem_shared>> -> memref<25088x64xf32, #tpu.memory_space<vmem_shared>>
        tpu.enqueue_indirect_dma source(%arg9 : memref<128x64xf32, #tpu.memory_space<vmem>>) target(%dma_start3A_197 : memref<25088x64xf32, #tpu.memory_space<vmem_shared>>) offsets(%dma_start3A_194 : memref<128xi32, #tpu.memory_space<vmem>>) semaphore(%run_scoped3A : memref<!tpu.dma_semaphore, #tpu.memory_space<semaphore_mem>>) {add = true}
        %dma_wait3A_198 = arith.constant 384 : i32
        %dma_wait3A_199 = tpu.memref_slice %arg7[%dma_wait3A_198] : memref<768xi32, #tpu.memory_space<vmem>> -> memref<128xi32, #tpu.memory_space<vmem>>
        %dma_wait3A_200 = arith.constant 0 : i32
        %dma_wait3A_201 = arith.constant 0 : i32
        %dma_wait3A_202 = tpu.memref_slice %arg10[%dma_wait3A_200, %dma_wait3A_201] : memref<25088x64xf32, #tpu.memory_space<vmem_shared>> -> memref<25088x64xf32, #tpu.memory_space<vmem_shared>>
        tpu.wait_indirect_dma semaphore(%run_scoped3A : memref<!tpu.dma_semaphore, #tpu.memory_space<semaphore_mem>>) src(%arg9 : memref<128x64xf32, #tpu.memory_space<vmem>>) dst(%dma_wait3A_202 : memref<25088x64xf32, #tpu.memory_space<vmem_shared>>)
        tpu.yield
      }) : () -> ()
      %dma_start3A_177 = arith.constant 640 : i32
      %dma_start3A_178 = tpu.memref_slice %arg6[%dma_start3A_177] : memref<768xi32, #tpu.memory_space<vmem>> -> memref<128xi32, #tpu.memory_space<vmem>>
      %dma_start3A_179 = arith.constant 0 : i32
      %dma_start3A_180 = arith.constant 0 : i32
      %dma_start3A_181 = tpu.memref_slice %arg4[%dma_start3A_179, %dma_start3A_180] : memref<50000x64xf32, #tpu.memory_space<hbm>> -> memref<50000x64xf32, #tpu.memory_space<hbm>>
      tpu.enqueue_indirect_dma source(%dma_start3A_181 : memref<50000x64xf32, #tpu.memory_space<hbm>>) target(%arg9 : memref<128x64xf32, #tpu.memory_space<vmem>>) offsets(%dma_start3A_178 : memref<128xi32, #tpu.memory_space<vmem>>) semaphore(%arg12 : memref<!tpu.dma_semaphore, #tpu.memory_space<semaphore_mem>>)
      %dma_wait3A_182 = arith.constant 512 : i32
      %dma_wait3A_183 = tpu.memref_slice %arg6[%dma_wait3A_182] : memref<768xi32, #tpu.memory_space<vmem>> -> memref<128xi32, #tpu.memory_space<vmem>>
      %dma_wait3A_184 = arith.constant 0 : i32
      %dma_wait3A_185 = arith.constant 0 : i32
      %dma_wait3A_186 = tpu.memref_slice %arg4[%dma_wait3A_184, %dma_wait3A_185] : memref<50000x64xf32, #tpu.memory_space<hbm>> -> memref<50000x64xf32, #tpu.memory_space<hbm>>
      tpu.wait_indirect_dma semaphore(%arg11 : memref<!tpu.dma_semaphore, #tpu.memory_space<semaphore_mem>>) src(%dma_wait3A_186 : memref<50000x64xf32, #tpu.memory_space<hbm>>) dst(%arg8 : memref<128x64xf32, #tpu.memory_space<vmem>>)
      "tpu.region"() ({
        %run_scoped3A = tpu.sem_alloc : memref<!tpu.dma_semaphore, #tpu.memory_space<semaphore_mem>>
        %dma_start3A_193 = arith.constant 512 : i32
        %dma_start3A_194 = tpu.memref_slice %arg7[%dma_start3A_193] : memref<768xi32, #tpu.memory_space<vmem>> -> memref<128xi32, #tpu.memory_space<vmem>>
        %dma_start3A_195 = arith.constant 0 : i32
        %dma_start3A_196 = arith.constant 0 : i32
        %dma_start3A_197 = tpu.memref_slice %arg10[%dma_start3A_195, %dma_start3A_196] : memref<25088x64xf32, #tpu.memory_space<vmem_shared>> -> memref<25088x64xf32, #tpu.memory_space<vmem_shared>>
        tpu.enqueue_indirect_dma source(%arg8 : memref<128x64xf32, #tpu.memory_space<vmem>>) target(%dma_start3A_197 : memref<25088x64xf32, #tpu.memory_space<vmem_shared>>) offsets(%dma_start3A_194 : memref<128xi32, #tpu.memory_space<vmem>>) semaphore(%run_scoped3A : memref<!tpu.dma_semaphore, #tpu.memory_space<semaphore_mem>>) {add = true}
        %dma_wait3A_198 = arith.constant 512 : i32
        %dma_wait3A_199 = tpu.memref_slice %arg7[%dma_wait3A_198] : memref<768xi32, #tpu.memory_space<vmem>> -> memref<128xi32, #tpu.memory_space<vmem>>
        %dma_wait3A_200 = arith.constant 0 : i32
        %dma_wait3A_201 = arith.constant 0 : i32
        %dma_wait3A_202 = tpu.memref_slice %arg10[%dma_wait3A_200, %dma_wait3A_201] : memref<25088x64xf32, #tpu.memory_space<vmem_shared>> -> memref<25088x64xf32, #tpu.memory_space<vmem_shared>>
        tpu.wait_indirect_dma semaphore(%run_scoped3A : memref<!tpu.dma_semaphore, #tpu.memory_space<semaphore_mem>>) src(%arg8 : memref<128x64xf32, #tpu.memory_space<vmem>>) dst(%dma_wait3A_202 : memref<25088x64xf32, #tpu.memory_space<vmem_shared>>)
        tpu.yield
      }) : () -> ()
      %dma_wait3A_187 = arith.constant 640 : i32
      %dma_wait3A_188 = tpu.memref_slice %arg6[%dma_wait3A_187] : memref<768xi32, #tpu.memory_space<vmem>> -> memref<128xi32, #tpu.memory_space<vmem>>
      %dma_wait3A_189 = arith.constant 0 : i32
      %dma_wait3A_190 = arith.constant 0 : i32
      %dma_wait3A_191 = tpu.memref_slice %arg4[%dma_wait3A_189, %dma_wait3A_190] : memref<50000x64xf32, #tpu.memory_space<hbm>> -> memref<50000x64xf32, #tpu.memory_space<hbm>>
      tpu.wait_indirect_dma semaphore(%arg12 : memref<!tpu.dma_semaphore, #tpu.memory_space<semaphore_mem>>) src(%dma_wait3A_191 : memref<50000x64xf32, #tpu.memory_space<hbm>>) dst(%arg9 : memref<128x64xf32, #tpu.memory_space<vmem>>)
      "tpu.region"() ({
        %run_scoped3A = tpu.sem_alloc : memref<!tpu.dma_semaphore, #tpu.memory_space<semaphore_mem>>
        %dma_start3A_193 = arith.constant 640 : i32
        %dma_start3A_194 = tpu.memref_slice %arg7[%dma_start3A_193] : memref<768xi32, #tpu.memory_space<vmem>> -> memref<128xi32, #tpu.memory_space<vmem>>
        %dma_start3A_195 = arith.constant 0 : i32
        %dma_start3A_196 = arith.constant 0 : i32
        %dma_start3A_197 = tpu.memref_slice %arg10[%dma_start3A_195, %dma_start3A_196] : memref<25088x64xf32, #tpu.memory_space<vmem_shared>> -> memref<25088x64xf32, #tpu.memory_space<vmem_shared>>
        tpu.enqueue_indirect_dma source(%arg9 : memref<128x64xf32, #tpu.memory_space<vmem>>) target(%dma_start3A_197 : memref<25088x64xf32, #tpu.memory_space<vmem_shared>>) offsets(%dma_start3A_194 : memref<128xi32, #tpu.memory_space<vmem>>) semaphore(%run_scoped3A : memref<!tpu.dma_semaphore, #tpu.memory_space<semaphore_mem>>) {add = true}
        %dma_wait3A_198 = arith.constant 640 : i32
        %dma_wait3A_199 = tpu.memref_slice %arg7[%dma_wait3A_198] : memref<768xi32, #tpu.memory_space<vmem>> -> memref<128xi32, #tpu.memory_space<vmem>>
        %dma_wait3A_200 = arith.constant 0 : i32
        %dma_wait3A_201 = arith.constant 0 : i32
        %dma_wait3A_202 = tpu.memref_slice %arg10[%dma_wait3A_200, %dma_wait3A_201] : memref<25088x64xf32, #tpu.memory_space<vmem_shared>> -> memref<25088x64xf32, #tpu.memory_space<vmem_shared>>
        tpu.wait_indirect_dma semaphore(%run_scoped3A : memref<!tpu.dma_semaphore, #tpu.memory_space<semaphore_mem>>) src(%arg9 : memref<128x64xf32, #tpu.memory_space<vmem>>) dst(%dma_wait3A_202 : memref<25088x64xf32, #tpu.memory_space<vmem_shared>>)
        tpu.yield
      }) : () -> ()
      %scan3A_192 = arith.constant 0 : i32
      scf.yield %scan3A_192 : i32
    }
    %scan3A_64 = arith.constant 67 : i32
    %barrier3A_65 = arith.constant 0 : index
    tpu.barrier barrier_id(%barrier3A_65)
    %mul3A_66 = arith.constant 1568 : i32
    %mul3A_67 = arith.muli %arg1, %mul3A_66 : i32
    %add3A_68 = arith.constant 0 : i32
    %add3A_69 = arith.addi %mul3A_67, %add3A_68 : i32
    "tpu.region"() ({
      %run_scoped3A = tpu.sem_alloc : memref<!tpu.dma_semaphore, #tpu.memory_space<semaphore_mem>>
      %dma_start3A = arith.constant 0 : i32
      %dma_start3A_118 = tpu.memref_slice %arg10[%add3A_69, %dma_start3A] : memref<25088x64xf32, #tpu.memory_space<vmem_shared>> -> memref<128x64xf32, #tpu.memory_space<vmem_shared>>
      %dma_start3A_119 = arith.constant 0 : i32
      %dma_start3A_120 = tpu.memref_slice %arg10[%add3A_69, %dma_start3A_119] : memref<25088x64xf32, #tpu.memory_space<vmem_shared>> -> memref<128x64xf32, #tpu.memory_space<vmem_shared>>
      tpu.enqueue_dma source(%dma_start3A_120 : memref<128x64xf32, #tpu.memory_space<vmem_shared>>) target(%arg8 : memref<128x64xf32, #tpu.memory_space<vmem>>) target_semaphore(%run_scoped3A : memref<!tpu.dma_semaphore, #tpu.memory_space<semaphore_mem>>)
      %dma_wait3A = arith.constant 0 : i32
      %dma_wait3A_121 = tpu.memref_slice %arg10[%add3A_69, %dma_wait3A] : memref<25088x64xf32, #tpu.memory_space<vmem_shared>> -> memref<128x64xf32, #tpu.memory_space<vmem_shared>>
      %dma_wait3A_122 = arith.constant 0 : i32
      %dma_wait3A_123 = tpu.memref_slice %arg10[%add3A_69, %dma_wait3A_122] : memref<25088x64xf32, #tpu.memory_space<vmem_shared>> -> memref<128x64xf32, #tpu.memory_space<vmem_shared>>
      tpu.wait_dma2 semaphore(%run_scoped3A : memref<!tpu.dma_semaphore, #tpu.memory_space<semaphore_mem>>) src(%dma_wait3A_123 : memref<128x64xf32, #tpu.memory_space<vmem_shared>>) dst(%arg8 : memref<128x64xf32, #tpu.memory_space<vmem>>)
      tpu.yield
    }) : () -> ()
    "tpu.region"() ({
      %run_scoped3A = tpu.sem_alloc : memref<!tpu.dma_semaphore, #tpu.memory_space<semaphore_mem>>
      %dma_start3A = arith.constant 0 : i32
      %dma_start3A_118 = tpu.memref_slice %arg5[%arg0, %add3A_69, %dma_start3A] : memref<2x25088x64xf32, #tpu.memory_space<hbm>> -> memref<1x128x64xf32, #tpu.memory_space<hbm>>
      %dma_start3A_119 = tpu.memref_squeeze %dma_start3A_118 : memref<1x128x64xf32, #tpu.memory_space<hbm>> -> memref<128x64xf32, #tpu.memory_space<hbm>>
      %dma_start3A_120 = arith.constant 0 : i32
      %dma_start3A_121 = tpu.memref_slice %arg5[%arg0, %add3A_69, %dma_start3A_120] : memref<2x25088x64xf32, #tpu.memory_space<hbm>> -> memref<1x128x64xf32, #tpu.memory_space<hbm>>
      %dma_start3A_122 = tpu.memref_squeeze %dma_start3A_121 : memref<1x128x64xf32, #tpu.memory_space<hbm>> -> memref<128x64xf32, #tpu.memory_space<hbm>>
      tpu.enqueue_dma source(%arg8 : memref<128x64xf32, #tpu.memory_space<vmem>>) target(%dma_start3A_122 : memref<128x64xf32, #tpu.memory_space<hbm>>) target_semaphore(%run_scoped3A : memref<!tpu.dma_semaphore, #tpu.memory_space<semaphore_mem>>)
      %dma_wait3A = arith.constant 0 : i32
      %dma_wait3A_123 = tpu.memref_slice %arg5[%arg0, %add3A_69, %dma_wait3A] : memref<2x25088x64xf32, #tpu.memory_space<hbm>> -> memref<1x128x64xf32, #tpu.memory_space<hbm>>
      %dma_wait3A_124 = tpu.memref_squeeze %dma_wait3A_123 : memref<1x128x64xf32, #tpu.memory_space<hbm>> -> memref<128x64xf32, #tpu.memory_space<hbm>>
      %dma_wait3A_125 = arith.constant 0 : i32
      %dma_wait3A_126 = tpu.memref_slice %arg5[%arg0, %add3A_69, %dma_wait3A_125] : memref<2x25088x64xf32, #tpu.memory_space<hbm>> -> memref<1x128x64xf32, #tpu.memory_space<hbm>>
      %dma_wait3A_127 = tpu.memref_squeeze %dma_wait3A_126 : memref<1x128x64xf32, #tpu.memory_space<hbm>> -> memref<128x64xf32, #tpu.memory_space<hbm>>
      tpu.wait_dma2 semaphore(%run_scoped3A : memref<!tpu.dma_semaphore, #tpu.memory_space<semaphore_mem>>) src(%arg8 : memref<128x64xf32, #tpu.memory_space<vmem>>) dst(%dma_wait3A_127 : memref<128x64xf32, #tpu.memory_space<hbm>>)
      tpu.yield
    }) : () -> ()
    %mul3A_70 = arith.constant 1568 : i32
    %mul3A_71 = arith.muli %arg1, %mul3A_70 : i32
    %add3A_72 = arith.constant 128 : i32
    %add3A_73 = arith.addi %mul3A_71, %add3A_72 : i32
    "tpu.region"() ({
      %run_scoped3A = tpu.sem_alloc : memref<!tpu.dma_semaphore, #tpu.memory_space<semaphore_mem>>
      %dma_start3A = arith.constant 0 : i32
      %dma_start3A_118 = tpu.memref_slice %arg10[%add3A_73, %dma_start3A] : memref<25088x64xf32, #tpu.memory_space<vmem_shared>> -> memref<128x64xf32, #tpu.memory_space<vmem_shared>>
      %dma_start3A_119 = arith.constant 0 : i32
      %dma_start3A_120 = tpu.memref_slice %arg10[%add3A_73, %dma_start3A_119] : memref<25088x64xf32, #tpu.memory_space<vmem_shared>> -> memref<128x64xf32, #tpu.memory_space<vmem_shared>>
      tpu.enqueue_dma source(%dma_start3A_120 : memref<128x64xf32, #tpu.memory_space<vmem_shared>>) target(%arg8 : memref<128x64xf32, #tpu.memory_space<vmem>>) target_semaphore(%run_scoped3A : memref<!tpu.dma_semaphore, #tpu.memory_space<semaphore_mem>>)
      %dma_wait3A = arith.constant 0 : i32
      %dma_wait3A_121 = tpu.memref_slice %arg10[%add3A_73, %dma_wait3A] : memref<25088x64xf32, #tpu.memory_space<vmem_shared>> -> memref<128x64xf32, #tpu.memory_space<vmem_shared>>
      %dma_wait3A_122 = arith.constant 0 : i32
      %dma_wait3A_123 = tpu.memref_slice %arg10[%add3A_73, %dma_wait3A_122] : memref<25088x64xf32, #tpu.memory_space<vmem_shared>> -> memref<128x64xf32, #tpu.memory_space<vmem_shared>>
      tpu.wait_dma2 semaphore(%run_scoped3A : memref<!tpu.dma_semaphore, #tpu.memory_space<semaphore_mem>>) src(%dma_wait3A_123 : memref<128x64xf32, #tpu.memory_space<vmem_shared>>) dst(%arg8 : memref<128x64xf32, #tpu.memory_space<vmem>>)
      tpu.yield
    }) : () -> ()
    "tpu.region"() ({
      %run_scoped3A = tpu.sem_alloc : memref<!tpu.dma_semaphore, #tpu.memory_space<semaphore_mem>>
      %dma_start3A = arith.constant 0 : i32
      %dma_start3A_118 = tpu.memref_slice %arg5[%arg0, %add3A_73, %dma_start3A] : memref<2x25088x64xf32, #tpu.memory_space<hbm>> -> memref<1x128x64xf32, #tpu.memory_space<hbm>>
      %dma_start3A_119 = tpu.memref_squeeze %dma_start3A_118 : memref<1x128x64xf32, #tpu.memory_space<hbm>> -> memref<128x64xf32, #tpu.memory_space<hbm>>
      %dma_start3A_120 = arith.constant 0 : i32
      %dma_start3A_121 = tpu.memref_slice %arg5[%arg0, %add3A_73, %dma_start3A_120] : memref<2x25088x64xf32, #tpu.memory_space<hbm>> -> memref<1x128x64xf32, #tpu.memory_space<hbm>>
      %dma_start3A_122 = tpu.memref_squeeze %dma_start3A_121 : memref<1x128x64xf32, #tpu.memory_space<hbm>> -> memref<128x64xf32, #tpu.memory_space<hbm>>
      tpu.enqueue_dma source(%arg8 : memref<128x64xf32, #tpu.memory_space<vmem>>) target(%dma_start3A_122 : memref<128x64xf32, #tpu.memory_space<hbm>>) target_semaphore(%run_scoped3A : memref<!tpu.dma_semaphore, #tpu.memory_space<semaphore_mem>>)
      %dma_wait3A = arith.constant 0 : i32
      %dma_wait3A_123 = tpu.memref_slice %arg5[%arg0, %add3A_73, %dma_wait3A] : memref<2x25088x64xf32, #tpu.memory_space<hbm>> -> memref<1x128x64xf32, #tpu.memory_space<hbm>>
      %dma_wait3A_124 = tpu.memref_squeeze %dma_wait3A_123 : memref<1x128x64xf32, #tpu.memory_space<hbm>> -> memref<128x64xf32, #tpu.memory_space<hbm>>
      %dma_wait3A_125 = arith.constant 0 : i32
      %dma_wait3A_126 = tpu.memref_slice %arg5[%arg0, %add3A_73, %dma_wait3A_125] : memref<2x25088x64xf32, #tpu.memory_space<hbm>> -> memref<1x128x64xf32, #tpu.memory_space<hbm>>
      %dma_wait3A_127 = tpu.memref_squeeze %dma_wait3A_126 : memref<1x128x64xf32, #tpu.memory_space<hbm>> -> memref<128x64xf32, #tpu.memory_space<hbm>>
      tpu.wait_dma2 semaphore(%run_scoped3A : memref<!tpu.dma_semaphore, #tpu.memory_space<semaphore_mem>>) src(%arg8 : memref<128x64xf32, #tpu.memory_space<vmem>>) dst(%dma_wait3A_127 : memref<128x64xf32, #tpu.memory_space<hbm>>)
      tpu.yield
    }) : () -> ()
    %mul3A_74 = arith.constant 1568 : i32
    %mul3A_75 = arith.muli %arg1, %mul3A_74 : i32
    %add3A_76 = arith.constant 256 : i32
    %add3A_77 = arith.addi %mul3A_75, %add3A_76 : i32
    "tpu.region"() ({
      %run_scoped3A = tpu.sem_alloc : memref<!tpu.dma_semaphore, #tpu.memory_space<semaphore_mem>>
      %dma_start3A = arith.constant 0 : i32
      %dma_start3A_118 = tpu.memref_slice %arg10[%add3A_77, %dma_start3A] : memref<25088x64xf32, #tpu.memory_space<vmem_shared>> -> memref<128x64xf32, #tpu.memory_space<vmem_shared>>
      %dma_start3A_119 = arith.constant 0 : i32
      %dma_start3A_120 = tpu.memref_slice %arg10[%add3A_77, %dma_start3A_119] : memref<25088x64xf32, #tpu.memory_space<vmem_shared>> -> memref<128x64xf32, #tpu.memory_space<vmem_shared>>
      tpu.enqueue_dma source(%dma_start3A_120 : memref<128x64xf32, #tpu.memory_space<vmem_shared>>) target(%arg8 : memref<128x64xf32, #tpu.memory_space<vmem>>) target_semaphore(%run_scoped3A : memref<!tpu.dma_semaphore, #tpu.memory_space<semaphore_mem>>)
      %dma_wait3A = arith.constant 0 : i32
      %dma_wait3A_121 = tpu.memref_slice %arg10[%add3A_77, %dma_wait3A] : memref<25088x64xf32, #tpu.memory_space<vmem_shared>> -> memref<128x64xf32, #tpu.memory_space<vmem_shared>>
      %dma_wait3A_122 = arith.constant 0 : i32
      %dma_wait3A_123 = tpu.memref_slice %arg10[%add3A_77, %dma_wait3A_122] : memref<25088x64xf32, #tpu.memory_space<vmem_shared>> -> memref<128x64xf32, #tpu.memory_space<vmem_shared>>
      tpu.wait_dma2 semaphore(%run_scoped3A : memref<!tpu.dma_semaphore, #tpu.memory_space<semaphore_mem>>) src(%dma_wait3A_123 : memref<128x64xf32, #tpu.memory_space<vmem_shared>>) dst(%arg8 : memref<128x64xf32, #tpu.memory_space<vmem>>)
      tpu.yield
    }) : () -> ()
    "tpu.region"() ({
      %run_scoped3A = tpu.sem_alloc : memref<!tpu.dma_semaphore, #tpu.memory_space<semaphore_mem>>
      %dma_start3A = arith.constant 0 : i32
      %dma_start3A_118 = tpu.memref_slice %arg5[%arg0, %add3A_77, %dma_start3A] : memref<2x25088x64xf32, #tpu.memory_space<hbm>> -> memref<1x128x64xf32, #tpu.memory_space<hbm>>
      %dma_start3A_119 = tpu.memref_squeeze %dma_start3A_118 : memref<1x128x64xf32, #tpu.memory_space<hbm>> -> memref<128x64xf32, #tpu.memory_space<hbm>>
      %dma_start3A_120 = arith.constant 0 : i32
      %dma_start3A_121 = tpu.memref_slice %arg5[%arg0, %add3A_77, %dma_start3A_120] : memref<2x25088x64xf32, #tpu.memory_space<hbm>> -> memref<1x128x64xf32, #tpu.memory_space<hbm>>
      %dma_start3A_122 = tpu.memref_squeeze %dma_start3A_121 : memref<1x128x64xf32, #tpu.memory_space<hbm>> -> memref<128x64xf32, #tpu.memory_space<hbm>>
      tpu.enqueue_dma source(%arg8 : memref<128x64xf32, #tpu.memory_space<vmem>>) target(%dma_start3A_122 : memref<128x64xf32, #tpu.memory_space<hbm>>) target_semaphore(%run_scoped3A : memref<!tpu.dma_semaphore, #tpu.memory_space<semaphore_mem>>)
      %dma_wait3A = arith.constant 0 : i32
      %dma_wait3A_123 = tpu.memref_slice %arg5[%arg0, %add3A_77, %dma_wait3A] : memref<2x25088x64xf32, #tpu.memory_space<hbm>> -> memref<1x128x64xf32, #tpu.memory_space<hbm>>
      %dma_wait3A_124 = tpu.memref_squeeze %dma_wait3A_123 : memref<1x128x64xf32, #tpu.memory_space<hbm>> -> memref<128x64xf32, #tpu.memory_space<hbm>>
      %dma_wait3A_125 = arith.constant 0 : i32
      %dma_wait3A_126 = tpu.memref_slice %arg5[%arg0, %add3A_77, %dma_wait3A_125] : memref<2x25088x64xf32, #tpu.memory_space<hbm>> -> memref<1x128x64xf32, #tpu.memory_space<hbm>>
      %dma_wait3A_127 = tpu.memref_squeeze %dma_wait3A_126 : memref<1x128x64xf32, #tpu.memory_space<hbm>> -> memref<128x64xf32, #tpu.memory_space<hbm>>
      tpu.wait_dma2 semaphore(%run_scoped3A : memref<!tpu.dma_semaphore, #tpu.memory_space<semaphore_mem>>) src(%arg8 : memref<128x64xf32, #tpu.memory_space<vmem>>) dst(%dma_wait3A_127 : memref<128x64xf32, #tpu.memory_space<hbm>>)
      tpu.yield
    }) : () -> ()
    %mul3A_78 = arith.constant 1568 : i32
    %mul3A_79 = arith.muli %arg1, %mul3A_78 : i32
    %add3A_80 = arith.constant 384 : i32
    %add3A_81 = arith.addi %mul3A_79, %add3A_80 : i32
    "tpu.region"() ({
      %run_scoped3A = tpu.sem_alloc : memref<!tpu.dma_semaphore, #tpu.memory_space<semaphore_mem>>
      %dma_start3A = arith.constant 0 : i32
      %dma_start3A_118 = tpu.memref_slice %arg10[%add3A_81, %dma_start3A] : memref<25088x64xf32, #tpu.memory_space<vmem_shared>> -> memref<128x64xf32, #tpu.memory_space<vmem_shared>>
      %dma_start3A_119 = arith.constant 0 : i32
      %dma_start3A_120 = tpu.memref_slice %arg10[%add3A_81, %dma_start3A_119] : memref<25088x64xf32, #tpu.memory_space<vmem_shared>> -> memref<128x64xf32, #tpu.memory_space<vmem_shared>>
      tpu.enqueue_dma source(%dma_start3A_120 : memref<128x64xf32, #tpu.memory_space<vmem_shared>>) target(%arg8 : memref<128x64xf32, #tpu.memory_space<vmem>>) target_semaphore(%run_scoped3A : memref<!tpu.dma_semaphore, #tpu.memory_space<semaphore_mem>>)
      %dma_wait3A = arith.constant 0 : i32
      %dma_wait3A_121 = tpu.memref_slice %arg10[%add3A_81, %dma_wait3A] : memref<25088x64xf32, #tpu.memory_space<vmem_shared>> -> memref<128x64xf32, #tpu.memory_space<vmem_shared>>
      %dma_wait3A_122 = arith.constant 0 : i32
      %dma_wait3A_123 = tpu.memref_slice %arg10[%add3A_81, %dma_wait3A_122] : memref<25088x64xf32, #tpu.memory_space<vmem_shared>> -> memref<128x64xf32, #tpu.memory_space<vmem_shared>>
      tpu.wait_dma2 semaphore(%run_scoped3A : memref<!tpu.dma_semaphore, #tpu.memory_space<semaphore_mem>>) src(%dma_wait3A_123 : memref<128x64xf32, #tpu.memory_space<vmem_shared>>) dst(%arg8 : memref<128x64xf32, #tpu.memory_space<vmem>>)
      tpu.yield
    }) : () -> ()
    "tpu.region"() ({
      %run_scoped3A = tpu.sem_alloc : memref<!tpu.dma_semaphore, #tpu.memory_space<semaphore_mem>>
      %dma_start3A = arith.constant 0 : i32
      %dma_start3A_118 = tpu.memref_slice %arg5[%arg0, %add3A_81, %dma_start3A] : memref<2x25088x64xf32, #tpu.memory_space<hbm>> -> memref<1x128x64xf32, #tpu.memory_space<hbm>>
      %dma_start3A_119 = tpu.memref_squeeze %dma_start3A_118 : memref<1x128x64xf32, #tpu.memory_space<hbm>> -> memref<128x64xf32, #tpu.memory_space<hbm>>
      %dma_start3A_120 = arith.constant 0 : i32
      %dma_start3A_121 = tpu.memref_slice %arg5[%arg0, %add3A_81, %dma_start3A_120] : memref<2x25088x64xf32, #tpu.memory_space<hbm>> -> memref<1x128x64xf32, #tpu.memory_space<hbm>>
      %dma_start3A_122 = tpu.memref_squeeze %dma_start3A_121 : memref<1x128x64xf32, #tpu.memory_space<hbm>> -> memref<128x64xf32, #tpu.memory_space<hbm>>
      tpu.enqueue_dma source(%arg8 : memref<128x64xf32, #tpu.memory_space<vmem>>) target(%dma_start3A_122 : memref<128x64xf32, #tpu.memory_space<hbm>>) target_semaphore(%run_scoped3A : memref<!tpu.dma_semaphore, #tpu.memory_space<semaphore_mem>>)
      %dma_wait3A = arith.constant 0 : i32
      %dma_wait3A_123 = tpu.memref_slice %arg5[%arg0, %add3A_81, %dma_wait3A] : memref<2x25088x64xf32, #tpu.memory_space<hbm>> -> memref<1x128x64xf32, #tpu.memory_space<hbm>>
      %dma_wait3A_124 = tpu.memref_squeeze %dma_wait3A_123 : memref<1x128x64xf32, #tpu.memory_space<hbm>> -> memref<128x64xf32, #tpu.memory_space<hbm>>
      %dma_wait3A_125 = arith.constant 0 : i32
      %dma_wait3A_126 = tpu.memref_slice %arg5[%arg0, %add3A_81, %dma_wait3A_125] : memref<2x25088x64xf32, #tpu.memory_space<hbm>> -> memref<1x128x64xf32, #tpu.memory_space<hbm>>
      %dma_wait3A_127 = tpu.memref_squeeze %dma_wait3A_126 : memref<1x128x64xf32, #tpu.memory_space<hbm>> -> memref<128x64xf32, #tpu.memory_space<hbm>>
      tpu.wait_dma2 semaphore(%run_scoped3A : memref<!tpu.dma_semaphore, #tpu.memory_space<semaphore_mem>>) src(%arg8 : memref<128x64xf32, #tpu.memory_space<vmem>>) dst(%dma_wait3A_127 : memref<128x64xf32, #tpu.memory_space<hbm>>)
      tpu.yield
    }) : () -> ()
    %mul3A_82 = arith.constant 1568 : i32
    %mul3A_83 = arith.muli %arg1, %mul3A_82 : i32
    %add3A_84 = arith.constant 512 : i32
    %add3A_85 = arith.addi %mul3A_83, %add3A_84 : i32
    "tpu.region"() ({
      %run_scoped3A = tpu.sem_alloc : memref<!tpu.dma_semaphore, #tpu.memory_space<semaphore_mem>>
      %dma_start3A = arith.constant 0 : i32
      %dma_start3A_118 = tpu.memref_slice %arg10[%add3A_85, %dma_start3A] : memref<25088x64xf32, #tpu.memory_space<vmem_shared>> -> memref<128x64xf32, #tpu.memory_space<vmem_shared>>
      %dma_start3A_119 = arith.constant 0 : i32
      %dma_start3A_120 = tpu.memref_slice %arg10[%add3A_85, %dma_start3A_119] : memref<25088x64xf32, #tpu.memory_space<vmem_shared>> -> memref<128x64xf32, #tpu.memory_space<vmem_shared>>
      tpu.enqueue_dma source(%dma_start3A_120 : memref<128x64xf32, #tpu.memory_space<vmem_shared>>) target(%arg8 : memref<128x64xf32, #tpu.memory_space<vmem>>) target_semaphore(%run_scoped3A : memref<!tpu.dma_semaphore, #tpu.memory_space<semaphore_mem>>)
      %dma_wait3A = arith.constant 0 : i32
      %dma_wait3A_121 = tpu.memref_slice %arg10[%add3A_85, %dma_wait3A] : memref<25088x64xf32, #tpu.memory_space<vmem_shared>> -> memref<128x64xf32, #tpu.memory_space<vmem_shared>>
      %dma_wait3A_122 = arith.constant 0 : i32
      %dma_wait3A_123 = tpu.memref_slice %arg10[%add3A_85, %dma_wait3A_122] : memref<25088x64xf32, #tpu.memory_space<vmem_shared>> -> memref<128x64xf32, #tpu.memory_space<vmem_shared>>
      tpu.wait_dma2 semaphore(%run_scoped3A : memref<!tpu.dma_semaphore, #tpu.memory_space<semaphore_mem>>) src(%dma_wait3A_123 : memref<128x64xf32, #tpu.memory_space<vmem_shared>>) dst(%arg8 : memref<128x64xf32, #tpu.memory_space<vmem>>)
      tpu.yield
    }) : () -> ()
    "tpu.region"() ({
      %run_scoped3A = tpu.sem_alloc : memref<!tpu.dma_semaphore, #tpu.memory_space<semaphore_mem>>
      %dma_start3A = arith.constant 0 : i32
      %dma_start3A_118 = tpu.memref_slice %arg5[%arg0, %add3A_85, %dma_start3A] : memref<2x25088x64xf32, #tpu.memory_space<hbm>> -> memref<1x128x64xf32, #tpu.memory_space<hbm>>
      %dma_start3A_119 = tpu.memref_squeeze %dma_start3A_118 : memref<1x128x64xf32, #tpu.memory_space<hbm>> -> memref<128x64xf32, #tpu.memory_space<hbm>>
      %dma_start3A_120 = arith.constant 0 : i32
      %dma_start3A_121 = tpu.memref_slice %arg5[%arg0, %add3A_85, %dma_start3A_120] : memref<2x25088x64xf32, #tpu.memory_space<hbm>> -> memref<1x128x64xf32, #tpu.memory_space<hbm>>
      %dma_start3A_122 = tpu.memref_squeeze %dma_start3A_121 : memref<1x128x64xf32, #tpu.memory_space<hbm>> -> memref<128x64xf32, #tpu.memory_space<hbm>>
      tpu.enqueue_dma source(%arg8 : memref<128x64xf32, #tpu.memory_space<vmem>>) target(%dma_start3A_122 : memref<128x64xf32, #tpu.memory_space<hbm>>) target_semaphore(%run_scoped3A : memref<!tpu.dma_semaphore, #tpu.memory_space<semaphore_mem>>)
      %dma_wait3A = arith.constant 0 : i32
      %dma_wait3A_123 = tpu.memref_slice %arg5[%arg0, %add3A_85, %dma_wait3A] : memref<2x25088x64xf32, #tpu.memory_space<hbm>> -> memref<1x128x64xf32, #tpu.memory_space<hbm>>
      %dma_wait3A_124 = tpu.memref_squeeze %dma_wait3A_123 : memref<1x128x64xf32, #tpu.memory_space<hbm>> -> memref<128x64xf32, #tpu.memory_space<hbm>>
      %dma_wait3A_125 = arith.constant 0 : i32
      %dma_wait3A_126 = tpu.memref_slice %arg5[%arg0, %add3A_85, %dma_wait3A_125] : memref<2x25088x64xf32, #tpu.memory_space<hbm>> -> memref<1x128x64xf32, #tpu.memory_space<hbm>>
      %dma_wait3A_127 = tpu.memref_squeeze %dma_wait3A_126 : memref<1x128x64xf32, #tpu.memory_space<hbm>> -> memref<128x64xf32, #tpu.memory_space<hbm>>
      tpu.wait_dma2 semaphore(%run_scoped3A : memref<!tpu.dma_semaphore, #tpu.memory_space<semaphore_mem>>) src(%arg8 : memref<128x64xf32, #tpu.memory_space<vmem>>) dst(%dma_wait3A_127 : memref<128x64xf32, #tpu.memory_space<hbm>>)
      tpu.yield
    }) : () -> ()
    %mul3A_86 = arith.constant 1568 : i32
    %mul3A_87 = arith.muli %arg1, %mul3A_86 : i32
    %add3A_88 = arith.constant 640 : i32
    %add3A_89 = arith.addi %mul3A_87, %add3A_88 : i32
    "tpu.region"() ({
      %run_scoped3A = tpu.sem_alloc : memref<!tpu.dma_semaphore, #tpu.memory_space<semaphore_mem>>
      %dma_start3A = arith.constant 0 : i32
      %dma_start3A_118 = tpu.memref_slice %arg10[%add3A_89, %dma_start3A] : memref<25088x64xf32, #tpu.memory_space<vmem_shared>> -> memref<128x64xf32, #tpu.memory_space<vmem_shared>>
      %dma_start3A_119 = arith.constant 0 : i32
      %dma_start3A_120 = tpu.memref_slice %arg10[%add3A_89, %dma_start3A_119] : memref<25088x64xf32, #tpu.memory_space<vmem_shared>> -> memref<128x64xf32, #tpu.memory_space<vmem_shared>>
      tpu.enqueue_dma source(%dma_start3A_120 : memref<128x64xf32, #tpu.memory_space<vmem_shared>>) target(%arg8 : memref<128x64xf32, #tpu.memory_space<vmem>>) target_semaphore(%run_scoped3A : memref<!tpu.dma_semaphore, #tpu.memory_space<semaphore_mem>>)
      %dma_wait3A = arith.constant 0 : i32
      %dma_wait3A_121 = tpu.memref_slice %arg10[%add3A_89, %dma_wait3A] : memref<25088x64xf32, #tpu.memory_space<vmem_shared>> -> memref<128x64xf32, #tpu.memory_space<vmem_shared>>
      %dma_wait3A_122 = arith.constant 0 : i32
      %dma_wait3A_123 = tpu.memref_slice %arg10[%add3A_89, %dma_wait3A_122] : memref<25088x64xf32, #tpu.memory_space<vmem_shared>> -> memref<128x64xf32, #tpu.memory_space<vmem_shared>>
      tpu.wait_dma2 semaphore(%run_scoped3A : memref<!tpu.dma_semaphore, #tpu.memory_space<semaphore_mem>>) src(%dma_wait3A_123 : memref<128x64xf32, #tpu.memory_space<vmem_shared>>) dst(%arg8 : memref<128x64xf32, #tpu.memory_space<vmem>>)
      tpu.yield
    }) : () -> ()
    "tpu.region"() ({
      %run_scoped3A = tpu.sem_alloc : memref<!tpu.dma_semaphore, #tpu.memory_space<semaphore_mem>>
      %dma_start3A = arith.constant 0 : i32
      %dma_start3A_118 = tpu.memref_slice %arg5[%arg0, %add3A_89, %dma_start3A] : memref<2x25088x64xf32, #tpu.memory_space<hbm>> -> memref<1x128x64xf32, #tpu.memory_space<hbm>>
      %dma_start3A_119 = tpu.memref_squeeze %dma_start3A_118 : memref<1x128x64xf32, #tpu.memory_space<hbm>> -> memref<128x64xf32, #tpu.memory_space<hbm>>
      %dma_start3A_120 = arith.constant 0 : i32
      %dma_start3A_121 = tpu.memref_slice %arg5[%arg0, %add3A_89, %dma_start3A_120] : memref<2x25088x64xf32, #tpu.memory_space<hbm>> -> memref<1x128x64xf32, #tpu.memory_space<hbm>>
      %dma_start3A_122 = tpu.memref_squeeze %dma_start3A_121 : memref<1x128x64xf32, #tpu.memory_space<hbm>> -> memref<128x64xf32, #tpu.memory_space<hbm>>
      tpu.enqueue_dma source(%arg8 : memref<128x64xf32, #tpu.memory_space<vmem>>) target(%dma_start3A_122 : memref<128x64xf32, #tpu.memory_space<hbm>>) target_semaphore(%run_scoped3A : memref<!tpu.dma_semaphore, #tpu.memory_space<semaphore_mem>>)
      %dma_wait3A = arith.constant 0 : i32
      %dma_wait3A_123 = tpu.memref_slice %arg5[%arg0, %add3A_89, %dma_wait3A] : memref<2x25088x64xf32, #tpu.memory_space<hbm>> -> memref<1x128x64xf32, #tpu.memory_space<hbm>>
      %dma_wait3A_124 = tpu.memref_squeeze %dma_wait3A_123 : memref<1x128x64xf32, #tpu.memory_space<hbm>> -> memref<128x64xf32, #tpu.memory_space<hbm>>
      %dma_wait3A_125 = arith.constant 0 : i32
      %dma_wait3A_126 = tpu.memref_slice %arg5[%arg0, %add3A_89, %dma_wait3A_125] : memref<2x25088x64xf32, #tpu.memory_space<hbm>> -> memref<1x128x64xf32, #tpu.memory_space<hbm>>
      %dma_wait3A_127 = tpu.memref_squeeze %dma_wait3A_126 : memref<1x128x64xf32, #tpu.memory_space<hbm>> -> memref<128x64xf32, #tpu.memory_space<hbm>>
      tpu.wait_dma2 semaphore(%run_scoped3A : memref<!tpu.dma_semaphore, #tpu.memory_space<semaphore_mem>>) src(%arg8 : memref<128x64xf32, #tpu.memory_space<vmem>>) dst(%dma_wait3A_127 : memref<128x64xf32, #tpu.memory_space<hbm>>)
      tpu.yield
    }) : () -> ()
    %mul3A_90 = arith.constant 1568 : i32
    %mul3A_91 = arith.muli %arg1, %mul3A_90 : i32
    %add3A_92 = arith.constant 768 : i32
    %add3A_93 = arith.addi %mul3A_91, %add3A_92 : i32
    "tpu.region"() ({
      %run_scoped3A = tpu.sem_alloc : memref<!tpu.dma_semaphore, #tpu.memory_space<semaphore_mem>>
      %dma_start3A = arith.constant 0 : i32
      %dma_start3A_118 = tpu.memref_slice %arg10[%add3A_93, %dma_start3A] : memref<25088x64xf32, #tpu.memory_space<vmem_shared>> -> memref<128x64xf32, #tpu.memory_space<vmem_shared>>
      %dma_start3A_119 = arith.constant 0 : i32
      %dma_start3A_120 = tpu.memref_slice %arg10[%add3A_93, %dma_start3A_119] : memref<25088x64xf32, #tpu.memory_space<vmem_shared>> -> memref<128x64xf32, #tpu.memory_space<vmem_shared>>
      tpu.enqueue_dma source(%dma_start3A_120 : memref<128x64xf32, #tpu.memory_space<vmem_shared>>) target(%arg8 : memref<128x64xf32, #tpu.memory_space<vmem>>) target_semaphore(%run_scoped3A : memref<!tpu.dma_semaphore, #tpu.memory_space<semaphore_mem>>)
      %dma_wait3A = arith.constant 0 : i32
      %dma_wait3A_121 = tpu.memref_slice %arg10[%add3A_93, %dma_wait3A] : memref<25088x64xf32, #tpu.memory_space<vmem_shared>> -> memref<128x64xf32, #tpu.memory_space<vmem_shared>>
      %dma_wait3A_122 = arith.constant 0 : i32
      %dma_wait3A_123 = tpu.memref_slice %arg10[%add3A_93, %dma_wait3A_122] : memref<25088x64xf32, #tpu.memory_space<vmem_shared>> -> memref<128x64xf32, #tpu.memory_space<vmem_shared>>
      tpu.wait_dma2 semaphore(%run_scoped3A : memref<!tpu.dma_semaphore, #tpu.memory_space<semaphore_mem>>) src(%dma_wait3A_123 : memref<128x64xf32, #tpu.memory_space<vmem_shared>>) dst(%arg8 : memref<128x64xf32, #tpu.memory_space<vmem>>)
      tpu.yield
    }) : () -> ()
    "tpu.region"() ({
      %run_scoped3A = tpu.sem_alloc : memref<!tpu.dma_semaphore, #tpu.memory_space<semaphore_mem>>
      %dma_start3A = arith.constant 0 : i32
      %dma_start3A_118 = tpu.memref_slice %arg5[%arg0, %add3A_93, %dma_start3A] : memref<2x25088x64xf32, #tpu.memory_space<hbm>> -> memref<1x128x64xf32, #tpu.memory_space<hbm>>
      %dma_start3A_119 = tpu.memref_squeeze %dma_start3A_118 : memref<1x128x64xf32, #tpu.memory_space<hbm>> -> memref<128x64xf32, #tpu.memory_space<hbm>>
      %dma_start3A_120 = arith.constant 0 : i32
      %dma_start3A_121 = tpu.memref_slice %arg5[%arg0, %add3A_93, %dma_start3A_120] : memref<2x25088x64xf32, #tpu.memory_space<hbm>> -> memref<1x128x64xf32, #tpu.memory_space<hbm>>
      %dma_start3A_122 = tpu.memref_squeeze %dma_start3A_121 : memref<1x128x64xf32, #tpu.memory_space<hbm>> -> memref<128x64xf32, #tpu.memory_space<hbm>>
      tpu.enqueue_dma source(%arg8 : memref<128x64xf32, #tpu.memory_space<vmem>>) target(%dma_start3A_122 : memref<128x64xf32, #tpu.memory_space<hbm>>) target_semaphore(%run_scoped3A : memref<!tpu.dma_semaphore, #tpu.memory_space<semaphore_mem>>)
      %dma_wait3A = arith.constant 0 : i32
      %dma_wait3A_123 = tpu.memref_slice %arg5[%arg0, %add3A_93, %dma_wait3A] : memref<2x25088x64xf32, #tpu.memory_space<hbm>> -> memref<1x128x64xf32, #tpu.memory_space<hbm>>
      %dma_wait3A_124 = tpu.memref_squeeze %dma_wait3A_123 : memref<1x128x64xf32, #tpu.memory_space<hbm>> -> memref<128x64xf32, #tpu.memory_space<hbm>>
      %dma_wait3A_125 = arith.constant 0 : i32
      %dma_wait3A_126 = tpu.memref_slice %arg5[%arg0, %add3A_93, %dma_wait3A_125] : memref<2x25088x64xf32, #tpu.memory_space<hbm>> -> memref<1x128x64xf32, #tpu.memory_space<hbm>>
      %dma_wait3A_127 = tpu.memref_squeeze %dma_wait3A_126 : memref<1x128x64xf32, #tpu.memory_space<hbm>> -> memref<128x64xf32, #tpu.memory_space<hbm>>
      tpu.wait_dma2 semaphore(%run_scoped3A : memref<!tpu.dma_semaphore, #tpu.memory_space<semaphore_mem>>) src(%arg8 : memref<128x64xf32, #tpu.memory_space<vmem>>) dst(%dma_wait3A_127 : memref<128x64xf32, #tpu.memory_space<hbm>>)
      tpu.yield
    }) : () -> ()
    %mul3A_94 = arith.constant 1568 : i32
    %mul3A_95 = arith.muli %arg1, %mul3A_94 : i32
    %add3A_96 = arith.constant 896 : i32
    %add3A_97 = arith.addi %mul3A_95, %add3A_96 : i32
    "tpu.region"() ({
      %run_scoped3A = tpu.sem_alloc : memref<!tpu.dma_semaphore, #tpu.memory_space<semaphore_mem>>
      %dma_start3A = arith.constant 0 : i32
      %dma_start3A_118 = tpu.memref_slice %arg10[%add3A_97, %dma_start3A] : memref<25088x64xf32, #tpu.memory_space<vmem_shared>> -> memref<128x64xf32, #tpu.memory_space<vmem_shared>>
      %dma_start3A_119 = arith.constant 0 : i32
      %dma_start3A_120 = tpu.memref_slice %arg10[%add3A_97, %dma_start3A_119] : memref<25088x64xf32, #tpu.memory_space<vmem_shared>> -> memref<128x64xf32, #tpu.memory_space<vmem_shared>>
      tpu.enqueue_dma source(%dma_start3A_120 : memref<128x64xf32, #tpu.memory_space<vmem_shared>>) target(%arg8 : memref<128x64xf32, #tpu.memory_space<vmem>>) target_semaphore(%run_scoped3A : memref<!tpu.dma_semaphore, #tpu.memory_space<semaphore_mem>>)
      %dma_wait3A = arith.constant 0 : i32
      %dma_wait3A_121 = tpu.memref_slice %arg10[%add3A_97, %dma_wait3A] : memref<25088x64xf32, #tpu.memory_space<vmem_shared>> -> memref<128x64xf32, #tpu.memory_space<vmem_shared>>
      %dma_wait3A_122 = arith.constant 0 : i32
      %dma_wait3A_123 = tpu.memref_slice %arg10[%add3A_97, %dma_wait3A_122] : memref<25088x64xf32, #tpu.memory_space<vmem_shared>> -> memref<128x64xf32, #tpu.memory_space<vmem_shared>>
      tpu.wait_dma2 semaphore(%run_scoped3A : memref<!tpu.dma_semaphore, #tpu.memory_space<semaphore_mem>>) src(%dma_wait3A_123 : memref<128x64xf32, #tpu.memory_space<vmem_shared>>) dst(%arg8 : memref<128x64xf32, #tpu.memory_space<vmem>>)
      tpu.yield
    }) : () -> ()
    "tpu.region"() ({
      %run_scoped3A = tpu.sem_alloc : memref<!tpu.dma_semaphore, #tpu.memory_space<semaphore_mem>>
      %dma_start3A = arith.constant 0 : i32
      %dma_start3A_118 = tpu.memref_slice %arg5[%arg0, %add3A_97, %dma_start3A] : memref<2x25088x64xf32, #tpu.memory_space<hbm>> -> memref<1x128x64xf32, #tpu.memory_space<hbm>>
      %dma_start3A_119 = tpu.memref_squeeze %dma_start3A_118 : memref<1x128x64xf32, #tpu.memory_space<hbm>> -> memref<128x64xf32, #tpu.memory_space<hbm>>
      %dma_start3A_120 = arith.constant 0 : i32
      %dma_start3A_121 = tpu.memref_slice %arg5[%arg0, %add3A_97, %dma_start3A_120] : memref<2x25088x64xf32, #tpu.memory_space<hbm>> -> memref<1x128x64xf32, #tpu.memory_space<hbm>>
      %dma_start3A_122 = tpu.memref_squeeze %dma_start3A_121 : memref<1x128x64xf32, #tpu.memory_space<hbm>> -> memref<128x64xf32, #tpu.memory_space<hbm>>
      tpu.enqueue_dma source(%arg8 : memref<128x64xf32, #tpu.memory_space<vmem>>) target(%dma_start3A_122 : memref<128x64xf32, #tpu.memory_space<hbm>>) target_semaphore(%run_scoped3A : memref<!tpu.dma_semaphore, #tpu.memory_space<semaphore_mem>>)
      %dma_wait3A = arith.constant 0 : i32
      %dma_wait3A_123 = tpu.memref_slice %arg5[%arg0, %add3A_97, %dma_wait3A] : memref<2x25088x64xf32, #tpu.memory_space<hbm>> -> memref<1x128x64xf32, #tpu.memory_space<hbm>>
      %dma_wait3A_124 = tpu.memref_squeeze %dma_wait3A_123 : memref<1x128x64xf32, #tpu.memory_space<hbm>> -> memref<128x64xf32, #tpu.memory_space<hbm>>
      %dma_wait3A_125 = arith.constant 0 : i32
      %dma_wait3A_126 = tpu.memref_slice %arg5[%arg0, %add3A_97, %dma_wait3A_125] : memref<2x25088x64xf32, #tpu.memory_space<hbm>> -> memref<1x128x64xf32, #tpu.memory_space<hbm>>
      %dma_wait3A_127 = tpu.memref_squeeze %dma_wait3A_126 : memref<1x128x64xf32, #tpu.memory_space<hbm>> -> memref<128x64xf32, #tpu.memory_space<hbm>>
      tpu.wait_dma2 semaphore(%run_scoped3A : memref<!tpu.dma_semaphore, #tpu.memory_space<semaphore_mem>>) src(%arg8 : memref<128x64xf32, #tpu.memory_space<vmem>>) dst(%dma_wait3A_127 : memref<128x64xf32, #tpu.memory_space<hbm>>)
      tpu.yield
    }) : () -> ()
    %mul3A_98 = arith.constant 1568 : i32
    %mul3A_99 = arith.muli %arg1, %mul3A_98 : i32
    %add3A_100 = arith.constant 1024 : i32
    %add3A_101 = arith.addi %mul3A_99, %add3A_100 : i32
    "tpu.region"() ({
      %run_scoped3A = tpu.sem_alloc : memref<!tpu.dma_semaphore, #tpu.memory_space<semaphore_mem>>
      %dma_start3A = arith.constant 0 : i32
      %dma_start3A_118 = tpu.memref_slice %arg10[%add3A_101, %dma_start3A] : memref<25088x64xf32, #tpu.memory_space<vmem_shared>> -> memref<128x64xf32, #tpu.memory_space<vmem_shared>>
      %dma_start3A_119 = arith.constant 0 : i32
      %dma_start3A_120 = tpu.memref_slice %arg10[%add3A_101, %dma_start3A_119] : memref<25088x64xf32, #tpu.memory_space<vmem_shared>> -> memref<128x64xf32, #tpu.memory_space<vmem_shared>>
      tpu.enqueue_dma source(%dma_start3A_120 : memref<128x64xf32, #tpu.memory_space<vmem_shared>>) target(%arg8 : memref<128x64xf32, #tpu.memory_space<vmem>>) target_semaphore(%run_scoped3A : memref<!tpu.dma_semaphore, #tpu.memory_space<semaphore_mem>>)
      %dma_wait3A = arith.constant 0 : i32
      %dma_wait3A_121 = tpu.memref_slice %arg10[%add3A_101, %dma_wait3A] : memref<25088x64xf32, #tpu.memory_space<vmem_shared>> -> memref<128x64xf32, #tpu.memory_space<vmem_shared>>
      %dma_wait3A_122 = arith.constant 0 : i32
      %dma_wait3A_123 = tpu.memref_slice %arg10[%add3A_101, %dma_wait3A_122] : memref<25088x64xf32, #tpu.memory_space<vmem_shared>> -> memref<128x64xf32, #tpu.memory_space<vmem_shared>>
      tpu.wait_dma2 semaphore(%run_scoped3A : memref<!tpu.dma_semaphore, #tpu.memory_space<semaphore_mem>>) src(%dma_wait3A_123 : memref<128x64xf32, #tpu.memory_space<vmem_shared>>) dst(%arg8 : memref<128x64xf32, #tpu.memory_space<vmem>>)
      tpu.yield
    }) : () -> ()
    "tpu.region"() ({
      %run_scoped3A = tpu.sem_alloc : memref<!tpu.dma_semaphore, #tpu.memory_space<semaphore_mem>>
      %dma_start3A = arith.constant 0 : i32
      %dma_start3A_118 = tpu.memref_slice %arg5[%arg0, %add3A_101, %dma_start3A] : memref<2x25088x64xf32, #tpu.memory_space<hbm>> -> memref<1x128x64xf32, #tpu.memory_space<hbm>>
      %dma_start3A_119 = tpu.memref_squeeze %dma_start3A_118 : memref<1x128x64xf32, #tpu.memory_space<hbm>> -> memref<128x64xf32, #tpu.memory_space<hbm>>
      %dma_start3A_120 = arith.constant 0 : i32
      %dma_start3A_121 = tpu.memref_slice %arg5[%arg0, %add3A_101, %dma_start3A_120] : memref<2x25088x64xf32, #tpu.memory_space<hbm>> -> memref<1x128x64xf32, #tpu.memory_space<hbm>>
      %dma_start3A_122 = tpu.memref_squeeze %dma_start3A_121 : memref<1x128x64xf32, #tpu.memory_space<hbm>> -> memref<128x64xf32, #tpu.memory_space<hbm>>
      tpu.enqueue_dma source(%arg8 : memref<128x64xf32, #tpu.memory_space<vmem>>) target(%dma_start3A_122 : memref<128x64xf32, #tpu.memory_space<hbm>>) target_semaphore(%run_scoped3A : memref<!tpu.dma_semaphore, #tpu.memory_space<semaphore_mem>>)
      %dma_wait3A = arith.constant 0 : i32
      %dma_wait3A_123 = tpu.memref_slice %arg5[%arg0, %add3A_101, %dma_wait3A] : memref<2x25088x64xf32, #tpu.memory_space<hbm>> -> memref<1x128x64xf32, #tpu.memory_space<hbm>>
      %dma_wait3A_124 = tpu.memref_squeeze %dma_wait3A_123 : memref<1x128x64xf32, #tpu.memory_space<hbm>> -> memref<128x64xf32, #tpu.memory_space<hbm>>
      %dma_wait3A_125 = arith.constant 0 : i32
      %dma_wait3A_126 = tpu.memref_slice %arg5[%arg0, %add3A_101, %dma_wait3A_125] : memref<2x25088x64xf32, #tpu.memory_space<hbm>> -> memref<1x128x64xf32, #tpu.memory_space<hbm>>
      %dma_wait3A_127 = tpu.memref_squeeze %dma_wait3A_126 : memref<1x128x64xf32, #tpu.memory_space<hbm>> -> memref<128x64xf32, #tpu.memory_space<hbm>>
      tpu.wait_dma2 semaphore(%run_scoped3A : memref<!tpu.dma_semaphore, #tpu.memory_space<semaphore_mem>>) src(%arg8 : memref<128x64xf32, #tpu.memory_space<vmem>>) dst(%dma_wait3A_127 : memref<128x64xf32, #tpu.memory_space<hbm>>)
      tpu.yield
    }) : () -> ()
    %mul3A_102 = arith.constant 1568 : i32
    %mul3A_103 = arith.muli %arg1, %mul3A_102 : i32
    %add3A_104 = arith.constant 1152 : i32
    %add3A_105 = arith.addi %mul3A_103, %add3A_104 : i32
    "tpu.region"() ({
      %run_scoped3A = tpu.sem_alloc : memref<!tpu.dma_semaphore, #tpu.memory_space<semaphore_mem>>
      %dma_start3A = arith.constant 0 : i32
      %dma_start3A_118 = tpu.memref_slice %arg10[%add3A_105, %dma_start3A] : memref<25088x64xf32, #tpu.memory_space<vmem_shared>> -> memref<128x64xf32, #tpu.memory_space<vmem_shared>>
      %dma_start3A_119 = arith.constant 0 : i32
      %dma_start3A_120 = tpu.memref_slice %arg10[%add3A_105, %dma_start3A_119] : memref<25088x64xf32, #tpu.memory_space<vmem_shared>> -> memref<128x64xf32, #tpu.memory_space<vmem_shared>>
      tpu.enqueue_dma source(%dma_start3A_120 : memref<128x64xf32, #tpu.memory_space<vmem_shared>>) target(%arg8 : memref<128x64xf32, #tpu.memory_space<vmem>>) target_semaphore(%run_scoped3A : memref<!tpu.dma_semaphore, #tpu.memory_space<semaphore_mem>>)
      %dma_wait3A = arith.constant 0 : i32
      %dma_wait3A_121 = tpu.memref_slice %arg10[%add3A_105, %dma_wait3A] : memref<25088x64xf32, #tpu.memory_space<vmem_shared>> -> memref<128x64xf32, #tpu.memory_space<vmem_shared>>
      %dma_wait3A_122 = arith.constant 0 : i32
      %dma_wait3A_123 = tpu.memref_slice %arg10[%add3A_105, %dma_wait3A_122] : memref<25088x64xf32, #tpu.memory_space<vmem_shared>> -> memref<128x64xf32, #tpu.memory_space<vmem_shared>>
      tpu.wait_dma2 semaphore(%run_scoped3A : memref<!tpu.dma_semaphore, #tpu.memory_space<semaphore_mem>>) src(%dma_wait3A_123 : memref<128x64xf32, #tpu.memory_space<vmem_shared>>) dst(%arg8 : memref<128x64xf32, #tpu.memory_space<vmem>>)
      tpu.yield
    }) : () -> ()
    "tpu.region"() ({
      %run_scoped3A = tpu.sem_alloc : memref<!tpu.dma_semaphore, #tpu.memory_space<semaphore_mem>>
      %dma_start3A = arith.constant 0 : i32
      %dma_start3A_118 = tpu.memref_slice %arg5[%arg0, %add3A_105, %dma_start3A] : memref<2x25088x64xf32, #tpu.memory_space<hbm>> -> memref<1x128x64xf32, #tpu.memory_space<hbm>>
      %dma_start3A_119 = tpu.memref_squeeze %dma_start3A_118 : memref<1x128x64xf32, #tpu.memory_space<hbm>> -> memref<128x64xf32, #tpu.memory_space<hbm>>
      %dma_start3A_120 = arith.constant 0 : i32
      %dma_start3A_121 = tpu.memref_slice %arg5[%arg0, %add3A_105, %dma_start3A_120] : memref<2x25088x64xf32, #tpu.memory_space<hbm>> -> memref<1x128x64xf32, #tpu.memory_space<hbm>>
      %dma_start3A_122 = tpu.memref_squeeze %dma_start3A_121 : memref<1x128x64xf32, #tpu.memory_space<hbm>> -> memref<128x64xf32, #tpu.memory_space<hbm>>
      tpu.enqueue_dma source(%arg8 : memref<128x64xf32, #tpu.memory_space<vmem>>) target(%dma_start3A_122 : memref<128x64xf32, #tpu.memory_space<hbm>>) target_semaphore(%run_scoped3A : memref<!tpu.dma_semaphore, #tpu.memory_space<semaphore_mem>>)
      %dma_wait3A = arith.constant 0 : i32
      %dma_wait3A_123 = tpu.memref_slice %arg5[%arg0, %add3A_105, %dma_wait3A] : memref<2x25088x64xf32, #tpu.memory_space<hbm>> -> memref<1x128x64xf32, #tpu.memory_space<hbm>>
      %dma_wait3A_124 = tpu.memref_squeeze %dma_wait3A_123 : memref<1x128x64xf32, #tpu.memory_space<hbm>> -> memref<128x64xf32, #tpu.memory_space<hbm>>
      %dma_wait3A_125 = arith.constant 0 : i32
      %dma_wait3A_126 = tpu.memref_slice %arg5[%arg0, %add3A_105, %dma_wait3A_125] : memref<2x25088x64xf32, #tpu.memory_space<hbm>> -> memref<1x128x64xf32, #tpu.memory_space<hbm>>
      %dma_wait3A_127 = tpu.memref_squeeze %dma_wait3A_126 : memref<1x128x64xf32, #tpu.memory_space<hbm>> -> memref<128x64xf32, #tpu.memory_space<hbm>>
      tpu.wait_dma2 semaphore(%run_scoped3A : memref<!tpu.dma_semaphore, #tpu.memory_space<semaphore_mem>>) src(%arg8 : memref<128x64xf32, #tpu.memory_space<vmem>>) dst(%dma_wait3A_127 : memref<128x64xf32, #tpu.memory_space<hbm>>)
      tpu.yield
    }) : () -> ()
    %mul3A_106 = arith.constant 1568 : i32
    %mul3A_107 = arith.muli %arg1, %mul3A_106 : i32
    %add3A_108 = arith.constant 1280 : i32
    %add3A_109 = arith.addi %mul3A_107, %add3A_108 : i32
    "tpu.region"() ({
      %run_scoped3A = tpu.sem_alloc : memref<!tpu.dma_semaphore, #tpu.memory_space<semaphore_mem>>
      %dma_start3A = arith.constant 0 : i32
      %dma_start3A_118 = tpu.memref_slice %arg10[%add3A_109, %dma_start3A] : memref<25088x64xf32, #tpu.memory_space<vmem_shared>> -> memref<128x64xf32, #tpu.memory_space<vmem_shared>>
      %dma_start3A_119 = arith.constant 0 : i32
      %dma_start3A_120 = tpu.memref_slice %arg10[%add3A_109, %dma_start3A_119] : memref<25088x64xf32, #tpu.memory_space<vmem_shared>> -> memref<128x64xf32, #tpu.memory_space<vmem_shared>>
      tpu.enqueue_dma source(%dma_start3A_120 : memref<128x64xf32, #tpu.memory_space<vmem_shared>>) target(%arg8 : memref<128x64xf32, #tpu.memory_space<vmem>>) target_semaphore(%run_scoped3A : memref<!tpu.dma_semaphore, #tpu.memory_space<semaphore_mem>>)
      %dma_wait3A = arith.constant 0 : i32
      %dma_wait3A_121 = tpu.memref_slice %arg10[%add3A_109, %dma_wait3A] : memref<25088x64xf32, #tpu.memory_space<vmem_shared>> -> memref<128x64xf32, #tpu.memory_space<vmem_shared>>
      %dma_wait3A_122 = arith.constant 0 : i32
      %dma_wait3A_123 = tpu.memref_slice %arg10[%add3A_109, %dma_wait3A_122] : memref<25088x64xf32, #tpu.memory_space<vmem_shared>> -> memref<128x64xf32, #tpu.memory_space<vmem_shared>>
      tpu.wait_dma2 semaphore(%run_scoped3A : memref<!tpu.dma_semaphore, #tpu.memory_space<semaphore_mem>>) src(%dma_wait3A_123 : memref<128x64xf32, #tpu.memory_space<vmem_shared>>) dst(%arg8 : memref<128x64xf32, #tpu.memory_space<vmem>>)
      tpu.yield
    }) : () -> ()
    "tpu.region"() ({
      %run_scoped3A = tpu.sem_alloc : memref<!tpu.dma_semaphore, #tpu.memory_space<semaphore_mem>>
      %dma_start3A = arith.constant 0 : i32
      %dma_start3A_118 = tpu.memref_slice %arg5[%arg0, %add3A_109, %dma_start3A] : memref<2x25088x64xf32, #tpu.memory_space<hbm>> -> memref<1x128x64xf32, #tpu.memory_space<hbm>>
      %dma_start3A_119 = tpu.memref_squeeze %dma_start3A_118 : memref<1x128x64xf32, #tpu.memory_space<hbm>> -> memref<128x64xf32, #tpu.memory_space<hbm>>
      %dma_start3A_120 = arith.constant 0 : i32
      %dma_start3A_121 = tpu.memref_slice %arg5[%arg0, %add3A_109, %dma_start3A_120] : memref<2x25088x64xf32, #tpu.memory_space<hbm>> -> memref<1x128x64xf32, #tpu.memory_space<hbm>>
      %dma_start3A_122 = tpu.memref_squeeze %dma_start3A_121 : memref<1x128x64xf32, #tpu.memory_space<hbm>> -> memref<128x64xf32, #tpu.memory_space<hbm>>
      tpu.enqueue_dma source(%arg8 : memref<128x64xf32, #tpu.memory_space<vmem>>) target(%dma_start3A_122 : memref<128x64xf32, #tpu.memory_space<hbm>>) target_semaphore(%run_scoped3A : memref<!tpu.dma_semaphore, #tpu.memory_space<semaphore_mem>>)
      %dma_wait3A = arith.constant 0 : i32
      %dma_wait3A_123 = tpu.memref_slice %arg5[%arg0, %add3A_109, %dma_wait3A] : memref<2x25088x64xf32, #tpu.memory_space<hbm>> -> memref<1x128x64xf32, #tpu.memory_space<hbm>>
      %dma_wait3A_124 = tpu.memref_squeeze %dma_wait3A_123 : memref<1x128x64xf32, #tpu.memory_space<hbm>> -> memref<128x64xf32, #tpu.memory_space<hbm>>
      %dma_wait3A_125 = arith.constant 0 : i32
      %dma_wait3A_126 = tpu.memref_slice %arg5[%arg0, %add3A_109, %dma_wait3A_125] : memref<2x25088x64xf32, #tpu.memory_space<hbm>> -> memref<1x128x64xf32, #tpu.memory_space<hbm>>
      %dma_wait3A_127 = tpu.memref_squeeze %dma_wait3A_126 : memref<1x128x64xf32, #tpu.memory_space<hbm>> -> memref<128x64xf32, #tpu.memory_space<hbm>>
      tpu.wait_dma2 semaphore(%run_scoped3A : memref<!tpu.dma_semaphore, #tpu.memory_space<semaphore_mem>>) src(%arg8 : memref<128x64xf32, #tpu.memory_space<vmem>>) dst(%dma_wait3A_127 : memref<128x64xf32, #tpu.memory_space<hbm>>)
      tpu.yield
    }) : () -> ()
    %mul3A_110 = arith.constant 1568 : i32
    %mul3A_111 = arith.muli %arg1, %mul3A_110 : i32
    %add3A_112 = arith.constant 1408 : i32
    %add3A_113 = arith.addi %mul3A_111, %add3A_112 : i32
    "tpu.region"() ({
      %run_scoped3A = tpu.sem_alloc : memref<!tpu.dma_semaphore, #tpu.memory_space<semaphore_mem>>
      %dma_start3A = arith.constant 0 : i32
      %dma_start3A_118 = tpu.memref_slice %arg10[%add3A_113, %dma_start3A] : memref<25088x64xf32, #tpu.memory_space<vmem_shared>> -> memref<128x64xf32, #tpu.memory_space<vmem_shared>>
      %dma_start3A_119 = arith.constant 0 : i32
      %dma_start3A_120 = tpu.memref_slice %arg10[%add3A_113, %dma_start3A_119] : memref<25088x64xf32, #tpu.memory_space<vmem_shared>> -> memref<128x64xf32, #tpu.memory_space<vmem_shared>>
      tpu.enqueue_dma source(%dma_start3A_120 : memref<128x64xf32, #tpu.memory_space<vmem_shared>>) target(%arg8 : memref<128x64xf32, #tpu.memory_space<vmem>>) target_semaphore(%run_scoped3A : memref<!tpu.dma_semaphore, #tpu.memory_space<semaphore_mem>>)
      %dma_wait3A = arith.constant 0 : i32
      %dma_wait3A_121 = tpu.memref_slice %arg10[%add3A_113, %dma_wait3A] : memref<25088x64xf32, #tpu.memory_space<vmem_shared>> -> memref<128x64xf32, #tpu.memory_space<vmem_shared>>
      %dma_wait3A_122 = arith.constant 0 : i32
      %dma_wait3A_123 = tpu.memref_slice %arg10[%add3A_113, %dma_wait3A_122] : memref<25088x64xf32, #tpu.memory_space<vmem_shared>> -> memref<128x64xf32, #tpu.memory_space<vmem_shared>>
      tpu.wait_dma2 semaphore(%run_scoped3A : memref<!tpu.dma_semaphore, #tpu.memory_space<semaphore_mem>>) src(%dma_wait3A_123 : memref<128x64xf32, #tpu.memory_space<vmem_shared>>) dst(%arg8 : memref<128x64xf32, #tpu.memory_space<vmem>>)
      tpu.yield
    }) : () -> ()
    "tpu.region"() ({
      %run_scoped3A = tpu.sem_alloc : memref<!tpu.dma_semaphore, #tpu.memory_space<semaphore_mem>>
      %dma_start3A = arith.constant 0 : i32
      %dma_start3A_118 = tpu.memref_slice %arg5[%arg0, %add3A_113, %dma_start3A] : memref<2x25088x64xf32, #tpu.memory_space<hbm>> -> memref<1x128x64xf32, #tpu.memory_space<hbm>>
      %dma_start3A_119 = tpu.memref_squeeze %dma_start3A_118 : memref<1x128x64xf32, #tpu.memory_space<hbm>> -> memref<128x64xf32, #tpu.memory_space<hbm>>
      %dma_start3A_120 = arith.constant 0 : i32
      %dma_start3A_121 = tpu.memref_slice %arg5[%arg0, %add3A_113, %dma_start3A_120] : memref<2x25088x64xf32, #tpu.memory_space<hbm>> -> memref<1x128x64xf32, #tpu.memory_space<hbm>>
      %dma_start3A_122 = tpu.memref_squeeze %dma_start3A_121 : memref<1x128x64xf32, #tpu.memory_space<hbm>> -> memref<128x64xf32, #tpu.memory_space<hbm>>
      tpu.enqueue_dma source(%arg8 : memref<128x64xf32, #tpu.memory_space<vmem>>) target(%dma_start3A_122 : memref<128x64xf32, #tpu.memory_space<hbm>>) target_semaphore(%run_scoped3A : memref<!tpu.dma_semaphore, #tpu.memory_space<semaphore_mem>>)
      %dma_wait3A = arith.constant 0 : i32
      %dma_wait3A_123 = tpu.memref_slice %arg5[%arg0, %add3A_113, %dma_wait3A] : memref<2x25088x64xf32, #tpu.memory_space<hbm>> -> memref<1x128x64xf32, #tpu.memory_space<hbm>>
      %dma_wait3A_124 = tpu.memref_squeeze %dma_wait3A_123 : memref<1x128x64xf32, #tpu.memory_space<hbm>> -> memref<128x64xf32, #tpu.memory_space<hbm>>
      %dma_wait3A_125 = arith.constant 0 : i32
      %dma_wait3A_126 = tpu.memref_slice %arg5[%arg0, %add3A_113, %dma_wait3A_125] : memref<2x25088x64xf32, #tpu.memory_space<hbm>> -> memref<1x128x64xf32, #tpu.memory_space<hbm>>
      %dma_wait3A_127 = tpu.memref_squeeze %dma_wait3A_126 : memref<1x128x64xf32, #tpu.memory_space<hbm>> -> memref<128x64xf32, #tpu.memory_space<hbm>>
      tpu.wait_dma2 semaphore(%run_scoped3A : memref<!tpu.dma_semaphore, #tpu.memory_space<semaphore_mem>>) src(%arg8 : memref<128x64xf32, #tpu.memory_space<vmem>>) dst(%dma_wait3A_127 : memref<128x64xf32, #tpu.memory_space<hbm>>)
      tpu.yield
    }) : () -> ()
    %mul3A_114 = arith.constant 1568 : i32
    %mul3A_115 = arith.muli %arg1, %mul3A_114 : i32
    %add3A_116 = arith.constant 1536 : i32
    %add3A_117 = arith.addi %mul3A_115, %add3A_116 : i32
    "tpu.region"() ({
      %run_scoped3A = tpu.sem_alloc : memref<!tpu.dma_semaphore, #tpu.memory_space<semaphore_mem>>
      %dma_start3A = arith.constant 0 : i32
      %dma_start3A_118 = arith.constant 0 : i32
      %dma_start3A_119 = tpu.memref_slice %arg8[%dma_start3A, %dma_start3A_118] : memref<128x64xf32, #tpu.memory_space<vmem>> -> memref<32x64xf32, #tpu.memory_space<vmem>>
      %dma_start3A_120 = arith.constant 0 : i32
      %dma_start3A_121 = tpu.memref_slice %arg10[%add3A_117, %dma_start3A_120] : memref<25088x64xf32, #tpu.memory_space<vmem_shared>> -> memref<32x64xf32, #tpu.memory_space<vmem_shared>>
      %dma_start3A_122 = arith.constant 0 : i32
      %dma_start3A_123 = arith.constant 0 : i32
      %dma_start3A_124 = tpu.memref_slice %arg8[%dma_start3A_122, %dma_start3A_123] : memref<128x64xf32, #tpu.memory_space<vmem>> -> memref<32x64xf32, #tpu.memory_space<vmem>>
      %dma_start3A_125 = arith.constant 0 : i32
      %dma_start3A_126 = tpu.memref_slice %arg10[%add3A_117, %dma_start3A_125] : memref<25088x64xf32, #tpu.memory_space<vmem_shared>> -> memref<32x64xf32, #tpu.memory_space<vmem_shared>>
      tpu.enqueue_dma source(%dma_start3A_126 : memref<32x64xf32, #tpu.memory_space<vmem_shared>>) target(%dma_start3A_124 : memref<32x64xf32, #tpu.memory_space<vmem>>) target_semaphore(%run_scoped3A : memref<!tpu.dma_semaphore, #tpu.memory_space<semaphore_mem>>)
      %dma_wait3A = arith.constant 0 : i32
      %dma_wait3A_127 = arith.constant 0 : i32
      %dma_wait3A_128 = tpu.memref_slice %arg8[%dma_wait3A, %dma_wait3A_127] : memref<128x64xf32, #tpu.memory_space<vmem>> -> memref<32x64xf32, #tpu.memory_space<vmem>>
      %dma_wait3A_129 = arith.constant 0 : i32
      %dma_wait3A_130 = tpu.memref_slice %arg10[%add3A_117, %dma_wait3A_129] : memref<25088x64xf32, #tpu.memory_space<vmem_shared>> -> memref<32x64xf32, #tpu.memory_space<vmem_shared>>
      %dma_wait3A_131 = arith.constant 0 : i32
      %dma_wait3A_132 = arith.constant 0 : i32
      %dma_wait3A_133 = tpu.memref_slice %arg8[%dma_wait3A_131, %dma_wait3A_132] : memref<128x64xf32, #tpu.memory_space<vmem>> -> memref<32x64xf32, #tpu.memory_space<vmem>>
      %dma_wait3A_134 = arith.constant 0 : i32
      %dma_wait3A_135 = tpu.memref_slice %arg10[%add3A_117, %dma_wait3A_134] : memref<25088x64xf32, #tpu.memory_space<vmem_shared>> -> memref<32x64xf32, #tpu.memory_space<vmem_shared>>
      tpu.wait_dma2 semaphore(%run_scoped3A : memref<!tpu.dma_semaphore, #tpu.memory_space<semaphore_mem>>) src(%dma_wait3A_135 : memref<32x64xf32, #tpu.memory_space<vmem_shared>>) dst(%dma_wait3A_133 : memref<32x64xf32, #tpu.memory_space<vmem>>)
      tpu.yield
    }) : () -> ()
    "tpu.region"() ({
      %run_scoped3A = tpu.sem_alloc : memref<!tpu.dma_semaphore, #tpu.memory_space<semaphore_mem>>
      %dma_start3A = arith.constant 0 : i32
      %dma_start3A_118 = arith.constant 0 : i32
      %dma_start3A_119 = tpu.memref_slice %arg8[%dma_start3A, %dma_start3A_118] : memref<128x64xf32, #tpu.memory_space<vmem>> -> memref<32x64xf32, #tpu.memory_space<vmem>>
      %dma_start3A_120 = arith.constant 0 : i32
      %dma_start3A_121 = tpu.memref_slice %arg5[%arg0, %add3A_117, %dma_start3A_120] : memref<2x25088x64xf32, #tpu.memory_space<hbm>> -> memref<1x32x64xf32, #tpu.memory_space<hbm>>
      %dma_start3A_122 = tpu.memref_squeeze %dma_start3A_121 : memref<1x32x64xf32, #tpu.memory_space<hbm>> -> memref<32x64xf32, #tpu.memory_space<hbm>>
      %dma_start3A_123 = arith.constant 0 : i32
      %dma_start3A_124 = tpu.memref_slice %arg5[%arg0, %add3A_117, %dma_start3A_123] : memref<2x25088x64xf32, #tpu.memory_space<hbm>> -> memref<1x32x64xf32, #tpu.memory_space<hbm>>
      %dma_start3A_125 = tpu.memref_squeeze %dma_start3A_124 : memref<1x32x64xf32, #tpu.memory_space<hbm>> -> memref<32x64xf32, #tpu.memory_space<hbm>>
      %dma_start3A_126 = arith.constant 0 : i32
      %dma_start3A_127 = arith.constant 0 : i32
      %dma_start3A_128 = tpu.memref_slice %arg8[%dma_start3A_126, %dma_start3A_127] : memref<128x64xf32, #tpu.memory_space<vmem>> -> memref<32x64xf32, #tpu.memory_space<vmem>>
      tpu.enqueue_dma source(%dma_start3A_128 : memref<32x64xf32, #tpu.memory_space<vmem>>) target(%dma_start3A_125 : memref<32x64xf32, #tpu.memory_space<hbm>>) target_semaphore(%run_scoped3A : memref<!tpu.dma_semaphore, #tpu.memory_space<semaphore_mem>>)
      %dma_wait3A = arith.constant 0 : i32
      %dma_wait3A_129 = arith.constant 0 : i32
      %dma_wait3A_130 = tpu.memref_slice %arg8[%dma_wait3A, %dma_wait3A_129] : memref<128x64xf32, #tpu.memory_space<vmem>> -> memref<32x64xf32, #tpu.memory_space<vmem>>
      %dma_wait3A_131 = arith.constant 0 : i32
      %dma_wait3A_132 = tpu.memref_slice %arg5[%arg0, %add3A_117, %dma_wait3A_131] : memref<2x25088x64xf32, #tpu.memory_space<hbm>> -> memref<1x32x64xf32, #tpu.memory_space<hbm>>
      %dma_wait3A_133 = tpu.memref_squeeze %dma_wait3A_132 : memref<1x32x64xf32, #tpu.memory_space<hbm>> -> memref<32x64xf32, #tpu.memory_space<hbm>>
      %dma_wait3A_134 = arith.constant 0 : i32
      %dma_wait3A_135 = tpu.memref_slice %arg5[%arg0, %add3A_117, %dma_wait3A_134] : memref<2x25088x64xf32, #tpu.memory_space<hbm>> -> memref<1x32x64xf32, #tpu.memory_space<hbm>>
      %dma_wait3A_136 = tpu.memref_squeeze %dma_wait3A_135 : memref<1x32x64xf32, #tpu.memory_space<hbm>> -> memref<32x64xf32, #tpu.memory_space<hbm>>
      %dma_wait3A_137 = arith.constant 0 : i32
      %dma_wait3A_138 = arith.constant 0 : i32
      %dma_wait3A_139 = tpu.memref_slice %arg8[%dma_wait3A_137, %dma_wait3A_138] : memref<128x64xf32, #tpu.memory_space<vmem>> -> memref<32x64xf32, #tpu.memory_space<vmem>>
      tpu.wait_dma2 semaphore(%run_scoped3A : memref<!tpu.dma_semaphore, #tpu.memory_space<semaphore_mem>>) src(%dma_wait3A_139 : memref<32x64xf32, #tpu.memory_space<vmem>>) dst(%dma_wait3A_136 : memref<32x64xf32, #tpu.memory_space<hbm>>)
      tpu.yield
    }) : () -> ()
    return
  }
}

module attributes {stable_mosaic.version = 14 : i64} {
  func.func @_tc_pre_body(%arg0: i32, %arg1: memref<1000x64xf32, #tpu.memory_space<vmem>>, %arg2: memref<1000x1xf32, #tpu.memory_space<vmem>>, %arg3: memref<1000x1xf32, #tpu.memory_space<vmem>>, %arg4: memref<64x64xf32, #tpu.memory_space<vmem>>, %arg5: memref<1x64xf32, #tpu.memory_space<vmem>>, %arg6: memref<1000x1xf32, #tpu.memory_space<vmem>>, %arg7: memref<1000x64xf32, #tpu.memory_space<vmem>>) attributes {dimension_semantics = [#tpu.dimension_semantics<arbitrary>], iteration_bounds = array<i64: 50>, scalar_prefetch = 0 : i64, scratch_operands = 0 : i64, tpu.core_type = #tpu.core_type<tc>, window_params = [{transform_indices = @transform_0, window_bounds = array<i64: 1000, 64>}, {transform_indices = @transform_1, window_bounds = array<i64: 1000, 1>}, {transform_indices = @transform_2, window_bounds = array<i64: 1000, 1>}, {pipeline_mode = #tpu.pipeline_mode<synchronous>, transform_indices = @transform_3, window_bounds = array<i64: 64, 64>}, {pipeline_mode = #tpu.pipeline_mode<synchronous>, transform_indices = @transform_4, window_bounds = array<i64: 1, 64>}, {transform_indices = @transform_5, window_bounds = array<i64: 1000, 1>}, {transform_indices = @transform_6, window_bounds = array<i64: 1000, 64>}]} {
    %get3A = arith.constant 0 : index
    %get3A_0 = arith.constant 0 : index
    %get3A_1 = vector.load %arg2[%get3A, %get3A_0] : memref<1000x1xf32, #tpu.memory_space<vmem>>, vector<1000x1xf32>
    %get3A_2 = arith.constant 0 : index
    %get3A_3 = arith.constant 0 : index
    %get3A_4 = vector.load %arg3[%get3A_2, %get3A_3] : memref<1000x1xf32, #tpu.memory_space<vmem>>, vector<1000x1xf32>
    %add3A = arith.addf %get3A_1, %get3A_4 : vector<1000x1xf32>
    %add3A_5 = arith.constant 1.000000e+00 : f32
    %add3A_6 = vector.broadcast %add3A_5 : f32 to vector<1000x1xf32>
    %add3A_7 = arith.addf %add3A, %add3A_6 : vector<1000x1xf32>
    %rsqrt3A = math.rsqrt %add3A_7 : vector<1000x1xf32>
    %get3A_8 = arith.constant 0 : index
    %get3A_9 = arith.constant 0 : index
    %get3A_10 = vector.load %arg1[%get3A_8, %get3A_9] : memref<1000x64xf32, #tpu.memory_space<vmem>>, vector<1000x64xf32>
    %get3A_11 = arith.constant 0 : index
    %get3A_12 = arith.constant 0 : index
    %get3A_13 = vector.load %arg4[%get3A_11, %get3A_12] : memref<64x64xf32, #tpu.memory_space<vmem>>, vector<64x64xf32>
    %dot_general3A = arith.constant dense<0.000000e+00> : vector<1000x64xf32>
    %dot_general3A_14 = tpu.matmul %get3A_10, %get3A_13, %dot_general3A {dimension_numbers = #tpu.dot_dimension_numbers<[1], [0], [0], [1], [0, 0, 1, 1], [], []>, transpose_lhs_hint = false} : vector<1000x64xf32>, vector<64x64xf32>, vector<1000x64xf32> -> vector<1000x64xf32>
    %swap3A = arith.constant 0 : index
    %swap3A_15 = arith.constant 0 : index
    %swap3A_16 = vector.load %arg6[%swap3A, %swap3A_15] : memref<1000x1xf32, #tpu.memory_space<vmem>>, vector<1000x1xf32>
    tpu.vector_store %arg6[%swap3A, %swap3A_15], %rsqrt3A {strides = array<i32>} : memref<1000x1xf32, #tpu.memory_space<vmem>>, vector<1000x1xf32>,
    %get3A_17 = arith.constant 0 : index
    %get3A_18 = arith.constant 0 : index
    %get3A_19 = vector.load %arg5[%get3A_17, %get3A_18] : memref<1x64xf32, #tpu.memory_space<vmem>>, vector<1x64xf32>
    %add3A_20 = vector.broadcast %get3A_19 : vector<1x64xf32> to vector<1000x64xf32>
    %add3A_21 = arith.addf %dot_general3A_14, %add3A_20 : vector<1000x64xf32>
    %mul3A = vector.broadcast %rsqrt3A : vector<1000x1xf32> to vector<1000x64xf32>
    %mul3A_22 = arith.mulf %mul3A, %add3A_21 : vector<1000x64xf32>
    %swap3A_23 = arith.constant 0 : index
    %swap3A_24 = arith.constant 0 : index
    %swap3A_25 = vector.load %arg7[%swap3A_23, %swap3A_24] : memref<1000x64xf32, #tpu.memory_space<vmem>>, vector<1000x64xf32>
    tpu.vector_store %arg7[%swap3A_23, %swap3A_24], %mul3A_22 {strides = array<i32>} : memref<1000x64xf32, #tpu.memory_space<vmem>>, vector<1000x64xf32>,
    return
  }
  func.func @transform_0(%arg0: i32) -> (i32, i32) {
    %c0_i32 = arith.constant 0 : i32
    %c0_i32_0 = arith.constant 0 : i32
    return %arg0, %c0_i32 : i32, i32
  }
  func.func @transform_1(%arg0: i32) -> (i32, i32) {
    %c0_i32 = arith.constant 0 : i32
    %c0_i32_0 = arith.constant 0 : i32
    return %arg0, %c0_i32 : i32, i32
  }
  func.func @transform_2(%arg0: i32) -> (i32, i32) {
    %c0_i32 = arith.constant 0 : i32
    %c0_i32_0 = arith.constant 0 : i32
    return %arg0, %c0_i32 : i32, i32
  }
  func.func @transform_3(%arg0: i32) -> (i32, i32) {
    %c0_i32 = arith.constant 0 : i32
    %c0_i32_0 = arith.constant 0 : i32
    %c0_i32_1 = arith.constant 0 : i32
    return %c0_i32, %c0_i32_0 : i32, i32
  }
  func.func @transform_4(%arg0: i32) -> (i32, i32) {
    %c0_i32 = arith.constant 0 : i32
    %c0_i32_0 = arith.constant 0 : i32
    %c0_i32_1 = arith.constant 0 : i32
    return %c0_i32, %c0_i32_0 : i32, i32
  }
  func.func @transform_5(%arg0: i32) -> (i32, i32) {
    %c0_i32 = arith.constant 0 : i32
    %c0_i32_0 = arith.constant 0 : i32
    return %arg0, %c0_i32 : i32, i32
  }
  func.func @transform_6(%arg0: i32) -> (i32, i32) {
    %c0_i32 = arith.constant 0 : i32
    %c0_i32_0 = arith.constant 0 : i32
    return %arg0, %c0_i32 : i32, i32
  }
}

module attributes {stable_mosaic.version = 14 : i64} {
  func.func @_tc_mid_body(%arg0: i32, %arg1: memref<1000x64xf32, #tpu.memory_space<vmem>>, %arg2: memref<1000x64xf32, #tpu.memory_space<vmem>>, %arg3: memref<1000x1xf32, #tpu.memory_space<vmem>>, %arg4: memref<64x64xf32, #tpu.memory_space<vmem>>, %arg5: memref<1x64xf32, #tpu.memory_space<vmem>>, %arg6: memref<1000x64xf32, #tpu.memory_space<vmem>>, %arg7: memref<1000x64xf32, #tpu.memory_space<vmem>>) attributes {dimension_semantics = [#tpu.dimension_semantics<arbitrary>], iteration_bounds = array<i64: 50>, scalar_prefetch = 0 : i64, scratch_operands = 0 : i64, tpu.core_type = #tpu.core_type<tc>, window_params = [{transform_indices = @transform_0, window_bounds = array<i64: 1000, 64>}, {transform_indices = @transform_1, window_bounds = array<i64: 1000, 64>}, {transform_indices = @transform_2, window_bounds = array<i64: 1000, 1>}, {pipeline_mode = #tpu.pipeline_mode<synchronous>, transform_indices = @transform_3, window_bounds = array<i64: 64, 64>}, {pipeline_mode = #tpu.pipeline_mode<synchronous>, transform_indices = @transform_4, window_bounds = array<i64: 1, 64>}, {transform_indices = @transform_5, window_bounds = array<i64: 1000, 64>}, {transform_indices = @transform_6, window_bounds = array<i64: 1000, 64>}]} {
    %get3A = arith.constant 0 : index
    %get3A_0 = arith.constant 0 : index
    %get3A_1 = vector.load %arg3[%get3A, %get3A_0] : memref<1000x1xf32, #tpu.memory_space<vmem>>, vector<1000x1xf32>
    %get3A_2 = arith.constant 0 : index
    %get3A_3 = arith.constant 0 : index
    %get3A_4 = vector.load %arg1[%get3A_2, %get3A_3] : memref<1000x64xf32, #tpu.memory_space<vmem>>, vector<1000x64xf32>
    %get3A_5 = arith.constant 0 : index
    %get3A_6 = arith.constant 0 : index
    %get3A_7 = vector.load %arg2[%get3A_5, %get3A_6] : memref<1000x64xf32, #tpu.memory_space<vmem>>, vector<1000x64xf32>
    %add3A = arith.addf %get3A_4, %get3A_7 : vector<1000x64xf32>
    %mul3A = vector.broadcast %get3A_1 : vector<1000x1xf32> to vector<1000x64xf32>
    %mul3A_8 = arith.mulf %mul3A, %add3A : vector<1000x64xf32>
    %ge3A = arith.constant 0.000000e+00 : f32
    %ge3A_9 = vector.broadcast %ge3A : f32 to vector<1000x64xf32>
    %ge3A_10 = arith.cmpf oge, %mul3A_8, %ge3A_9 : vector<1000x64xf32>
    %mul3A_11 = arith.constant 0.00999999977 : f32
    %mul3A_12 = vector.broadcast %mul3A_11 : f32 to vector<1000x64xf32>
    %mul3A_13 = arith.mulf %mul3A_12, %mul3A_8 : vector<1000x64xf32>
    %select_n3A = arith.select %ge3A_10, %mul3A_8, %mul3A_13 : vector<1000x64xi1>, vector<1000x64xf32>
    %mul3A_14 = arith.mulf %select_n3A, %select_n3A : vector<1000x64xf32>
    %reduce_sum3A = arith.constant dense<0.000000e+00> : vector<1000xf32>
    %reduce_sum3A_15 = vector.multi_reduction <add>, %mul3A_14, %reduce_sum3A [1] : vector<1000x64xf32> to vector<1000xf32>
    %broadcast_in_dim3A = vector.shape_cast %reduce_sum3A_15 : vector<1000xf32> to vector<1000x1xf32>
    %sqrt3A = math.sqrt %broadcast_in_dim3A : vector<1000x1xf32>
    %max3A = arith.constant 9.99999996E-13 : f32
    %max3A_16 = vector.broadcast %max3A : f32 to vector<1000x1xf32>
    %max3A_17 = arith.maximumf %sqrt3A, %max3A_16 : vector<1000x1xf32>
    %div3A = vector.broadcast %max3A_17 : vector<1000x1xf32> to vector<1000x64xf32>
    %div3A_18 = arith.divf %select_n3A, %div3A : vector<1000x64xf32>
    %swap3A = arith.constant 0 : index
    %swap3A_19 = arith.constant 0 : index
    %swap3A_20 = vector.load %arg6[%swap3A, %swap3A_19] : memref<1000x64xf32, #tpu.memory_space<vmem>>, vector<1000x64xf32>
    tpu.vector_store %arg6[%swap3A, %swap3A_19], %div3A_18 {strides = array<i32>} : memref<1000x64xf32, #tpu.memory_space<vmem>>, vector<1000x64xf32>,
    %get3A_21 = arith.constant 0 : index
    %get3A_22 = arith.constant 0 : index
    %get3A_23 = vector.load %arg3[%get3A_21, %get3A_22] : memref<1000x1xf32, #tpu.memory_space<vmem>>, vector<1000x1xf32>
    %get3A_24 = arith.constant 0 : index
    %get3A_25 = arith.constant 0 : index
    %get3A_26 = vector.load %arg4[%get3A_24, %get3A_25] : memref<64x64xf32, #tpu.memory_space<vmem>>, vector<64x64xf32>
    %dot_general3A = arith.constant dense<0.000000e+00> : vector<1000x64xf32>
    %dot_general3A_27 = tpu.matmul %div3A_18, %get3A_26, %dot_general3A {dimension_numbers = #tpu.dot_dimension_numbers<[1], [0], [0], [1], [0, 0, 1, 1], [], []>, transpose_lhs_hint = false} : vector<1000x64xf32>, vector<64x64xf32>, vector<1000x64xf32> -> vector<1000x64xf32>
    %get3A_28 = arith.constant 0 : index
    %get3A_29 = arith.constant 0 : index
    %get3A_30 = vector.load %arg5[%get3A_28, %get3A_29] : memref<1x64xf32, #tpu.memory_space<vmem>>, vector<1x64xf32>
    %add3A_31 = vector.broadcast %get3A_30 : vector<1x64xf32> to vector<1000x64xf32>
    %add3A_32 = arith.addf %dot_general3A_27, %add3A_31 : vector<1000x64xf32>
    %mul3A_33 = vector.broadcast %get3A_23 : vector<1000x1xf32> to vector<1000x64xf32>
    %mul3A_34 = arith.mulf %mul3A_33, %add3A_32 : vector<1000x64xf32>
    %swap3A_35 = arith.constant 0 : index
    %swap3A_36 = arith.constant 0 : index
    %swap3A_37 = vector.load %arg7[%swap3A_35, %swap3A_36] : memref<1000x64xf32, #tpu.memory_space<vmem>>, vector<1000x64xf32>
    tpu.vector_store %arg7[%swap3A_35, %swap3A_36], %mul3A_34 {strides = array<i32>} : memref<1000x64xf32, #tpu.memory_space<vmem>>, vector<1000x64xf32>,
    return
  }
  func.func @transform_0(%arg0: i32) -> (i32, i32) {
    %c0_i32 = arith.constant 0 : i32
    %c0_i32_0 = arith.constant 0 : i32
    return %arg0, %c0_i32 : i32, i32
  }
  func.func @transform_1(%arg0: i32) -> (i32, i32) {
    %c0_i32 = arith.constant 0 : i32
    %c0_i32_0 = arith.constant 0 : i32
    return %arg0, %c0_i32 : i32, i32
  }
  func.func @transform_2(%arg0: i32) -> (i32, i32) {
    %c0_i32 = arith.constant 0 : i32
    %c0_i32_0 = arith.constant 0 : i32
    return %arg0, %c0_i32 : i32, i32
  }
  func.func @transform_3(%arg0: i32) -> (i32, i32) {
    %c0_i32 = arith.constant 0 : i32
    %c0_i32_0 = arith.constant 0 : i32
    %c0_i32_1 = arith.constant 0 : i32
    return %c0_i32, %c0_i32_0 : i32, i32
  }
  func.func @transform_4(%arg0: i32) -> (i32, i32) {
    %c0_i32 = arith.constant 0 : i32
    %c0_i32_0 = arith.constant 0 : i32
    %c0_i32_1 = arith.constant 0 : i32
    return %c0_i32, %c0_i32_0 : i32, i32
  }
  func.func @transform_5(%arg0: i32) -> (i32, i32) {
    %c0_i32 = arith.constant 0 : i32
    %c0_i32_0 = arith.constant 0 : i32
    return %arg0, %c0_i32 : i32, i32
  }
  func.func @transform_6(%arg0: i32) -> (i32, i32) {
    %c0_i32 = arith.constant 0 : i32
    %c0_i32_0 = arith.constant 0 : i32
    return %arg0, %c0_i32 : i32, i32
  }
}

module attributes {stable_mosaic.version = 14 : i64} {
  func.func @_tc_post_body(%arg0: i32, %arg1: memref<1000x64xf32, #tpu.memory_space<vmem>>, %arg2: memref<1000x64xf32, #tpu.memory_space<vmem>>, %arg3: memref<1000x1xf32, #tpu.memory_space<vmem>>, %arg4: memref<1000x64xf32, #tpu.memory_space<vmem>>) attributes {dimension_semantics = [#tpu.dimension_semantics<arbitrary>], iteration_bounds = array<i64: 50>, scalar_prefetch = 0 : i64, scratch_operands = 0 : i64, tpu.core_type = #tpu.core_type<tc>, window_params = [{transform_indices = @transform_0, window_bounds = array<i64: 1000, 64>}, {transform_indices = @transform_1, window_bounds = array<i64: 1000, 64>}, {transform_indices = @transform_2, window_bounds = array<i64: 1000, 1>}, {transform_indices = @transform_3, window_bounds = array<i64: 1000, 64>}]} {
    %get3A = arith.constant 0 : index
    %get3A_0 = arith.constant 0 : index
    %get3A_1 = vector.load %arg3[%get3A, %get3A_0] : memref<1000x1xf32, #tpu.memory_space<vmem>>, vector<1000x1xf32>
    %get3A_2 = arith.constant 0 : index
    %get3A_3 = arith.constant 0 : index
    %get3A_4 = vector.load %arg1[%get3A_2, %get3A_3] : memref<1000x64xf32, #tpu.memory_space<vmem>>, vector<1000x64xf32>
    %get3A_5 = arith.constant 0 : index
    %get3A_6 = arith.constant 0 : index
    %get3A_7 = vector.load %arg2[%get3A_5, %get3A_6] : memref<1000x64xf32, #tpu.memory_space<vmem>>, vector<1000x64xf32>
    %add3A = arith.addf %get3A_4, %get3A_7 : vector<1000x64xf32>
    %mul3A = vector.broadcast %get3A_1 : vector<1000x1xf32> to vector<1000x64xf32>
    %mul3A_8 = arith.mulf %mul3A, %add3A : vector<1000x64xf32>
    %ge3A = arith.constant 0.000000e+00 : f32
    %ge3A_9 = vector.broadcast %ge3A : f32 to vector<1000x64xf32>
    %ge3A_10 = arith.cmpf oge, %mul3A_8, %ge3A_9 : vector<1000x64xf32>
    %mul3A_11 = arith.constant 0.00999999977 : f32
    %mul3A_12 = vector.broadcast %mul3A_11 : f32 to vector<1000x64xf32>
    %mul3A_13 = arith.mulf %mul3A_12, %mul3A_8 : vector<1000x64xf32>
    %select_n3A = arith.select %ge3A_10, %mul3A_8, %mul3A_13 : vector<1000x64xi1>, vector<1000x64xf32>
    %mul3A_14 = arith.mulf %select_n3A, %select_n3A : vector<1000x64xf32>
    %reduce_sum3A = arith.constant dense<0.000000e+00> : vector<1000xf32>
    %reduce_sum3A_15 = vector.multi_reduction <add>, %mul3A_14, %reduce_sum3A [1] : vector<1000x64xf32> to vector<1000xf32>
    %broadcast_in_dim3A = vector.shape_cast %reduce_sum3A_15 : vector<1000xf32> to vector<1000x1xf32>
    %sqrt3A = math.sqrt %broadcast_in_dim3A : vector<1000x1xf32>
    %max3A = arith.constant 9.99999996E-13 : f32
    %max3A_16 = vector.broadcast %max3A : f32 to vector<1000x1xf32>
    %max3A_17 = arith.maximumf %sqrt3A, %max3A_16 : vector<1000x1xf32>
    %div3A = vector.broadcast %max3A_17 : vector<1000x1xf32> to vector<1000x64xf32>
    %div3A_18 = arith.divf %select_n3A, %div3A : vector<1000x64xf32>
    %swap3A = arith.constant 0 : index
    %swap3A_19 = arith.constant 0 : index
    %swap3A_20 = vector.load %arg4[%swap3A, %swap3A_19] : memref<1000x64xf32, #tpu.memory_space<vmem>>, vector<1000x64xf32>
    tpu.vector_store %arg4[%swap3A, %swap3A_19], %div3A_18 {strides = array<i32>} : memref<1000x64xf32, #tpu.memory_space<vmem>>, vector<1000x64xf32>,
    return
  }
  func.func @transform_0(%arg0: i32) -> (i32, i32) {
    %c0_i32 = arith.constant 0 : i32
    %c0_i32_0 = arith.constant 0 : i32
    return %arg0, %c0_i32 : i32, i32
  }
  func.func @transform_1(%arg0: i32) -> (i32, i32) {
    %c0_i32 = arith.constant 0 : i32
    %c0_i32_0 = arith.constant 0 : i32
    return %arg0, %c0_i32 : i32, i32
  }
  func.func @transform_2(%arg0: i32) -> (i32, i32) {
    %c0_i32 = arith.constant 0 : i32
    %c0_i32_0 = arith.constant 0 : i32
    return %arg0, %c0_i32 : i32, i32
  }
  func.func @transform_3(%arg0: i32) -> (i32, i32) {
    %c0_i32 = arith.constant 0 : i32
    %c0_i32_0 = arith.constant 0 : i32
    return %arg0, %c0_i32 : i32, i32
  }
}

</mosaic_0001>

<sc_bundles>
// kernel: kernel.10.cloned.1.call-start
scs
__scs_entry_jumppad:
0x0: {  	(pc) =	sbr.rel $0x88, $3  }
0x1: {  	(tag) =	ssettag $0x0;
	lr =	simm.s32 $0x1  }
0x2: {  	[smem:$0x3F99] =	sst lr;
	_ =	strace $0xD0000000  }
0x3: {  	_ = 	snop  }
0x4: {  	_ = 	snop  }
0x5: {  	_ = 	snop  }
0x6: {  	_ = 	snop  }
0x7: {  	_ = 	snop  }
__scs_overlays_trampoline_lowered:
0x8: {  	[smem:$0x3FA8] =	sst s0  }
0x9: {  	[smem:$0x3FA9] =	sst s1  }
0xa: {  	[smem:$0x3FAA] =	sst s2  }
0xb: {  	[smem:$0x3FAB] =	sst s3  }
0xc: {  	[smem:$0x3FAC] =	sst s4  }
0xd: {  	[smem:$0x3FAD] =	sst s5  }
0xe: {  	[smem:$0x3FAE] =	sst s6  }
0xf: {  	[smem:$0x3FAF] =	sst s7  }
0x10: {  	[smem:$0x3FB0] =	sst s8  }
0x11: {  	[smem:$0x3FB1] =	sst s9;
	s0 =	simm.s32 @!p0 $0x0  }
0x12: {  	s1 =	sld [smem:$0x3F97];
	s0 =	simm.s32 @p0 $0x1  }
0x13: {  	[smem:$0x3FB2] =	sst s0;
	s0 =	simm.s32 @!p1 $0x0  }
0x14: {  	s2 =	sld [smem:$0x3F96];
	s0 =	simm.s32 @p1 $0x1  }
0x15: {  	[smem:$0x3FB3] =	sst s0;
	s0 =	simm.s32 @!p2 $0x0  }
0x16: {  	s3 =	sld [smem:$0x3FDB];
	s0 =	simm.s32 @p2 $0x1  }
0x17: {  	s4 =	simm.s32 $0x1BF5;
	[smem:$0x3FB5] =	sst s0  }
0x18: {  	s0 =	sld [smem:$0x3F98];
	_ =	swait.ge [sflag:s4], $0x0  }
0x19: {  	s7 =	sld [smem:$0x3F99]  }
0x1a: {  	s8 =	sadd.s32 $0xFFFFE003, lr  }
0x1b: {  	s9 =	sadd.s32 $0xFFFFFEF7, lr;
	s5 =	simm.s32 $0xFFFFFFFF;
	p2 =	slt.u32 s8, $0xFFFFF086  }
0x1c: {  	p1 =	slt.u32 s9, $0xF7A;
	s5 =	simm.s32 @!p2 $0x0  }
0x1d: {  	s5 =	simm.s32 @p1 $0x1;
	p0 =	seq.s32 s7, s2  }
0x1e: {  	s7 =	smul.u32 @!p0 $0xF7A, s2;
	p2 =	seq.s32 @!p0 s5, $0x0  }
0x1f: {  	s9 =	smul.u32 $0xF7A, s1;
	s8 =	simm.s32 @!p0 $0x1BF5;
	p2 =	por !p2, p0  }
0x20: {  	[sflag:s8] =	ssyncset.s32 @!p0 $0xFFFFF086;
	s6 =	sadd.s32 @!p0 s3, s7;
	s7 =	simm.s32 @!p0 $0x108  }
0x21: {  	s3 =	sadd.s32 s3, s9;
	s6 =	sadd.s32 @!p0 $0x88, s6;
	s7 =	simm.s32 @p2 $0x1082  }
0x22: {  	[simem:s7], [sflag:s8] =	dma.local @!p0 [hbm:s6], $0xF7A  }
0x23: {  	s9 =	sor.u32 $0xD0000000, s2;
	s6 =	simm.s32 $0x108;
	_ =	swait.ge @!p0 [sflag:s8], $0x0  }
0x24: {  	s3 =	sadd.s32 $0x88, s3;
	s6 =	simm.s32 @!p1 $0x1082;
	[sflag:s4] =	ssyncset.s32 $0xFFFFF086  }
0x25: {  	[simem:s6], [sflag:s4] =	dma.local [hbm:s3], $0xF7A  }
0x26: {  	[smem:$0x3F99] =	sst s1;
	(tag) =	ssettag s2;
	_ =	strace s9  }
0x27: {  	s1 =	sld [smem:$0x3FA9]  }
0x28: {  	s2 =	sld [smem:$0x3FAA]  }
0x29: {  	s4 =	sld [smem:$0x3FAC]  }
0x2a: {  	p0 =	seq.s32 s5, $0x0;
	s5 =	sld [smem:$0x3FAD]  }
0x2b: {  	s6 =	sld [smem:$0x3FAE]  }
0x2c: {  	s7 =	sld [smem:$0x3FAF]  }
0x2d: {  	s3 =	simm.s32 $0x108;
	s8 =	sld [smem:$0x3FB0]  }
0x2e: {  	s3 =	simm.s32 @!p0 $0x1082;
	s9 =	sld [smem:$0x3FB1]  }
0x2f: {  	lr =	sadd.s32 s0, s3;
	s0 =	sld [smem:$0x3FA8]  }
0x30: {  	s3 =	sld [smem:$0x3FAB]  }
0x31: {  	[smem:$0x3FB4] =	sst s10  }
0x32: {  	s10 =	sld [smem:$0x3FB2];
	_ =	sdelay $0x3  }
0x33: {  	p0 =	seq.s32 s10, $0x1;
	s10 =	sld [smem:$0x3FB4];
	_ =	sdelay $0x3  }
0x34: {  	[smem:$0x3FB4] =	sst s10  }
0x35: {  	s10 =	sld [smem:$0x3FB3];
	_ =	sdelay $0x3  }
0x36: {  	p1 =	seq.s32 s10, $0x1;
	s10 =	sld [smem:$0x3FB4];
	_ =	sdelay $0x3  }
0x37: {  	[smem:$0x3FB4] =	sst s10  }
0x38: {  	s10 =	sld [smem:$0x3FB5]  }
0x39: {  	_ = 	snop;
	(pc) =	sbr.ind lr, $3  }
0x3a: {  	_ = 	snop  }
0x3b: {  	_ = 	snop  }
0x3c: {  	p2 =	seq.s32 s10, $0x1;
	s10 =	sld [smem:$0x3FB4]  }
0x3d: {  	_ =	shalt  }
0x3e: {  	_ =	shalt  }
0x3f: {  	_ =	shalt  }
0x40: {  	_ =	shalt  }
0x41: {  	_ =	shalt  }
0x42: {  	_ =	shalt  }
0x43: {  	_ =	shalt  }
0x44: {  	_ =	shalt  }
0x45: {  	_ =	shalt  }
0x46: {  	_ =	shalt  }
0x47: {  	_ =	shalt  }
0x48: {  	_ =	shalt  }
0x49: {  	_ =	shalt  }
0x4a: {  	_ =	shalt  }
0x4b: {  	_ =	shalt  }
0x4c: {  	_ =	shalt  }
0x4d: {  	_ =	shalt  }
0x4e: {  	_ =	shalt  }
0x4f: {  	_ =	shalt  }
0x50: {  	_ =	shalt  }
0x51: {  	_ =	shalt  }
0x52: {  	_ =	shalt  }
0x53: {  	_ =	shalt  }
0x54: {  	_ =	shalt  }
0x55: {  	_ =	shalt  }
0x56: {  	_ =	shalt  }
0x57: {  	_ =	shalt  }
0x58: {  	_ =	shalt  }
0x59: {  	_ =	shalt  }
0x5a: {  	_ =	shalt  }
0x5b: {  	_ =	shalt  }
0x5c: {  	_ =	shalt  }
0x5d: {  	_ =	shalt  }
0x5e: {  	_ =	shalt  }
0x5f: {  	_ =	shalt  }
0x60: {  	_ =	shalt  }
0x61: {  	_ =	shalt  }
0x62: {  	_ =	shalt  }
0x63: {  	_ =	shalt  }
0x64: {  	_ =	shalt  }
0x65: {  	_ =	shalt  }
0x66: {  	_ =	shalt  }
0x67: {  	_ =	shalt  }
0x68: {  	_ =	shalt  }
0x69: {  	_ =	shalt  }
0x6a: {  	_ =	shalt  }
0x6b: {  	_ =	shalt  }
0x6c: {  	_ =	shalt  }
0x6d: {  	_ =	shalt  }
0x6e: {  	_ =	shalt  }
0x6f: {  	_ =	shalt  }
0x70: {  	_ =	shalt  }
0x71: {  	_ =	shalt  }
0x72: {  	_ =	shalt  }
0x73: {  	_ =	shalt  }
0x74: {  	_ =	shalt  }
0x75: {  	_ =	shalt  }
0x76: {  	_ =	shalt  }
0x77: {  	_ =	shalt  }
0x78: {  	_ =	shalt  }
0x79: {  	_ =	shalt  }
0x7a: {  	_ =	shalt  }
0x7b: {  	_ =	shalt  }
0x7c: {  	_ =	shalt  }
0x7d: {  	_ =	shalt  }
0x7e: {  	_ =	shalt  }
0x7f: {  	_ =	shalt  }
0x80: {  	_ =	shalt  }
0x81: {  	_ =	shalt  }
0x82: {  	_ =	shalt  }
0x83: {  	_ =	shalt  }
0x84: {  	_ =	shalt  }
0x85: {  	_ =	shalt  }
0x86: {  	_ =	shalt  }
0x87: {  	_ =	shalt  }
.Lfunc_end0:
.L_simem_size_0:
called_computation_lowered:
.L_overlay_start_0:
0x88: {  	s2 =	sld [smem:$0x3FD9]  }
0x89: {  	s3 =	sld [smem:$0x3FFE];
	_ =	sdelay $0x1  }
0x8a: {  	s1 =	srdreg.scid  }
0x8b: {  	s0 =	sand.u32 $0x1, s1  }
0x8c: {  	s16 =	sshll.u32 s0, $0xA;
	s2 =	sadd.s32 s3, s2  }
0x8d: {  	s2 =	sadd.s32 s2, s16  }
0x8e: {  	[smem:$0x3FC0] =	sst s2  }
0x8f: {  	_ = 	snop  }
0x90: {  	(tm) =	ssettm $0x1  }
0x91: {  	s17 =	sld [smem:$0x3FFB];
	_ =	sdelay $0x3  }
0x92: {  	_ =	strace s17  }
0x93: {  	s2 =	sld [smem:$0x3FFC];
	_ =	sdelay $0x3  }
0x94: {  	_ =	strace s2  }
0x95: {  	s2 =	sld [smem:$0x3FFD];
	_ =	sdelay $0x3  }
0x96: {  	_ =	strace s2  }
0x97: {  	_ =	strace $0x8FFFFFFF  }
0x98: {  	s18 =	sld [smem:$0x3FDB];
	_ =	sdelay $0x1  }
0x99: {  	s19 =	simm.s32 $_scs_section_size  }
0x9a: {  	s4 =	simm.s32 $_size__tile_overlayer_lowered;
	s5 =	simm.s32 $_tile_overlayer_lowered  }
0x9b: {  	s22 =	simm.s32 $0x1BFF;
	s21 =	sshll.u32 s5, $0x1;
	s2 =	sadd.s32 s19, s18  }
0x9c: {  	s6 =	simm.s32 $0x0;
	s20 =	sshll.u32 s4, $0x1;
	s4 =	sadd.s32 s21, s2  }
0x9d: {  	[timem:s6], [sflag:s22] =	dma.local [hbm:s4], s20  }
0x9e: {  	_ =	swait.ge [sflag:s22], s20  }
0x9f: {  	s3 =	ssub.s32 $0x0, s20;
	[sflag:s22] =	ssyncset.done $0x0  }
0xa0: {  	[sflag:s22] =	ssyncadd.s32 s3;
	_ =	sdelay $0x1  }
0xa1: {  	s23 =	simm.s32 $0x1B8B  }
0xa2: {  	_ =	swait.ge [sflag:s23], $0x1  }
0xa3: {  	[sflag:s23] =	ssyncset.done $0x0  }
0xa4: {  	s25 =	simm.s32 $0x1B8E;
	s24 =	sld [smem:$0x3FFE];
	[sflag:s23] =	ssyncadd.s32 $0xFFFFFFFF  }
0xa5: {  	s26 =	simm.s32 $execute0_lowered;
	[smem:$0x3FD2] =	sst s25  }
0xa6: {  	s4 =	sshll.u32 s26, $0x1;
	_ =	strace $0x80000046;
	[dreg:$0x1] =	wrdreg $0xFFFFFFFF  }
0xa7: {  	s28 =	simm.s32 $_size_execute0_lowered;
	s2 =	sadd.s32 s2, s4;
	[dreg:$0x0] =	wrdreg $0x0  }
0xa8: {  	s4 =	sshll.u32 s28, $0x1;
	[dreg:$0x2] =	wrdreg s2  }
0xa9: {  	[dreg:$0x3] =	wrdreg s4  }
0xaa: {  	[dreg:$0x4] =	wrdreg $0xC0  }
0xab: {  	_ =	task [dreg:s6], $0x5FFFF  }
0xac: {  	[dreg:$0x1] =	wrdreg $0xFFFFFFFF  }
0xad: {  	[dreg:$0x0] =	wrdreg $0x60  }
0xae: {  	[dreg:$0x2] =	wrdreg s24  }
0xaf: {  	[dreg:$0x3] =	wrdreg $0x7800  }
0xb0: {  	[dreg:$0x4] =	wrdreg $0x9  }
0xb1: {  	_ =	task.clear_ibuf [dreg:s6], $0x5FFFF;
	_ =	strace $0x90000046  }
0xb2: {  	s29 =	simm.s32 $0x9;
	_ =	strace $0x80000048  }
0xb3: {  	_ =	swait.ge [sflag:s29], $0x1  }
0xb4: {  	[sflag:s29] =	ssyncadd.s32 $0xFFFFFFFF  }
0xb5: {  	_ =	strace $0x90000048  }
0xb6: {  	_ =	sfence  }
0xb7: {  	s30 =	sld [smem:$0x0];
	_ =	sdelay $0x2  }
0xb8: {  	s31 =	sshll.u32 s1, $0xD;
	s1 =	sshrl.u32 s1, $0x2  }
0xb9: {  	s3 =	sand.u32 $0x4000, s31;
	s1 =	sadd.s32 s1, s30  }
0xba: {  	s0 =	sor.u32 s3, s0;
	s1 =	sshll.u32 s1, $0x11  }
0xbb: {  	s0 =	sor.u32 s1, s0  }
0xbc: {  	s0 =	sadd.s32 $0x8F2B, s0  }
0xbd: {  	[sflag:s0] =	ssyncadd.remote.s32 $0x1  }
0xbe: {  	_ =	sfence.sel $0xFFFF  }
0xbf: {  	[dreg:$0x0] =	wrdreg $0xFFFFFFFF;
	(pc) =	sbr.abs _section_cstart, $3  }
0xc0: {  	[dreg:$0x1] =	wrdreg $0xFFFFFFFF  }
0xc1: {  	_ =	task.clear_ibuf [dreg:s6], $0x2FFFF;
	_ =	strace $0x9FFFFFFF  }
0xc2: {  	(tm) =	ssettm $0x7FFFFFFF  }
0xc3: {  	_ =	shalt  }
tec
execute0_lowered:
.L_overlay_start_1:
0x0: {  	(tag) =	ssettag $0x1  }
0x1: {  	s4 =	rddreg [dreg:$0x0]  }
0x2: {  	s1 =	rddreg [dreg:$0x1]  }
0x3: {  	s3 =	srdreg.scid;
	s0 =	rddreg [dreg:$0x2];
	s2 =	simm.s32 $0x0  }
0x4: {  	s5 =	sand.u32 $0x1, s3;
	[smem:$0x7FF] =	sst s2  }
0x5: {  	s13 =	simm.s32 $0x0;
	s3 =	stileid.u32;
	s6 =	smul.u32 $0xC900, s5  }
0x6: {  	s9 =	sadd.s32 $0x1E000, s4;
	s25 =	ssub.s32 $0x2, s5;
	s7 =	smul.u32 $0xC80, s3  }
0x7: {  	_ =	strace $0x80000047;
	s5 =	smul.u32 $0xC800, s5;
	s26 =	sshrl.u32 s25, $0x1  }
0x8: {  	s12 =	smul.u32 $0xC90, s3;
	s8 =	sadd.s32 s6, s4;
	s10 =	ssub.s32 s25, s26  }
0x9: {  	s4 =	sadd.s32 s7, s1;
	s28 =	sadd.s32 $0x640, s7;
	s7 =	sadd.s32 s7, s5  }
0xa: {  	s11 =	sadd.s32 s5, s28;
	s5 =	sadd.s32 s28, s1;
	s29 =	sshrl.u32 s7, $0x3  }
0xb: {  	s31 =	sadd.s32 s12, s8;
	s8 =	smax.u32 s10, $0x1;
	s10 =	simm.s32 $0x100  }
0xc: {  	s12 =	simm.s32 $0x80;
	s30 =	sshrl.u32 s11, $0x3;
	s6 =	sadd.s32 s9, s29  }
0xd: {  	v0 =	vimm.f32 $1.000000000e+00;
	v1 =	vimm.f32 $0.0e+00;
	s11 =	simm.s32 $0x1;
	s7 =	sadd.s32 s9, s30;
	s9 =	sadd.s32 $0x4E00, s31  }
.LBB2_1:
0xe: {  	[tilespmem:$0x80] =	vst v0  }
0xf: {  	[tilespmem:$0x90] =	vst v0  }
0x10: {  	[tilespmem:$0xA0] =	vst v0  }
0x11: {  	[tilespmem:$0xB0] =	vst v0  }
0x12: {  	[tilespmem:$0xC0] =	vst v0  }
0x13: {  	[tilespmem:$0xD0] =	vst v0  }
0x14: {  	[tilespmem:$0xE0] =	vst v0  }
0x15: {  	[tilespmem:$0xF0] =	vst v0;
	s14 =	simm.s32 $0x40;
	s15 =	simm.s32 $0x0  }
.LBB2_2:
0x16: {  	p0 =	sne.s32 s14, $0x18C0;
	[tilespmem:s15+$0x100] =	vst v1;
	s15 =	smov.u32 s14;
	s14 =	sadd.s32 $0x40, s14  }
.Ltmp0:
0x17: {  	(pc) =	sbr.rel @p0 .LBB2_2-.Ltmp0, $2  }
0x18: {  	_ =	sdelay $0x2  }
0x19: {  	s15 =	sshra.s32 s15, $0x2  }
0x1a: {  	[tilespmem:s15+$0x100] =	vst v1  }
0x1b: {  	[spmem:s4] =	stream.linear.scatter [tilespmem:s10], [sflag:$0x1], $0x640, $0x38;
	[tilespmem:$0x1400] =	vst v63  }
0x1c: {  	_ =	swait.ge [sflag:s11], $0x640  }
0x1d: {  	[sflag:s11] =	ssyncset.done $0x0  }
0x1e: {  	[sflag:s11] =	ssyncadd.s32 $0xFFFFF9C0  }
0x1f: {  	[spmem:s5] =	stream.linear.scatter [tilespmem:s10], [sflag:$0x1], $0x640, $0x38;
	[tilespmem:$0x1400] =	vst v63  }
0x20: {  	_ =	swait.ge [sflag:s11], $0x640  }
0x21: {  	[sflag:s11] =	ssyncset.done $0x0  }
0x22: {  	[sflag:s11] =	ssyncadd.s32 $0xFFFFF9C0  }
0x23: {  	s14 =	sadd.s32 $0x0, s9;
	[bflag:$0x0] =	sbarrier.arrive $0xFFFF  }
0x24: {  	[tilespmem:s2], [sflag:$0x1] =	stream.linear.gather [hbm4b:s14+s2], $0x80, $0x38;
	[tilespmem:$0x1400] =	vst v63  }
0x25: {  	_ =	swait.ge [sflag:s11], $0x80  }
0x26: {  	[sflag:s11] =	ssyncset.done $0x0  }
0x27: {  	[sflag:s11] =	ssyncadd.s32 $0xFFFFFF80  }
0x28: {  	[spmem:s1] =	stream.indirect.scatter.add.f32 [tilespmem:s12], [sflag:$0x1], $0x1, s2, s12, $0xb8;
	[tilespmem:$0x1400] =	vst v63  }
0x29: {  	_ =	swait.ge [sflag:s11], $0x80  }
0x2a: {  	s15 =	simm.s32 $0x20;
	s14 =	simm.s32 $0x10;
	[sflag:s11] =	ssyncset.done $0x0  }
.LBB2_4:
0x2b: {  	s16 =	sadd.s32 s14, s9  }
0x2c: {  	[sflag:s11] =	ssyncadd.s32 $0xFFFFFF80;
	s14 =	smov.u32 s15;
	s17 =	sadd.s32 $0x10, s15  }
0x2d: {  	[tilespmem:s2], [sflag:$0x1] =	stream.linear.gather [hbm4b:s16+s2], $0x80, $0x38;
	[tilespmem:$0x1400] =	vst v63  }
0x2e: {  	p0 =	sne.s32 s15, $0xC80;
	_ =	swait.ge [sflag:s11], $0x80  }
.Ltmp1:
0x2f: {  	[sflag:s11] =	ssyncset.done $0x0;
	(pc) =	sbr.rel @p0 .LBB2_4-.Ltmp1, $4  }
0x30: {  	[sflag:s11] =	ssyncadd.s32 $0xFFFFFF80  }
0x31: {  	[spmem:s1] =	stream.indirect.scatter.add.f32 [tilespmem:s12], [sflag:$0x1], $0x1, s2, s12, $0xb8;
	[tilespmem:$0x1400] =	vst v63  }
0x32: {  	_ =	swait.ge [sflag:s11], $0x80  }
0x33: {  	s15 =	smov.u32 s17;
	[sflag:s11] =	ssyncset.done $0x0  }
0x34: {  	s14 =	sadd.s32 s14, s9;
	[sflag:s11] =	ssyncadd.s32 $0xFFFFFF80  }
0x35: {  	[tilespmem:s2], [sflag:$0x1] =	stream.linear.gather [hbm4b:s14+s2], $0x80, $0x38;
	[tilespmem:$0x1400] =	vst v63  }
0x36: {  	_ =	swait.ge [sflag:s11], $0x80  }
0x37: {  	[sflag:s11] =	ssyncset.done $0x0  }
0x38: {  	[sflag:s11] =	ssyncadd.s32 $0xFFFFFF80  }
0x39: {  	[spmem:s1] =	stream.indirect.scatter.add.f32 [tilespmem:s12], [sflag:$0x1], $0x1, s2, s12, $0xb8;
	[tilespmem:$0x1400] =	vst v63  }
0x3a: {  	_ =	swait.ge [sflag:s11], $0x80  }
0x3b: {  	[sflag:s11] =	ssyncset.done $0x0  }
0x3c: {  	[sflag:s11] =	ssyncadd.s32 $0xFFFFFF80  }
0x3d: {  	[bflag:$0x0] =	sbarrier.arrive $0xFFFF  }
0x3e: {  	[tilespmem:s10], [sflag:$0x1] =	stream.linear.gather [spmem:s4], $0x640, $0x38;
	[tilespmem:$0x1400] =	vst v63  }
0x3f: {  	_ =	swait.ge [sflag:s11], $0x640  }
0x40: {  	[sflag:s11] =	ssyncset.done $0x0  }
0x41: {  	[sflag:s11] =	ssyncadd.s32 $0xFFFFF9C0  }
0x42: {  	[hbm4b:s6+s2] =	stream.linear.scatter [tilespmem:s10], [sflag:$0x1], $0x640, $0x38;
	[tilespmem:$0x1400] =	vst v63  }
0x43: {  	_ =	swait.ge [sflag:s11], $0x640  }
0x44: {  	[sflag:s11] =	ssyncset.done $0x0  }
0x45: {  	[sflag:s11] =	ssyncadd.s32 $0xFFFFF9C0  }
0x46: {  	[tilespmem:s10], [sflag:$0x1] =	stream.linear.gather [spmem:s5], $0x640, $0x38;
	[tilespmem:$0x1400] =	vst v63  }
0x47: {  	s13 =	sadd.s32 $0x1, s13;
	_ =	swait.ge [sflag:s11], $0x640  }
0x48: {  	p0 =	sne.s32 s13, s8;
	[sflag:s11] =	ssyncset.done $0x0  }
.Ltmp2:
0x49: {  	[sflag:s11] =	ssyncadd.s32 $0xFFFFF9C0;
	(pc) =	sbr.rel @p0 .LBB2_1-.Ltmp2, $4  }
0x4a: {  	[hbm4b:s7+s2] =	stream.linear.scatter [tilespmem:s10], [sflag:$0x1], $0x640, $0x38;
	[tilespmem:$0x1400] =	vst v63  }
0x4b: {  	_ =	swait.ge [sflag:s11], $0x640  }
0x4c: {  	[sflag:s11] =	ssyncset.done $0x0  }
0x4d: {  	[sflag:s11] =	ssyncadd.s32 $0xFFFFF9C0  }
0x4e: {  	_ =	sfence.sel $0x180000  }
0x4f: {  	[bflag:$0x0] =	sbarrier.arrive $0xFFFF  }
0x50: {  	p0 =	sne.s32 s3, $0x0;
	_ =	strace $0x90000047  }
0x51: {  	s0 =	sadd.s32 @!p0 $0x100000, s0;
	[bflag:$0x2] =	sbarrier.arrive $0xFFFF  }
0x52: {  	[sflag:s0] =	ssyncadd.tile.s32 @!p0 $0x1;
	_ =	shalt  }
.Lfunc_end2:
_tile_overlayer_lowered:
.L_overlay_start_2:
0x53: {  	(tag) =	ssettag $0x2  }
0x54: {  	s0 =	rddreg [dreg:$0x0];
	s2 =	stileid.u32  }
0x55: {  	s1 =	rddreg [dreg:$0x1];
	p0 =	sne.s32 s2, $0x0  }
0x56: {  	s3 =	rddreg [dreg:$0x2];
	[bflag:$0x3] =	sbarrier.arrive $0xFFFF;
	s2 =	simm.s32 @!p0 $0x1C01  }
0x57: {  	[timem:s3], [sflag:s2] =	dma.local @!p0 [hbm:s0], s1  }
0x58: {  	s0 =	simm.s32 @!p0 $0x1  }
0x59: {  	_ =	swait.ge @!p0 [sflag:s0], s1  }
0x5a: {  	s1 =	ssub.s32 @!p0 $0x0, s1;
	[sflag:s0] =	ssyncset.done @!p0 $0x0  }
0x5b: {  	[sflag:s0] =	ssyncadd.s32 @!p0 s1  }
0x5c: {  	[bflag:$0x3] =	sbarrier.arrive $0xFFFF  }
0x5d: {  	_ =	shalt  }

// kernel: kernel.13.cloned.1.call-start
scs
__scs_entry_jumppad:
0x0: {  	(pc) =	sbr.rel $0x88, $3  }
0x1: {  	(tag) =	ssettag $0x0;
	lr =	simm.s32 $0x1  }
0x2: {  	[smem:$0x3F99] =	sst lr;
	_ =	strace $0xD0000000  }
0x3: {  	_ = 	snop  }
0x4: {  	_ = 	snop  }
0x5: {  	_ = 	snop  }
0x6: {  	_ = 	snop  }
0x7: {  	_ = 	snop  }
__scs_overlays_trampoline_lowered:
0x8: {  	[smem:$0x3FA8] =	sst s0  }
0x9: {  	[smem:$0x3FA9] =	sst s1  }
0xa: {  	[smem:$0x3FAA] =	sst s2  }
0xb: {  	[smem:$0x3FAB] =	sst s3  }
0xc: {  	[smem:$0x3FAC] =	sst s4  }
0xd: {  	[smem:$0x3FAD] =	sst s5  }
0xe: {  	[smem:$0x3FAE] =	sst s6  }
0xf: {  	[smem:$0x3FAF] =	sst s7  }
0x10: {  	[smem:$0x3FB0] =	sst s8  }
0x11: {  	[smem:$0x3FB1] =	sst s9;
	s0 =	simm.s32 @!p0 $0x0  }
0x12: {  	s1 =	sld [smem:$0x3F97];
	s0 =	simm.s32 @p0 $0x1  }
0x13: {  	[smem:$0x3FB2] =	sst s0;
	s0 =	simm.s32 @!p1 $0x0  }
0x14: {  	s2 =	sld [smem:$0x3F96];
	s0 =	simm.s32 @p1 $0x1  }
0x15: {  	[smem:$0x3FB3] =	sst s0;
	s0 =	simm.s32 @!p2 $0x0  }
0x16: {  	s3 =	sld [smem:$0x3FDB];
	s0 =	simm.s32 @p2 $0x1  }
0x17: {  	s4 =	simm.s32 $0x1BF5;
	[smem:$0x3FB5] =	sst s0  }
0x18: {  	s0 =	sld [smem:$0x3F98];
	_ =	swait.ge [sflag:s4], $0x0  }
0x19: {  	s7 =	sld [smem:$0x3F99]  }
0x1a: {  	s8 =	sadd.s32 $0xFFFFE003, lr  }
0x1b: {  	s9 =	sadd.s32 $0xFFFFFEF7, lr;
	s5 =	simm.s32 $0xFFFFFFFF;
	p2 =	slt.u32 s8, $0xFFFFF086  }
0x1c: {  	p1 =	slt.u32 s9, $0xF7A;
	s5 =	simm.s32 @!p2 $0x0  }
0x1d: {  	s5 =	simm.s32 @p1 $0x1;
	p0 =	seq.s32 s7, s2  }
0x1e: {  	s7 =	smul.u32 @!p0 $0xF7A, s2;
	p2 =	seq.s32 @!p0 s5, $0x0  }
0x1f: {  	s9 =	smul.u32 $0xF7A, s1;
	s8 =	simm.s32 @!p0 $0x1BF5;
	p2 =	por !p2, p0  }
0x20: {  	[sflag:s8] =	ssyncset.s32 @!p0 $0xFFFFF086;
	s6 =	sadd.s32 @!p0 s3, s7;
	s7 =	simm.s32 @!p0 $0x108  }
0x21: {  	s3 =	sadd.s32 s3, s9;
	s6 =	sadd.s32 @!p0 $0x88, s6;
	s7 =	simm.s32 @p2 $0x1082  }
0x22: {  	[simem:s7], [sflag:s8] =	dma.local @!p0 [hbm:s6], $0xF7A  }
0x23: {  	s9 =	sor.u32 $0xD0000000, s2;
	s6 =	simm.s32 $0x108;
	_ =	swait.ge @!p0 [sflag:s8], $0x0  }
0x24: {  	s3 =	sadd.s32 $0x88, s3;
	s6 =	simm.s32 @!p1 $0x1082;
	[sflag:s4] =	ssyncset.s32 $0xFFFFF086  }
0x25: {  	[simem:s6], [sflag:s4] =	dma.local [hbm:s3], $0xF7A  }
0x26: {  	[smem:$0x3F99] =	sst s1;
	(tag) =	ssettag s2;
	_ =	strace s9  }
0x27: {  	s1 =	sld [smem:$0x3FA9]  }
0x28: {  	s2 =	sld [smem:$0x3FAA]  }
0x29: {  	s4 =	sld [smem:$0x3FAC]  }
0x2a: {  	p0 =	seq.s32 s5, $0x0;
	s5 =	sld [smem:$0x3FAD]  }
0x2b: {  	s6 =	sld [smem:$0x3FAE]  }
0x2c: {  	s7 =	sld [smem:$0x3FAF]  }
0x2d: {  	s3 =	simm.s32 $0x108;
	s8 =	sld [smem:$0x3FB0]  }
0x2e: {  	s3 =	simm.s32 @!p0 $0x1082;
	s9 =	sld [smem:$0x3FB1]  }
0x2f: {  	lr =	sadd.s32 s0, s3;
	s0 =	sld [smem:$0x3FA8]  }
0x30: {  	s3 =	sld [smem:$0x3FAB]  }
0x31: {  	[smem:$0x3FB4] =	sst s10  }
0x32: {  	s10 =	sld [smem:$0x3FB2];
	_ =	sdelay $0x3  }
0x33: {  	p0 =	seq.s32 s10, $0x1;
	s10 =	sld [smem:$0x3FB4];
	_ =	sdelay $0x3  }
0x34: {  	[smem:$0x3FB4] =	sst s10  }
0x35: {  	s10 =	sld [smem:$0x3FB3];
	_ =	sdelay $0x3  }
0x36: {  	p1 =	seq.s32 s10, $0x1;
	s10 =	sld [smem:$0x3FB4];
	_ =	sdelay $0x3  }
0x37: {  	[smem:$0x3FB4] =	sst s10  }
0x38: {  	s10 =	sld [smem:$0x3FB5]  }
0x39: {  	_ = 	snop;
	(pc) =	sbr.ind lr, $3  }
0x3a: {  	_ = 	snop  }
0x3b: {  	_ = 	snop  }
0x3c: {  	p2 =	seq.s32 s10, $0x1;
	s10 =	sld [smem:$0x3FB4]  }
0x3d: {  	_ =	shalt  }
0x3e: {  	_ =	shalt  }
0x3f: {  	_ =	shalt  }
0x40: {  	_ =	shalt  }
0x41: {  	_ =	shalt  }
0x42: {  	_ =	shalt  }
0x43: {  	_ =	shalt  }
0x44: {  	_ =	shalt  }
0x45: {  	_ =	shalt  }
0x46: {  	_ =	shalt  }
0x47: {  	_ =	shalt  }
0x48: {  	_ =	shalt  }
0x49: {  	_ =	shalt  }
0x4a: {  	_ =	shalt  }
0x4b: {  	_ =	shalt  }
0x4c: {  	_ =	shalt  }
0x4d: {  	_ =	shalt  }
0x4e: {  	_ =	shalt  }
0x4f: {  	_ =	shalt  }
0x50: {  	_ =	shalt  }
0x51: {  	_ =	shalt  }
0x52: {  	_ =	shalt  }
0x53: {  	_ =	shalt  }
0x54: {  	_ =	shalt  }
0x55: {  	_ =	shalt  }
0x56: {  	_ =	shalt  }
0x57: {  	_ =	shalt  }
0x58: {  	_ =	shalt  }
0x59: {  	_ =	shalt  }
0x5a: {  	_ =	shalt  }
0x5b: {  	_ =	shalt  }
0x5c: {  	_ =	shalt  }
0x5d: {  	_ =	shalt  }
0x5e: {  	_ =	shalt  }
0x5f: {  	_ =	shalt  }
0x60: {  	_ =	shalt  }
0x61: {  	_ =	shalt  }
0x62: {  	_ =	shalt  }
0x63: {  	_ =	shalt  }
0x64: {  	_ =	shalt  }
0x65: {  	_ =	shalt  }
0x66: {  	_ =	shalt  }
0x67: {  	_ =	shalt  }
0x68: {  	_ =	shalt  }
0x69: {  	_ =	shalt  }
0x6a: {  	_ =	shalt  }
0x6b: {  	_ =	shalt  }
0x6c: {  	_ =	shalt  }
0x6d: {  	_ =	shalt  }
0x6e: {  	_ =	shalt  }
0x6f: {  	_ =	shalt  }
0x70: {  	_ =	shalt  }
0x71: {  	_ =	shalt  }
0x72: {  	_ =	shalt  }
0x73: {  	_ =	shalt  }
0x74: {  	_ =	shalt  }
0x75: {  	_ =	shalt  }
0x76: {  	_ =	shalt  }
0x77: {  	_ =	shalt  }
0x78: {  	_ =	shalt  }
0x79: {  	_ =	shalt  }
0x7a: {  	_ =	shalt  }
0x7b: {  	_ =	shalt  }
0x7c: {  	_ =	shalt  }
0x7d: {  	_ =	shalt  }
0x7e: {  	_ =	shalt  }
0x7f: {  	_ =	shalt  }
0x80: {  	_ =	shalt  }
0x81: {  	_ =	shalt  }
0x82: {  	_ =	shalt  }
0x83: {  	_ =	shalt  }
0x84: {  	_ =	shalt  }
0x85: {  	_ =	shalt  }
0x86: {  	_ =	shalt  }
0x87: {  	_ =	shalt  }
.Lfunc_end0:
.L_simem_size_0:
called_computation.1_lowered:
.L_overlay_start_0:
0x88: {  	s2 =	sld [smem:$0x3FD9]  }
0x89: {  	s3 =	sld [smem:$0x3FFE];
	_ =	sdelay $0x1  }
0x8a: {  	s1 =	srdreg.scid  }
0x8b: {  	s0 =	sand.u32 $0x1, s1  }
0x8c: {  	s16 =	sshll.u32 s0, $0xA;
	s2 =	sadd.s32 s3, s2  }
0x8d: {  	s2 =	sadd.s32 s2, s16  }
0x8e: {  	[smem:$0x3FC0] =	sst s2  }
0x8f: {  	_ = 	snop  }
0x90: {  	(tm) =	ssettm $0x1  }
0x91: {  	s17 =	sld [smem:$0x3FFB];
	_ =	sdelay $0x3  }
0x92: {  	_ =	strace s17  }
0x93: {  	s2 =	sld [smem:$0x3FFC];
	_ =	sdelay $0x3  }
0x94: {  	_ =	strace s2  }
0x95: {  	s2 =	sld [smem:$0x3FFD];
	_ =	sdelay $0x3  }
0x96: {  	_ =	strace s2  }
0x97: {  	_ =	strace $0x8FFFFFFF  }
0x98: {  	s18 =	sld [smem:$0x3FDB];
	_ =	sdelay $0x1  }
0x99: {  	s19 =	simm.s32 $_scs_section_size  }
0x9a: {  	s4 =	simm.s32 $_size__tile_overlayer_lowered;
	s5 =	simm.s32 $_tile_overlayer_lowered  }
0x9b: {  	s22 =	simm.s32 $0x1BFF;
	s21 =	sshll.u32 s5, $0x1;
	s2 =	sadd.s32 s19, s18  }
0x9c: {  	s6 =	simm.s32 $0x0;
	s20 =	sshll.u32 s4, $0x1;
	s4 =	sadd.s32 s21, s2  }
0x9d: {  	[timem:s6], [sflag:s22] =	dma.local [hbm:s4], s20  }
0x9e: {  	_ =	swait.ge [sflag:s22], s20  }
0x9f: {  	s3 =	ssub.s32 $0x0, s20;
	[sflag:s22] =	ssyncset.done $0x0  }
0xa0: {  	[sflag:s22] =	ssyncadd.s32 s3;
	_ =	sdelay $0x1  }
0xa1: {  	s23 =	simm.s32 $0x1B8B  }
0xa2: {  	_ =	swait.ge [sflag:s23], $0x1  }
0xa3: {  	[sflag:s23] =	ssyncset.done $0x0  }
0xa4: {  	s25 =	simm.s32 $0x1B8E;
	s24 =	sld [smem:$0x3FFE];
	[sflag:s23] =	ssyncadd.s32 $0xFFFFFFFF  }
0xa5: {  	s26 =	simm.s32 $execute0_lowered;
	[smem:$0x3FD2] =	sst s25  }
0xa6: {  	s4 =	sshll.u32 s26, $0x1;
	_ =	strace $0x80000049;
	[dreg:$0x1] =	wrdreg $0xFFFFFFFF  }
0xa7: {  	s28 =	simm.s32 $_size_execute0_lowered;
	s2 =	sadd.s32 s2, s4;
	[dreg:$0x0] =	wrdreg $0x0  }
0xa8: {  	s4 =	sshll.u32 s28, $0x1;
	[dreg:$0x2] =	wrdreg s2  }
0xa9: {  	[dreg:$0x3] =	wrdreg s4  }
0xaa: {  	[dreg:$0x4] =	wrdreg $0xC0  }
0xab: {  	_ =	task [dreg:s6], $0x5FFFF  }
0xac: {  	[dreg:$0x1] =	wrdreg $0xFFFFFFFF  }
0xad: {  	[dreg:$0x0] =	wrdreg $0x60  }
0xae: {  	[dreg:$0x2] =	wrdreg s24  }
0xaf: {  	[dreg:$0x3] =	wrdreg $0x46000  }
0xb0: {  	[dreg:$0x4] =	wrdreg $0x9  }
0xb1: {  	_ =	task.clear_ibuf [dreg:s6], $0x5FFFF;
	_ =	strace $0x90000049  }
0xb2: {  	s29 =	simm.s32 $0x9;
	_ =	strace $0x8000004B  }
0xb3: {  	_ =	swait.ge [sflag:s29], $0x1  }
0xb4: {  	[sflag:s29] =	ssyncadd.s32 $0xFFFFFFFF  }
0xb5: {  	_ =	strace $0x9000004B  }
0xb6: {  	_ =	sfence  }
0xb7: {  	s30 =	sld [smem:$0x0];
	_ =	sdelay $0x2  }
0xb8: {  	s31 =	sshll.u32 s1, $0xD;
	s1 =	sshrl.u32 s1, $0x2  }
0xb9: {  	s3 =	sand.u32 $0x4000, s31;
	s1 =	sadd.s32 s1, s30  }
0xba: {  	s0 =	sor.u32 s3, s0;
	s1 =	sshll.u32 s1, $0x11  }
0xbb: {  	s0 =	sor.u32 s1, s0  }
0xbc: {  	s0 =	sadd.s32 $0x8F2B, s0  }
0xbd: {  	[sflag:s0] =	ssyncadd.remote.s32 $0x1  }
0xbe: {  	_ =	sfence.sel $0xFFFF  }
0xbf: {  	[dreg:$0x0] =	wrdreg $0xFFFFFFFF;
	(pc) =	sbr.abs _section_cstart, $3  }
0xc0: {  	[dreg:$0x1] =	wrdreg $0xFFFFFFFF  }
0xc1: {  	_ =	task.clear_ibuf [dreg:s6], $0x2FFFF;
	_ =	strace $0x9FFFFFFF  }
0xc2: {  	(tm) =	ssettm $0x7FFFFFFF  }
0xc3: {  	_ =	shalt  }
tec
execute0_lowered:
.L_overlay_start_1:
0x0: {  	(tag) =	ssettag $0x1  }
0x1: {  	s1 =	srdreg.scid  }
0x2: {  	s0 =	rddreg [dreg:$0x0];
	s23 =	stileid.u32;
	s2 =	sand.u32 $0x1, s1  }
0x3: {  	s1 =	simm.s32 $0x0;
	s4 =	smul.u32 $0x18800, s23;
	s6 =	sadd.s32 $0x9C000, s0  }
0x4: {  	s3 =	ssub.s32 $0x2, s2;
	[smem:$0x7FF] =	sst s1;
	s9 =	smul.u32 $0x188000, s2  }
0x5: {  	s5 =	sshrl.u32 s3, $0x1;
	s7 =	sadd.s32 $0x4000, s4;
	s8 =	sadd.s32 $0x6000, s4  }
0x6: {  	s10 =	sadd.s32 $0x8000, s4;
	s11 =	sadd.s32 $0xA000, s4;
	s12 =	sadd.s32 $0xC000, s4  }
0x7: {  	s13 =	sadd.s32 $0xE000, s4;
	s15 =	sadd.s32 $0x10000, s4;
	s16 =	sadd.s32 $0x12000, s4  }
0x8: {  	s20 =	sadd.s32 $0x14000, s4;
	s3 =	ssub.s32 s3, s5;
	s5 =	sadd.s32 $0x2000, s4  }
0x9: {  	s14 =	sadd.s32 s4, s9;
	s21 =	sadd.s32 s9, s7;
	s22 =	sadd.s32 s9, s8  }
0xa: {  	s18 =	sadd.s32 s9, s10;
	s26 =	sadd.s32 s9, s11;
	s28 =	sadd.s32 s9, s12  }
0xb: {  	s30 =	sadd.s32 s9, s13;
	s14 =	sshrl.u32 s14, $0x3;
	s17 =	sadd.s32 s9, s5  }
0xc: {  	s25 =	sshrl.u32 s18, $0x3;
	s18 =	sadd.s32 $0x4E00, s0;
	s14 =	sadd.s32 s6, s14  }
0xd: {  	s19 =	sshrl.u32 s17, $0x3;
	s17 =	sshrl.u32 s22, $0x3;
	s22 =	sadd.s32 s9, s15  }
0xe: {  	[dreg:$0x3] =	wrdreg s14;
	s14 =	sadd.s32 s6, s19;
	s24 =	sadd.s32 s6, s17  }
0xf: {  	s17 =	sshrl.u32 s28, $0x3;
	[dreg:$0x4] =	wrdreg s14;
	s14 =	sshrl.u32 s21, $0x3  }
0x10: {  	[dreg:$0x6] =	wrdreg s24;
	s19 =	sadd.s32 s6, s17;
	s21 =	sshrl.u32 s30, $0x3  }
0x11: {  	s24 =	sadd.s32 s9, s16;
	s14 =	sadd.s32 s6, s14;
	[dreg:$0x9] =	wrdreg s19  }
0x12: {  	s17 =	sshrl.u32 s24, $0x3;
	[dreg:$0x5] =	wrdreg s14;
	s14 =	sadd.s32 s6, s25  }
0x13: {  	[dreg:$0x7] =	wrdreg s14;
	s14 =	sshrl.u32 s26, $0x3;
	s26 =	sadd.s32 s6, s17  }
0x14: {  	s19 =	sadd.s32 $0x3A400, s0;
	s14 =	sadd.s32 s6, s14;
	[dreg:$0xc] =	wrdreg s26  }
0x15: {  	s25 =	sadd.s32 s9, s20;
	[dreg:$0x8] =	wrdreg s14;
	s14 =	sadd.s32 s6, s21  }
0x16: {  	s28 =	sshrl.u32 s25, $0x3;
	s21 =	sadd.s32 $0x16000, s4;
	[dreg:$0xa] =	wrdreg s14  }
0x17: {  	s14 =	sshrl.u32 s22, $0x3;
	s22 =	sadd.s32 $0x18000, s4;
	s30 =	sadd.s32 s9, s21  }
0x18: {  	s14 =	sadd.s32 s6, s14;
	s9 =	sadd.s32 s9, s22;
	s17 =	sshrl.u32 s30, $0x3  }
0x19: {  	s30 =	smax.u32 s3, $0x1;
	[dreg:$0xb] =	wrdreg s14;
	s14 =	sadd.s32 s6, s28  }
0x1a: {  	s3 =	smul.u32 $0x192, s23;
	s23 =	simm.s32 $0x580;
	[dreg:$0xd] =	wrdreg s14  }
0x1b: {  	s9 =	sshrl.u32 s9, $0x3;
	s17 =	sadd.s32 s6, s17;
	s14 =	rddreg [dreg:$0x1]  }
0x1c: {  	s28 =	smul.u32 $0xFFFF9E58, s2;
	[dreg:$0xe] =	wrdreg s17;
	s6 =	sadd.s32 s6, s9  }
0x1d: {  	s2 =	simm.s32 $0x200;
	s17 =	sadd.s32 $0x21200, s0;
	[dreg:$0xf] =	wrdreg s6  }
0x1e: {  	s29 =	sadd.s32 s4, s14;
	s6 =	sadd.s32 s5, s14;
	s7 =	sadd.s32 s7, s14  }
0x1f: {  	s9 =	sadd.s32 s8, s14;
	_ =	strace $0x8000004A;
	[dreg:$0x10] =	wrdreg s6  }
0x20: {  	s10 =	sadd.s32 s10, s14;
	s11 =	sadd.s32 s11, s14;
	[dreg:$0x11] =	wrdreg s7  }
0x21: {  	s12 =	sadd.s32 s12, s14;
	s24 =	sadd.s32 s13, s14;
	[dreg:$0x12] =	wrdreg s9  }
0x22: {  	s25 =	sadd.s32 s15, s14;
	s26 =	sadd.s32 s16, s14;
	[dreg:$0x13] =	wrdreg s10  }
0x23: {  	s31 =	sadd.s32 s20, s14;
	s13 =	sadd.s32 s21, s14;
	[dreg:$0x14] =	wrdreg s11  }
0x24: {  	s0 =	sadd.s32 s22, s14;
	s4 =	simm.s32 $0x600;
	[dreg:$0x15] =	wrdreg s12  }
0x25: {  	s5 =	simm.s32 $0x3;
	s8 =	simm.s32 $0x2600;
	[dreg:$0x16] =	wrdreg s24  }
0x26: {  	s15 =	simm.s32 $0x180;
	s16 =	simm.s32 $0x400;
	[dreg:$0x17] =	wrdreg s25  }
0x27: {  	s20 =	simm.s32 $0x480;
	s21 =	simm.s32 $0x280;
	[dreg:$0x18] =	wrdreg s26  }
0x28: {  	s22 =	simm.s32 $0x500;
	[dreg:$0x19] =	wrdreg s30;
	s6 =	simm.s32 $0x300  }
0x29: {  	s7 =	simm.s32 $0x80;
	s9 =	simm.s32 $0x1;
	s10 =	simm.s32 $0x100  }
0x2a: {  	v1 =	vimm.f32 $0.0e+00;
	v0 =	vmov s28;
	s11 =	simm.s32 $0x2;
	s12 =	simm.s32 $0x380;
	s24 =	simm.s32 $0x0  }
.LBB2_1:
0x2b: {  	s26 =	simm.s32 $0x100;
	s25 =	simm.s32 $0x0  }
.LBB2_2:
0x2c: {  	p0 =	sne.s32 s26, $0x7F00;
	[tilespmem:s25+$0x630] =	vst v1;
	s28 =	smov.u32 s26;
	s26 =	sadd.s32 $0x100, s26  }
.Ltmp0:
0x2d: {  	[tilespmem:s25+$0x620] =	vst v1;
	(pc) =	sbr.rel @p0 .LBB2_2-.Ltmp0, $3  }
0x2e: {  	[tilespmem:s25+$0x600] =	vst v1  }
0x2f: {  	[tilespmem:s25+$0x610] =	vst v1;
	_ =	sdelay $0x1  }
0x30: {  	s25 =	sshra.s32 s28, $0x2  }
0x31: {  	[tilespmem:s25+$0x630] =	vst v1  }
0x32: {  	[tilespmem:s25+$0x620] =	vst v1  }
0x33: {  	[tilespmem:s25+$0x600] =	vst v1  }
0x34: {  	[tilespmem:s25+$0x610] =	vst v1  }
0x35: {  	[spmem:s29] =	stream.linear.scatter [tilespmem:s4], [sflag:$0x3], $0x2000, $0x38;
	[tilespmem:$0x1CE00] =	vst v63  }
0x36: {  	_ =	swait.ge [sflag:s5], $0x2000  }
0x37: {  	[sflag:s5] =	ssyncset.done $0x0  }
0x38: {  	s26 =	rddreg [dreg:$0x10];
	[sflag:s5] =	ssyncadd.s32 $0xFFFFE000  }
0x39: {  	[spmem:s26] =	stream.linear.scatter [tilespmem:s4], [sflag:$0x3], $0x2000, $0x38;
	[tilespmem:$0x1CE00] =	vst v63  }
0x3a: {  	_ =	swait.ge [sflag:s5], $0x2000  }
0x3b: {  	[sflag:s5] =	ssyncset.done $0x0  }
0x3c: {  	s28 =	rddreg [dreg:$0x11];
	[sflag:s5] =	ssyncadd.s32 $0xFFFFE000  }
0x3d: {  	[spmem:s28] =	stream.linear.scatter [tilespmem:s4], [sflag:$0x3], $0x2000, $0x38;
	[tilespmem:$0x1CE00] =	vst v63  }
0x3e: {  	_ =	swait.ge [sflag:s5], $0x2000  }
0x3f: {  	[sflag:s5] =	ssyncset.done $0x0  }
0x40: {  	s30 =	smov.u32 s29;
	s29 =	rddreg [dreg:$0x12];
	[sflag:s5] =	ssyncadd.s32 $0xFFFFE000  }
0x41: {  	[spmem:s29] =	stream.linear.scatter [tilespmem:s4], [sflag:$0x3], $0x2000, $0x38;
	[tilespmem:$0x1CE00] =	vst v63  }
0x42: {  	_ =	swait.ge [sflag:s5], $0x2000  }
0x43: {  	[sflag:s5] =	ssyncset.done $0x0  }
0x44: {  	s26 =	rddreg [dreg:$0x13];
	[sflag:s5] =	ssyncadd.s32 $0xFFFFE000  }
0x45: {  	[spmem:s26] =	stream.linear.scatter [tilespmem:s4], [sflag:$0x3], $0x2000, $0x38;
	[tilespmem:$0x1CE00] =	vst v63  }
0x46: {  	_ =	swait.ge [sflag:s5], $0x2000  }
0x47: {  	[sflag:s5] =	ssyncset.done $0x0  }
0x48: {  	s28 =	rddreg [dreg:$0x14];
	[sflag:s5] =	ssyncadd.s32 $0xFFFFE000  }
0x49: {  	[spmem:s28] =	stream.linear.scatter [tilespmem:s4], [sflag:$0x3], $0x2000, $0x38;
	[tilespmem:$0x1CE00] =	vst v63  }
0x4a: {  	_ =	swait.ge [sflag:s5], $0x2000  }
0x4b: {  	[sflag:s5] =	ssyncset.done $0x0  }
0x4c: {  	s29 =	rddreg [dreg:$0x15];
	[sflag:s5] =	ssyncadd.s32 $0xFFFFE000  }
0x4d: {  	[spmem:s29] =	stream.linear.scatter [tilespmem:s4], [sflag:$0x3], $0x2000, $0x38;
	[tilespmem:$0x1CE00] =	vst v63  }
0x4e: {  	_ =	swait.ge [sflag:s5], $0x2000  }
0x4f: {  	[sflag:s5] =	ssyncset.done $0x0  }
0x50: {  	s26 =	rddreg [dreg:$0x16];
	[sflag:s5] =	ssyncadd.s32 $0xFFFFE000  }
0x51: {  	[spmem:s26] =	stream.linear.scatter [tilespmem:s4], [sflag:$0x3], $0x2000, $0x38;
	[tilespmem:$0x1CE00] =	vst v63  }
0x52: {  	_ =	swait.ge [sflag:s5], $0x2000  }
0x53: {  	[sflag:s5] =	ssyncset.done $0x0  }
0x54: {  	s28 =	rddreg [dreg:$0x17];
	[sflag:s5] =	ssyncadd.s32 $0xFFFFE000  }
0x55: {  	[spmem:s28] =	stream.linear.scatter [tilespmem:s4], [sflag:$0x3], $0x2000, $0x38;
	[tilespmem:$0x1CE00] =	vst v63  }
0x56: {  	_ =	swait.ge [sflag:s5], $0x2000  }
0x57: {  	[sflag:s5] =	ssyncset.done $0x0  }
0x58: {  	s29 =	rddreg [dreg:$0x18];
	[sflag:s5] =	ssyncadd.s32 $0xFFFFE000  }
0x59: {  	[spmem:s29] =	stream.linear.scatter [tilespmem:s4], [sflag:$0x3], $0x2000, $0x38;
	[tilespmem:$0x1CE00] =	vst v63  }
0x5a: {  	_ =	swait.ge [sflag:s5], $0x2000  }
0x5b: {  	[sflag:s5] =	ssyncset.done $0x0  }
0x5c: {  	[sflag:s5] =	ssyncadd.s32 $0xFFFFE000  }
0x5d: {  	[spmem:s31] =	stream.linear.scatter [tilespmem:s4], [sflag:$0x3], $0x2000, $0x38;
	[tilespmem:$0x1CE00] =	vst v63  }
0x5e: {  	_ =	swait.ge [sflag:s5], $0x2000  }
0x5f: {  	[sflag:s5] =	ssyncset.done $0x0  }
0x60: {  	[sflag:s5] =	ssyncadd.s32 $0xFFFFE000  }
0x61: {  	[spmem:s13] =	stream.linear.scatter [tilespmem:s4], [sflag:$0x3], $0x2000, $0x38;
	[tilespmem:$0x1CE00] =	vst v63  }
0x62: {  	_ =	swait.ge [sflag:s5], $0x2000  }
0x63: {  	[sflag:s5] =	ssyncset.done $0x0  }
0x64: {  	[sflag:s5] =	ssyncadd.s32 $0xFFFFE000  }
0x65: {  	[spmem:s0] =	stream.linear.scatter [tilespmem:s4], [sflag:$0x3], $0x800, $0x38;
	[tilespmem:$0x1CE00] =	vst v63  }
0x66: {  	_ =	swait.ge [sflag:s5], $0x800  }
0x67: {  	[sflag:s5] =	ssyncset.done $0x0  }
0x68: {  	[sflag:s5] =	ssyncadd.s32 $0xFFFFF800  }
0x69: {  	s25 =	simm.s32 $0x0;
	s26 =	simm.s32 $0x0;
	[bflag:$0x0] =	sbarrier.arrive $0xFFFF  }
.LBB2_4:
0x6a: {  	s28 =	smul.u32 $0x6, s26;
	_ =	sdelay $0x1  }
0x6b: {  	s28 =	sadd.s32 s3, s28  }
0x6c: {  	s28 =	sshll.u32 s28, $0x4  }
0x6d: {  	s29 =	sadd.s32 s17, s28  }
0x6e: {  	[tilespmem:s25], [sflag:$0x3] =	stream.linear.gather [hbm4b:s29+s25], $0x300, $0x38;
	[tilespmem:$0x1CE00] =	vst v63  }
0x6f: {  	_ =	swait.ge [sflag:s5], $0x300  }
0x70: {  	[sflag:s5] =	ssyncset.done $0x0  }
0x71: {  	s28 =	sadd.s32 s18, s28;
	[sflag:s5] =	ssyncadd.s32 $0xFFFFFD00  }
0x72: {  	[tilespmem:s6], [sflag:$0x3] =	stream.linear.gather [hbm4b:s28+s25], $0x300, $0x38;
	[tilespmem:$0x1CE00] =	vst v63  }
0x73: {  	_ =	swait.ge [sflag:s5], $0x300  }
0x74: {  	[sflag:s5] =	ssyncset.done $0x0  }
0x75: {  	s29 =	simm.s32 $0x40;
	s28 =	simm.s32 $0x0;
	[sflag:s5] =	ssyncadd.s32 $0xFFFFFD00  }
.LBB2_5:
0x76: {  	p0 =	sne.s32 s29, $0xBC0;
	v2 =	vld [tilespmem:s28+$0x300];
	_ =	sdelay $0x2  }
.Ltmp1:
0x77: {  	(pc) =	sbr.rel @p0 .LBB2_5-.Ltmp1, $4  }
0x78: {  	_ = 	snop  }
0x79: {  	v2 =	vadd.s32 v0, v2  }
0x7a: {  	v2 =	vmin.u32 v2, $0x61A8  }
0x7b: {  	[tilespmem:s28+$0x300] =	vst v2;
	s28 =	sshra.s32 s29, $0x2;
	s29 =	sadd.s32 $0x40, s29  }
0x7c: {  	v2 =	vld [tilespmem:s28+$0x300];
	_ =	sdelay $0x4  }
0x7d: {  	v2 =	vadd.s32 v0, v2  }
0x7e: {  	v2 =	vmin.u32 v2, $0x61A8  }
0x7f: {  	[tilespmem:s28+$0x300] =	vst v2  }
0x80: {  	[tilespmem:s4], [sflag:$0x1] =	stream.indirect.gather [hbm4b:s19+s7], $0x40, s1, s7, $0xb8;
	[tilespmem:$0x1CE00] =	vst v63  }
0x81: {  	_ = 	snop  }
0x82: {  	[tilespmem:s8], [sflag:$0x2] =	stream.indirect.gather [hbm4b:s19+s7], $0x40, s7, s7, $0xb8;
	[tilespmem:$0x1CE00] =	vst v63  }
0x83: {  	_ =	swait.ge [sflag:s9], $0x2000  }
0x84: {  	[sflag:s9] =	ssyncset.done $0x0  }
0x85: {  	[sflag:s9] =	ssyncadd.s32 $0xFFFFE000  }
0x86: {  	[spmem:s14] =	stream.indirect.scatter.add.f32 [tilespmem:s4], [sflag:$0x3], $0x40, s6, s7, $0xb8;
	[tilespmem:$0x1CE00] =	vst v63  }
0x87: {  	_ =	swait.ge [sflag:s5], $0x2000  }
0x88: {  	[sflag:s5] =	ssyncset.done $0x0  }
0x89: {  	[sflag:s5] =	ssyncadd.s32 $0xFFFFE000  }
0x8a: {  	[tilespmem:s4], [sflag:$0x1] =	stream.indirect.gather [hbm4b:s19+s7], $0x40, s10, s7, $0xb8;
	[tilespmem:$0x1CE00] =	vst v63  }
0x8b: {  	_ =	swait.ge [sflag:s11], $0x2000  }
0x8c: {  	[sflag:s11] =	ssyncset.done $0x0  }
0x8d: {  	[sflag:s11] =	ssyncadd.s32 $0xFFFFE000  }
0x8e: {  	[spmem:s14] =	stream.indirect.scatter.add.f32 [tilespmem:s8], [sflag:$0x3], $0x40, s12, s7, $0xb8;
	[tilespmem:$0x1CE00] =	vst v63  }
0x8f: {  	_ =	swait.ge [sflag:s5], $0x2000  }
0x90: {  	[sflag:s5] =	ssyncset.done $0x0  }
0x91: {  	[sflag:s5] =	ssyncadd.s32 $0xFFFFE000  }
0x92: {  	[tilespmem:s8], [sflag:$0x2] =	stream.indirect.gather [hbm4b:s19+s7], $0x40, s15, s7, $0xb8;
	[tilespmem:$0x1CE00] =	vst v63  }
0x93: {  	_ =	swait.ge [sflag:s9], $0x2000  }
0x94: {  	[sflag:s9] =	ssyncset.done $0x0  }
0x95: {  	[sflag:s9] =	ssyncadd.s32 $0xFFFFE000  }
0x96: {  	[spmem:s14] =	stream.indirect.scatter.add.f32 [tilespmem:s4], [sflag:$0x3], $0x40, s16, s7, $0xb8;
	[tilespmem:$0x1CE00] =	vst v63  }
0x97: {  	_ =	swait.ge [sflag:s5], $0x2000  }
0x98: {  	[sflag:s5] =	ssyncset.done $0x0  }
0x99: {  	[sflag:s5] =	ssyncadd.s32 $0xFFFFE000  }
0x9a: {  	[tilespmem:s4], [sflag:$0x1] =	stream.indirect.gather [hbm4b:s19+s7], $0x40, s2, s7, $0xb8;
	[tilespmem:$0x1CE00] =	vst v63  }
0x9b: {  	_ =	swait.ge [sflag:s11], $0x2000  }
0x9c: {  	[sflag:s11] =	ssyncset.done $0x0  }
0x9d: {  	[sflag:s11] =	ssyncadd.s32 $0xFFFFE000  }
0x9e: {  	[spmem:s14] =	stream.indirect.scatter.add.f32 [tilespmem:s8], [sflag:$0x3], $0x40, s20, s7, $0xb8;
	[tilespmem:$0x1CE00] =	vst v63  }
0x9f: {  	_ =	swait.ge [sflag:s5], $0x2000  }
0xa0: {  	[sflag:s5] =	ssyncset.done $0x0  }
0xa1: {  	[sflag:s5] =	ssyncadd.s32 $0xFFFFE000  }
0xa2: {  	[tilespmem:s8], [sflag:$0x2] =	stream.indirect.gather [hbm4b:s19+s7], $0x40, s21, s7, $0xb8;
	[tilespmem:$0x1CE00] =	vst v63  }
0xa3: {  	_ =	swait.ge [sflag:s9], $0x2000  }
0xa4: {  	[sflag:s9] =	ssyncset.done $0x0  }
0xa5: {  	[sflag:s9] =	ssyncadd.s32 $0xFFFFE000  }
0xa6: {  	[spmem:s14] =	stream.indirect.scatter.add.f32 [tilespmem:s4], [sflag:$0x3], $0x40, s22, s7, $0xb8;
	[tilespmem:$0x1CE00] =	vst v63  }
0xa7: {  	_ =	swait.ge [sflag:s5], $0x2000  }
0xa8: {  	[sflag:s5] =	ssyncset.done $0x0  }
0xa9: {  	[sflag:s5] =	ssyncadd.s32 $0xFFFFE000  }
0xaa: {  	s26 =	sadd.s32 $0x1, s26;
	_ =	swait.ge [sflag:s11], $0x2000  }
0xab: {  	p0 =	sne.s32 s26, $0x43;
	[sflag:s11] =	ssyncset.done $0x0  }
.Ltmp2:
0xac: {  	[sflag:s11] =	ssyncadd.s32 $0xFFFFE000;
	(pc) =	sbr.rel @p0 .LBB2_4-.Ltmp2, $4  }
0xad: {  	[spmem:s14] =	stream.indirect.scatter.add.f32 [tilespmem:s8], [sflag:$0x3], $0x40, s23, s7, $0xb8;
	[tilespmem:$0x1CE00] =	vst v63  }
0xae: {  	_ =	swait.ge [sflag:s5], $0x2000  }
0xaf: {  	[sflag:s5] =	ssyncset.done $0x0  }
0xb0: {  	[sflag:s5] =	ssyncadd.s32 $0xFFFFE000  }
0xb1: {  	[bflag:$0x0] =	sbarrier.arrive $0xFFFF  }
0xb2: {  	[tilespmem:s4], [sflag:$0x3] =	stream.linear.gather [spmem:s30], $0x2000, $0x38;
	[tilespmem:$0x1CE00] =	vst v63  }
0xb3: {  	_ =	swait.ge [sflag:s5], $0x2000  }
0xb4: {  	[sflag:s5] =	ssyncset.done $0x0  }
0xb5: {  	s25 =	rddreg [dreg:$0x3];
	[sflag:s5] =	ssyncadd.s32 $0xFFFFE000  }
0xb6: {  	[hbm4b:s25+s1] =	stream.linear.scatter [tilespmem:s4], [sflag:$0x3], $0x2000, $0x38;
	[tilespmem:$0x1CE00] =	vst v63  }
0xb7: {  	_ =	swait.ge [sflag:s5], $0x2000  }
0xb8: {  	[sflag:s5] =	ssyncset.done $0x0  }
0xb9: {  	s29 =	smov.u32 s30;
	s30 =	rddreg [dreg:$0x10];
	[sflag:s5] =	ssyncadd.s32 $0xFFFFE000  }
0xba: {  	[tilespmem:s4], [sflag:$0x3] =	stream.linear.gather [spmem:s30], $0x2000, $0x38;
	[tilespmem:$0x1CE00] =	vst v63  }
0xbb: {  	_ =	swait.ge [sflag:s5], $0x2000  }
0xbc: {  	[sflag:s5] =	ssyncset.done $0x0  }
0xbd: {  	s26 =	rddreg [dreg:$0x4];
	[sflag:s5] =	ssyncadd.s32 $0xFFFFE000  }
0xbe: {  	[hbm4b:s26+s1] =	stream.linear.scatter [tilespmem:s4], [sflag:$0x3], $0x2000, $0x38;
	[tilespmem:$0x1CE00] =	vst v63  }
0xbf: {  	_ =	swait.ge [sflag:s5], $0x2000  }
0xc0: {  	[sflag:s5] =	ssyncset.done $0x0  }
0xc1: {  	s28 =	rddreg [dreg:$0x11];
	[sflag:s5] =	ssyncadd.s32 $0xFFFFE000  }
0xc2: {  	[tilespmem:s4], [sflag:$0x3] =	stream.linear.gather [spmem:s28], $0x2000, $0x38;
	[tilespmem:$0x1CE00] =	vst v63  }
0xc3: {  	_ =	swait.ge [sflag:s5], $0x2000  }
0xc4: {  	[sflag:s5] =	ssyncset.done $0x0  }
0xc5: {  	s30 =	rddreg [dreg:$0x5];
	[sflag:s5] =	ssyncadd.s32 $0xFFFFE000  }
0xc6: {  	[hbm4b:s30+s1] =	stream.linear.scatter [tilespmem:s4], [sflag:$0x3], $0x2000, $0x38;
	[tilespmem:$0x1CE00] =	vst v63  }
0xc7: {  	_ =	swait.ge [sflag:s5], $0x2000  }
0xc8: {  	[sflag:s5] =	ssyncset.done $0x0  }
0xc9: {  	s26 =	rddreg [dreg:$0x12];
	[sflag:s5] =	ssyncadd.s32 $0xFFFFE000  }
0xca: {  	[tilespmem:s4], [sflag:$0x3] =	stream.linear.gather [spmem:s26], $0x2000, $0x38;
	[tilespmem:$0x1CE00] =	vst v63  }
0xcb: {  	_ =	swait.ge [sflag:s5], $0x2000  }
0xcc: {  	[sflag:s5] =	ssyncset.done $0x0  }
0xcd: {  	s28 =	rddreg [dreg:$0x6];
	[sflag:s5] =	ssyncadd.s32 $0xFFFFE000  }
0xce: {  	[hbm4b:s28+s1] =	stream.linear.scatter [tilespmem:s4], [sflag:$0x3], $0x2000, $0x38;
	[tilespmem:$0x1CE00] =	vst v63  }
0xcf: {  	_ =	swait.ge [sflag:s5], $0x2000  }
0xd0: {  	[sflag:s5] =	ssyncset.done $0x0  }
0xd1: {  	s30 =	rddreg [dreg:$0x13];
	[sflag:s5] =	ssyncadd.s32 $0xFFFFE000  }
0xd2: {  	[tilespmem:s4], [sflag:$0x3] =	stream.linear.gather [spmem:s30], $0x2000, $0x38;
	[tilespmem:$0x1CE00] =	vst v63  }
0xd3: {  	_ =	swait.ge [sflag:s5], $0x2000  }
0xd4: {  	[sflag:s5] =	ssyncset.done $0x0  }
0xd5: {  	s26 =	rddreg [dreg:$0x7];
	[sflag:s5] =	ssyncadd.s32 $0xFFFFE000  }
0xd6: {  	[hbm4b:s26+s1] =	stream.linear.scatter [tilespmem:s4], [sflag:$0x3], $0x2000, $0x38;
	[tilespmem:$0x1CE00] =	vst v63  }
0xd7: {  	_ =	swait.ge [sflag:s5], $0x2000  }
0xd8: {  	[sflag:s5] =	ssyncset.done $0x0  }
0xd9: {  	s28 =	rddreg [dreg:$0x14];
	[sflag:s5] =	ssyncadd.s32 $0xFFFFE000  }
0xda: {  	[tilespmem:s4], [sflag:$0x3] =	stream.linear.gather [spmem:s28], $0x2000, $0x38;
	[tilespmem:$0x1CE00] =	vst v63  }
0xdb: {  	_ =	swait.ge [sflag:s5], $0x2000  }
0xdc: {  	[sflag:s5] =	ssyncset.done $0x0  }
0xdd: {  	s30 =	rddreg [dreg:$0x8];
	[sflag:s5] =	ssyncadd.s32 $0xFFFFE000  }
0xde: {  	[hbm4b:s30+s1] =	stream.linear.scatter [tilespmem:s4], [sflag:$0x3], $0x2000, $0x38;
	[tilespmem:$0x1CE00] =	vst v63  }
0xdf: {  	_ =	swait.ge [sflag:s5], $0x2000  }
0xe0: {  	[sflag:s5] =	ssyncset.done $0x0  }
0xe1: {  	s26 =	rddreg [dreg:$0x15];
	[sflag:s5] =	ssyncadd.s32 $0xFFFFE000  }
0xe2: {  	[tilespmem:s4], [sflag:$0x3] =	stream.linear.gather [spmem:s26], $0x2000, $0x38;
	[tilespmem:$0x1CE00] =	vst v63  }
0xe3: {  	_ =	swait.ge [sflag:s5], $0x2000  }
0xe4: {  	[sflag:s5] =	ssyncset.done $0x0  }
0xe5: {  	s28 =	rddreg [dreg:$0x9];
	[sflag:s5] =	ssyncadd.s32 $0xFFFFE000  }
0xe6: {  	[hbm4b:s28+s1] =	stream.linear.scatter [tilespmem:s4], [sflag:$0x3], $0x2000, $0x38;
	[tilespmem:$0x1CE00] =	vst v63  }
0xe7: {  	_ =	swait.ge [sflag:s5], $0x2000  }
0xe8: {  	[sflag:s5] =	ssyncset.done $0x0  }
0xe9: {  	s30 =	rddreg [dreg:$0x16];
	[sflag:s5] =	ssyncadd.s32 $0xFFFFE000  }
0xea: {  	[tilespmem:s4], [sflag:$0x3] =	stream.linear.gather [spmem:s30], $0x2000, $0x38;
	[tilespmem:$0x1CE00] =	vst v63  }
0xeb: {  	_ =	swait.ge [sflag:s5], $0x2000  }
0xec: {  	[sflag:s5] =	ssyncset.done $0x0  }
0xed: {  	s26 =	rddreg [dreg:$0xa];
	[sflag:s5] =	ssyncadd.s32 $0xFFFFE000  }
0xee: {  	[hbm4b:s26+s1] =	stream.linear.scatter [tilespmem:s4], [sflag:$0x3], $0x2000, $0x38;
	[tilespmem:$0x1CE00] =	vst v63  }
0xef: {  	_ =	swait.ge [sflag:s5], $0x2000  }
0xf0: {  	[sflag:s5] =	ssyncset.done $0x0  }
0xf1: {  	s28 =	rddreg [dreg:$0x17];
	[sflag:s5] =	ssyncadd.s32 $0xFFFFE000  }
0xf2: {  	[tilespmem:s4], [sflag:$0x3] =	stream.linear.gather [spmem:s28], $0x2000, $0x38;
	[tilespmem:$0x1CE00] =	vst v63  }
0xf3: {  	_ =	swait.ge [sflag:s5], $0x2000  }
0xf4: {  	[sflag:s5] =	ssyncset.done $0x0  }
0xf5: {  	s30 =	rddreg [dreg:$0xb];
	[sflag:s5] =	ssyncadd.s32 $0xFFFFE000  }
0xf6: {  	[hbm4b:s30+s1] =	stream.linear.scatter [tilespmem:s4], [sflag:$0x3], $0x2000, $0x38;
	[tilespmem:$0x1CE00] =	vst v63  }
0xf7: {  	_ =	swait.ge [sflag:s5], $0x2000  }
0xf8: {  	[sflag:s5] =	ssyncset.done $0x0  }
0xf9: {  	s26 =	rddreg [dreg:$0x18];
	[sflag:s5] =	ssyncadd.s32 $0xFFFFE000  }
0xfa: {  	[tilespmem:s4], [sflag:$0x3] =	stream.linear.gather [spmem:s26], $0x2000, $0x38;
	[tilespmem:$0x1CE00] =	vst v63  }
0xfb: {  	_ =	swait.ge [sflag:s5], $0x2000  }
0xfc: {  	[sflag:s5] =	ssyncset.done $0x0  }
0xfd: {  	s28 =	rddreg [dreg:$0xc];
	[sflag:s5] =	ssyncadd.s32 $0xFFFFE000  }
0xfe: {  	[hbm4b:s28+s1] =	stream.linear.scatter [tilespmem:s4], [sflag:$0x3], $0x2000, $0x38;
	[tilespmem:$0x1CE00] =	vst v63  }
0xff: {  	_ =	swait.ge [sflag:s5], $0x2000  }
0x100: {  	[sflag:s5] =	ssyncset.done $0x0  }
0x101: {  	[sflag:s5] =	ssyncadd.s32 $0xFFFFE000  }
0x102: {  	[tilespmem:s4], [sflag:$0x3] =	stream.linear.gather [spmem:s31], $0x2000, $0x38;
	[tilespmem:$0x1CE00] =	vst v63  }
0x103: {  	_ =	swait.ge [sflag:s5], $0x2000  }
0x104: {  	[sflag:s5] =	ssyncset.done $0x0  }
0x105: {  	s30 =	rddreg [dreg:$0xd];
	[sflag:s5] =	ssyncadd.s32 $0xFFFFE000  }
0x106: {  	[hbm4b:s30+s1] =	stream.linear.scatter [tilespmem:s4], [sflag:$0x3], $0x2000, $0x38;
	[tilespmem:$0x1CE00] =	vst v63  }
0x107: {  	_ =	swait.ge [sflag:s5], $0x2000  }
0x108: {  	[sflag:s5] =	ssyncset.done $0x0  }
0x109: {  	[sflag:s5] =	ssyncadd.s32 $0xFFFFE000  }
0x10a: {  	[tilespmem:s4], [sflag:$0x3] =	stream.linear.gather [spmem:s13], $0x2000, $0x38;
	[tilespmem:$0x1CE00] =	vst v63  }
0x10b: {  	_ =	swait.ge [sflag:s5], $0x2000  }
0x10c: {  	[sflag:s5] =	ssyncset.done $0x0  }
0x10d: {  	s26 =	rddreg [dreg:$0xe];
	[sflag:s5] =	ssyncadd.s32 $0xFFFFE000  }
0x10e: {  	[hbm4b:s26+s1] =	stream.linear.scatter [tilespmem:s4], [sflag:$0x3], $0x2000, $0x38;
	[tilespmem:$0x1CE00] =	vst v63  }
0x10f: {  	_ =	swait.ge [sflag:s5], $0x2000  }
0x110: {  	[sflag:s5] =	ssyncset.done $0x0  }
0x111: {  	[sflag:s5] =	ssyncadd.s32 $0xFFFFE000  }
0x112: {  	[tilespmem:s4], [sflag:$0x3] =	stream.linear.gather [spmem:s0], $0x800, $0x38;
	[tilespmem:$0x1CE00] =	vst v63  }
0x113: {  	_ =	swait.ge [sflag:s5], $0x800  }
0x114: {  	[sflag:s5] =	ssyncset.done $0x0  }
0x115: {  	s28 =	rddreg [dreg:$0xf];
	[sflag:s5] =	ssyncadd.s32 $0xFFFFF800  }
0x116: {  	[hbm4b:s28+s1] =	stream.linear.scatter [tilespmem:s4], [sflag:$0x3], $0x800, $0x38;
	[tilespmem:$0x1CE00] =	vst v63  }
0x117: {  	_ =	swait.ge [sflag:s5], $0x800  }
0x118: {  	s24 =	sadd.s32 $0x1, s24;
	s30 =	rddreg [dreg:$0x19]  }
0x119: {  	p0 =	sne.s32 s24, s30  }
.Ltmp3:
0x11a: {  	_ = 	snop;
	(pc) =	sbr.rel @p0 .LBB2_1-.Ltmp3, $3  }
0x11b: {  	_ =	sdelay $0x1  }
0x11c: {  	[sflag:s5] =	ssyncset.done $0x0  }
0x11d: {  	[sflag:s5] =	ssyncadd.s32 $0xFFFFF800  }
0x11e: {  	_ =	sfence.sel $0x180000  }
0x11f: {  	[bflag:$0x0] =	sbarrier.arrive $0xFFFF  }
0x120: {  	_ =	strace $0x9000004A  }
0x121: {  	s0 =	stileid.u32;
	[bflag:$0x2] =	sbarrier.arrive $0xFFFF  }
0x122: {  	p0 =	sne.s32 s0, $0x0;
	s0 =	rddreg [dreg:$0x2]  }
0x123: {  	s0 =	sadd.s32 @!p0 $0x100000, s0  }
0x124: {  	[sflag:s0] =	ssyncadd.tile.s32 @!p0 $0x1;
	_ =	shalt  }
.Lfunc_end2:
_tile_overlayer_lowered:
.L_overlay_start_2:
0x125: {  	(tag) =	ssettag $0x2  }
0x126: {  	s0 =	rddreg [dreg:$0x0];
	s2 =	stileid.u32  }
0x127: {  	s1 =	rddreg [dreg:$0x1];
	p0 =	sne.s32 s2, $0x0  }
0x128: {  	s3 =	rddreg [dreg:$0x2];
	[bflag:$0x3] =	sbarrier.arrive $0xFFFF;
	s2 =	simm.s32 @!p0 $0x1C03  }
0x129: {  	[timem:s3], [sflag:s2] =	dma.local @!p0 [hbm:s0], s1  }
0x12a: {  	s0 =	simm.s32 @!p0 $0x3  }
0x12b: {  	_ =	swait.ge @!p0 [sflag:s0], s1  }
0x12c: {  	s1 =	ssub.s32 @!p0 $0x0, s1;
	[sflag:s0] =	ssyncset.done @!p0 $0x0  }
0x12d: {  	[sflag:s0] =	ssyncadd.s32 @!p0 s1  }
0x12e: {  	[bflag:$0x3] =	sbarrier.arrive $0xFFFF  }
0x12f: {  	_ =	shalt  }

// kernel: kernel.16.cloned.1.call-start
scs
__scs_entry_jumppad:
0x0: {  	(pc) =	sbr.rel $0x88, $3  }
0x1: {  	(tag) =	ssettag $0x0;
	lr =	simm.s32 $0x1  }
0x2: {  	[smem:$0x3F99] =	sst lr;
	_ =	strace $0xD0000000  }
0x3: {  	_ = 	snop  }
0x4: {  	_ = 	snop  }
0x5: {  	_ = 	snop  }
0x6: {  	_ = 	snop  }
0x7: {  	_ = 	snop  }
__scs_overlays_trampoline_lowered:
0x8: {  	[smem:$0x3FA8] =	sst s0  }
0x9: {  	[smem:$0x3FA9] =	sst s1  }
0xa: {  	[smem:$0x3FAA] =	sst s2  }
0xb: {  	[smem:$0x3FAB] =	sst s3  }
0xc: {  	[smem:$0x3FAC] =	sst s4  }
0xd: {  	[smem:$0x3FAD] =	sst s5  }
0xe: {  	[smem:$0x3FAE] =	sst s6  }
0xf: {  	[smem:$0x3FAF] =	sst s7  }
0x10: {  	[smem:$0x3FB0] =	sst s8  }
0x11: {  	[smem:$0x3FB1] =	sst s9;
	s0 =	simm.s32 @!p0 $0x0  }
0x12: {  	s1 =	sld [smem:$0x3F97];
	s0 =	simm.s32 @p0 $0x1  }
0x13: {  	[smem:$0x3FB2] =	sst s0;
	s0 =	simm.s32 @!p1 $0x0  }
0x14: {  	s2 =	sld [smem:$0x3F96];
	s0 =	simm.s32 @p1 $0x1  }
0x15: {  	[smem:$0x3FB3] =	sst s0;
	s0 =	simm.s32 @!p2 $0x0  }
0x16: {  	s3 =	sld [smem:$0x3FDB];
	s0 =	simm.s32 @p2 $0x1  }
0x17: {  	s4 =	simm.s32 $0x1BF5;
	[smem:$0x3FB5] =	sst s0  }
0x18: {  	s0 =	sld [smem:$0x3F98];
	_ =	swait.ge [sflag:s4], $0x0  }
0x19: {  	s7 =	sld [smem:$0x3F99]  }
0x1a: {  	s8 =	sadd.s32 $0xFFFFE003, lr  }
0x1b: {  	s9 =	sadd.s32 $0xFFFFFEF7, lr;
	s5 =	simm.s32 $0xFFFFFFFF;
	p2 =	slt.u32 s8, $0xFFFFF086  }
0x1c: {  	p1 =	slt.u32 s9, $0xF7A;
	s5 =	simm.s32 @!p2 $0x0  }
0x1d: {  	s5 =	simm.s32 @p1 $0x1;
	p0 =	seq.s32 s7, s2  }
0x1e: {  	s7 =	smul.u32 @!p0 $0xF7A, s2;
	p2 =	seq.s32 @!p0 s5, $0x0  }
0x1f: {  	s9 =	smul.u32 $0xF7A, s1;
	s8 =	simm.s32 @!p0 $0x1BF5;
	p2 =	por !p2, p0  }
0x20: {  	[sflag:s8] =	ssyncset.s32 @!p0 $0xFFFFF086;
	s6 =	sadd.s32 @!p0 s3, s7;
	s7 =	simm.s32 @!p0 $0x108  }
0x21: {  	s3 =	sadd.s32 s3, s9;
	s6 =	sadd.s32 @!p0 $0x88, s6;
	s7 =	simm.s32 @p2 $0x1082  }
0x22: {  	[simem:s7], [sflag:s8] =	dma.local @!p0 [hbm:s6], $0xF7A  }
0x23: {  	s9 =	sor.u32 $0xD0000000, s2;
	s6 =	simm.s32 $0x108;
	_ =	swait.ge @!p0 [sflag:s8], $0x0  }
0x24: {  	s3 =	sadd.s32 $0x88, s3;
	s6 =	simm.s32 @!p1 $0x1082;
	[sflag:s4] =	ssyncset.s32 $0xFFFFF086  }
0x25: {  	[simem:s6], [sflag:s4] =	dma.local [hbm:s3], $0xF7A  }
0x26: {  	[smem:$0x3F99] =	sst s1;
	(tag) =	ssettag s2;
	_ =	strace s9  }
0x27: {  	s1 =	sld [smem:$0x3FA9]  }
0x28: {  	s2 =	sld [smem:$0x3FAA]  }
0x29: {  	s4 =	sld [smem:$0x3FAC]  }
0x2a: {  	p0 =	seq.s32 s5, $0x0;
	s5 =	sld [smem:$0x3FAD]  }
0x2b: {  	s6 =	sld [smem:$0x3FAE]  }
0x2c: {  	s7 =	sld [smem:$0x3FAF]  }
0x2d: {  	s3 =	simm.s32 $0x108;
	s8 =	sld [smem:$0x3FB0]  }
0x2e: {  	s3 =	simm.s32 @!p0 $0x1082;
	s9 =	sld [smem:$0x3FB1]  }
0x2f: {  	lr =	sadd.s32 s0, s3;
	s0 =	sld [smem:$0x3FA8]  }
0x30: {  	s3 =	sld [smem:$0x3FAB]  }
0x31: {  	[smem:$0x3FB4] =	sst s10  }
0x32: {  	s10 =	sld [smem:$0x3FB2];
	_ =	sdelay $0x3  }
0x33: {  	p0 =	seq.s32 s10, $0x1;
	s10 =	sld [smem:$0x3FB4];
	_ =	sdelay $0x3  }
0x34: {  	[smem:$0x3FB4] =	sst s10  }
0x35: {  	s10 =	sld [smem:$0x3FB3];
	_ =	sdelay $0x3  }
0x36: {  	p1 =	seq.s32 s10, $0x1;
	s10 =	sld [smem:$0x3FB4];
	_ =	sdelay $0x3  }
0x37: {  	[smem:$0x3FB4] =	sst s10  }
0x38: {  	s10 =	sld [smem:$0x3FB5]  }
0x39: {  	_ = 	snop;
	(pc) =	sbr.ind lr, $3  }
0x3a: {  	_ = 	snop  }
0x3b: {  	_ = 	snop  }
0x3c: {  	p2 =	seq.s32 s10, $0x1;
	s10 =	sld [smem:$0x3FB4]  }
0x3d: {  	_ =	shalt  }
0x3e: {  	_ =	shalt  }
0x3f: {  	_ =	shalt  }
0x40: {  	_ =	shalt  }
0x41: {  	_ =	shalt  }
0x42: {  	_ =	shalt  }
0x43: {  	_ =	shalt  }
0x44: {  	_ =	shalt  }
0x45: {  	_ =	shalt  }
0x46: {  	_ =	shalt  }
0x47: {  	_ =	shalt  }
0x48: {  	_ =	shalt  }
0x49: {  	_ =	shalt  }
0x4a: {  	_ =	shalt  }
0x4b: {  	_ =	shalt  }
0x4c: {  	_ =	shalt  }
0x4d: {  	_ =	shalt  }
0x4e: {  	_ =	shalt  }
0x4f: {  	_ =	shalt  }
0x50: {  	_ =	shalt  }
0x51: {  	_ =	shalt  }
0x52: {  	_ =	shalt  }
0x53: {  	_ =	shalt  }
0x54: {  	_ =	shalt  }
0x55: {  	_ =	shalt  }
0x56: {  	_ =	shalt  }
0x57: {  	_ =	shalt  }
0x58: {  	_ =	shalt  }
0x59: {  	_ =	shalt  }
0x5a: {  	_ =	shalt  }
0x5b: {  	_ =	shalt  }
0x5c: {  	_ =	shalt  }
0x5d: {  	_ =	shalt  }
0x5e: {  	_ =	shalt  }
0x5f: {  	_ =	shalt  }
0x60: {  	_ =	shalt  }
0x61: {  	_ =	shalt  }
0x62: {  	_ =	shalt  }
0x63: {  	_ =	shalt  }
0x64: {  	_ =	shalt  }
0x65: {  	_ =	shalt  }
0x66: {  	_ =	shalt  }
0x67: {  	_ =	shalt  }
0x68: {  	_ =	shalt  }
0x69: {  	_ =	shalt  }
0x6a: {  	_ =	shalt  }
0x6b: {  	_ =	shalt  }
0x6c: {  	_ =	shalt  }
0x6d: {  	_ =	shalt  }
0x6e: {  	_ =	shalt  }
0x6f: {  	_ =	shalt  }
0x70: {  	_ =	shalt  }
0x71: {  	_ =	shalt  }
0x72: {  	_ =	shalt  }
0x73: {  	_ =	shalt  }
0x74: {  	_ =	shalt  }
0x75: {  	_ =	shalt  }
0x76: {  	_ =	shalt  }
0x77: {  	_ =	shalt  }
0x78: {  	_ =	shalt  }
0x79: {  	_ =	shalt  }
0x7a: {  	_ =	shalt  }
0x7b: {  	_ =	shalt  }
0x7c: {  	_ =	shalt  }
0x7d: {  	_ =	shalt  }
0x7e: {  	_ =	shalt  }
0x7f: {  	_ =	shalt  }
0x80: {  	_ =	shalt  }
0x81: {  	_ =	shalt  }
0x82: {  	_ =	shalt  }
0x83: {  	_ =	shalt  }
0x84: {  	_ =	shalt  }
0x85: {  	_ =	shalt  }
0x86: {  	_ =	shalt  }
0x87: {  	_ =	shalt  }
.Lfunc_end0:
.L_simem_size_0:
called_computation.2_lowered:
.L_overlay_start_0:
0x88: {  	s2 =	sld [smem:$0x3FD9]  }
0x89: {  	s3 =	sld [smem:$0x3FFE];
	_ =	sdelay $0x1  }
0x8a: {  	s1 =	srdreg.scid  }
0x8b: {  	s0 =	sand.u32 $0x1, s1  }
0x8c: {  	s16 =	sshll.u32 s0, $0xA;
	s2 =	sadd.s32 s3, s2  }
0x8d: {  	s2 =	sadd.s32 s2, s16  }
0x8e: {  	[smem:$0x3FC0] =	sst s2  }
0x8f: {  	_ = 	snop  }
0x90: {  	(tm) =	ssettm $0x1  }
0x91: {  	s17 =	sld [smem:$0x3FFB];
	_ =	sdelay $0x3  }
0x92: {  	_ =	strace s17  }
0x93: {  	s2 =	sld [smem:$0x3FFC];
	_ =	sdelay $0x3  }
0x94: {  	_ =	strace s2  }
0x95: {  	s2 =	sld [smem:$0x3FFD];
	_ =	sdelay $0x3  }
0x96: {  	_ =	strace s2  }
0x97: {  	_ =	strace $0x8FFFFFFF  }
0x98: {  	s18 =	sld [smem:$0x3FDB];
	_ =	sdelay $0x1  }
0x99: {  	s19 =	simm.s32 $_scs_section_size  }
0x9a: {  	s4 =	simm.s32 $_size__tile_overlayer_lowered;
	s5 =	simm.s32 $_tile_overlayer_lowered  }
0x9b: {  	s22 =	simm.s32 $0x1BFF;
	s21 =	sshll.u32 s5, $0x1;
	s2 =	sadd.s32 s19, s18  }
0x9c: {  	s6 =	simm.s32 $0x0;
	s20 =	sshll.u32 s4, $0x1;
	s4 =	sadd.s32 s21, s2  }
0x9d: {  	[timem:s6], [sflag:s22] =	dma.local [hbm:s4], s20  }
0x9e: {  	_ =	swait.ge [sflag:s22], s20  }
0x9f: {  	s3 =	ssub.s32 $0x0, s20;
	[sflag:s22] =	ssyncset.done $0x0  }
0xa0: {  	[sflag:s22] =	ssyncadd.s32 s3;
	_ =	sdelay $0x1  }
0xa1: {  	s23 =	simm.s32 $0x1B8B  }
0xa2: {  	_ =	swait.ge [sflag:s23], $0x1  }
0xa3: {  	[sflag:s23] =	ssyncset.done $0x0  }
0xa4: {  	s25 =	simm.s32 $0x1B8E;
	s24 =	sld [smem:$0x3FFE];
	[sflag:s23] =	ssyncadd.s32 $0xFFFFFFFF  }
0xa5: {  	s26 =	simm.s32 $execute0_lowered;
	[smem:$0x3FD2] =	sst s25  }
0xa6: {  	s4 =	sshll.u32 s26, $0x1;
	_ =	strace $0x8000004C;
	[dreg:$0x1] =	wrdreg $0xFFFFFFFF  }
0xa7: {  	s28 =	simm.s32 $_size_execute0_lowered;
	s2 =	sadd.s32 s2, s4;
	[dreg:$0x0] =	wrdreg $0x0  }
0xa8: {  	s4 =	sshll.u32 s28, $0x1;
	[dreg:$0x2] =	wrdreg s2  }
0xa9: {  	[dreg:$0x3] =	wrdreg s4  }
0xaa: {  	[dreg:$0x4] =	wrdreg $0xC0  }
0xab: {  	_ =	task [dreg:s6], $0x5FFFF  }
0xac: {  	[dreg:$0x1] =	wrdreg $0xFFFFFFFF  }
0xad: {  	[dreg:$0x0] =	wrdreg $0x60  }
0xae: {  	[dreg:$0x2] =	wrdreg s24  }
0xaf: {  	[dreg:$0x3] =	wrdreg $0x46000  }
0xb0: {  	[dreg:$0x4] =	wrdreg $0x9  }
0xb1: {  	_ =	task.clear_ibuf [dreg:s6], $0x5FFFF;
	_ =	strace $0x9000004C  }
0xb2: {  	s29 =	simm.s32 $0x9;
	_ =	strace $0x8000004E  }
0xb3: {  	_ =	swait.ge [sflag:s29], $0x1  }
0xb4: {  	[sflag:s29] =	ssyncadd.s32 $0xFFFFFFFF  }
0xb5: {  	_ =	strace $0x9000004E  }
0xb6: {  	_ =	sfence  }
0xb7: {  	s30 =	sld [smem:$0x0];
	_ =	sdelay $0x2  }
0xb8: {  	s31 =	sshll.u32 s1, $0xD;
	s1 =	sshrl.u32 s1, $0x2  }
0xb9: {  	s3 =	sand.u32 $0x4000, s31;
	s1 =	sadd.s32 s1, s30  }
0xba: {  	s0 =	sor.u32 s3, s0;
	s1 =	sshll.u32 s1, $0x11  }
0xbb: {  	s0 =	sor.u32 s1, s0  }
0xbc: {  	s0 =	sadd.s32 $0x8F2B, s0  }
0xbd: {  	[sflag:s0] =	ssyncadd.remote.s32 $0x1  }
0xbe: {  	_ =	sfence.sel $0xFFFF  }
0xbf: {  	[dreg:$0x0] =	wrdreg $0xFFFFFFFF;
	(pc) =	sbr.abs _section_cstart, $3  }
0xc0: {  	[dreg:$0x1] =	wrdreg $0xFFFFFFFF  }
0xc1: {  	_ =	task.clear_ibuf [dreg:s6], $0x2FFFF;
	_ =	strace $0x9FFFFFFF  }
0xc2: {  	(tm) =	ssettm $0x7FFFFFFF  }
0xc3: {  	_ =	shalt  }
tec
execute0_lowered:
.L_overlay_start_1:
0x0: {  	(tag) =	ssettag $0x1  }
0x1: {  	s1 =	srdreg.scid  }
0x2: {  	s0 =	rddreg [dreg:$0x0];
	s23 =	stileid.u32;
	s2 =	sand.u32 $0x1, s1  }
0x3: {  	s1 =	simm.s32 $0x0;
	s4 =	smul.u32 $0x18800, s23;
	s6 =	sadd.s32 $0x347C00, s0  }
0x4: {  	s3 =	ssub.s32 $0x2, s2;
	[smem:$0x7FF] =	sst s1;
	s9 =	smul.u32 $0x188000, s2  }
0x5: {  	s5 =	sshrl.u32 s3, $0x1;
	s7 =	sadd.s32 $0x4000, s4;
	s8 =	sadd.s32 $0x6000, s4  }
0x6: {  	s10 =	sadd.s32 $0x8000, s4;
	s11 =	sadd.s32 $0xA000, s4;
	s12 =	sadd.s32 $0xC000, s4  }
0x7: {  	s13 =	sadd.s32 $0xE000, s4;
	s15 =	sadd.s32 $0x10000, s4;
	s16 =	sadd.s32 $0x12000, s4  }
0x8: {  	s20 =	sadd.s32 $0x14000, s4;
	s3 =	ssub.s32 s3, s5;
	s5 =	sadd.s32 $0x2000, s4  }
0x9: {  	s14 =	sadd.s32 s4, s9;
	s21 =	sadd.s32 s9, s7;
	s22 =	sadd.s32 s9, s8  }
0xa: {  	s18 =	sadd.s32 s9, s10;
	s26 =	sadd.s32 s9, s11;
	s28 =	sadd.s32 s9, s12  }
0xb: {  	s30 =	sadd.s32 s9, s13;
	s14 =	sshrl.u32 s14, $0x3;
	s17 =	sadd.s32 s9, s5  }
0xc: {  	s25 =	sshrl.u32 s18, $0x3;
	s18 =	sadd.s32 $0x4E00, s0;
	s14 =	sadd.s32 s6, s14  }
0xd: {  	s19 =	sshrl.u32 s17, $0x3;
	s17 =	sshrl.u32 s22, $0x3;
	s22 =	sadd.s32 s9, s15  }
0xe: {  	[dreg:$0x3] =	wrdreg s14;
	s14 =	sadd.s32 s6, s19;
	s24 =	sadd.s32 s6, s17  }
0xf: {  	s17 =	sshrl.u32 s28, $0x3;
	[dreg:$0x4] =	wrdreg s14;
	s14 =	sshrl.u32 s21, $0x3  }
0x10: {  	[dreg:$0x6] =	wrdreg s24;
	s19 =	sadd.s32 s6, s17;
	s21 =	sshrl.u32 s30, $0x3  }
0x11: {  	s24 =	sadd.s32 s9, s16;
	s14 =	sadd.s32 s6, s14;
	[dreg:$0x9] =	wrdreg s19  }
0x12: {  	s17 =	sshrl.u32 s24, $0x3;
	[dreg:$0x5] =	wrdreg s14;
	s14 =	sadd.s32 s6, s25  }
0x13: {  	[dreg:$0x7] =	wrdreg s14;
	s14 =	sshrl.u32 s26, $0x3;
	s26 =	sadd.s32 s6, s17  }
0x14: {  	s19 =	sadd.s32 $0x1C1000, s0;
	s14 =	sadd.s32 s6, s14;
	[dreg:$0xc] =	wrdreg s26  }
0x15: {  	s25 =	sadd.s32 s9, s20;
	[dreg:$0x8] =	wrdreg s14;
	s14 =	sadd.s32 s6, s21  }
0x16: {  	s28 =	sshrl.u32 s25, $0x3;
	s21 =	sadd.s32 $0x16000, s4;
	[dreg:$0xa] =	wrdreg s14  }
0x17: {  	s14 =	sshrl.u32 s22, $0x3;
	s22 =	sadd.s32 $0x18000, s4;
	s30 =	sadd.s32 s9, s21  }
0x18: {  	s14 =	sadd.s32 s6, s14;
	s9 =	sadd.s32 s9, s22;
	s17 =	sshrl.u32 s30, $0x3  }
0x19: {  	s30 =	smax.u32 s3, $0x1;
	[dreg:$0xb] =	wrdreg s14;
	s14 =	sadd.s32 s6, s28  }
0x1a: {  	s3 =	smul.u32 $0x192, s23;
	s23 =	simm.s32 $0x580;
	[dreg:$0xd] =	wrdreg s14  }
0x1b: {  	s9 =	sshrl.u32 s9, $0x3;
	s17 =	sadd.s32 s6, s17;
	s14 =	rddreg [dreg:$0x1]  }
0x1c: {  	s28 =	smul.u32 $0xFFFF9E58, s2;
	[dreg:$0xe] =	wrdreg s17;
	s6 =	sadd.s32 s6, s9  }
0x1d: {  	s2 =	simm.s32 $0x200;
	s17 =	sadd.s32 $0x21200, s0;
	[dreg:$0xf] =	wrdreg s6  }
0x1e: {  	s29 =	sadd.s32 s4, s14;
	s6 =	sadd.s32 s5, s14;
	s7 =	sadd.s32 s7, s14  }
0x1f: {  	s9 =	sadd.s32 s8, s14;
	_ =	strace $0x8000004D;
	[dreg:$0x10] =	wrdreg s6  }
0x20: {  	s10 =	sadd.s32 s10, s14;
	s11 =	sadd.s32 s11, s14;
	[dreg:$0x11] =	wrdreg s7  }
0x21: {  	s12 =	sadd.s32 s12, s14;
	s24 =	sadd.s32 s13, s14;
	[dreg:$0x12] =	wrdreg s9  }
0x22: {  	s25 =	sadd.s32 s15, s14;
	s26 =	sadd.s32 s16, s14;
	[dreg:$0x13] =	wrdreg s10  }
0x23: {  	s31 =	sadd.s32 s20, s14;
	s13 =	sadd.s32 s21, s14;
	[dreg:$0x14] =	wrdreg s11  }
0x24: {  	s0 =	sadd.s32 s22, s14;
	s4 =	simm.s32 $0x600;
	[dreg:$0x15] =	wrdreg s12  }
0x25: {  	s5 =	simm.s32 $0x3;
	s8 =	simm.s32 $0x2600;
	[dreg:$0x16] =	wrdreg s24  }
0x26: {  	s15 =	simm.s32 $0x180;
	s16 =	simm.s32 $0x400;
	[dreg:$0x17] =	wrdreg s25  }
0x27: {  	s20 =	simm.s32 $0x480;
	s21 =	simm.s32 $0x280;
	[dreg:$0x18] =	wrdreg s26  }
0x28: {  	s22 =	simm.s32 $0x500;
	[dreg:$0x19] =	wrdreg s30;
	s6 =	simm.s32 $0x300  }
0x29: {  	s7 =	simm.s32 $0x80;
	s9 =	simm.s32 $0x1;
	s10 =	simm.s32 $0x100  }
0x2a: {  	v1 =	vimm.f32 $0.0e+00;
	v0 =	vmov s28;
	s11 =	simm.s32 $0x2;
	s12 =	simm.s32 $0x380;
	s24 =	simm.s32 $0x0  }
.LBB2_1:
0x2b: {  	s26 =	simm.s32 $0x100;
	s25 =	simm.s32 $0x0  }
.LBB2_2:
0x2c: {  	p0 =	sne.s32 s26, $0x7F00;
	[tilespmem:s25+$0x630] =	vst v1;
	s28 =	smov.u32 s26;
	s26 =	sadd.s32 $0x100, s26  }
.Ltmp0:
0x2d: {  	[tilespmem:s25+$0x620] =	vst v1;
	(pc) =	sbr.rel @p0 .LBB2_2-.Ltmp0, $3  }
0x2e: {  	[tilespmem:s25+$0x600] =	vst v1  }
0x2f: {  	[tilespmem:s25+$0x610] =	vst v1;
	_ =	sdelay $0x1  }
0x30: {  	s25 =	sshra.s32 s28, $0x2  }
0x31: {  	[tilespmem:s25+$0x630] =	vst v1  }
0x32: {  	[tilespmem:s25+$0x620] =	vst v1  }
0x33: {  	[tilespmem:s25+$0x600] =	vst v1  }
0x34: {  	[tilespmem:s25+$0x610] =	vst v1  }
0x35: {  	[spmem:s29] =	stream.linear.scatter [tilespmem:s4], [sflag:$0x3], $0x2000, $0x38;
	[tilespmem:$0x1CE00] =	vst v63  }
0x36: {  	_ =	swait.ge [sflag:s5], $0x2000  }
0x37: {  	[sflag:s5] =	ssyncset.done $0x0  }
0x38: {  	s26 =	rddreg [dreg:$0x10];
	[sflag:s5] =	ssyncadd.s32 $0xFFFFE000  }
0x39: {  	[spmem:s26] =	stream.linear.scatter [tilespmem:s4], [sflag:$0x3], $0x2000, $0x38;
	[tilespmem:$0x1CE00] =	vst v63  }
0x3a: {  	_ =	swait.ge [sflag:s5], $0x2000  }
0x3b: {  	[sflag:s5] =	ssyncset.done $0x0  }
0x3c: {  	s28 =	rddreg [dreg:$0x11];
	[sflag:s5] =	ssyncadd.s32 $0xFFFFE000  }
0x3d: {  	[spmem:s28] =	stream.linear.scatter [tilespmem:s4], [sflag:$0x3], $0x2000, $0x38;
	[tilespmem:$0x1CE00] =	vst v63  }
0x3e: {  	_ =	swait.ge [sflag:s5], $0x2000  }
0x3f: {  	[sflag:s5] =	ssyncset.done $0x0  }
0x40: {  	s30 =	smov.u32 s29;
	s29 =	rddreg [dreg:$0x12];
	[sflag:s5] =	ssyncadd.s32 $0xFFFFE000  }
0x41: {  	[spmem:s29] =	stream.linear.scatter [tilespmem:s4], [sflag:$0x3], $0x2000, $0x38;
	[tilespmem:$0x1CE00] =	vst v63  }
0x42: {  	_ =	swait.ge [sflag:s5], $0x2000  }
0x43: {  	[sflag:s5] =	ssyncset.done $0x0  }
0x44: {  	s26 =	rddreg [dreg:$0x13];
	[sflag:s5] =	ssyncadd.s32 $0xFFFFE000  }
0x45: {  	[spmem:s26] =	stream.linear.scatter [tilespmem:s4], [sflag:$0x3], $0x2000, $0x38;
	[tilespmem:$0x1CE00] =	vst v63  }
0x46: {  	_ =	swait.ge [sflag:s5], $0x2000  }
0x47: {  	[sflag:s5] =	ssyncset.done $0x0  }
0x48: {  	s28 =	rddreg [dreg:$0x14];
	[sflag:s5] =	ssyncadd.s32 $0xFFFFE000  }
0x49: {  	[spmem:s28] =	stream.linear.scatter [tilespmem:s4], [sflag:$0x3], $0x2000, $0x38;
	[tilespmem:$0x1CE00] =	vst v63  }
0x4a: {  	_ =	swait.ge [sflag:s5], $0x2000  }
0x4b: {  	[sflag:s5] =	ssyncset.done $0x0  }
0x4c: {  	s29 =	rddreg [dreg:$0x15];
	[sflag:s5] =	ssyncadd.s32 $0xFFFFE000  }
0x4d: {  	[spmem:s29] =	stream.linear.scatter [tilespmem:s4], [sflag:$0x3], $0x2000, $0x38;
	[tilespmem:$0x1CE00] =	vst v63  }
0x4e: {  	_ =	swait.ge [sflag:s5], $0x2000  }
0x4f: {  	[sflag:s5] =	ssyncset.done $0x0  }
0x50: {  	s26 =	rddreg [dreg:$0x16];
	[sflag:s5] =	ssyncadd.s32 $0xFFFFE000  }
0x51: {  	[spmem:s26] =	stream.linear.scatter [tilespmem:s4], [sflag:$0x3], $0x2000, $0x38;
	[tilespmem:$0x1CE00] =	vst v63  }
0x52: {  	_ =	swait.ge [sflag:s5], $0x2000  }
0x53: {  	[sflag:s5] =	ssyncset.done $0x0  }
0x54: {  	s28 =	rddreg [dreg:$0x17];
	[sflag:s5] =	ssyncadd.s32 $0xFFFFE000  }
0x55: {  	[spmem:s28] =	stream.linear.scatter [tilespmem:s4], [sflag:$0x3], $0x2000, $0x38;
	[tilespmem:$0x1CE00] =	vst v63  }
0x56: {  	_ =	swait.ge [sflag:s5], $0x2000  }
0x57: {  	[sflag:s5] =	ssyncset.done $0x0  }
0x58: {  	s29 =	rddreg [dreg:$0x18];
	[sflag:s5] =	ssyncadd.s32 $0xFFFFE000  }
0x59: {  	[spmem:s29] =	stream.linear.scatter [tilespmem:s4], [sflag:$0x3], $0x2000, $0x38;
	[tilespmem:$0x1CE00] =	vst v63  }
0x5a: {  	_ =	swait.ge [sflag:s5], $0x2000  }
0x5b: {  	[sflag:s5] =	ssyncset.done $0x0  }
0x5c: {  	[sflag:s5] =	ssyncadd.s32 $0xFFFFE000  }
0x5d: {  	[spmem:s31] =	stream.linear.scatter [tilespmem:s4], [sflag:$0x3], $0x2000, $0x38;
	[tilespmem:$0x1CE00] =	vst v63  }
0x5e: {  	_ =	swait.ge [sflag:s5], $0x2000  }
0x5f: {  	[sflag:s5] =	ssyncset.done $0x0  }
0x60: {  	[sflag:s5] =	ssyncadd.s32 $0xFFFFE000  }
0x61: {  	[spmem:s13] =	stream.linear.scatter [tilespmem:s4], [sflag:$0x3], $0x2000, $0x38;
	[tilespmem:$0x1CE00] =	vst v63  }
0x62: {  	_ =	swait.ge [sflag:s5], $0x2000  }
0x63: {  	[sflag:s5] =	ssyncset.done $0x0  }
0x64: {  	[sflag:s5] =	ssyncadd.s32 $0xFFFFE000  }
0x65: {  	[spmem:s0] =	stream.linear.scatter [tilespmem:s4], [sflag:$0x3], $0x800, $0x38;
	[tilespmem:$0x1CE00] =	vst v63  }
0x66: {  	_ =	swait.ge [sflag:s5], $0x800  }
0x67: {  	[sflag:s5] =	ssyncset.done $0x0  }
0x68: {  	[sflag:s5] =	ssyncadd.s32 $0xFFFFF800  }
0x69: {  	s25 =	simm.s32 $0x0;
	s26 =	simm.s32 $0x0;
	[bflag:$0x0] =	sbarrier.arrive $0xFFFF  }
.LBB2_4:
0x6a: {  	s28 =	smul.u32 $0x6, s26;
	_ =	sdelay $0x1  }
0x6b: {  	s28 =	sadd.s32 s3, s28  }
0x6c: {  	s28 =	sshll.u32 s28, $0x4  }
0x6d: {  	s29 =	sadd.s32 s17, s28  }
0x6e: {  	[tilespmem:s25], [sflag:$0x3] =	stream.linear.gather [hbm4b:s29+s25], $0x300, $0x38;
	[tilespmem:$0x1CE00] =	vst v63  }
0x6f: {  	_ =	swait.ge [sflag:s5], $0x300  }
0x70: {  	[sflag:s5] =	ssyncset.done $0x0  }
0x71: {  	s28 =	sadd.s32 s18, s28;
	[sflag:s5] =	ssyncadd.s32 $0xFFFFFD00  }
0x72: {  	[tilespmem:s6], [sflag:$0x3] =	stream.linear.gather [hbm4b:s28+s25], $0x300, $0x38;
	[tilespmem:$0x1CE00] =	vst v63  }
0x73: {  	_ =	swait.ge [sflag:s5], $0x300  }
0x74: {  	[sflag:s5] =	ssyncset.done $0x0  }
0x75: {  	s29 =	simm.s32 $0x40;
	s28 =	simm.s32 $0x0;
	[sflag:s5] =	ssyncadd.s32 $0xFFFFFD00  }
.LBB2_5:
0x76: {  	p0 =	sne.s32 s29, $0xBC0;
	v2 =	vld [tilespmem:s28+$0x300];
	_ =	sdelay $0x2  }
.Ltmp1:
0x77: {  	(pc) =	sbr.rel @p0 .LBB2_5-.Ltmp1, $4  }
0x78: {  	_ = 	snop  }
0x79: {  	v2 =	vadd.s32 v0, v2  }
0x7a: {  	v2 =	vmin.u32 v2, $0x61A8  }
0x7b: {  	[tilespmem:s28+$0x300] =	vst v2;
	s28 =	sshra.s32 s29, $0x2;
	s29 =	sadd.s32 $0x40, s29  }
0x7c: {  	v2 =	vld [tilespmem:s28+$0x300];
	_ =	sdelay $0x4  }
0x7d: {  	v2 =	vadd.s32 v0, v2  }
0x7e: {  	v2 =	vmin.u32 v2, $0x61A8  }
0x7f: {  	[tilespmem:s28+$0x300] =	vst v2  }
0x80: {  	[tilespmem:s4], [sflag:$0x1] =	stream.indirect.gather [hbm4b:s19+s7], $0x40, s1, s7, $0xb8;
	[tilespmem:$0x1CE00] =	vst v63  }
0x81: {  	_ = 	snop  }
0x82: {  	[tilespmem:s8], [sflag:$0x2] =	stream.indirect.gather [hbm4b:s19+s7], $0x40, s7, s7, $0xb8;
	[tilespmem:$0x1CE00] =	vst v63  }
0x83: {  	_ =	swait.ge [sflag:s9], $0x2000  }
0x84: {  	[sflag:s9] =	ssyncset.done $0x0  }
0x85: {  	[sflag:s9] =	ssyncadd.s32 $0xFFFFE000  }
0x86: {  	[spmem:s14] =	stream.indirect.scatter.add.f32 [tilespmem:s4], [sflag:$0x3], $0x40, s6, s7, $0xb8;
	[tilespmem:$0x1CE00] =	vst v63  }
0x87: {  	_ =	swait.ge [sflag:s5], $0x2000  }
0x88: {  	[sflag:s5] =	ssyncset.done $0x0  }
0x89: {  	[sflag:s5] =	ssyncadd.s32 $0xFFFFE000  }
0x8a: {  	[tilespmem:s4], [sflag:$0x1] =	stream.indirect.gather [hbm4b:s19+s7], $0x40, s10, s7, $0xb8;
	[tilespmem:$0x1CE00] =	vst v63  }
0x8b: {  	_ =	swait.ge [sflag:s11], $0x2000  }
0x8c: {  	[sflag:s11] =	ssyncset.done $0x0  }
0x8d: {  	[sflag:s11] =	ssyncadd.s32 $0xFFFFE000  }
0x8e: {  	[spmem:s14] =	stream.indirect.scatter.add.f32 [tilespmem:s8], [sflag:$0x3], $0x40, s12, s7, $0xb8;
	[tilespmem:$0x1CE00] =	vst v63  }
0x8f: {  	_ =	swait.ge [sflag:s5], $0x2000  }
0x90: {  	[sflag:s5] =	ssyncset.done $0x0  }
0x91: {  	[sflag:s5] =	ssyncadd.s32 $0xFFFFE000  }
0x92: {  	[tilespmem:s8], [sflag:$0x2] =	stream.indirect.gather [hbm4b:s19+s7], $0x40, s15, s7, $0xb8;
	[tilespmem:$0x1CE00] =	vst v63  }
0x93: {  	_ =	swait.ge [sflag:s9], $0x2000  }
0x94: {  	[sflag:s9] =	ssyncset.done $0x0  }
0x95: {  	[sflag:s9] =	ssyncadd.s32 $0xFFFFE000  }
0x96: {  	[spmem:s14] =	stream.indirect.scatter.add.f32 [tilespmem:s4], [sflag:$0x3], $0x40, s16, s7, $0xb8;
	[tilespmem:$0x1CE00] =	vst v63  }
0x97: {  	_ =	swait.ge [sflag:s5], $0x2000  }
0x98: {  	[sflag:s5] =	ssyncset.done $0x0  }
0x99: {  	[sflag:s5] =	ssyncadd.s32 $0xFFFFE000  }
0x9a: {  	[tilespmem:s4], [sflag:$0x1] =	stream.indirect.gather [hbm4b:s19+s7], $0x40, s2, s7, $0xb8;
	[tilespmem:$0x1CE00] =	vst v63  }
0x9b: {  	_ =	swait.ge [sflag:s11], $0x2000  }
0x9c: {  	[sflag:s11] =	ssyncset.done $0x0  }
0x9d: {  	[sflag:s11] =	ssyncadd.s32 $0xFFFFE000  }
0x9e: {  	[spmem:s14] =	stream.indirect.scatter.add.f32 [tilespmem:s8], [sflag:$0x3], $0x40, s20, s7, $0xb8;
	[tilespmem:$0x1CE00] =	vst v63  }
0x9f: {  	_ =	swait.ge [sflag:s5], $0x2000  }
0xa0: {  	[sflag:s5] =	ssyncset.done $0x0  }
0xa1: {  	[sflag:s5] =	ssyncadd.s32 $0xFFFFE000  }
0xa2: {  	[tilespmem:s8], [sflag:$0x2] =	stream.indirect.gather [hbm4b:s19+s7], $0x40, s21, s7, $0xb8;
	[tilespmem:$0x1CE00] =	vst v63  }
0xa3: {  	_ =	swait.ge [sflag:s9], $0x2000  }
0xa4: {  	[sflag:s9] =	ssyncset.done $0x0  }
0xa5: {  	[sflag:s9] =	ssyncadd.s32 $0xFFFFE000  }
0xa6: {  	[spmem:s14] =	stream.indirect.scatter.add.f32 [tilespmem:s4], [sflag:$0x3], $0x40, s22, s7, $0xb8;
	[tilespmem:$0x1CE00] =	vst v63  }
0xa7: {  	_ =	swait.ge [sflag:s5], $0x2000  }
0xa8: {  	[sflag:s5] =	ssyncset.done $0x0  }
0xa9: {  	[sflag:s5] =	ssyncadd.s32 $0xFFFFE000  }
0xaa: {  	s26 =	sadd.s32 $0x1, s26;
	_ =	swait.ge [sflag:s11], $0x2000  }
0xab: {  	p0 =	sne.s32 s26, $0x43;
	[sflag:s11] =	ssyncset.done $0x0  }
.Ltmp2:
0xac: {  	[sflag:s11] =	ssyncadd.s32 $0xFFFFE000;
	(pc) =	sbr.rel @p0 .LBB2_4-.Ltmp2, $4  }
0xad: {  	[spmem:s14] =	stream.indirect.scatter.add.f32 [tilespmem:s8], [sflag:$0x3], $0x40, s23, s7, $0xb8;
	[tilespmem:$0x1CE00] =	vst v63  }
0xae: {  	_ =	swait.ge [sflag:s5], $0x2000  }
0xaf: {  	[sflag:s5] =	ssyncset.done $0x0  }
0xb0: {  	[sflag:s5] =	ssyncadd.s32 $0xFFFFE000  }
0xb1: {  	[bflag:$0x0] =	sbarrier.arrive $0xFFFF  }
0xb2: {  	[tilespmem:s4], [sflag:$0x3] =	stream.linear.gather [spmem:s30], $0x2000, $0x38;
	[tilespmem:$0x1CE00] =	vst v63  }
0xb3: {  	_ =	swait.ge [sflag:s5], $0x2000  }
0xb4: {  	[sflag:s5] =	ssyncset.done $0x0  }
0xb5: {  	s25 =	rddreg [dreg:$0x3];
	[sflag:s5] =	ssyncadd.s32 $0xFFFFE000  }
0xb6: {  	[hbm4b:s25+s1] =	stream.linear.scatter [tilespmem:s4], [sflag:$0x3], $0x2000, $0x38;
	[tilespmem:$0x1CE00] =	vst v63  }
0xb7: {  	_ =	swait.ge [sflag:s5], $0x2000  }
0xb8: {  	[sflag:s5] =	ssyncset.done $0x0  }
0xb9: {  	s29 =	smov.u32 s30;
	s30 =	rddreg [dreg:$0x10];
	[sflag:s5] =	ssyncadd.s32 $0xFFFFE000  }
0xba: {  	[tilespmem:s4], [sflag:$0x3] =	stream.linear.gather [spmem:s30], $0x2000, $0x38;
	[tilespmem:$0x1CE00] =	vst v63  }
0xbb: {  	_ =	swait.ge [sflag:s5], $0x2000  }
0xbc: {  	[sflag:s5] =	ssyncset.done $0x0  }
0xbd: {  	s26 =	rddreg [dreg:$0x4];
	[sflag:s5] =	ssyncadd.s32 $0xFFFFE000  }
0xbe: {  	[hbm4b:s26+s1] =	stream.linear.scatter [tilespmem:s4], [sflag:$0x3], $0x2000, $0x38;
	[tilespmem:$0x1CE00] =	vst v63  }
0xbf: {  	_ =	swait.ge [sflag:s5], $0x2000  }
0xc0: {  	[sflag:s5] =	ssyncset.done $0x0  }
0xc1: {  	s28 =	rddreg [dreg:$0x11];
	[sflag:s5] =	ssyncadd.s32 $0xFFFFE000  }
0xc2: {  	[tilespmem:s4], [sflag:$0x3] =	stream.linear.gather [spmem:s28], $0x2000, $0x38;
	[tilespmem:$0x1CE00] =	vst v63  }
0xc3: {  	_ =	swait.ge [sflag:s5], $0x2000  }
0xc4: {  	[sflag:s5] =	ssyncset.done $0x0  }
0xc5: {  	s30 =	rddreg [dreg:$0x5];
	[sflag:s5] =	ssyncadd.s32 $0xFFFFE000  }
0xc6: {  	[hbm4b:s30+s1] =	stream.linear.scatter [tilespmem:s4], [sflag:$0x3], $0x2000, $0x38;
	[tilespmem:$0x1CE00] =	vst v63  }
0xc7: {  	_ =	swait.ge [sflag:s5], $0x2000  }
0xc8: {  	[sflag:s5] =	ssyncset.done $0x0  }
0xc9: {  	s26 =	rddreg [dreg:$0x12];
	[sflag:s5] =	ssyncadd.s32 $0xFFFFE000  }
0xca: {  	[tilespmem:s4], [sflag:$0x3] =	stream.linear.gather [spmem:s26], $0x2000, $0x38;
	[tilespmem:$0x1CE00] =	vst v63  }
0xcb: {  	_ =	swait.ge [sflag:s5], $0x2000  }
0xcc: {  	[sflag:s5] =	ssyncset.done $0x0  }
0xcd: {  	s28 =	rddreg [dreg:$0x6];
	[sflag:s5] =	ssyncadd.s32 $0xFFFFE000  }
0xce: {  	[hbm4b:s28+s1] =	stream.linear.scatter [tilespmem:s4], [sflag:$0x3], $0x2000, $0x38;
	[tilespmem:$0x1CE00] =	vst v63  }
0xcf: {  	_ =	swait.ge [sflag:s5], $0x2000  }
0xd0: {  	[sflag:s5] =	ssyncset.done $0x0  }
0xd1: {  	s30 =	rddreg [dreg:$0x13];
	[sflag:s5] =	ssyncadd.s32 $0xFFFFE000  }
0xd2: {  	[tilespmem:s4], [sflag:$0x3] =	stream.linear.gather [spmem:s30], $0x2000, $0x38;
	[tilespmem:$0x1CE00] =	vst v63  }
0xd3: {  	_ =	swait.ge [sflag:s5], $0x2000  }
0xd4: {  	[sflag:s5] =	ssyncset.done $0x0  }
0xd5: {  	s26 =	rddreg [dreg:$0x7];
	[sflag:s5] =	ssyncadd.s32 $0xFFFFE000  }
0xd6: {  	[hbm4b:s26+s1] =	stream.linear.scatter [tilespmem:s4], [sflag:$0x3], $0x2000, $0x38;
	[tilespmem:$0x1CE00] =	vst v63  }
0xd7: {  	_ =	swait.ge [sflag:s5], $0x2000  }
0xd8: {  	[sflag:s5] =	ssyncset.done $0x0  }
0xd9: {  	s28 =	rddreg [dreg:$0x14];
	[sflag:s5] =	ssyncadd.s32 $0xFFFFE000  }
0xda: {  	[tilespmem:s4], [sflag:$0x3] =	stream.linear.gather [spmem:s28], $0x2000, $0x38;
	[tilespmem:$0x1CE00] =	vst v63  }
0xdb: {  	_ =	swait.ge [sflag:s5], $0x2000  }
0xdc: {  	[sflag:s5] =	ssyncset.done $0x0  }
0xdd: {  	s30 =	rddreg [dreg:$0x8];
	[sflag:s5] =	ssyncadd.s32 $0xFFFFE000  }
0xde: {  	[hbm4b:s30+s1] =	stream.linear.scatter [tilespmem:s4], [sflag:$0x3], $0x2000, $0x38;
	[tilespmem:$0x1CE00] =	vst v63  }
0xdf: {  	_ =	swait.ge [sflag:s5], $0x2000  }
0xe0: {  	[sflag:s5] =	ssyncset.done $0x0  }
0xe1: {  	s26 =	rddreg [dreg:$0x15];
	[sflag:s5] =	ssyncadd.s32 $0xFFFFE000  }
0xe2: {  	[tilespmem:s4], [sflag:$0x3] =	stream.linear.gather [spmem:s26], $0x2000, $0x38;
	[tilespmem:$0x1CE00] =	vst v63  }
0xe3: {  	_ =	swait.ge [sflag:s5], $0x2000  }
0xe4: {  	[sflag:s5] =	ssyncset.done $0x0  }
0xe5: {  	s28 =	rddreg [dreg:$0x9];
	[sflag:s5] =	ssyncadd.s32 $0xFFFFE000  }
0xe6: {  	[hbm4b:s28+s1] =	stream.linear.scatter [tilespmem:s4], [sflag:$0x3], $0x2000, $0x38;
	[tilespmem:$0x1CE00] =	vst v63  }
0xe7: {  	_ =	swait.ge [sflag:s5], $0x2000  }
0xe8: {  	[sflag:s5] =	ssyncset.done $0x0  }
0xe9: {  	s30 =	rddreg [dreg:$0x16];
	[sflag:s5] =	ssyncadd.s32 $0xFFFFE000  }
0xea: {  	[tilespmem:s4], [sflag:$0x3] =	stream.linear.gather [spmem:s30], $0x2000, $0x38;
	[tilespmem:$0x1CE00] =	vst v63  }
0xeb: {  	_ =	swait.ge [sflag:s5], $0x2000  }
0xec: {  	[sflag:s5] =	ssyncset.done $0x0  }
0xed: {  	s26 =	rddreg [dreg:$0xa];
	[sflag:s5] =	ssyncadd.s32 $0xFFFFE000  }
0xee: {  	[hbm4b:s26+s1] =	stream.linear.scatter [tilespmem:s4], [sflag:$0x3], $0x2000, $0x38;
	[tilespmem:$0x1CE00] =	vst v63  }
0xef: {  	_ =	swait.ge [sflag:s5], $0x2000  }
0xf0: {  	[sflag:s5] =	ssyncset.done $0x0  }
0xf1: {  	s28 =	rddreg [dreg:$0x17];
	[sflag:s5] =	ssyncadd.s32 $0xFFFFE000  }
0xf2: {  	[tilespmem:s4], [sflag:$0x3] =	stream.linear.gather [spmem:s28], $0x2000, $0x38;
	[tilespmem:$0x1CE00] =	vst v63  }
0xf3: {  	_ =	swait.ge [sflag:s5], $0x2000  }
0xf4: {  	[sflag:s5] =	ssyncset.done $0x0  }
0xf5: {  	s30 =	rddreg [dreg:$0xb];
	[sflag:s5] =	ssyncadd.s32 $0xFFFFE000  }
0xf6: {  	[hbm4b:s30+s1] =	stream.linear.scatter [tilespmem:s4], [sflag:$0x3], $0x2000, $0x38;
	[tilespmem:$0x1CE00] =	vst v63  }
0xf7: {  	_ =	swait.ge [sflag:s5], $0x2000  }
0xf8: {  	[sflag:s5] =	ssyncset.done $0x0  }
0xf9: {  	s26 =	rddreg [dreg:$0x18];
	[sflag:s5] =	ssyncadd.s32 $0xFFFFE000  }
0xfa: {  	[tilespmem:s4], [sflag:$0x3] =	stream.linear.gather [spmem:s26], $0x2000, $0x38;
	[tilespmem:$0x1CE00] =	vst v63  }
0xfb: {  	_ =	swait.ge [sflag:s5], $0x2000  }
0xfc: {  	[sflag:s5] =	ssyncset.done $0x0  }
0xfd: {  	s28 =	rddreg [dreg:$0xc];
	[sflag:s5] =	ssyncadd.s32 $0xFFFFE000  }
0xfe: {  	[hbm4b:s28+s1] =	stream.linear.scatter [tilespmem:s4], [sflag:$0x3], $0x2000, $0x38;
	[tilespmem:$0x1CE00] =	vst v63  }
0xff: {  	_ =	swait.ge [sflag:s5], $0x2000  }
0x100: {  	[sflag:s5] =	ssyncset.done $0x0  }
0x101: {  	[sflag:s5] =	ssyncadd.s32 $0xFFFFE000  }
0x102: {  	[tilespmem:s4], [sflag:$0x3] =	stream.linear.gather [spmem:s31], $0x2000, $0x38;
	[tilespmem:$0x1CE00] =	vst v63  }
0x103: {  	_ =	swait.ge [sflag:s5], $0x2000  }
0x104: {  	[sflag:s5] =	ssyncset.done $0x0  }
0x105: {  	s30 =	rddreg [dreg:$0xd];
	[sflag:s5] =	ssyncadd.s32 $0xFFFFE000  }
0x106: {  	[hbm4b:s30+s1] =	stream.linear.scatter [tilespmem:s4], [sflag:$0x3], $0x2000, $0x38;
	[tilespmem:$0x1CE00] =	vst v63  }
0x107: {  	_ =	swait.ge [sflag:s5], $0x2000  }
0x108: {  	[sflag:s5] =	ssyncset.done $0x0  }
0x109: {  	[sflag:s5] =	ssyncadd.s32 $0xFFFFE000  }
0x10a: {  	[tilespmem:s4], [sflag:$0x3] =	stream.linear.gather [spmem:s13], $0x2000, $0x38;
	[tilespmem:$0x1CE00] =	vst v63  }
0x10b: {  	_ =	swait.ge [sflag:s5], $0x2000  }
0x10c: {  	[sflag:s5] =	ssyncset.done $0x0  }
0x10d: {  	s26 =	rddreg [dreg:$0xe];
	[sflag:s5] =	ssyncadd.s32 $0xFFFFE000  }
0x10e: {  	[hbm4b:s26+s1] =	stream.linear.scatter [tilespmem:s4], [sflag:$0x3], $0x2000, $0x38;
	[tilespmem:$0x1CE00] =	vst v63  }
0x10f: {  	_ =	swait.ge [sflag:s5], $0x2000  }
0x110: {  	[sflag:s5] =	ssyncset.done $0x0  }
0x111: {  	[sflag:s5] =	ssyncadd.s32 $0xFFFFE000  }
0x112: {  	[tilespmem:s4], [sflag:$0x3] =	stream.linear.gather [spmem:s0], $0x800, $0x38;
	[tilespmem:$0x1CE00] =	vst v63  }
0x113: {  	_ =	swait.ge [sflag:s5], $0x800  }
0x114: {  	[sflag:s5] =	ssyncset.done $0x0  }
0x115: {  	s28 =	rddreg [dreg:$0xf];
	[sflag:s5] =	ssyncadd.s32 $0xFFFFF800  }
0x116: {  	[hbm4b:s28+s1] =	stream.linear.scatter [tilespmem:s4], [sflag:$0x3], $0x800, $0x38;
	[tilespmem:$0x1CE00] =	vst v63  }
0x117: {  	_ =	swait.ge [sflag:s5], $0x800  }
0x118: {  	s24 =	sadd.s32 $0x1, s24;
	s30 =	rddreg [dreg:$0x19]  }
0x119: {  	p0 =	sne.s32 s24, s30  }
.Ltmp3:
0x11a: {  	_ = 	snop;
	(pc) =	sbr.rel @p0 .LBB2_1-.Ltmp3, $3  }
0x11b: {  	_ =	sdelay $0x1  }
0x11c: {  	[sflag:s5] =	ssyncset.done $0x0  }
0x11d: {  	[sflag:s5] =	ssyncadd.s32 $0xFFFFF800  }
0x11e: {  	_ =	sfence.sel $0x180000  }
0x11f: {  	[bflag:$0x0] =	sbarrier.arrive $0xFFFF  }
0x120: {  	_ =	strace $0x9000004D  }
0x121: {  	s0 =	stileid.u32;
	[bflag:$0x2] =	sbarrier.arrive $0xFFFF  }
0x122: {  	p0 =	sne.s32 s0, $0x0;
	s0 =	rddreg [dreg:$0x2]  }
0x123: {  	s0 =	sadd.s32 @!p0 $0x100000, s0  }
0x124: {  	[sflag:s0] =	ssyncadd.tile.s32 @!p0 $0x1;
	_ =	shalt  }
.Lfunc_end2:
_tile_overlayer_lowered:
.L_overlay_start_2:
0x125: {  	(tag) =	ssettag $0x2  }
0x126: {  	s0 =	rddreg [dreg:$0x0];
	s2 =	stileid.u32  }
0x127: {  	s1 =	rddreg [dreg:$0x1];
	p0 =	sne.s32 s2, $0x0  }
0x128: {  	s3 =	rddreg [dreg:$0x2];
	[bflag:$0x3] =	sbarrier.arrive $0xFFFF;
	s2 =	simm.s32 @!p0 $0x1C03  }
0x129: {  	[timem:s3], [sflag:s2] =	dma.local @!p0 [hbm:s0], s1  }
0x12a: {  	s0 =	simm.s32 @!p0 $0x3  }
0x12b: {  	_ =	swait.ge @!p0 [sflag:s0], s1  }
0x12c: {  	s1 =	ssub.s32 @!p0 $0x0, s1;
	[sflag:s0] =	ssyncset.done @!p0 $0x0  }
0x12d: {  	[sflag:s0] =	ssyncadd.s32 @!p0 s1  }
0x12e: {  	[bflag:$0x3] =	sbarrier.arrive $0xFFFF  }
0x12f: {  	_ =	shalt  }

// kernel: kernel.19.cloned.1.call-start
scs
__scs_entry_jumppad:
0x0: {  	(pc) =	sbr.rel $0x88, $3  }
0x1: {  	(tag) =	ssettag $0x0;
	lr =	simm.s32 $0x1  }
0x2: {  	[smem:$0x3F99] =	sst lr;
	_ =	strace $0xD0000000  }
0x3: {  	_ = 	snop  }
0x4: {  	_ = 	snop  }
0x5: {  	_ = 	snop  }
0x6: {  	_ = 	snop  }
0x7: {  	_ = 	snop  }
__scs_overlays_trampoline_lowered:
0x8: {  	[smem:$0x3FA8] =	sst s0  }
0x9: {  	[smem:$0x3FA9] =	sst s1  }
0xa: {  	[smem:$0x3FAA] =	sst s2  }
0xb: {  	[smem:$0x3FAB] =	sst s3  }
0xc: {  	[smem:$0x3FAC] =	sst s4  }
0xd: {  	[smem:$0x3FAD] =	sst s5  }
0xe: {  	[smem:$0x3FAE] =	sst s6  }
0xf: {  	[smem:$0x3FAF] =	sst s7  }
0x10: {  	[smem:$0x3FB0] =	sst s8  }
0x11: {  	[smem:$0x3FB1] =	sst s9;
	s0 =	simm.s32 @!p0 $0x0  }
0x12: {  	s1 =	sld [smem:$0x3F97];
	s0 =	simm.s32 @p0 $0x1  }
0x13: {  	[smem:$0x3FB2] =	sst s0;
	s0 =	simm.s32 @!p1 $0x0  }
0x14: {  	s2 =	sld [smem:$0x3F96];
	s0 =	simm.s32 @p1 $0x1  }
0x15: {  	[smem:$0x3FB3] =	sst s0;
	s0 =	simm.s32 @!p2 $0x0  }
0x16: {  	s3 =	sld [smem:$0x3FDB];
	s0 =	simm.s32 @p2 $0x1  }
0x17: {  	s4 =	simm.s32 $0x1BF5;
	[smem:$0x3FB5] =	sst s0  }
0x18: {  	s0 =	sld [smem:$0x3F98];
	_ =	swait.ge [sflag:s4], $0x0  }
0x19: {  	s7 =	sld [smem:$0x3F99]  }
0x1a: {  	s8 =	sadd.s32 $0xFFFFE003, lr  }
0x1b: {  	s9 =	sadd.s32 $0xFFFFFEF7, lr;
	s5 =	simm.s32 $0xFFFFFFFF;
	p2 =	slt.u32 s8, $0xFFFFF086  }
0x1c: {  	p1 =	slt.u32 s9, $0xF7A;
	s5 =	simm.s32 @!p2 $0x0  }
0x1d: {  	s5 =	simm.s32 @p1 $0x1;
	p0 =	seq.s32 s7, s2  }
0x1e: {  	s7 =	smul.u32 @!p0 $0xF7A, s2;
	p2 =	seq.s32 @!p0 s5, $0x0  }
0x1f: {  	s9 =	smul.u32 $0xF7A, s1;
	s8 =	simm.s32 @!p0 $0x1BF5;
	p2 =	por !p2, p0  }
0x20: {  	[sflag:s8] =	ssyncset.s32 @!p0 $0xFFFFF086;
	s6 =	sadd.s32 @!p0 s3, s7;
	s7 =	simm.s32 @!p0 $0x108  }
0x21: {  	s3 =	sadd.s32 s3, s9;
	s6 =	sadd.s32 @!p0 $0x88, s6;
	s7 =	simm.s32 @p2 $0x1082  }
0x22: {  	[simem:s7], [sflag:s8] =	dma.local @!p0 [hbm:s6], $0xF7A  }
0x23: {  	s9 =	sor.u32 $0xD0000000, s2;
	s6 =	simm.s32 $0x108;
	_ =	swait.ge @!p0 [sflag:s8], $0x0  }
0x24: {  	s3 =	sadd.s32 $0x88, s3;
	s6 =	simm.s32 @!p1 $0x1082;
	[sflag:s4] =	ssyncset.s32 $0xFFFFF086  }
0x25: {  	[simem:s6], [sflag:s4] =	dma.local [hbm:s3], $0xF7A  }
0x26: {  	[smem:$0x3F99] =	sst s1;
	(tag) =	ssettag s2;
	_ =	strace s9  }
0x27: {  	s1 =	sld [smem:$0x3FA9]  }
0x28: {  	s2 =	sld [smem:$0x3FAA]  }
0x29: {  	s4 =	sld [smem:$0x3FAC]  }
0x2a: {  	p0 =	seq.s32 s5, $0x0;
	s5 =	sld [smem:$0x3FAD]  }
0x2b: {  	s6 =	sld [smem:$0x3FAE]  }
0x2c: {  	s7 =	sld [smem:$0x3FAF]  }
0x2d: {  	s3 =	simm.s32 $0x108;
	s8 =	sld [smem:$0x3FB0]  }
0x2e: {  	s3 =	simm.s32 @!p0 $0x1082;
	s9 =	sld [smem:$0x3FB1]  }
0x2f: {  	lr =	sadd.s32 s0, s3;
	s0 =	sld [smem:$0x3FA8]  }
0x30: {  	s3 =	sld [smem:$0x3FAB]  }
0x31: {  	[smem:$0x3FB4] =	sst s10  }
0x32: {  	s10 =	sld [smem:$0x3FB2];
	_ =	sdelay $0x3  }
0x33: {  	p0 =	seq.s32 s10, $0x1;
	s10 =	sld [smem:$0x3FB4];
	_ =	sdelay $0x3  }
0x34: {  	[smem:$0x3FB4] =	sst s10  }
0x35: {  	s10 =	sld [smem:$0x3FB3];
	_ =	sdelay $0x3  }
0x36: {  	p1 =	seq.s32 s10, $0x1;
	s10 =	sld [smem:$0x3FB4];
	_ =	sdelay $0x3  }
0x37: {  	[smem:$0x3FB4] =	sst s10  }
0x38: {  	s10 =	sld [smem:$0x3FB5]  }
0x39: {  	_ = 	snop;
	(pc) =	sbr.ind lr, $3  }
0x3a: {  	_ = 	snop  }
0x3b: {  	_ = 	snop  }
0x3c: {  	p2 =	seq.s32 s10, $0x1;
	s10 =	sld [smem:$0x3FB4]  }
0x3d: {  	_ =	shalt  }
0x3e: {  	_ =	shalt  }
0x3f: {  	_ =	shalt  }
0x40: {  	_ =	shalt  }
0x41: {  	_ =	shalt  }
0x42: {  	_ =	shalt  }
0x43: {  	_ =	shalt  }
0x44: {  	_ =	shalt  }
0x45: {  	_ =	shalt  }
0x46: {  	_ =	shalt  }
0x47: {  	_ =	shalt  }
0x48: {  	_ =	shalt  }
0x49: {  	_ =	shalt  }
0x4a: {  	_ =	shalt  }
0x4b: {  	_ =	shalt  }
0x4c: {  	_ =	shalt  }
0x4d: {  	_ =	shalt  }
0x4e: {  	_ =	shalt  }
0x4f: {  	_ =	shalt  }
0x50: {  	_ =	shalt  }
0x51: {  	_ =	shalt  }
0x52: {  	_ =	shalt  }
0x53: {  	_ =	shalt  }
0x54: {  	_ =	shalt  }
0x55: {  	_ =	shalt  }
0x56: {  	_ =	shalt  }
0x57: {  	_ =	shalt  }
0x58: {  	_ =	shalt  }
0x59: {  	_ =	shalt  }
0x5a: {  	_ =	shalt  }
0x5b: {  	_ =	shalt  }
0x5c: {  	_ =	shalt  }
0x5d: {  	_ =	shalt  }
0x5e: {  	_ =	shalt  }
0x5f: {  	_ =	shalt  }
0x60: {  	_ =	shalt  }
0x61: {  	_ =	shalt  }
0x62: {  	_ =	shalt  }
0x63: {  	_ =	shalt  }
0x64: {  	_ =	shalt  }
0x65: {  	_ =	shalt  }
0x66: {  	_ =	shalt  }
0x67: {  	_ =	shalt  }
0x68: {  	_ =	shalt  }
0x69: {  	_ =	shalt  }
0x6a: {  	_ =	shalt  }
0x6b: {  	_ =	shalt  }
0x6c: {  	_ =	shalt  }
0x6d: {  	_ =	shalt  }
0x6e: {  	_ =	shalt  }
0x6f: {  	_ =	shalt  }
0x70: {  	_ =	shalt  }
0x71: {  	_ =	shalt  }
0x72: {  	_ =	shalt  }
0x73: {  	_ =	shalt  }
0x74: {  	_ =	shalt  }
0x75: {  	_ =	shalt  }
0x76: {  	_ =	shalt  }
0x77: {  	_ =	shalt  }
0x78: {  	_ =	shalt  }
0x79: {  	_ =	shalt  }
0x7a: {  	_ =	shalt  }
0x7b: {  	_ =	shalt  }
0x7c: {  	_ =	shalt  }
0x7d: {  	_ =	shalt  }
0x7e: {  	_ =	shalt  }
0x7f: {  	_ =	shalt  }
0x80: {  	_ =	shalt  }
0x81: {  	_ =	shalt  }
0x82: {  	_ =	shalt  }
0x83: {  	_ =	shalt  }
0x84: {  	_ =	shalt  }
0x85: {  	_ =	shalt  }
0x86: {  	_ =	shalt  }
0x87: {  	_ =	shalt  }
.Lfunc_end0:
.L_simem_size_0:
called_computation.3_lowered:
.L_overlay_start_0:
0x88: {  	s2 =	sld [smem:$0x3FD9]  }
0x89: {  	s3 =	sld [smem:$0x3FFE];
	_ =	sdelay $0x1  }
0x8a: {  	s1 =	srdreg.scid  }
0x8b: {  	s0 =	sand.u32 $0x1, s1  }
0x8c: {  	s16 =	sshll.u32 s0, $0xA;
	s2 =	sadd.s32 s3, s2  }
0x8d: {  	s2 =	sadd.s32 s2, s16  }
0x8e: {  	[smem:$0x3FC0] =	sst s2  }
0x8f: {  	_ = 	snop  }
0x90: {  	(tm) =	ssettm $0x1  }
0x91: {  	s17 =	sld [smem:$0x3FFB];
	_ =	sdelay $0x3  }
0x92: {  	_ =	strace s17  }
0x93: {  	s2 =	sld [smem:$0x3FFC];
	_ =	sdelay $0x3  }
0x94: {  	_ =	strace s2  }
0x95: {  	s2 =	sld [smem:$0x3FFD];
	_ =	sdelay $0x3  }
0x96: {  	_ =	strace s2  }
0x97: {  	_ =	strace $0x8FFFFFFF  }
0x98: {  	s18 =	sld [smem:$0x3FDB];
	_ =	sdelay $0x1  }
0x99: {  	s19 =	simm.s32 $_scs_section_size  }
0x9a: {  	s4 =	simm.s32 $_size__tile_overlayer_lowered;
	s5 =	simm.s32 $_tile_overlayer_lowered  }
0x9b: {  	s22 =	simm.s32 $0x1BFF;
	s21 =	sshll.u32 s5, $0x1;
	s2 =	sadd.s32 s19, s18  }
0x9c: {  	s6 =	simm.s32 $0x0;
	s20 =	sshll.u32 s4, $0x1;
	s4 =	sadd.s32 s21, s2  }
0x9d: {  	[timem:s6], [sflag:s22] =	dma.local [hbm:s4], s20  }
0x9e: {  	_ =	swait.ge [sflag:s22], s20  }
0x9f: {  	s3 =	ssub.s32 $0x0, s20;
	[sflag:s22] =	ssyncset.done $0x0  }
0xa0: {  	[sflag:s22] =	ssyncadd.s32 s3;
	_ =	sdelay $0x1  }
0xa1: {  	s23 =	simm.s32 $0x1B8B  }
0xa2: {  	_ =	swait.ge [sflag:s23], $0x1  }
0xa3: {  	[sflag:s23] =	ssyncset.done $0x0  }
0xa4: {  	s25 =	simm.s32 $0x1B8E;
	s24 =	sld [smem:$0x3FFE];
	[sflag:s23] =	ssyncadd.s32 $0xFFFFFFFF  }
0xa5: {  	s26 =	simm.s32 $execute0_lowered;
	[smem:$0x3FD2] =	sst s25  }
0xa6: {  	s4 =	sshll.u32 s26, $0x1;
	_ =	strace $0x8000004F;
	[dreg:$0x1] =	wrdreg $0xFFFFFFFF  }
0xa7: {  	s28 =	simm.s32 $_size_execute0_lowered;
	s2 =	sadd.s32 s2, s4;
	[dreg:$0x0] =	wrdreg $0x0  }
0xa8: {  	s4 =	sshll.u32 s28, $0x1;
	[dreg:$0x2] =	wrdreg s2  }
0xa9: {  	[dreg:$0x3] =	wrdreg s4  }
0xaa: {  	[dreg:$0x4] =	wrdreg $0xC0  }
0xab: {  	_ =	task [dreg:s6], $0x5FFFF  }
0xac: {  	[dreg:$0x1] =	wrdreg $0xFFFFFFFF  }
0xad: {  	[dreg:$0x0] =	wrdreg $0x60  }
0xae: {  	[dreg:$0x2] =	wrdreg s24  }
0xaf: {  	[dreg:$0x3] =	wrdreg $0x46000  }
0xb0: {  	[dreg:$0x4] =	wrdreg $0x9  }
0xb1: {  	_ =	task.clear_ibuf [dreg:s6], $0x5FFFF;
	_ =	strace $0x9000004F  }
0xb2: {  	s29 =	simm.s32 $0x9;
	_ =	strace $0x80000051  }
0xb3: {  	_ =	swait.ge [sflag:s29], $0x1  }
0xb4: {  	[sflag:s29] =	ssyncadd.s32 $0xFFFFFFFF  }
0xb5: {  	_ =	strace $0x90000051  }
0xb6: {  	_ =	sfence  }
0xb7: {  	s30 =	sld [smem:$0x0];
	_ =	sdelay $0x2  }
0xb8: {  	s31 =	sshll.u32 s1, $0xD;
	s1 =	sshrl.u32 s1, $0x2  }
0xb9: {  	s3 =	sand.u32 $0x4000, s31;
	s1 =	sadd.s32 s1, s30  }
0xba: {  	s0 =	sor.u32 s3, s0;
	s1 =	sshll.u32 s1, $0x11  }
0xbb: {  	s0 =	sor.u32 s1, s0  }
0xbc: {  	s0 =	sadd.s32 $0x8F2B, s0  }
0xbd: {  	[sflag:s0] =	ssyncadd.remote.s32 $0x1  }
0xbe: {  	_ =	sfence.sel $0xFFFF  }
0xbf: {  	[dreg:$0x0] =	wrdreg $0xFFFFFFFF;
	(pc) =	sbr.abs _section_cstart, $3  }
0xc0: {  	[dreg:$0x1] =	wrdreg $0xFFFFFFFF  }
0xc1: {  	_ =	task.clear_ibuf [dreg:s6], $0x2FFFF;
	_ =	strace $0x9FFFFFFF  }
0xc2: {  	(tm) =	ssettm $0x7FFFFFFF  }
0xc3: {  	_ =	shalt  }
tec
execute0_lowered:
.L_overlay_start_1:
0x0: {  	(tag) =	ssettag $0x1  }
0x1: {  	s1 =	srdreg.scid  }
0x2: {  	s0 =	rddreg [dreg:$0x0];
	s23 =	stileid.u32;
	s2 =	sand.u32 $0x1, s1  }
0x3: {  	s1 =	simm.s32 $0x0;
	s4 =	smul.u32 $0x18800, s23;
	s6 =	sadd.s32 $0x347C00, s0  }
0x4: {  	s3 =	ssub.s32 $0x2, s2;
	[smem:$0x7FF] =	sst s1;
	s9 =	smul.u32 $0x188000, s2  }
0x5: {  	s5 =	sshrl.u32 s3, $0x1;
	s7 =	sadd.s32 $0x4000, s4;
	s8 =	sadd.s32 $0x6000, s4  }
0x6: {  	s10 =	sadd.s32 $0x8000, s4;
	s11 =	sadd.s32 $0xA000, s4;
	s12 =	sadd.s32 $0xC000, s4  }
0x7: {  	s13 =	sadd.s32 $0xE000, s4;
	s15 =	sadd.s32 $0x10000, s4;
	s16 =	sadd.s32 $0x12000, s4  }
0x8: {  	s20 =	sadd.s32 $0x14000, s4;
	s3 =	ssub.s32 s3, s5;
	s5 =	sadd.s32 $0x2000, s4  }
0x9: {  	s14 =	sadd.s32 s4, s9;
	s21 =	sadd.s32 s9, s7;
	s22 =	sadd.s32 s9, s8  }
0xa: {  	s18 =	sadd.s32 s9, s10;
	s26 =	sadd.s32 s9, s11;
	s28 =	sadd.s32 s9, s12  }
0xb: {  	s30 =	sadd.s32 s9, s13;
	s14 =	sshrl.u32 s14, $0x3;
	s17 =	sadd.s32 s9, s5  }
0xc: {  	s25 =	sshrl.u32 s18, $0x3;
	s18 =	sadd.s32 $0x4E00, s0;
	s14 =	sadd.s32 s6, s14  }
0xd: {  	s19 =	sshrl.u32 s17, $0x3;
	s17 =	sshrl.u32 s22, $0x3;
	s22 =	sadd.s32 s9, s15  }
0xe: {  	[dreg:$0x3] =	wrdreg s14;
	s14 =	sadd.s32 s6, s19;
	s24 =	sadd.s32 s6, s17  }
0xf: {  	s17 =	sshrl.u32 s28, $0x3;
	[dreg:$0x4] =	wrdreg s14;
	s14 =	sshrl.u32 s21, $0x3  }
0x10: {  	[dreg:$0x6] =	wrdreg s24;
	s19 =	sadd.s32 s6, s17;
	s21 =	sshrl.u32 s30, $0x3  }
0x11: {  	s24 =	sadd.s32 s9, s16;
	s14 =	sadd.s32 s6, s14;
	[dreg:$0x9] =	wrdreg s19  }
0x12: {  	s17 =	sshrl.u32 s24, $0x3;
	[dreg:$0x5] =	wrdreg s14;
	s14 =	sadd.s32 s6, s25  }
0x13: {  	[dreg:$0x7] =	wrdreg s14;
	s14 =	sshrl.u32 s26, $0x3;
	s26 =	sadd.s32 s6, s17  }
0x14: {  	s19 =	sadd.s32 $0x3A400, s0;
	s14 =	sadd.s32 s6, s14;
	[dreg:$0xc] =	wrdreg s26  }
0x15: {  	s25 =	sadd.s32 s9, s20;
	[dreg:$0x8] =	wrdreg s14;
	s14 =	sadd.s32 s6, s21  }
0x16: {  	s28 =	sshrl.u32 s25, $0x3;
	s21 =	sadd.s32 $0x16000, s4;
	[dreg:$0xa] =	wrdreg s14  }
0x17: {  	s14 =	sshrl.u32 s22, $0x3;
	s22 =	sadd.s32 $0x18000, s4;
	s30 =	sadd.s32 s9, s21  }
0x18: {  	s14 =	sadd.s32 s6, s14;
	s9 =	sadd.s32 s9, s22;
	s17 =	sshrl.u32 s30, $0x3  }
0x19: {  	s30 =	smax.u32 s3, $0x1;
	[dreg:$0xb] =	wrdreg s14;
	s14 =	sadd.s32 s6, s28  }
0x1a: {  	s3 =	smul.u32 $0x192, s23;
	s23 =	simm.s32 $0x580;
	[dreg:$0xd] =	wrdreg s14  }
0x1b: {  	s9 =	sshrl.u32 s9, $0x3;
	s17 =	sadd.s32 s6, s17;
	s14 =	rddreg [dreg:$0x1]  }
0x1c: {  	s28 =	smul.u32 $0xFFFF9E58, s2;
	[dreg:$0xe] =	wrdreg s17;
	s6 =	sadd.s32 s6, s9  }
0x1d: {  	s2 =	simm.s32 $0x200;
	s17 =	sadd.s32 $0x21200, s0;
	[dreg:$0xf] =	wrdreg s6  }
0x1e: {  	s29 =	sadd.s32 s4, s14;
	s6 =	sadd.s32 s5, s14;
	s7 =	sadd.s32 s7, s14  }
0x1f: {  	s9 =	sadd.s32 s8, s14;
	_ =	strace $0x80000050;
	[dreg:$0x10] =	wrdreg s6  }
0x20: {  	s10 =	sadd.s32 s10, s14;
	s11 =	sadd.s32 s11, s14;
	[dreg:$0x11] =	wrdreg s7  }
0x21: {  	s12 =	sadd.s32 s12, s14;
	s24 =	sadd.s32 s13, s14;
	[dreg:$0x12] =	wrdreg s9  }
0x22: {  	s25 =	sadd.s32 s15, s14;
	s26 =	sadd.s32 s16, s14;
	[dreg:$0x13] =	wrdreg s10  }
0x23: {  	s31 =	sadd.s32 s20, s14;
	s13 =	sadd.s32 s21, s14;
	[dreg:$0x14] =	wrdreg s11  }
0x24: {  	s0 =	sadd.s32 s22, s14;
	s4 =	simm.s32 $0x600;
	[dreg:$0x15] =	wrdreg s12  }
0x25: {  	s5 =	simm.s32 $0x3;
	s8 =	simm.s32 $0x2600;
	[dreg:$0x16] =	wrdreg s24  }
0x26: {  	s15 =	simm.s32 $0x180;
	s16 =	simm.s32 $0x400;
	[dreg:$0x17] =	wrdreg s25  }
0x27: {  	s20 =	simm.s32 $0x480;
	s21 =	simm.s32 $0x280;
	[dreg:$0x18] =	wrdreg s26  }
0x28: {  	s22 =	simm.s32 $0x500;
	[dreg:$0x19] =	wrdreg s30;
	s6 =	simm.s32 $0x300  }
0x29: {  	s7 =	simm.s32 $0x80;
	s9 =	simm.s32 $0x1;
	s10 =	simm.s32 $0x100  }
0x2a: {  	v1 =	vimm.f32 $0.0e+00;
	v0 =	vmov s28;
	s11 =	simm.s32 $0x2;
	s12 =	simm.s32 $0x380;
	s24 =	simm.s32 $0x0  }
.LBB2_1:
0x2b: {  	s26 =	simm.s32 $0x100;
	s25 =	simm.s32 $0x0  }
.LBB2_2:
0x2c: {  	p0 =	sne.s32 s26, $0x7F00;
	[tilespmem:s25+$0x630] =	vst v1;
	s28 =	smov.u32 s26;
	s26 =	sadd.s32 $0x100, s26  }
.Ltmp0:
0x2d: {  	[tilespmem:s25+$0x620] =	vst v1;
	(pc) =	sbr.rel @p0 .LBB2_2-.Ltmp0, $3  }
0x2e: {  	[tilespmem:s25+$0x600] =	vst v1  }
0x2f: {  	[tilespmem:s25+$0x610] =	vst v1;
	_ =	sdelay $0x1  }
0x30: {  	s25 =	sshra.s32 s28, $0x2  }
0x31: {  	[tilespmem:s25+$0x630] =	vst v1  }
0x32: {  	[tilespmem:s25+$0x620] =	vst v1  }
0x33: {  	[tilespmem:s25+$0x600] =	vst v1  }
0x34: {  	[tilespmem:s25+$0x610] =	vst v1  }
0x35: {  	[spmem:s29] =	stream.linear.scatter [tilespmem:s4], [sflag:$0x3], $0x2000, $0x38;
	[tilespmem:$0x1CE00] =	vst v63  }
0x36: {  	_ =	swait.ge [sflag:s5], $0x2000  }
0x37: {  	[sflag:s5] =	ssyncset.done $0x0  }
0x38: {  	s26 =	rddreg [dreg:$0x10];
	[sflag:s5] =	ssyncadd.s32 $0xFFFFE000  }
0x39: {  	[spmem:s26] =	stream.linear.scatter [tilespmem:s4], [sflag:$0x3], $0x2000, $0x38;
	[tilespmem:$0x1CE00] =	vst v63  }
0x3a: {  	_ =	swait.ge [sflag:s5], $0x2000  }
0x3b: {  	[sflag:s5] =	ssyncset.done $0x0  }
0x3c: {  	s28 =	rddreg [dreg:$0x11];
	[sflag:s5] =	ssyncadd.s32 $0xFFFFE000  }
0x3d: {  	[spmem:s28] =	stream.linear.scatter [tilespmem:s4], [sflag:$0x3], $0x2000, $0x38;
	[tilespmem:$0x1CE00] =	vst v63  }
0x3e: {  	_ =	swait.ge [sflag:s5], $0x2000  }
0x3f: {  	[sflag:s5] =	ssyncset.done $0x0  }
0x40: {  	s30 =	smov.u32 s29;
	s29 =	rddreg [dreg:$0x12];
	[sflag:s5] =	ssyncadd.s32 $0xFFFFE000  }
0x41: {  	[spmem:s29] =	stream.linear.scatter [tilespmem:s4], [sflag:$0x3], $0x2000, $0x38;
	[tilespmem:$0x1CE00] =	vst v63  }
0x42: {  	_ =	swait.ge [sflag:s5], $0x2000  }
0x43: {  	[sflag:s5] =	ssyncset.done $0x0  }
0x44: {  	s26 =	rddreg [dreg:$0x13];
	[sflag:s5] =	ssyncadd.s32 $0xFFFFE000  }
0x45: {  	[spmem:s26] =	stream.linear.scatter [tilespmem:s4], [sflag:$0x3], $0x2000, $0x38;
	[tilespmem:$0x1CE00] =	vst v63  }
0x46: {  	_ =	swait.ge [sflag:s5], $0x2000  }
0x47: {  	[sflag:s5] =	ssyncset.done $0x0  }
0x48: {  	s28 =	rddreg [dreg:$0x14];
	[sflag:s5] =	ssyncadd.s32 $0xFFFFE000  }
0x49: {  	[spmem:s28] =	stream.linear.scatter [tilespmem:s4], [sflag:$0x3], $0x2000, $0x38;
	[tilespmem:$0x1CE00] =	vst v63  }
0x4a: {  	_ =	swait.ge [sflag:s5], $0x2000  }
0x4b: {  	[sflag:s5] =	ssyncset.done $0x0  }
0x4c: {  	s29 =	rddreg [dreg:$0x15];
	[sflag:s5] =	ssyncadd.s32 $0xFFFFE000  }
0x4d: {  	[spmem:s29] =	stream.linear.scatter [tilespmem:s4], [sflag:$0x3], $0x2000, $0x38;
	[tilespmem:$0x1CE00] =	vst v63  }
0x4e: {  	_ =	swait.ge [sflag:s5], $0x2000  }
0x4f: {  	[sflag:s5] =	ssyncset.done $0x0  }
0x50: {  	s26 =	rddreg [dreg:$0x16];
	[sflag:s5] =	ssyncadd.s32 $0xFFFFE000  }
0x51: {  	[spmem:s26] =	stream.linear.scatter [tilespmem:s4], [sflag:$0x3], $0x2000, $0x38;
	[tilespmem:$0x1CE00] =	vst v63  }
0x52: {  	_ =	swait.ge [sflag:s5], $0x2000  }
0x53: {  	[sflag:s5] =	ssyncset.done $0x0  }
0x54: {  	s28 =	rddreg [dreg:$0x17];
	[sflag:s5] =	ssyncadd.s32 $0xFFFFE000  }
0x55: {  	[spmem:s28] =	stream.linear.scatter [tilespmem:s4], [sflag:$0x3], $0x2000, $0x38;
	[tilespmem:$0x1CE00] =	vst v63  }
0x56: {  	_ =	swait.ge [sflag:s5], $0x2000  }
0x57: {  	[sflag:s5] =	ssyncset.done $0x0  }
0x58: {  	s29 =	rddreg [dreg:$0x18];
	[sflag:s5] =	ssyncadd.s32 $0xFFFFE000  }
0x59: {  	[spmem:s29] =	stream.linear.scatter [tilespmem:s4], [sflag:$0x3], $0x2000, $0x38;
	[tilespmem:$0x1CE00] =	vst v63  }
0x5a: {  	_ =	swait.ge [sflag:s5], $0x2000  }
0x5b: {  	[sflag:s5] =	ssyncset.done $0x0  }
0x5c: {  	[sflag:s5] =	ssyncadd.s32 $0xFFFFE000  }
0x5d: {  	[spmem:s31] =	stream.linear.scatter [tilespmem:s4], [sflag:$0x3], $0x2000, $0x38;
	[tilespmem:$0x1CE00] =	vst v63  }
0x5e: {  	_ =	swait.ge [sflag:s5], $0x2000  }
0x5f: {  	[sflag:s5] =	ssyncset.done $0x0  }
0x60: {  	[sflag:s5] =	ssyncadd.s32 $0xFFFFE000  }
0x61: {  	[spmem:s13] =	stream.linear.scatter [tilespmem:s4], [sflag:$0x3], $0x2000, $0x38;
	[tilespmem:$0x1CE00] =	vst v63  }
0x62: {  	_ =	swait.ge [sflag:s5], $0x2000  }
0x63: {  	[sflag:s5] =	ssyncset.done $0x0  }
0x64: {  	[sflag:s5] =	ssyncadd.s32 $0xFFFFE000  }
0x65: {  	[spmem:s0] =	stream.linear.scatter [tilespmem:s4], [sflag:$0x3], $0x800, $0x38;
	[tilespmem:$0x1CE00] =	vst v63  }
0x66: {  	_ =	swait.ge [sflag:s5], $0x800  }
0x67: {  	[sflag:s5] =	ssyncset.done $0x0  }
0x68: {  	[sflag:s5] =	ssyncadd.s32 $0xFFFFF800  }
0x69: {  	s25 =	simm.s32 $0x0;
	s26 =	simm.s32 $0x0;
	[bflag:$0x0] =	sbarrier.arrive $0xFFFF  }
.LBB2_4:
0x6a: {  	s28 =	smul.u32 $0x6, s26;
	_ =	sdelay $0x1  }
0x6b: {  	s28 =	sadd.s32 s3, s28  }
0x6c: {  	s28 =	sshll.u32 s28, $0x4  }
0x6d: {  	s29 =	sadd.s32 s17, s28  }
0x6e: {  	[tilespmem:s25], [sflag:$0x3] =	stream.linear.gather [hbm4b:s29+s25], $0x300, $0x38;
	[tilespmem:$0x1CE00] =	vst v63  }
0x6f: {  	_ =	swait.ge [sflag:s5], $0x300  }
0x70: {  	[sflag:s5] =	ssyncset.done $0x0  }
0x71: {  	s28 =	sadd.s32 s18, s28;
	[sflag:s5] =	ssyncadd.s32 $0xFFFFFD00  }
0x72: {  	[tilespmem:s6], [sflag:$0x3] =	stream.linear.gather [hbm4b:s28+s25], $0x300, $0x38;
	[tilespmem:$0x1CE00] =	vst v63  }
0x73: {  	_ =	swait.ge [sflag:s5], $0x300  }
0x74: {  	[sflag:s5] =	ssyncset.done $0x0  }
0x75: {  	s29 =	simm.s32 $0x40;
	s28 =	simm.s32 $0x0;
	[sflag:s5] =	ssyncadd.s32 $0xFFFFFD00  }
.LBB2_5:
0x76: {  	p0 =	sne.s32 s29, $0xBC0;
	v2 =	vld [tilespmem:s28+$0x300];
	_ =	sdelay $0x2  }
.Ltmp1:
0x77: {  	(pc) =	sbr.rel @p0 .LBB2_5-.Ltmp1, $4  }
0x78: {  	_ = 	snop  }
0x79: {  	v2 =	vadd.s32 v0, v2  }
0x7a: {  	v2 =	vmin.u32 v2, $0x61A8  }
0x7b: {  	[tilespmem:s28+$0x300] =	vst v2;
	s28 =	sshra.s32 s29, $0x2;
	s29 =	sadd.s32 $0x40, s29  }
0x7c: {  	v2 =	vld [tilespmem:s28+$0x300];
	_ =	sdelay $0x4  }
0x7d: {  	v2 =	vadd.s32 v0, v2  }
0x7e: {  	v2 =	vmin.u32 v2, $0x61A8  }
0x7f: {  	[tilespmem:s28+$0x300] =	vst v2  }
0x80: {  	[tilespmem:s4], [sflag:$0x1] =	stream.indirect.gather [hbm4b:s19+s7], $0x40, s1, s7, $0xb8;
	[tilespmem:$0x1CE00] =	vst v63  }
0x81: {  	_ = 	snop  }
0x82: {  	[tilespmem:s8], [sflag:$0x2] =	stream.indirect.gather [hbm4b:s19+s7], $0x40, s7, s7, $0xb8;
	[tilespmem:$0x1CE00] =	vst v63  }
0x83: {  	_ =	swait.ge [sflag:s9], $0x2000  }
0x84: {  	[sflag:s9] =	ssyncset.done $0x0  }
0x85: {  	[sflag:s9] =	ssyncadd.s32 $0xFFFFE000  }
0x86: {  	[spmem:s14] =	stream.indirect.scatter.add.f32 [tilespmem:s4], [sflag:$0x3], $0x40, s6, s7, $0xb8;
	[tilespmem:$0x1CE00] =	vst v63  }
0x87: {  	_ =	swait.ge [sflag:s5], $0x2000  }
0x88: {  	[sflag:s5] =	ssyncset.done $0x0  }
0x89: {  	[sflag:s5] =	ssyncadd.s32 $0xFFFFE000  }
0x8a: {  	[tilespmem:s4], [sflag:$0x1] =	stream.indirect.gather [hbm4b:s19+s7], $0x40, s10, s7, $0xb8;
	[tilespmem:$0x1CE00] =	vst v63  }
0x8b: {  	_ =	swait.ge [sflag:s11], $0x2000  }
0x8c: {  	[sflag:s11] =	ssyncset.done $0x0  }
0x8d: {  	[sflag:s11] =	ssyncadd.s32 $0xFFFFE000  }
0x8e: {  	[spmem:s14] =	stream.indirect.scatter.add.f32 [tilespmem:s8], [sflag:$0x3], $0x40, s12, s7, $0xb8;
	[tilespmem:$0x1CE00] =	vst v63  }
0x8f: {  	_ =	swait.ge [sflag:s5], $0x2000  }
0x90: {  	[sflag:s5] =	ssyncset.done $0x0  }
0x91: {  	[sflag:s5] =	ssyncadd.s32 $0xFFFFE000  }
0x92: {  	[tilespmem:s8], [sflag:$0x2] =	stream.indirect.gather [hbm4b:s19+s7], $0x40, s15, s7, $0xb8;
	[tilespmem:$0x1CE00] =	vst v63  }
0x93: {  	_ =	swait.ge [sflag:s9], $0x2000  }
0x94: {  	[sflag:s9] =	ssyncset.done $0x0  }
0x95: {  	[sflag:s9] =	ssyncadd.s32 $0xFFFFE000  }
0x96: {  	[spmem:s14] =	stream.indirect.scatter.add.f32 [tilespmem:s4], [sflag:$0x3], $0x40, s16, s7, $0xb8;
	[tilespmem:$0x1CE00] =	vst v63  }
0x97: {  	_ =	swait.ge [sflag:s5], $0x2000  }
0x98: {  	[sflag:s5] =	ssyncset.done $0x0  }
0x99: {  	[sflag:s5] =	ssyncadd.s32 $0xFFFFE000  }
0x9a: {  	[tilespmem:s4], [sflag:$0x1] =	stream.indirect.gather [hbm4b:s19+s7], $0x40, s2, s7, $0xb8;
	[tilespmem:$0x1CE00] =	vst v63  }
0x9b: {  	_ =	swait.ge [sflag:s11], $0x2000  }
0x9c: {  	[sflag:s11] =	ssyncset.done $0x0  }
0x9d: {  	[sflag:s11] =	ssyncadd.s32 $0xFFFFE000  }
0x9e: {  	[spmem:s14] =	stream.indirect.scatter.add.f32 [tilespmem:s8], [sflag:$0x3], $0x40, s20, s7, $0xb8;
	[tilespmem:$0x1CE00] =	vst v63  }
0x9f: {  	_ =	swait.ge [sflag:s5], $0x2000  }
0xa0: {  	[sflag:s5] =	ssyncset.done $0x0  }
0xa1: {  	[sflag:s5] =	ssyncadd.s32 $0xFFFFE000  }
0xa2: {  	[tilespmem:s8], [sflag:$0x2] =	stream.indirect.gather [hbm4b:s19+s7], $0x40, s21, s7, $0xb8;
	[tilespmem:$0x1CE00] =	vst v63  }
0xa3: {  	_ =	swait.ge [sflag:s9], $0x2000  }
0xa4: {  	[sflag:s9] =	ssyncset.done $0x0  }
0xa5: {  	[sflag:s9] =	ssyncadd.s32 $0xFFFFE000  }
0xa6: {  	[spmem:s14] =	stream.indirect.scatter.add.f32 [tilespmem:s4], [sflag:$0x3], $0x40, s22, s7, $0xb8;
	[tilespmem:$0x1CE00] =	vst v63  }
0xa7: {  	_ =	swait.ge [sflag:s5], $0x2000  }
0xa8: {  	[sflag:s5] =	ssyncset.done $0x0  }
0xa9: {  	[sflag:s5] =	ssyncadd.s32 $0xFFFFE000  }
0xaa: {  	s26 =	sadd.s32 $0x1, s26;
	_ =	swait.ge [sflag:s11], $0x2000  }
0xab: {  	p0 =	sne.s32 s26, $0x43;
	[sflag:s11] =	ssyncset.done $0x0  }
.Ltmp2:
0xac: {  	[sflag:s11] =	ssyncadd.s32 $0xFFFFE000;
	(pc) =	sbr.rel @p0 .LBB2_4-.Ltmp2, $4  }
0xad: {  	[spmem:s14] =	stream.indirect.scatter.add.f32 [tilespmem:s8], [sflag:$0x3], $0x40, s23, s7, $0xb8;
	[tilespmem:$0x1CE00] =	vst v63  }
0xae: {  	_ =	swait.ge [sflag:s5], $0x2000  }
0xaf: {  	[sflag:s5] =	ssyncset.done $0x0  }
0xb0: {  	[sflag:s5] =	ssyncadd.s32 $0xFFFFE000  }
0xb1: {  	[bflag:$0x0] =	sbarrier.arrive $0xFFFF  }
0xb2: {  	[tilespmem:s4], [sflag:$0x3] =	stream.linear.gather [spmem:s30], $0x2000, $0x38;
	[tilespmem:$0x1CE00] =	vst v63  }
0xb3: {  	_ =	swait.ge [sflag:s5], $0x2000  }
0xb4: {  	[sflag:s5] =	ssyncset.done $0x0  }
0xb5: {  	s25 =	rddreg [dreg:$0x3];
	[sflag:s5] =	ssyncadd.s32 $0xFFFFE000  }
0xb6: {  	[hbm4b:s25+s1] =	stream.linear.scatter [tilespmem:s4], [sflag:$0x3], $0x2000, $0x38;
	[tilespmem:$0x1CE00] =	vst v63  }
0xb7: {  	_ =	swait.ge [sflag:s5], $0x2000  }
0xb8: {  	[sflag:s5] =	ssyncset.done $0x0  }
0xb9: {  	s29 =	smov.u32 s30;
	s30 =	rddreg [dreg:$0x10];
	[sflag:s5] =	ssyncadd.s32 $0xFFFFE000  }
0xba: {  	[tilespmem:s4], [sflag:$0x3] =	stream.linear.gather [spmem:s30], $0x2000, $0x38;
	[tilespmem:$0x1CE00] =	vst v63  }
0xbb: {  	_ =	swait.ge [sflag:s5], $0x2000  }
0xbc: {  	[sflag:s5] =	ssyncset.done $0x0  }
0xbd: {  	s26 =	rddreg [dreg:$0x4];
	[sflag:s5] =	ssyncadd.s32 $0xFFFFE000  }
0xbe: {  	[hbm4b:s26+s1] =	stream.linear.scatter [tilespmem:s4], [sflag:$0x3], $0x2000, $0x38;
	[tilespmem:$0x1CE00] =	vst v63  }
0xbf: {  	_ =	swait.ge [sflag:s5], $0x2000  }
0xc0: {  	[sflag:s5] =	ssyncset.done $0x0  }
0xc1: {  	s28 =	rddreg [dreg:$0x11];
	[sflag:s5] =	ssyncadd.s32 $0xFFFFE000  }
0xc2: {  	[tilespmem:s4], [sflag:$0x3] =	stream.linear.gather [spmem:s28], $0x2000, $0x38;
	[tilespmem:$0x1CE00] =	vst v63  }
0xc3: {  	_ =	swait.ge [sflag:s5], $0x2000  }
0xc4: {  	[sflag:s5] =	ssyncset.done $0x0  }
0xc5: {  	s30 =	rddreg [dreg:$0x5];
	[sflag:s5] =	ssyncadd.s32 $0xFFFFE000  }
0xc6: {  	[hbm4b:s30+s1] =	stream.linear.scatter [tilespmem:s4], [sflag:$0x3], $0x2000, $0x38;
	[tilespmem:$0x1CE00] =	vst v63  }
0xc7: {  	_ =	swait.ge [sflag:s5], $0x2000  }
0xc8: {  	[sflag:s5] =	ssyncset.done $0x0  }
0xc9: {  	s26 =	rddreg [dreg:$0x12];
	[sflag:s5] =	ssyncadd.s32 $0xFFFFE000  }
0xca: {  	[tilespmem:s4], [sflag:$0x3] =	stream.linear.gather [spmem:s26], $0x2000, $0x38;
	[tilespmem:$0x1CE00] =	vst v63  }
0xcb: {  	_ =	swait.ge [sflag:s5], $0x2000  }
0xcc: {  	[sflag:s5] =	ssyncset.done $0x0  }
0xcd: {  	s28 =	rddreg [dreg:$0x6];
	[sflag:s5] =	ssyncadd.s32 $0xFFFFE000  }
0xce: {  	[hbm4b:s28+s1] =	stream.linear.scatter [tilespmem:s4], [sflag:$0x3], $0x2000, $0x38;
	[tilespmem:$0x1CE00] =	vst v63  }
0xcf: {  	_ =	swait.ge [sflag:s5], $0x2000  }
0xd0: {  	[sflag:s5] =	ssyncset.done $0x0  }
0xd1: {  	s30 =	rddreg [dreg:$0x13];
	[sflag:s5] =	ssyncadd.s32 $0xFFFFE000  }
0xd2: {  	[tilespmem:s4], [sflag:$0x3] =	stream.linear.gather [spmem:s30], $0x2000, $0x38;
	[tilespmem:$0x1CE00] =	vst v63  }
0xd3: {  	_ =	swait.ge [sflag:s5], $0x2000  }
0xd4: {  	[sflag:s5] =	ssyncset.done $0x0  }
0xd5: {  	s26 =	rddreg [dreg:$0x7];
	[sflag:s5] =	ssyncadd.s32 $0xFFFFE000  }
0xd6: {  	[hbm4b:s26+s1] =	stream.linear.scatter [tilespmem:s4], [sflag:$0x3], $0x2000, $0x38;
	[tilespmem:$0x1CE00] =	vst v63  }
0xd7: {  	_ =	swait.ge [sflag:s5], $0x2000  }
0xd8: {  	[sflag:s5] =	ssyncset.done $0x0  }
0xd9: {  	s28 =	rddreg [dreg:$0x14];
	[sflag:s5] =	ssyncadd.s32 $0xFFFFE000  }
0xda: {  	[tilespmem:s4], [sflag:$0x3] =	stream.linear.gather [spmem:s28], $0x2000, $0x38;
	[tilespmem:$0x1CE00] =	vst v63  }
0xdb: {  	_ =	swait.ge [sflag:s5], $0x2000  }
0xdc: {  	[sflag:s5] =	ssyncset.done $0x0  }
0xdd: {  	s30 =	rddreg [dreg:$0x8];
	[sflag:s5] =	ssyncadd.s32 $0xFFFFE000  }
0xde: {  	[hbm4b:s30+s1] =	stream.linear.scatter [tilespmem:s4], [sflag:$0x3], $0x2000, $0x38;
	[tilespmem:$0x1CE00] =	vst v63  }
0xdf: {  	_ =	swait.ge [sflag:s5], $0x2000  }
0xe0: {  	[sflag:s5] =	ssyncset.done $0x0  }
0xe1: {  	s26 =	rddreg [dreg:$0x15];
	[sflag:s5] =	ssyncadd.s32 $0xFFFFE000  }
0xe2: {  	[tilespmem:s4], [sflag:$0x3] =	stream.linear.gather [spmem:s26], $0x2000, $0x38;
	[tilespmem:$0x1CE00] =	vst v63  }
0xe3: {  	_ =	swait.ge [sflag:s5], $0x2000  }
0xe4: {  	[sflag:s5] =	ssyncset.done $0x0  }
0xe5: {  	s28 =	rddreg [dreg:$0x9];
	[sflag:s5] =	ssyncadd.s32 $0xFFFFE000  }
0xe6: {  	[hbm4b:s28+s1] =	stream.linear.scatter [tilespmem:s4], [sflag:$0x3], $0x2000, $0x38;
	[tilespmem:$0x1CE00] =	vst v63  }
0xe7: {  	_ =	swait.ge [sflag:s5], $0x2000  }
0xe8: {  	[sflag:s5] =	ssyncset.done $0x0  }
0xe9: {  	s30 =	rddreg [dreg:$0x16];
	[sflag:s5] =	ssyncadd.s32 $0xFFFFE000  }
0xea: {  	[tilespmem:s4], [sflag:$0x3] =	stream.linear.gather [spmem:s30], $0x2000, $0x38;
	[tilespmem:$0x1CE00] =	vst v63  }
0xeb: {  	_ =	swait.ge [sflag:s5], $0x2000  }
0xec: {  	[sflag:s5] =	ssyncset.done $0x0  }
0xed: {  	s26 =	rddreg [dreg:$0xa];
	[sflag:s5] =	ssyncadd.s32 $0xFFFFE000  }
0xee: {  	[hbm4b:s26+s1] =	stream.linear.scatter [tilespmem:s4], [sflag:$0x3], $0x2000, $0x38;
	[tilespmem:$0x1CE00] =	vst v63  }
0xef: {  	_ =	swait.ge [sflag:s5], $0x2000  }
0xf0: {  	[sflag:s5] =	ssyncset.done $0x0  }
0xf1: {  	s28 =	rddreg [dreg:$0x17];
	[sflag:s5] =	ssyncadd.s32 $0xFFFFE000  }
0xf2: {  	[tilespmem:s4], [sflag:$0x3] =	stream.linear.gather [spmem:s28], $0x2000, $0x38;
	[tilespmem:$0x1CE00] =	vst v63  }
0xf3: {  	_ =	swait.ge [sflag:s5], $0x2000  }
0xf4: {  	[sflag:s5] =	ssyncset.done $0x0  }
0xf5: {  	s30 =	rddreg [dreg:$0xb];
	[sflag:s5] =	ssyncadd.s32 $0xFFFFE000  }
0xf6: {  	[hbm4b:s30+s1] =	stream.linear.scatter [tilespmem:s4], [sflag:$0x3], $0x2000, $0x38;
	[tilespmem:$0x1CE00] =	vst v63  }
0xf7: {  	_ =	swait.ge [sflag:s5], $0x2000  }
0xf8: {  	[sflag:s5] =	ssyncset.done $0x0  }
0xf9: {  	s26 =	rddreg [dreg:$0x18];
	[sflag:s5] =	ssyncadd.s32 $0xFFFFE000  }
0xfa: {  	[tilespmem:s4], [sflag:$0x3] =	stream.linear.gather [spmem:s26], $0x2000, $0x38;
	[tilespmem:$0x1CE00] =	vst v63  }
0xfb: {  	_ =	swait.ge [sflag:s5], $0x2000  }
0xfc: {  	[sflag:s5] =	ssyncset.done $0x0  }
0xfd: {  	s28 =	rddreg [dreg:$0xc];
	[sflag:s5] =	ssyncadd.s32 $0xFFFFE000  }
0xfe: {  	[hbm4b:s28+s1] =	stream.linear.scatter [tilespmem:s4], [sflag:$0x3], $0x2000, $0x38;
	[tilespmem:$0x1CE00] =	vst v63  }
0xff: {  	_ =	swait.ge [sflag:s5], $0x2000  }
0x100: {  	[sflag:s5] =	ssyncset.done $0x0  }
0x101: {  	[sflag:s5] =	ssyncadd.s32 $0xFFFFE000  }
0x102: {  	[tilespmem:s4], [sflag:$0x3] =	stream.linear.gather [spmem:s31], $0x2000, $0x38;
	[tilespmem:$0x1CE00] =	vst v63  }
0x103: {  	_ =	swait.ge [sflag:s5], $0x2000  }
0x104: {  	[sflag:s5] =	ssyncset.done $0x0  }
0x105: {  	s30 =	rddreg [dreg:$0xd];
	[sflag:s5] =	ssyncadd.s32 $0xFFFFE000  }
0x106: {  	[hbm4b:s30+s1] =	stream.linear.scatter [tilespmem:s4], [sflag:$0x3], $0x2000, $0x38;
	[tilespmem:$0x1CE00] =	vst v63  }
0x107: {  	_ =	swait.ge [sflag:s5], $0x2000  }
0x108: {  	[sflag:s5] =	ssyncset.done $0x0  }
0x109: {  	[sflag:s5] =	ssyncadd.s32 $0xFFFFE000  }
0x10a: {  	[tilespmem:s4], [sflag:$0x3] =	stream.linear.gather [spmem:s13], $0x2000, $0x38;
	[tilespmem:$0x1CE00] =	vst v63  }
0x10b: {  	_ =	swait.ge [sflag:s5], $0x2000  }
0x10c: {  	[sflag:s5] =	ssyncset.done $0x0  }
0x10d: {  	s26 =	rddreg [dreg:$0xe];
	[sflag:s5] =	ssyncadd.s32 $0xFFFFE000  }
0x10e: {  	[hbm4b:s26+s1] =	stream.linear.scatter [tilespmem:s4], [sflag:$0x3], $0x2000, $0x38;
	[tilespmem:$0x1CE00] =	vst v63  }
0x10f: {  	_ =	swait.ge [sflag:s5], $0x2000  }
0x110: {  	[sflag:s5] =	ssyncset.done $0x0  }
0x111: {  	[sflag:s5] =	ssyncadd.s32 $0xFFFFE000  }
0x112: {  	[tilespmem:s4], [sflag:$0x3] =	stream.linear.gather [spmem:s0], $0x800, $0x38;
	[tilespmem:$0x1CE00] =	vst v63  }
0x113: {  	_ =	swait.ge [sflag:s5], $0x800  }
0x114: {  	[sflag:s5] =	ssyncset.done $0x0  }
0x115: {  	s28 =	rddreg [dreg:$0xf];
	[sflag:s5] =	ssyncadd.s32 $0xFFFFF800  }
0x116: {  	[hbm4b:s28+s1] =	stream.linear.scatter [tilespmem:s4], [sflag:$0x3], $0x800, $0x38;
	[tilespmem:$0x1CE00] =	vst v63  }
0x117: {  	_ =	swait.ge [sflag:s5], $0x800  }
0x118: {  	s24 =	sadd.s32 $0x1, s24;
	s30 =	rddreg [dreg:$0x19]  }
0x119: {  	p0 =	sne.s32 s24, s30  }
.Ltmp3:
0x11a: {  	_ = 	snop;
	(pc) =	sbr.rel @p0 .LBB2_1-.Ltmp3, $3  }
0x11b: {  	_ =	sdelay $0x1  }
0x11c: {  	[sflag:s5] =	ssyncset.done $0x0  }
0x11d: {  	[sflag:s5] =	ssyncadd.s32 $0xFFFFF800  }
0x11e: {  	_ =	sfence.sel $0x180000  }
0x11f: {  	[bflag:$0x0] =	sbarrier.arrive $0xFFFF  }
0x120: {  	_ =	strace $0x90000050  }
0x121: {  	s0 =	stileid.u32;
	[bflag:$0x2] =	sbarrier.arrive $0xFFFF  }
0x122: {  	p0 =	sne.s32 s0, $0x0;
	s0 =	rddreg [dreg:$0x2]  }
0x123: {  	s0 =	sadd.s32 @!p0 $0x100000, s0  }
0x124: {  	[sflag:s0] =	ssyncadd.tile.s32 @!p0 $0x1;
	_ =	shalt  }
.Lfunc_end2:
_tile_overlayer_lowered:
.L_overlay_start_2:
0x125: {  	(tag) =	ssettag $0x2  }
0x126: {  	s0 =	rddreg [dreg:$0x0];
	s2 =	stileid.u32  }
0x127: {  	s1 =	rddreg [dreg:$0x1];
	p0 =	sne.s32 s2, $0x0  }
0x128: {  	s3 =	rddreg [dreg:$0x2];
	[bflag:$0x3] =	sbarrier.arrive $0xFFFF;
	s2 =	simm.s32 @!p0 $0x1C03  }
0x129: {  	[timem:s3], [sflag:s2] =	dma.local @!p0 [hbm:s0], s1  }
0x12a: {  	s0 =	simm.s32 @!p0 $0x3  }
0x12b: {  	_ =	swait.ge @!p0 [sflag:s0], s1  }
0x12c: {  	s1 =	ssub.s32 @!p0 $0x0, s1;
	[sflag:s0] =	ssyncset.done @!p0 $0x0  }
0x12d: {  	[sflag:s0] =	ssyncadd.s32 @!p0 s1  }
0x12e: {  	[bflag:$0x3] =	sbarrier.arrive $0xFFFF  }
0x12f: {  	_ =	shalt  }

</sc_bundles>
